<compile_context>
chip_gen: v7x
topology: tpu7x:2x2x1
jax: 0.10.2.dev20260603
libtpu: 0.0.44.dev20260713+nightly
codegen_flags: <defaults>
</compile_context>

<pallas_src>
import functools

import jax
import jax.numpy as jnp
from jax import lax
from jax.experimental import pallas as pl
from jax.experimental.pallas import tpu as pltpu
from jax.experimental.pallas import tpu_sc as plsc

BATCH = 16384
NF = 32
NC, NS = 2, 16
NW = NC * NS
B_PER_W = BATCH // NW


NU = 1000000
NUP = 1000064
DT_CH = 7808
DT_FULL = 999424
DT_NCH = DT_FULL // DT_CH
DT_TAIL = 640


def _sc_detile(Pt, Qt, Ut, Vt):
    mesh = plsc.VectorSubcoreMesh(core_axis_name="c", subcore_axis_name="s")
    out = jax.ShapeDtypeStruct((NF * NUP,), jnp.float32)

    @functools.partial(
        pl.kernel,
        mesh=mesh,
        out_type=(out, out, out, out),
        compiler_params=pltpu.CompilerParams(
            needs_layout_passes=False, disable_bounds_checks=True),
        scratch_types=[
            pltpu.VMEM((2, 8, DT_CH), jnp.float32),
            pltpu.SemaphoreType.DMA,
            pltpu.SemaphoreType.DMA,
        ],
    )
    def k(p_hbm, q_hbm, u_hbm, v_hbm, op_hbm, oq_hbm, ou_hbm, ov_hbm,
          buf, sin, sout):
        wid = lax.axis_index("s") * NC + lax.axis_index("c")
        sub = wid % 8
        f0 = (sub // 2) * 8
        h = sub % 2
        c0 = h * (DT_NCH // 2)

        for t, (tbl, dst) in enumerate(
                [(p_hbm, op_hbm), (q_hbm, oq_hbm),
                 (u_hbm, ou_hbm), (v_hbm, ov_hbm)]):
            @pl.when(wid // 8 == t)
            def _(tbl=tbl, dst=dst):
                def fire_in(c, cb):
                    pltpu.async_copy(
                        tbl.at[pl.ds(f0, 8), pl.ds(c * DT_CH, DT_CH)],
                        buf.at[cb], sin)

                def wait_in():
                    pltpu.make_async_copy(
                        tbl.at[pl.ds(0, 8), pl.ds(0, DT_CH)],
                        buf.at[0], sin).wait()

                def fire_outs(c, cb):
                    for s in range(8):
                        pltpu.async_copy(
                            buf.at[cb, s],
                            dst.at[pl.ds((f0 + s) * NUP + c * DT_CH, DT_CH)],
                            sout)

                def wait_outs():
                    for s in range(8):
                        pltpu.make_async_copy(
                            buf.at[0, s],
                            dst.at[pl.ds(0, DT_CH)], sout).wait()

                fire_in(c0, 0)

                @pl.loop(0, DT_NCH // 2)
                def _(j):
                    c = c0 + j
                    cb = j % 2

                    @pl.when(j > 0)
                    def _():
                        wait_outs()

                    @pl.when(j < DT_NCH // 2 - 1)
                    def _():
                        fire_in(c + 1, (j + 1) % 2)

                    wait_in()
                    fire_outs(c, cb)

                wait_outs()

                @pl.when(h == 1)
                def _():
                    u0 = pl.multiple_of(wid * 0 + DT_FULL, 128)
                    pltpu.sync_copy(
                        tbl.at[pl.ds(f0, 8), pl.ds(u0, DT_TAIL)],
                        buf.at[0, :, pl.ds(0, DT_TAIL)])
                    for s in range(8):
                        pltpu.sync_copy(
                            buf.at[0, s, pl.ds(0, DT_TAIL)],
                            dst.at[pl.ds((f0 + s) * NUP + DT_FULL, DT_TAIL)])

    return k(Pt, Qt, Ut, Vt)


def _sc_gather_t(Pl, Ql, Ul, Vl, user_id, item_id):
    mesh = plsc.VectorSubcoreMesh(core_axis_name="c", subcore_axis_name="s")
    out = jax.ShapeDtypeStruct((NF, BATCH), jnp.float32)

    @functools.partial(
        pl.kernel,
        mesh=mesh,
        out_type=(out, out, out, out),
        compiler_params=pltpu.CompilerParams(
            use_tc_tiling_on_sc=False, needs_layout_passes=False),
        scratch_types=[
            pltpu.VMEM((B_PER_W,), jnp.int32),
            pltpu.VMEM((B_PER_W,), jnp.int32),
            pltpu.VMEM((2, B_PER_W), jnp.int32),
            pltpu.VMEM((2, B_PER_W), jnp.int32),
            pltpu.VMEM((NF, B_PER_W), jnp.float32),
            pltpu.VMEM((NF, B_PER_W), jnp.float32),
            pltpu.VMEM((NF, B_PER_W), jnp.float32),
            pltpu.VMEM((NF, B_PER_W), jnp.float32),
            pltpu.SemaphoreType.DMA,
            pltpu.SemaphoreType.DMA,
            pltpu.SemaphoreType.DMA,
            pltpu.SemaphoreType.DMA,
        ],
    )
    def k(p_hbm, q_hbm, u_hbm, v_hbm, iu_hbm, ii_hbm,
          pmf_hbm, qmf_hbm, pml_hbm, qml_hbm,
          iu_v, ii_v, eu_v, ei_v, pv, qv, uv, vv, sp, sq, su, sv):
        wid = lax.axis_index("s") * NC + lax.axis_index("c")
        base = wid * B_PER_W
        pltpu.sync_copy(iu_hbm.at[pl.ds(base, B_PER_W)], iu_v)
        pltpu.sync_copy(ii_hbm.at[pl.ds(base, B_PER_W)], ii_v)

        def fire(f):
            off = f * NUP
            fb = f % 2

            @pl.loop(0, B_PER_W // 16)
            def _(cc):
                s = pl.ds(cc * 16, 16)
                eu_v[fb, s] = iu_v[s] + off
                ei_v[fb, s] = ii_v[s] + off

            eu = eu_v.at[fb]
            ei = ei_v.at[fb]
            pltpu.async_copy(p_hbm.at[eu], pv.at[f], sp)
            pltpu.async_copy(q_hbm.at[ei], qv.at[f], sq)
            pltpu.async_copy(u_hbm.at[eu], uv.at[f], su)
            pltpu.async_copy(v_hbm.at[ei], vv.at[f], sv)

        def drain(f):
            eu = eu_v.at[f % 2]
            ei = ei_v.at[f % 2]
            pltpu.make_async_copy(p_hbm.at[eu], pv.at[f], sp).wait()
            pltpu.make_async_copy(q_hbm.at[ei], qv.at[f], sq).wait()
            pltpu.make_async_copy(u_hbm.at[eu], uv.at[f], su).wait()
            pltpu.make_async_copy(v_hbm.at[ei], vv.at[f], sv).wait()

        fire(0)

        @pl.loop(1, NF)
        def _(f):
            fire(f)
            drain(f - 1)

        drain(NF - 1)

        pltpu.sync_copy(pv, pmf_hbm.at[:, pl.ds(base, B_PER_W)])
        pltpu.sync_copy(qv, qmf_hbm.at[:, pl.ds(base, B_PER_W)])
        pltpu.sync_copy(uv, pml_hbm.at[:, pl.ds(base, B_PER_W)])
        pltpu.sync_copy(vv, qml_hbm.at[:, pl.ds(base, B_PER_W)])

    return k(Pl, Ql, Ul, Vl, user_id, item_id)


def _dotT(w, x):
    return lax.dot_general(w, x, (((0,), (0,)), ((), ())),
                           preferred_element_type=jnp.float32)


def _tc_mlp_body(pmf_ref, qmf_ref, pml_ref, qml_ref,
                 w0_ref, b0_ref, w1_ref, b1_ref, w2_ref, b2_ref,
                 wp_ref, bp_ref, out_ref):
    h = (_dotT(w0_ref[:NF, :], pml_ref[...])
         + _dotT(w0_ref[NF:, :], qml_ref[...])
         + b0_ref[...].T)
    h = jnp.maximum(h, 0.0)
    h = _dotT(w1_ref[...], h) + b1_ref[...].T
    h = jnp.maximum(h, 0.0)
    h = _dotT(w2_ref[...], h) + b2_ref[...].T
    h = jnp.maximum(h, 0.0)
    gmf = pmf_ref[...] * qmf_ref[...]
    out = (_dotT(wp_ref[:NF, :], gmf)
           + _dotT(wp_ref[NF:, :], h)
           + bp_ref[...].T)
    out_ref[...] = out


def _tc_mlp(pmf, qmf, pml, qml, W0, b0, W1, b1, W2, b2, Wp, bp):
    blk = 4096
    grid = (BATCH // blk,)
    in_col = pl.BlockSpec((NF, blk), lambda i: (0, i))
    full = lambda a: pl.BlockSpec(a.shape, lambda i: (0,) * a.ndim)
    return pl.pallas_call(
        _tc_mlp_body,
        grid=grid,
        in_specs=[in_col, in_col, in_col, in_col,
                  full(W0), full(b0), full(W1), full(b1),
                  full(W2), full(b2), full(Wp), full(bp)],
        out_specs=pl.BlockSpec((1, blk), lambda i: (0, i)),
        out_shape=jax.ShapeDtypeStruct((1, BATCH), jnp.float32),
    )(pmf, qmf, pml, qml, W0, b0, W1, b1, W2, b2, Wp, bp)


def kernel(user_id, item_id, P, Q, U, V, W0, b0, W1, b1, W2, b2, Wp, bp):
    Pl, Ql, Ul, Vl = _sc_detile(P.T, Q.T, U.T, V.T)
    pmf, qmf, pml, qml = _sc_gather_t(Pl, Ql, Ul, Vl, user_id, item_id)
    out = _tc_mlp(pmf, qmf, pml, qml,
                  W0, b0.reshape(1, -1), W1, b1.reshape(1, -1),
                  W2, b2.reshape(1, -1), Wp, bp.reshape(1, -1))
    return out.reshape(BATCH)

# --- scband reference (transcript-rebuilt; emitter-appended) ---
"""Pipeline reference for scband-neu-mf-9363028705724 (READ-ONLY COPY).

The authoritative reference and input builder live on the scoring server;
editing this copy changes nothing except your own understanding.
"""

import jax, jax.numpy as jnp
import numpy as np

NUM_USERS = 1000000
NUM_ITEMS = 1000000
NUM_FACTORS = 32
HIDDENS = [64, 32, 16]
BATCH = 16384


def setup_inputs(seed: int = 0) -> dict:
    key = jax.random.key(seed)
    ks = jax.random.split(key, 16)
    user_id = jax.random.randint(ks[0], (BATCH,), 0, NUM_USERS, dtype=jnp.int64 if jax.config.jax_enable_x64 else jnp.int32)
    item_id = jax.random.randint(ks[1], (BATCH,), 0, NUM_ITEMS, dtype=jnp.int64 if jax.config.jax_enable_x64 else jnp.int32)
    P = jax.random.normal(ks[2], (NUM_USERS, NUM_FACTORS), dtype=jnp.float32) * 0.05
    Q = jax.random.normal(ks[3], (NUM_ITEMS, NUM_FACTORS), dtype=jnp.float32) * 0.05
    U = jax.random.normal(ks[4], (NUM_USERS, NUM_FACTORS), dtype=jnp.float32) * 0.05
    V = jax.random.normal(ks[5], (NUM_ITEMS, NUM_FACTORS), dtype=jnp.float32) * 0.05
    in0 = NUM_FACTORS * 2
    W0 = jax.random.normal(ks[6], (in0, HIDDENS[0]), dtype=jnp.float32) * (1.0 / np.sqrt(in0))
    b0 = jnp.zeros((HIDDENS[0],), dtype=jnp.float32)
    W1 = jax.random.normal(ks[7], (HIDDENS[0], HIDDENS[1]), dtype=jnp.float32) * (1.0 / np.sqrt(HIDDENS[0]))
    b1 = jnp.zeros((HIDDENS[1],), dtype=jnp.float32)
    W2 = jax.random.normal(ks[8], (HIDDENS[1], HIDDENS[2]), dtype=jnp.float32) * (1.0 / np.sqrt(HIDDENS[1]))
    b2 = jnp.zeros((HIDDENS[2],), dtype=jnp.float32)
    inp = HIDDENS[-1] + NUM_FACTORS
    Wp = jax.random.normal(ks[9], (inp, 1), dtype=jnp.float32) * (1.0 / np.sqrt(inp))
    bp = jnp.zeros((1,), dtype=jnp.float32)
    return {"user_id": user_id, "item_id": item_id, "P": P, "Q": Q, "U": U, "V": V,
            "W0": W0, "b0": b0, "W1": W1, "b1": b1, "W2": W2, "b2": b2, "Wp": Wp, "bp": bp}


def reference(user_id, item_id, P, Q, U, V, W0, b0, W1, b1, W2, b2, Wp, bp):
    # GMF branch: embedding lookups + elementwise product
    p_mf = jnp.take(P, user_id, axis=0)
    q_mf = jnp.take(Q, item_id, axis=0)
    gmf = p_mf * q_mf
    # MLP branch: embedding lookups + concat + MLP
    p_mlp = jnp.take(U, user_id, axis=0)
    q_mlp = jnp.take(V, item_id, axis=0)
    h = jnp.concatenate([p_mlp, q_mlp], axis=1)
    h = jax.nn.relu(h @ W0 + b0)
    h = jax.nn.relu(h @ W1 + b1)
    h = jax.nn.relu(h @ W2 + b2)
    con_res = jnp.concatenate([gmf, h], axis=1)
    out = con_res @ Wp + bp
    return jnp.squeeze(out, axis=1)

if __name__ == "__main__":
    import jax
    _d = setup_inputs()
    print(jax.jit(kernel)(*tuple(_d.values())))

</pallas_src>

<mosaic_0001>
#map = affine_map<(d0, d1) -> (0, 0)>
#map1 = affine_map<(d0, d1) -> (0)>
module attributes {stable_mosaic.version = 14 : i64} {
  func.func @k(%arg0: i32, %arg1: i32, %arg2: memref<32x1000000xf32, #tpu.memory_space<hbm>>, %arg3: memref<32x1000000xf32, #tpu.memory_space<hbm>>, %arg4: memref<32x1000000xf32, #tpu.memory_space<hbm>>, %arg5: memref<32x1000000xf32, #tpu.memory_space<hbm>>, %arg6: memref<32002048xf32, #tpu.memory_space<hbm>>, %arg7: memref<32002048xf32, #tpu.memory_space<hbm>>, %arg8: memref<32002048xf32, #tpu.memory_space<hbm>>, %arg9: memref<32002048xf32, #tpu.memory_space<hbm>>, %arg10: memref<2x8x7808xf32, #tpu.memory_space<vmem>>, %arg11: memref<!tpu.dma_semaphore, #tpu.memory_space<semaphore_mem>>, %arg12: memref<!tpu.dma_semaphore, #tpu.memory_space<semaphore_mem>>) attributes {dimension_semantics = [#tpu.dimension_semantics<core_parallel>, #tpu.dimension_semantics<subcore_parallel>], iteration_bounds = array<i64: 2, 16>, scalar_prefetch = 0 : i64, scratch_operands = 3 : i64, tpu.core_type = #tpu.core_type<sc_vector_subcore>, window_params = [{transform_indices = #map}, {transform_indices = #map}, {transform_indices = #map}, {transform_indices = #map}, {transform_indices = #map1}, {transform_indices = #map1}, {transform_indices = #map1}, {transform_indices = #map1}]} {
    %mul3A = arith.constant 2 : i32
    %mul3A_0 = arith.muli %arg1, %mul3A : i32
    %add3A = arith.addi %mul3A_0, %arg0 : i32
    %jit3A = arith.constant 8 : i32
    %eq3A = arith.constant 0 : i32
    %eq3A_1 = arith.cmpi eq, %jit3A, %eq3A : i32
    %jit3A_2 = arith.constant 1 : i32
    %select_n3A = arith.select %eq3A_1, %jit3A_2, %jit3A : i32
    %rem3A = arith.remsi %add3A, %select_n3A : i32
    %ne3A = arith.constant 0 : i32
    %ne3A_3 = arith.cmpi ne, %rem3A, %ne3A : i32
    %lt3A = arith.constant 0 : i32
    %lt3A_4 = arith.cmpi slt, %rem3A, %lt3A : i32
    %lt3A_5 = arith.constant 0 : i32
    %lt3A_6 = arith.cmpi slt, %select_n3A, %lt3A_5 : i32
    %ne3A_7 = arith.xori %lt3A_4, %lt3A_6 : i1
    %and3A = arith.andi %ne3A_7, %ne3A_3 : i1
    %add3A_8 = arith.addi %rem3A, %select_n3A : i32
    %select_n3A_9 = arith.select %and3A, %add3A_8, %rem3A : i32
    %jit3A_10 = arith.constant 2 : i32
    %div3A = arith.divsi %select_n3A_9, %jit3A_10 : i32
    %sign3A = arith.constant 0 : i32
    %sign3A_11 = arith.cmpi sgt, %select_n3A_9, %sign3A : i32
    %sign3A_12 = arith.extui %sign3A_11 : i1 to i32
    %sign3A_13 = arith.constant 0 : i32
    %sign3A_14 = arith.cmpi slt, %select_n3A_9, %sign3A_13 : i32
    %sign3A_15 = arith.extui %sign3A_14 : i1 to i32
    %sign3A_16 = arith.subi %sign3A_12, %sign3A_15 : i32
    %sign3A_17 = arith.constant 0 : i32
    %sign3A_18 = arith.cmpi sgt, %jit3A_10, %sign3A_17 : i32
    %sign3A_19 = arith.extui %sign3A_18 : i1 to i32
    %sign3A_20 = arith.constant 0 : i32
    %sign3A_21 = arith.cmpi slt, %jit3A_10, %sign3A_20 : i32
    %sign3A_22 = arith.extui %sign3A_21 : i1 to i32
    %sign3A_23 = arith.subi %sign3A_19, %sign3A_22 : i32
    %ne3A_24 = arith.cmpi ne, %sign3A_16, %sign3A_23 : i32
    %rem3A_25 = arith.remsi %select_n3A_9, %jit3A_10 : i32
    %ne3A_26 = arith.constant 0 : i32
    %ne3A_27 = arith.cmpi ne, %rem3A_25, %ne3A_26 : i32
    %and3A_28 = arith.andi %ne3A_24, %ne3A_27 : i1
    %sub3A = arith.constant 1 : i32
    %sub3A_29 = arith.subi %div3A, %sub3A : i32
    %select_n3A_30 = arith.select %and3A_28, %sub3A_29, %div3A : i32
    %mul3A_31 = arith.constant 8 : i32
    %mul3A_32 = arith.muli %select_n3A_30, %mul3A_31 : i32
    %jit3A_33 = arith.constant 2 : i32
    %eq3A_34 = arith.constant 0 : i32
    %eq3A_35 = arith.cmpi eq, %jit3A_33, %eq3A_34 : i32
    %jit3A_36 = arith.constant 1 : i32
    %select_n3A_37 = arith.select %eq3A_35, %jit3A_36, %jit3A_33 : i32
    %rem3A_38 = arith.remsi %select_n3A_9, %select_n3A_37 : i32
    %ne3A_39 = arith.constant 0 : i32
    %ne3A_40 = arith.cmpi ne, %rem3A_38, %ne3A_39 : i32
    %lt3A_41 = arith.constant 0 : i32
    %lt3A_42 = arith.cmpi slt, %rem3A_38, %lt3A_41 : i32
    %lt3A_43 = arith.constant 0 : i32
    %lt3A_44 = arith.cmpi slt, %select_n3A_37, %lt3A_43 : i32
    %ne3A_45 = arith.xori %lt3A_42, %lt3A_44 : i1
    %and3A_46 = arith.andi %ne3A_45, %ne3A_40 : i1
    %add3A_47 = arith.addi %rem3A_38, %select_n3A_37 : i32
    %select_n3A_48 = arith.select %and3A_46, %add3A_47, %rem3A_38 : i32
    %mul3A_49 = arith.constant 64 : i32
    %mul3A_50 = arith.muli %select_n3A_48, %mul3A_49 : i32
    %jit3A_51 = arith.constant 8 : i32
    %div3A_52 = arith.divsi %add3A, %jit3A_51 : i32
    %sign3A_53 = arith.constant 0 : i32
    %sign3A_54 = arith.cmpi sgt, %add3A, %sign3A_53 : i32
    %sign3A_55 = arith.extui %sign3A_54 : i1 to i32
    %sign3A_56 = arith.constant 0 : i32
    %sign3A_57 = arith.cmpi slt, %add3A, %sign3A_56 : i32
    %sign3A_58 = arith.extui %sign3A_57 : i1 to i32
    %sign3A_59 = arith.subi %sign3A_55, %sign3A_58 : i32
    %sign3A_60 = arith.constant 0 : i32
    %sign3A_61 = arith.cmpi sgt, %jit3A_51, %sign3A_60 : i32
    %sign3A_62 = arith.extui %sign3A_61 : i1 to i32
    %sign3A_63 = arith.constant 0 : i32
    %sign3A_64 = arith.cmpi slt, %jit3A_51, %sign3A_63 : i32
    %sign3A_65 = arith.extui %sign3A_64 : i1 to i32
    %sign3A_66 = arith.subi %sign3A_62, %sign3A_65 : i32
    %ne3A_67 = arith.cmpi ne, %sign3A_59, %sign3A_66 : i32
    %rem3A_68 = arith.remsi %add3A, %jit3A_51 : i32
    %ne3A_69 = arith.constant 0 : i32
    %ne3A_70 = arith.cmpi ne, %rem3A_68, %ne3A_69 : i32
    %and3A_71 = arith.andi %ne3A_67, %ne3A_70 : i1
    %sub3A_72 = arith.constant 1 : i32
    %sub3A_73 = arith.subi %div3A_52, %sub3A_72 : i32
    %select_n3A_74 = arith.select %and3A_71, %sub3A_73, %div3A_52 : i32
    %eq3A_75 = arith.constant 0 : i32
    %eq3A_76 = arith.cmpi eq, %select_n3A_74, %eq3A_75 : i32
    %convert_element_type3A = arith.extui %eq3A_76 : i1 to i32
    %cond3A = arith.constant 0 : i32
    %cond3A_77 = arith.cmpi ne, %convert_element_type3A, %cond3A : i32
    scf.if %cond3A_77 {
      %mul3A_165 = arith.constant 7808 : i32
      %mul3A_166 = arith.muli %mul3A_50, %mul3A_165 : i32
      %dma_start3A = arith.constant 0 : i32
      %dma_start3A_167 = arith.constant 0 : i32
      %dma_start3A_168 = arith.constant 0 : i32
      %dma_start3A_169 = tpu.memref_slice %arg10[%dma_start3A, %dma_start3A_167, %dma_start3A_168] : memref<2x8x7808xf32, #tpu.memory_space<vmem>> -> memref<1x8x7808xf32, #tpu.memory_space<vmem>>
      %dma_start3A_170 = tpu.memref_squeeze %dma_start3A_169 : memref<1x8x7808xf32, #tpu.memory_space<vmem>> -> memref<8x7808xf32, #tpu.memory_space<vmem>>
      %dma_start3A_171 = tpu.memref_slice %arg2[%mul3A_32, %mul3A_166] : memref<32x1000000xf32, #tpu.memory_space<hbm>> -> memref<8x7808xf32, #tpu.memory_space<hbm>>
      %dma_start3A_172 = arith.constant 0 : i32
      %dma_start3A_173 = arith.constant 0 : i32
      %dma_start3A_174 = tpu.memref_slice %arg10[%dma_start3A, %dma_start3A_172, %dma_start3A_173] : memref<2x8x7808xf32, #tpu.memory_space<vmem>> -> memref<1x8x7808xf32, #tpu.memory_space<vmem>>
      %dma_start3A_175 = tpu.memref_squeeze %dma_start3A_174 : memref<1x8x7808xf32, #tpu.memory_space<vmem>> -> memref<8x7808xf32, #tpu.memory_space<vmem>>
      %dma_start3A_176 = tpu.memref_slice %arg2[%mul3A_32, %mul3A_166] : memref<32x1000000xf32, #tpu.memory_space<hbm>> -> memref<8x7808xf32, #tpu.memory_space<hbm>>
      tpu.enqueue_dma source(%dma_start3A_176 : memref<8x7808xf32, #tpu.memory_space<hbm>>) target(%dma_start3A_175 : memref<8x7808xf32, #tpu.memory_space<vmem>>) target_semaphore(%arg11 : memref<!tpu.dma_semaphore, #tpu.memory_space<semaphore_mem>>)
      %scan3A = arith.constant 0 : i32
      %scan3A_177 = arith.constant 64 : i32
      %scan3A_178 = arith.addi %scan3A, %scan3A_177 : i32
      %scan3A_179 = arith.constant 1 : i32
      scf.for %scan3A_281 = %scan3A to %scan3A_178 step %scan3A_179  : i32 {
        %mul3A_282 = arith.constant 1 : i32
        %mul3A_283 = arith.muli %scan3A_281, %mul3A_282 : i32
        %add3A_284 = arith.constant 0 : i32
        %add3A_285 = arith.addi %add3A_284, %mul3A_283 : i32
        %add3A_286 = arith.addi %mul3A_50, %add3A_285 : i32
        %jit3A_287 = arith.constant 2 : i32
        %eq3A_288 = arith.constant 0 : i32
        %eq3A_289 = arith.cmpi eq, %jit3A_287, %eq3A_288 : i32
        %jit3A_290 = arith.constant 1 : i32
        %select_n3A_291 = arith.select %eq3A_289, %jit3A_290, %jit3A_287 : i32
        %rem3A_292 = arith.remsi %add3A_285, %select_n3A_291 : i32
        %ne3A_293 = arith.constant 0 : i32
        %ne3A_294 = arith.cmpi ne, %rem3A_292, %ne3A_293 : i32
        %lt3A_295 = arith.constant 0 : i32
        %lt3A_296 = arith.cmpi slt, %rem3A_292, %lt3A_295 : i32
        %lt3A_297 = arith.constant 0 : i32
        %lt3A_298 = arith.cmpi slt, %select_n3A_291, %lt3A_297 : i32
        %ne3A_299 = arith.xori %lt3A_296, %lt3A_298 : i1
        %and3A_300 = arith.andi %ne3A_299, %ne3A_294 : i1
        %add3A_301 = arith.addi %rem3A_292, %select_n3A_291 : i32
        %select_n3A_302 = arith.select %and3A_300, %add3A_301, %rem3A_292 : i32
        %gt3A = arith.constant 0 : i32
        %gt3A_303 = arith.cmpi sgt, %add3A_285, %gt3A : i32
        %convert_element_type3A_304 = arith.extui %gt3A_303 : i1 to i32
        %cond3A_305 = arith.constant 0 : i32
        %cond3A_306 = arith.cmpi ne, %convert_element_type3A_304, %cond3A_305 : i32
        scf.if %cond3A_306 {
          %dma_wait3A_455 = arith.constant 0 : i32
          %dma_wait3A_456 = arith.constant 0 : i32
          %dma_wait3A_457 = arith.constant 0 : i32
          %dma_wait3A_458 = tpu.memref_slice %arg10[%dma_wait3A_455, %dma_wait3A_456, %dma_wait3A_457] : memref<2x8x7808xf32, #tpu.memory_space<vmem>> -> memref<1x1x7808xf32, #tpu.memory_space<vmem>>
          %dma_wait3A_459 = tpu.memref_squeeze %dma_wait3A_458 : memref<1x1x7808xf32, #tpu.memory_space<vmem>> -> memref<7808xf32, #tpu.memory_space<vmem>>
          %dma_wait3A_460 = arith.constant 0 : i32
          %dma_wait3A_461 = tpu.memref_slice %arg6[%dma_wait3A_460] : memref<32002048xf32, #tpu.memory_space<hbm>> -> memref<7808xf32, #tpu.memory_space<hbm>>
          %dma_wait3A_462 = arith.constant 0 : i32
          %dma_wait3A_463 = tpu.memref_slice %arg6[%dma_wait3A_462] : memref<32002048xf32, #tpu.memory_space<hbm>> -> memref<7808xf32, #tpu.memory_space<hbm>>
          %dma_wait3A_464 = arith.constant 0 : i32
          %dma_wait3A_465 = tpu.memref_slice %arg10[%dma_wait3A_455, %dma_wait3A_456, %dma_wait3A_464] : memref<2x8x7808xf32, #tpu.memory_space<vmem>> -> memref<1x1x7808xf32, #tpu.memory_space<vmem>>
          %dma_wait3A_466 = tpu.memref_squeeze %dma_wait3A_465 : memref<1x1x7808xf32, #tpu.memory_space<vmem>> -> memref<7808xf32, #tpu.memory_space<vmem>>
          tpu.wait_dma2 semaphore(%arg12 : memref<!tpu.dma_semaphore, #tpu.memory_space<semaphore_mem>>) src(%dma_wait3A_466 : memref<7808xf32, #tpu.memory_space<vmem>>) dst(%dma_wait3A_463 : memref<7808xf32, #tpu.memory_space<hbm>>)
          %dma_wait3A_467 = arith.constant 0 : i32
          %dma_wait3A_468 = arith.constant 1 : i32
          %dma_wait3A_469 = arith.constant 0 : i32
          %dma_wait3A_470 = tpu.memref_slice %arg10[%dma_wait3A_467, %dma_wait3A_468, %dma_wait3A_469] : memref<2x8x7808xf32, #tpu.memory_space<vmem>> -> memref<1x1x7808xf32, #tpu.memory_space<vmem>>
          %dma_wait3A_471 = tpu.memref_squeeze %dma_wait3A_470 : memref<1x1x7808xf32, #tpu.memory_space<vmem>> -> memref<7808xf32, #tpu.memory_space<vmem>>
          %dma_wait3A_472 = arith.constant 0 : i32
          %dma_wait3A_473 = tpu.memref_slice %arg6[%dma_wait3A_472] : memref<32002048xf32, #tpu.memory_space<hbm>> -> memref<7808xf32, #tpu.memory_space<hbm>>
          %dma_wait3A_474 = arith.constant 0 : i32
          %dma_wait3A_475 = tpu.memref_slice %arg6[%dma_wait3A_474] : memref<32002048xf32, #tpu.memory_space<hbm>> -> memref<7808xf32, #tpu.memory_space<hbm>>
          %dma_wait3A_476 = arith.constant 0 : i32
          %dma_wait3A_477 = tpu.memref_slice %arg10[%dma_wait3A_467, %dma_wait3A_468, %dma_wait3A_476] : memref<2x8x7808xf32, #tpu.memory_space<vmem>> -> memref<1x1x7808xf32, #tpu.memory_space<vmem>>
          %dma_wait3A_478 = tpu.memref_squeeze %dma_wait3A_477 : memref<1x1x7808xf32, #tpu.memory_space<vmem>> -> memref<7808xf32, #tpu.memory_space<vmem>>
          tpu.wait_dma2 semaphore(%arg12 : memref<!tpu.dma_semaphore, #tpu.memory_space<semaphore_mem>>) src(%dma_wait3A_478 : memref<7808xf32, #tpu.memory_space<vmem>>) dst(%dma_wait3A_475 : memref<7808xf32, #tpu.memory_space<hbm>>)
          %dma_wait3A_479 = arith.constant 0 : i32
          %dma_wait3A_480 = arith.constant 2 : i32
          %dma_wait3A_481 = arith.constant 0 : i32
          %dma_wait3A_482 = tpu.memref_slice %arg10[%dma_wait3A_479, %dma_wait3A_480, %dma_wait3A_481] : memref<2x8x7808xf32, #tpu.memory_space<vmem>> -> memref<1x1x7808xf32, #tpu.memory_space<vmem>>
          %dma_wait3A_483 = tpu.memref_squeeze %dma_wait3A_482 : memref<1x1x7808xf32, #tpu.memory_space<vmem>> -> memref<7808xf32, #tpu.memory_space<vmem>>
          %dma_wait3A_484 = arith.constant 0 : i32
          %dma_wait3A_485 = tpu.memref_slice %arg6[%dma_wait3A_484] : memref<32002048xf32, #tpu.memory_space<hbm>> -> memref<7808xf32, #tpu.memory_space<hbm>>
          %dma_wait3A_486 = arith.constant 0 : i32
          %dma_wait3A_487 = tpu.memref_slice %arg6[%dma_wait3A_486] : memref<32002048xf32, #tpu.memory_space<hbm>> -> memref<7808xf32, #tpu.memory_space<hbm>>
          %dma_wait3A_488 = arith.constant 0 : i32
          %dma_wait3A_489 = tpu.memref_slice %arg10[%dma_wait3A_479, %dma_wait3A_480, %dma_wait3A_488] : memref<2x8x7808xf32, #tpu.memory_space<vmem>> -> memref<1x1x7808xf32, #tpu.memory_space<vmem>>
          %dma_wait3A_490 = tpu.memref_squeeze %dma_wait3A_489 : memref<1x1x7808xf32, #tpu.memory_space<vmem>> -> memref<7808xf32, #tpu.memory_space<vmem>>
          tpu.wait_dma2 semaphore(%arg12 : memref<!tpu.dma_semaphore, #tpu.memory_space<semaphore_mem>>) src(%dma_wait3A_490 : memref<7808xf32, #tpu.memory_space<vmem>>) dst(%dma_wait3A_487 : memref<7808xf32, #tpu.memory_space<hbm>>)
          %dma_wait3A_491 = arith.constant 0 : i32
          %dma_wait3A_492 = arith.constant 3 : i32
          %dma_wait3A_493 = arith.constant 0 : i32
          %dma_wait3A_494 = tpu.memref_slice %arg10[%dma_wait3A_491, %dma_wait3A_492, %dma_wait3A_493] : memref<2x8x7808xf32, #tpu.memory_space<vmem>> -> memref<1x1x7808xf32, #tpu.memory_space<vmem>>
          %dma_wait3A_495 = tpu.memref_squeeze %dma_wait3A_494 : memref<1x1x7808xf32, #tpu.memory_space<vmem>> -> memref<7808xf32, #tpu.memory_space<vmem>>
          %dma_wait3A_496 = arith.constant 0 : i32
          %dma_wait3A_497 = tpu.memref_slice %arg6[%dma_wait3A_496] : memref<32002048xf32, #tpu.memory_space<hbm>> -> memref<7808xf32, #tpu.memory_space<hbm>>
          %dma_wait3A_498 = arith.constant 0 : i32
          %dma_wait3A_499 = tpu.memref_slice %arg6[%dma_wait3A_498] : memref<32002048xf32, #tpu.memory_space<hbm>> -> memref<7808xf32, #tpu.memory_space<hbm>>
          %dma_wait3A_500 = arith.constant 0 : i32
          %dma_wait3A_501 = tpu.memref_slice %arg10[%dma_wait3A_491, %dma_wait3A_492, %dma_wait3A_500] : memref<2x8x7808xf32, #tpu.memory_space<vmem>> -> memref<1x1x7808xf32, #tpu.memory_space<vmem>>
          %dma_wait3A_502 = tpu.memref_squeeze %dma_wait3A_501 : memref<1x1x7808xf32, #tpu.memory_space<vmem>> -> memref<7808xf32, #tpu.memory_space<vmem>>
          tpu.wait_dma2 semaphore(%arg12 : memref<!tpu.dma_semaphore, #tpu.memory_space<semaphore_mem>>) src(%dma_wait3A_502 : memref<7808xf32, #tpu.memory_space<vmem>>) dst(%dma_wait3A_499 : memref<7808xf32, #tpu.memory_space<hbm>>)
          %dma_wait3A_503 = arith.constant 0 : i32
          %dma_wait3A_504 = arith.constant 4 : i32
          %dma_wait3A_505 = arith.constant 0 : i32
          %dma_wait3A_506 = tpu.memref_slice %arg10[%dma_wait3A_503, %dma_wait3A_504, %dma_wait3A_505] : memref<2x8x7808xf32, #tpu.memory_space<vmem>> -> memref<1x1x7808xf32, #tpu.memory_space<vmem>>
          %dma_wait3A_507 = tpu.memref_squeeze %dma_wait3A_506 : memref<1x1x7808xf32, #tpu.memory_space<vmem>> -> memref<7808xf32, #tpu.memory_space<vmem>>
          %dma_wait3A_508 = arith.constant 0 : i32
          %dma_wait3A_509 = tpu.memref_slice %arg6[%dma_wait3A_508] : memref<32002048xf32, #tpu.memory_space<hbm>> -> memref<7808xf32, #tpu.memory_space<hbm>>
          %dma_wait3A_510 = arith.constant 0 : i32
          %dma_wait3A_511 = tpu.memref_slice %arg6[%dma_wait3A_510] : memref<32002048xf32, #tpu.memory_space<hbm>> -> memref<7808xf32, #tpu.memory_space<hbm>>
          %dma_wait3A_512 = arith.constant 0 : i32
          %dma_wait3A_513 = tpu.memref_slice %arg10[%dma_wait3A_503, %dma_wait3A_504, %dma_wait3A_512] : memref<2x8x7808xf32, #tpu.memory_space<vmem>> -> memref<1x1x7808xf32, #tpu.memory_space<vmem>>
          %dma_wait3A_514 = tpu.memref_squeeze %dma_wait3A_513 : memref<1x1x7808xf32, #tpu.memory_space<vmem>> -> memref<7808xf32, #tpu.memory_space<vmem>>
          tpu.wait_dma2 semaphore(%arg12 : memref<!tpu.dma_semaphore, #tpu.memory_space<semaphore_mem>>) src(%dma_wait3A_514 : memref<7808xf32, #tpu.memory_space<vmem>>) dst(%dma_wait3A_511 : memref<7808xf32, #tpu.memory_space<hbm>>)
          %dma_wait3A_515 = arith.constant 0 : i32
          %dma_wait3A_516 = arith.constant 5 : i32
          %dma_wait3A_517 = arith.constant 0 : i32
          %dma_wait3A_518 = tpu.memref_slice %arg10[%dma_wait3A_515, %dma_wait3A_516, %dma_wait3A_517] : memref<2x8x7808xf32, #tpu.memory_space<vmem>> -> memref<1x1x7808xf32, #tpu.memory_space<vmem>>
          %dma_wait3A_519 = tpu.memref_squeeze %dma_wait3A_518 : memref<1x1x7808xf32, #tpu.memory_space<vmem>> -> memref<7808xf32, #tpu.memory_space<vmem>>
          %dma_wait3A_520 = arith.constant 0 : i32
          %dma_wait3A_521 = tpu.memref_slice %arg6[%dma_wait3A_520] : memref<32002048xf32, #tpu.memory_space<hbm>> -> memref<7808xf32, #tpu.memory_space<hbm>>
          %dma_wait3A_522 = arith.constant 0 : i32
          %dma_wait3A_523 = tpu.memref_slice %arg6[%dma_wait3A_522] : memref<32002048xf32, #tpu.memory_space<hbm>> -> memref<7808xf32, #tpu.memory_space<hbm>>
          %dma_wait3A_524 = arith.constant 0 : i32
          %dma_wait3A_525 = tpu.memref_slice %arg10[%dma_wait3A_515, %dma_wait3A_516, %dma_wait3A_524] : memref<2x8x7808xf32, #tpu.memory_space<vmem>> -> memref<1x1x7808xf32, #tpu.memory_space<vmem>>
          %dma_wait3A_526 = tpu.memref_squeeze %dma_wait3A_525 : memref<1x1x7808xf32, #tpu.memory_space<vmem>> -> memref<7808xf32, #tpu.memory_space<vmem>>
          tpu.wait_dma2 semaphore(%arg12 : memref<!tpu.dma_semaphore, #tpu.memory_space<semaphore_mem>>) src(%dma_wait3A_526 : memref<7808xf32, #tpu.memory_space<vmem>>) dst(%dma_wait3A_523 : memref<7808xf32, #tpu.memory_space<hbm>>)
          %dma_wait3A_527 = arith.constant 0 : i32
          %dma_wait3A_528 = arith.constant 6 : i32
          %dma_wait3A_529 = arith.constant 0 : i32
          %dma_wait3A_530 = tpu.memref_slice %arg10[%dma_wait3A_527, %dma_wait3A_528, %dma_wait3A_529] : memref<2x8x7808xf32, #tpu.memory_space<vmem>> -> memref<1x1x7808xf32, #tpu.memory_space<vmem>>
          %dma_wait3A_531 = tpu.memref_squeeze %dma_wait3A_530 : memref<1x1x7808xf32, #tpu.memory_space<vmem>> -> memref<7808xf32, #tpu.memory_space<vmem>>
          %dma_wait3A_532 = arith.constant 0 : i32
          %dma_wait3A_533 = tpu.memref_slice %arg6[%dma_wait3A_532] : memref<32002048xf32, #tpu.memory_space<hbm>> -> memref<7808xf32, #tpu.memory_space<hbm>>
          %dma_wait3A_534 = arith.constant 0 : i32
          %dma_wait3A_535 = tpu.memref_slice %arg6[%dma_wait3A_534] : memref<32002048xf32, #tpu.memory_space<hbm>> -> memref<7808xf32, #tpu.memory_space<hbm>>
          %dma_wait3A_536 = arith.constant 0 : i32
          %dma_wait3A_537 = tpu.memref_slice %arg10[%dma_wait3A_527, %dma_wait3A_528, %dma_wait3A_536] : memref<2x8x7808xf32, #tpu.memory_space<vmem>> -> memref<1x1x7808xf32, #tpu.memory_space<vmem>>
          %dma_wait3A_538 = tpu.memref_squeeze %dma_wait3A_537 : memref<1x1x7808xf32, #tpu.memory_space<vmem>> -> memref<7808xf32, #tpu.memory_space<vmem>>
          tpu.wait_dma2 semaphore(%arg12 : memref<!tpu.dma_semaphore, #tpu.memory_space<semaphore_mem>>) src(%dma_wait3A_538 : memref<7808xf32, #tpu.memory_space<vmem>>) dst(%dma_wait3A_535 : memref<7808xf32, #tpu.memory_space<hbm>>)
          %dma_wait3A_539 = arith.constant 0 : i32
          %dma_wait3A_540 = arith.constant 7 : i32
          %dma_wait3A_541 = arith.constant 0 : i32
          %dma_wait3A_542 = tpu.memref_slice %arg10[%dma_wait3A_539, %dma_wait3A_540, %dma_wait3A_541] : memref<2x8x7808xf32, #tpu.memory_space<vmem>> -> memref<1x1x7808xf32, #tpu.memory_space<vmem>>
          %dma_wait3A_543 = tpu.memref_squeeze %dma_wait3A_542 : memref<1x1x7808xf32, #tpu.memory_space<vmem>> -> memref<7808xf32, #tpu.memory_space<vmem>>
          %dma_wait3A_544 = arith.constant 0 : i32
          %dma_wait3A_545 = tpu.memref_slice %arg6[%dma_wait3A_544] : memref<32002048xf32, #tpu.memory_space<hbm>> -> memref<7808xf32, #tpu.memory_space<hbm>>
          %dma_wait3A_546 = arith.constant 0 : i32
          %dma_wait3A_547 = tpu.memref_slice %arg6[%dma_wait3A_546] : memref<32002048xf32, #tpu.memory_space<hbm>> -> memref<7808xf32, #tpu.memory_space<hbm>>
          %dma_wait3A_548 = arith.constant 0 : i32
          %dma_wait3A_549 = tpu.memref_slice %arg10[%dma_wait3A_539, %dma_wait3A_540, %dma_wait3A_548] : memref<2x8x7808xf32, #tpu.memory_space<vmem>> -> memref<1x1x7808xf32, #tpu.memory_space<vmem>>
          %dma_wait3A_550 = tpu.memref_squeeze %dma_wait3A_549 : memref<1x1x7808xf32, #tpu.memory_space<vmem>> -> memref<7808xf32, #tpu.memory_space<vmem>>
          tpu.wait_dma2 semaphore(%arg12 : memref<!tpu.dma_semaphore, #tpu.memory_space<semaphore_mem>>) src(%dma_wait3A_550 : memref<7808xf32, #tpu.memory_space<vmem>>) dst(%dma_wait3A_547 : memref<7808xf32, #tpu.memory_space<hbm>>)
        } else {
        }
        %lt3A_307 = arith.constant 63 : i32
        %lt3A_308 = arith.cmpi slt, %add3A_285, %lt3A_307 : i32
        %convert_element_type3A_309 = arith.extui %lt3A_308 : i1 to i32
        %cond3A_310 = arith.constant 0 : i32
        %cond3A_311 = arith.cmpi ne, %convert_element_type3A_309, %cond3A_310 : i32
        scf.if %cond3A_311 {
          %add3A_455 = arith.constant 1 : i32
          %add3A_456 = arith.addi %add3A_286, %add3A_455 : i32
          %add3A_457 = arith.constant 1 : i32
          %add3A_458 = arith.addi %add3A_285, %add3A_457 : i32
          %jit3A_459 = arith.constant 2 : i32
          %eq3A_460 = arith.constant 0 : i32
          %eq3A_461 = arith.cmpi eq, %jit3A_459, %eq3A_460 : i32
          %jit3A_462 = arith.constant 1 : i32
          %select_n3A_463 = arith.select %eq3A_461, %jit3A_462, %jit3A_459 : i32
          %rem3A_464 = arith.remsi %add3A_458, %select_n3A_463 : i32
          %ne3A_465 = arith.constant 0 : i32
          %ne3A_466 = arith.cmpi ne, %rem3A_464, %ne3A_465 : i32
          %lt3A_467 = arith.constant 0 : i32
          %lt3A_468 = arith.cmpi slt, %rem3A_464, %lt3A_467 : i32
          %lt3A_469 = arith.constant 0 : i32
          %lt3A_470 = arith.cmpi slt, %select_n3A_463, %lt3A_469 : i32
          %ne3A_471 = arith.xori %lt3A_468, %lt3A_470 : i1
          %and3A_472 = arith.andi %ne3A_471, %ne3A_466 : i1
          %add3A_473 = arith.addi %rem3A_464, %select_n3A_463 : i32
          %select_n3A_474 = arith.select %and3A_472, %add3A_473, %rem3A_464 : i32
          %mul3A_475 = arith.constant 7808 : i32
          %mul3A_476 = arith.muli %add3A_456, %mul3A_475 : i32
          %dma_start3A_477 = arith.constant 0 : i32
          %dma_start3A_478 = arith.constant 0 : i32
          %dma_start3A_479 = tpu.memref_slice %arg10[%select_n3A_474, %dma_start3A_477, %dma_start3A_478] : memref<2x8x7808xf32, #tpu.memory_space<vmem>> -> memref<1x8x7808xf32, #tpu.memory_space<vmem>>
          %dma_start3A_480 = tpu.memref_squeeze %dma_start3A_479 : memref<1x8x7808xf32, #tpu.memory_space<vmem>> -> memref<8x7808xf32, #tpu.memory_space<vmem>>
          %dma_start3A_481 = tpu.memref_slice %arg2[%mul3A_32, %mul3A_476] : memref<32x1000000xf32, #tpu.memory_space<hbm>> -> memref<8x7808xf32, #tpu.memory_space<hbm>>
          %dma_start3A_482 = arith.constant 0 : i32
          %dma_start3A_483 = arith.constant 0 : i32
          %dma_start3A_484 = tpu.memref_slice %arg10[%select_n3A_474, %dma_start3A_482, %dma_start3A_483] : memref<2x8x7808xf32, #tpu.memory_space<vmem>> -> memref<1x8x7808xf32, #tpu.memory_space<vmem>>
          %dma_start3A_485 = tpu.memref_squeeze %dma_start3A_484 : memref<1x8x7808xf32, #tpu.memory_space<vmem>> -> memref<8x7808xf32, #tpu.memory_space<vmem>>
          %dma_start3A_486 = tpu.memref_slice %arg2[%mul3A_32, %mul3A_476] : memref<32x1000000xf32, #tpu.memory_space<hbm>> -> memref<8x7808xf32, #tpu.memory_space<hbm>>
          tpu.enqueue_dma source(%dma_start3A_486 : memref<8x7808xf32, #tpu.memory_space<hbm>>) target(%dma_start3A_485 : memref<8x7808xf32, #tpu.memory_space<vmem>>) target_semaphore(%arg11 : memref<!tpu.dma_semaphore, #tpu.memory_space<semaphore_mem>>)
        } else {
        }
        %dma_wait3A_312 = arith.constant 0 : i32
        %dma_wait3A_313 = arith.constant 0 : i32
        %dma_wait3A_314 = arith.constant 0 : i32
        %dma_wait3A_315 = tpu.memref_slice %arg10[%dma_wait3A_312, %dma_wait3A_313, %dma_wait3A_314] : memref<2x8x7808xf32, #tpu.memory_space<vmem>> -> memref<1x8x7808xf32, #tpu.memory_space<vmem>>
        %dma_wait3A_316 = tpu.memref_squeeze %dma_wait3A_315 : memref<1x8x7808xf32, #tpu.memory_space<vmem>> -> memref<8x7808xf32, #tpu.memory_space<vmem>>
        %dma_wait3A_317 = arith.constant 0 : i32
        %dma_wait3A_318 = arith.constant 0 : i32
        %dma_wait3A_319 = tpu.memref_slice %arg2[%dma_wait3A_317, %dma_wait3A_318] : memref<32x1000000xf32, #tpu.memory_space<hbm>> -> memref<8x7808xf32, #tpu.memory_space<hbm>>
        %dma_wait3A_320 = arith.constant 0 : i32
        %dma_wait3A_321 = arith.constant 0 : i32
        %dma_wait3A_322 = tpu.memref_slice %arg10[%dma_wait3A_312, %dma_wait3A_320, %dma_wait3A_321] : memref<2x8x7808xf32, #tpu.memory_space<vmem>> -> memref<1x8x7808xf32, #tpu.memory_space<vmem>>
        %dma_wait3A_323 = tpu.memref_squeeze %dma_wait3A_322 : memref<1x8x7808xf32, #tpu.memory_space<vmem>> -> memref<8x7808xf32, #tpu.memory_space<vmem>>
        %dma_wait3A_324 = arith.constant 0 : i32
        %dma_wait3A_325 = arith.constant 0 : i32
        %dma_wait3A_326 = tpu.memref_slice %arg2[%dma_wait3A_324, %dma_wait3A_325] : memref<32x1000000xf32, #tpu.memory_space<hbm>> -> memref<8x7808xf32, #tpu.memory_space<hbm>>
        tpu.wait_dma2 semaphore(%arg11 : memref<!tpu.dma_semaphore, #tpu.memory_space<semaphore_mem>>) src(%dma_wait3A_326 : memref<8x7808xf32, #tpu.memory_space<hbm>>) dst(%dma_wait3A_323 : memref<8x7808xf32, #tpu.memory_space<vmem>>)
        %add3A_327 = arith.constant 0 : i32
        %add3A_328 = arith.addi %mul3A_32, %add3A_327 : i32
        %mul3A_329 = arith.constant 1000064 : i32
        %mul3A_330 = arith.muli %add3A_328, %mul3A_329 : i32
        %mul3A_331 = arith.constant 7808 : i32
        %mul3A_332 = arith.muli %add3A_286, %mul3A_331 : i32
        %add3A_333 = arith.addi %mul3A_330, %mul3A_332 : i32
        %dma_start3A_334 = arith.constant 0 : i32
        %dma_start3A_335 = arith.constant 0 : i32
        %dma_start3A_336 = tpu.memref_slice %arg10[%select_n3A_302, %dma_start3A_334, %dma_start3A_335] : memref<2x8x7808xf32, #tpu.memory_space<vmem>> -> memref<1x1x7808xf32, #tpu.memory_space<vmem>>
        %dma_start3A_337 = tpu.memref_squeeze %dma_start3A_336 : memref<1x1x7808xf32, #tpu.memory_space<vmem>> -> memref<7808xf32, #tpu.memory_space<vmem>>
        %dma_start3A_338 = tpu.memref_slice %arg6[%add3A_333] : memref<32002048xf32, #tpu.memory_space<hbm>> -> memref<7808xf32, #tpu.memory_space<hbm>>
        %dma_start3A_339 = tpu.memref_slice %arg6[%add3A_333] : memref<32002048xf32, #tpu.memory_space<hbm>> -> memref<7808xf32, #tpu.memory_space<hbm>>
        %dma_start3A_340 = arith.constant 0 : i32
        %dma_start3A_341 = tpu.memref_slice %arg10[%select_n3A_302, %dma_start3A_334, %dma_start3A_340] : memref<2x8x7808xf32, #tpu.memory_space<vmem>> -> memref<1x1x7808xf32, #tpu.memory_space<vmem>>
        %dma_start3A_342 = tpu.memref_squeeze %dma_start3A_341 : memref<1x1x7808xf32, #tpu.memory_space<vmem>> -> memref<7808xf32, #tpu.memory_space<vmem>>
        tpu.enqueue_dma source(%dma_start3A_342 : memref<7808xf32, #tpu.memory_space<vmem>>) target(%dma_start3A_339 : memref<7808xf32, #tpu.memory_space<hbm>>) target_semaphore(%arg12 : memref<!tpu.dma_semaphore, #tpu.memory_space<semaphore_mem>>)
        %add3A_343 = arith.constant 1 : i32
        %add3A_344 = arith.addi %mul3A_32, %add3A_343 : i32
        %mul3A_345 = arith.constant 1000064 : i32
        %mul3A_346 = arith.muli %add3A_344, %mul3A_345 : i32
        %mul3A_347 = arith.constant 7808 : i32
        %mul3A_348 = arith.muli %add3A_286, %mul3A_347 : i32
        %add3A_349 = arith.addi %mul3A_346, %mul3A_348 : i32
        %dma_start3A_350 = arith.constant 1 : i32
        %dma_start3A_351 = arith.constant 0 : i32
        %dma_start3A_352 = tpu.memref_slice %arg10[%select_n3A_302, %dma_start3A_350, %dma_start3A_351] : memref<2x8x7808xf32, #tpu.memory_space<vmem>> -> memref<1x1x7808xf32, #tpu.memory_space<vmem>>
        %dma_start3A_353 = tpu.memref_squeeze %dma_start3A_352 : memref<1x1x7808xf32, #tpu.memory_space<vmem>> -> memref<7808xf32, #tpu.memory_space<vmem>>
        %dma_start3A_354 = tpu.memref_slice %arg6[%add3A_349] : memref<32002048xf32, #tpu.memory_space<hbm>> -> memref<7808xf32, #tpu.memory_space<hbm>>
        %dma_start3A_355 = tpu.memref_slice %arg6[%add3A_349] : memref<32002048xf32, #tpu.memory_space<hbm>> -> memref<7808xf32, #tpu.memory_space<hbm>>
        %dma_start3A_356 = arith.constant 0 : i32
        %dma_start3A_357 = tpu.memref_slice %arg10[%select_n3A_302, %dma_start3A_350, %dma_start3A_356] : memref<2x8x7808xf32, #tpu.memory_space<vmem>> -> memref<1x1x7808xf32, #tpu.memory_space<vmem>>
        %dma_start3A_358 = tpu.memref_squeeze %dma_start3A_357 : memref<1x1x7808xf32, #tpu.memory_space<vmem>> -> memref<7808xf32, #tpu.memory_space<vmem>>
        tpu.enqueue_dma source(%dma_start3A_358 : memref<7808xf32, #tpu.memory_space<vmem>>) target(%dma_start3A_355 : memref<7808xf32, #tpu.memory_space<hbm>>) target_semaphore(%arg12 : memref<!tpu.dma_semaphore, #tpu.memory_space<semaphore_mem>>)
        %add3A_359 = arith.constant 2 : i32
        %add3A_360 = arith.addi %mul3A_32, %add3A_359 : i32
        %mul3A_361 = arith.constant 1000064 : i32
        %mul3A_362 = arith.muli %add3A_360, %mul3A_361 : i32
        %mul3A_363 = arith.constant 7808 : i32
        %mul3A_364 = arith.muli %add3A_286, %mul3A_363 : i32
        %add3A_365 = arith.addi %mul3A_362, %mul3A_364 : i32
        %dma_start3A_366 = arith.constant 2 : i32
        %dma_start3A_367 = arith.constant 0 : i32
        %dma_start3A_368 = tpu.memref_slice %arg10[%select_n3A_302, %dma_start3A_366, %dma_start3A_367] : memref<2x8x7808xf32, #tpu.memory_space<vmem>> -> memref<1x1x7808xf32, #tpu.memory_space<vmem>>
        %dma_start3A_369 = tpu.memref_squeeze %dma_start3A_368 : memref<1x1x7808xf32, #tpu.memory_space<vmem>> -> memref<7808xf32, #tpu.memory_space<vmem>>
        %dma_start3A_370 = tpu.memref_slice %arg6[%add3A_365] : memref<32002048xf32, #tpu.memory_space<hbm>> -> memref<7808xf32, #tpu.memory_space<hbm>>
        %dma_start3A_371 = tpu.memref_slice %arg6[%add3A_365] : memref<32002048xf32, #tpu.memory_space<hbm>> -> memref<7808xf32, #tpu.memory_space<hbm>>
        %dma_start3A_372 = arith.constant 0 : i32
        %dma_start3A_373 = tpu.memref_slice %arg10[%select_n3A_302, %dma_start3A_366, %dma_start3A_372] : memref<2x8x7808xf32, #tpu.memory_space<vmem>> -> memref<1x1x7808xf32, #tpu.memory_space<vmem>>
        %dma_start3A_374 = tpu.memref_squeeze %dma_start3A_373 : memref<1x1x7808xf32, #tpu.memory_space<vmem>> -> memref<7808xf32, #tpu.memory_space<vmem>>
        tpu.enqueue_dma source(%dma_start3A_374 : memref<7808xf32, #tpu.memory_space<vmem>>) target(%dma_start3A_371 : memref<7808xf32, #tpu.memory_space<hbm>>) target_semaphore(%arg12 : memref<!tpu.dma_semaphore, #tpu.memory_space<semaphore_mem>>)
        %add3A_375 = arith.constant 3 : i32
        %add3A_376 = arith.addi %mul3A_32, %add3A_375 : i32
        %mul3A_377 = arith.constant 1000064 : i32
        %mul3A_378 = arith.muli %add3A_376, %mul3A_377 : i32
        %mul3A_379 = arith.constant 7808 : i32
        %mul3A_380 = arith.muli %add3A_286, %mul3A_379 : i32
        %add3A_381 = arith.addi %mul3A_378, %mul3A_380 : i32
        %dma_start3A_382 = arith.constant 3 : i32
        %dma_start3A_383 = arith.constant 0 : i32
        %dma_start3A_384 = tpu.memref_slice %arg10[%select_n3A_302, %dma_start3A_382, %dma_start3A_383] : memref<2x8x7808xf32, #tpu.memory_space<vmem>> -> memref<1x1x7808xf32, #tpu.memory_space<vmem>>
        %dma_start3A_385 = tpu.memref_squeeze %dma_start3A_384 : memref<1x1x7808xf32, #tpu.memory_space<vmem>> -> memref<7808xf32, #tpu.memory_space<vmem>>
        %dma_start3A_386 = tpu.memref_slice %arg6[%add3A_381] : memref<32002048xf32, #tpu.memory_space<hbm>> -> memref<7808xf32, #tpu.memory_space<hbm>>
        %dma_start3A_387 = tpu.memref_slice %arg6[%add3A_381] : memref<32002048xf32, #tpu.memory_space<hbm>> -> memref<7808xf32, #tpu.memory_space<hbm>>
        %dma_start3A_388 = arith.constant 0 : i32
        %dma_start3A_389 = tpu.memref_slice %arg10[%select_n3A_302, %dma_start3A_382, %dma_start3A_388] : memref<2x8x7808xf32, #tpu.memory_space<vmem>> -> memref<1x1x7808xf32, #tpu.memory_space<vmem>>
        %dma_start3A_390 = tpu.memref_squeeze %dma_start3A_389 : memref<1x1x7808xf32, #tpu.memory_space<vmem>> -> memref<7808xf32, #tpu.memory_space<vmem>>
        tpu.enqueue_dma source(%dma_start3A_390 : memref<7808xf32, #tpu.memory_space<vmem>>) target(%dma_start3A_387 : memref<7808xf32, #tpu.memory_space<hbm>>) target_semaphore(%arg12 : memref<!tpu.dma_semaphore, #tpu.memory_space<semaphore_mem>>)
        %add3A_391 = arith.constant 4 : i32
        %add3A_392 = arith.addi %mul3A_32, %add3A_391 : i32
        %mul3A_393 = arith.constant 1000064 : i32
        %mul3A_394 = arith.muli %add3A_392, %mul3A_393 : i32
        %mul3A_395 = arith.constant 7808 : i32
        %mul3A_396 = arith.muli %add3A_286, %mul3A_395 : i32
        %add3A_397 = arith.addi %mul3A_394, %mul3A_396 : i32
        %dma_start3A_398 = arith.constant 4 : i32
        %dma_start3A_399 = arith.constant 0 : i32
        %dma_start3A_400 = tpu.memref_slice %arg10[%select_n3A_302, %dma_start3A_398, %dma_start3A_399] : memref<2x8x7808xf32, #tpu.memory_space<vmem>> -> memref<1x1x7808xf32, #tpu.memory_space<vmem>>
        %dma_start3A_401 = tpu.memref_squeeze %dma_start3A_400 : memref<1x1x7808xf32, #tpu.memory_space<vmem>> -> memref<7808xf32, #tpu.memory_space<vmem>>
        %dma_start3A_402 = tpu.memref_slice %arg6[%add3A_397] : memref<32002048xf32, #tpu.memory_space<hbm>> -> memref<7808xf32, #tpu.memory_space<hbm>>
        %dma_start3A_403 = tpu.memref_slice %arg6[%add3A_397] : memref<32002048xf32, #tpu.memory_space<hbm>> -> memref<7808xf32, #tpu.memory_space<hbm>>
        %dma_start3A_404 = arith.constant 0 : i32
        %dma_start3A_405 = tpu.memref_slice %arg10[%select_n3A_302, %dma_start3A_398, %dma_start3A_404] : memref<2x8x7808xf32, #tpu.memory_space<vmem>> -> memref<1x1x7808xf32, #tpu.memory_space<vmem>>
        %dma_start3A_406 = tpu.memref_squeeze %dma_start3A_405 : memref<1x1x7808xf32, #tpu.memory_space<vmem>> -> memref<7808xf32, #tpu.memory_space<vmem>>
        tpu.enqueue_dma source(%dma_start3A_406 : memref<7808xf32, #tpu.memory_space<vmem>>) target(%dma_start3A_403 : memref<7808xf32, #tpu.memory_space<hbm>>) target_semaphore(%arg12 : memref<!tpu.dma_semaphore, #tpu.memory_space<semaphore_mem>>)
        %add3A_407 = arith.constant 5 : i32
        %add3A_408 = arith.addi %mul3A_32, %add3A_407 : i32
        %mul3A_409 = arith.constant 1000064 : i32
        %mul3A_410 = arith.muli %add3A_408, %mul3A_409 : i32
        %mul3A_411 = arith.constant 7808 : i32
        %mul3A_412 = arith.muli %add3A_286, %mul3A_411 : i32
        %add3A_413 = arith.addi %mul3A_410, %mul3A_412 : i32
        %dma_start3A_414 = arith.constant 5 : i32
        %dma_start3A_415 = arith.constant 0 : i32
        %dma_start3A_416 = tpu.memref_slice %arg10[%select_n3A_302, %dma_start3A_414, %dma_start3A_415] : memref<2x8x7808xf32, #tpu.memory_space<vmem>> -> memref<1x1x7808xf32, #tpu.memory_space<vmem>>
        %dma_start3A_417 = tpu.memref_squeeze %dma_start3A_416 : memref<1x1x7808xf32, #tpu.memory_space<vmem>> -> memref<7808xf32, #tpu.memory_space<vmem>>
        %dma_start3A_418 = tpu.memref_slice %arg6[%add3A_413] : memref<32002048xf32, #tpu.memory_space<hbm>> -> memref<7808xf32, #tpu.memory_space<hbm>>
        %dma_start3A_419 = tpu.memref_slice %arg6[%add3A_413] : memref<32002048xf32, #tpu.memory_space<hbm>> -> memref<7808xf32, #tpu.memory_space<hbm>>
        %dma_start3A_420 = arith.constant 0 : i32
        %dma_start3A_421 = tpu.memref_slice %arg10[%select_n3A_302, %dma_start3A_414, %dma_start3A_420] : memref<2x8x7808xf32, #tpu.memory_space<vmem>> -> memref<1x1x7808xf32, #tpu.memory_space<vmem>>
        %dma_start3A_422 = tpu.memref_squeeze %dma_start3A_421 : memref<1x1x7808xf32, #tpu.memory_space<vmem>> -> memref<7808xf32, #tpu.memory_space<vmem>>
        tpu.enqueue_dma source(%dma_start3A_422 : memref<7808xf32, #tpu.memory_space<vmem>>) target(%dma_start3A_419 : memref<7808xf32, #tpu.memory_space<hbm>>) target_semaphore(%arg12 : memref<!tpu.dma_semaphore, #tpu.memory_space<semaphore_mem>>)
        %add3A_423 = arith.constant 6 : i32
        %add3A_424 = arith.addi %mul3A_32, %add3A_423 : i32
        %mul3A_425 = arith.constant 1000064 : i32
        %mul3A_426 = arith.muli %add3A_424, %mul3A_425 : i32
        %mul3A_427 = arith.constant 7808 : i32
        %mul3A_428 = arith.muli %add3A_286, %mul3A_427 : i32
        %add3A_429 = arith.addi %mul3A_426, %mul3A_428 : i32
        %dma_start3A_430 = arith.constant 6 : i32
        %dma_start3A_431 = arith.constant 0 : i32
        %dma_start3A_432 = tpu.memref_slice %arg10[%select_n3A_302, %dma_start3A_430, %dma_start3A_431] : memref<2x8x7808xf32, #tpu.memory_space<vmem>> -> memref<1x1x7808xf32, #tpu.memory_space<vmem>>
        %dma_start3A_433 = tpu.memref_squeeze %dma_start3A_432 : memref<1x1x7808xf32, #tpu.memory_space<vmem>> -> memref<7808xf32, #tpu.memory_space<vmem>>
        %dma_start3A_434 = tpu.memref_slice %arg6[%add3A_429] : memref<32002048xf32, #tpu.memory_space<hbm>> -> memref<7808xf32, #tpu.memory_space<hbm>>
        %dma_start3A_435 = tpu.memref_slice %arg6[%add3A_429] : memref<32002048xf32, #tpu.memory_space<hbm>> -> memref<7808xf32, #tpu.memory_space<hbm>>
        %dma_start3A_436 = arith.constant 0 : i32
        %dma_start3A_437 = tpu.memref_slice %arg10[%select_n3A_302, %dma_start3A_430, %dma_start3A_436] : memref<2x8x7808xf32, #tpu.memory_space<vmem>> -> memref<1x1x7808xf32, #tpu.memory_space<vmem>>
        %dma_start3A_438 = tpu.memref_squeeze %dma_start3A_437 : memref<1x1x7808xf32, #tpu.memory_space<vmem>> -> memref<7808xf32, #tpu.memory_space<vmem>>
        tpu.enqueue_dma source(%dma_start3A_438 : memref<7808xf32, #tpu.memory_space<vmem>>) target(%dma_start3A_435 : memref<7808xf32, #tpu.memory_space<hbm>>) target_semaphore(%arg12 : memref<!tpu.dma_semaphore, #tpu.memory_space<semaphore_mem>>)
        %add3A_439 = arith.constant 7 : i32
        %add3A_440 = arith.addi %mul3A_32, %add3A_439 : i32
        %mul3A_441 = arith.constant 1000064 : i32
        %mul3A_442 = arith.muli %add3A_440, %mul3A_441 : i32
        %mul3A_443 = arith.constant 7808 : i32
        %mul3A_444 = arith.muli %add3A_286, %mul3A_443 : i32
        %add3A_445 = arith.addi %mul3A_442, %mul3A_444 : i32
        %dma_start3A_446 = arith.constant 7 : i32
        %dma_start3A_447 = arith.constant 0 : i32
        %dma_start3A_448 = tpu.memref_slice %arg10[%select_n3A_302, %dma_start3A_446, %dma_start3A_447] : memref<2x8x7808xf32, #tpu.memory_space<vmem>> -> memref<1x1x7808xf32, #tpu.memory_space<vmem>>
        %dma_start3A_449 = tpu.memref_squeeze %dma_start3A_448 : memref<1x1x7808xf32, #tpu.memory_space<vmem>> -> memref<7808xf32, #tpu.memory_space<vmem>>
        %dma_start3A_450 = tpu.memref_slice %arg6[%add3A_445] : memref<32002048xf32, #tpu.memory_space<hbm>> -> memref<7808xf32, #tpu.memory_space<hbm>>
        %dma_start3A_451 = tpu.memref_slice %arg6[%add3A_445] : memref<32002048xf32, #tpu.memory_space<hbm>> -> memref<7808xf32, #tpu.memory_space<hbm>>
        %dma_start3A_452 = arith.constant 0 : i32
        %dma_start3A_453 = tpu.memref_slice %arg10[%select_n3A_302, %dma_start3A_446, %dma_start3A_452] : memref<2x8x7808xf32, #tpu.memory_space<vmem>> -> memref<1x1x7808xf32, #tpu.memory_space<vmem>>
        %dma_start3A_454 = tpu.memref_squeeze %dma_start3A_453 : memref<1x1x7808xf32, #tpu.memory_space<vmem>> -> memref<7808xf32, #tpu.memory_space<vmem>>
        tpu.enqueue_dma source(%dma_start3A_454 : memref<7808xf32, #tpu.memory_space<vmem>>) target(%dma_start3A_451 : memref<7808xf32, #tpu.memory_space<hbm>>) target_semaphore(%arg12 : memref<!tpu.dma_semaphore, #tpu.memory_space<semaphore_mem>>)
      }
      %scan3A_180 = arith.constant 64 : i32
      %dma_wait3A = arith.constant 0 : i32
      %dma_wait3A_181 = arith.constant 0 : i32
      %dma_wait3A_182 = arith.constant 0 : i32
      %dma_wait3A_183 = tpu.memref_slice %arg10[%dma_wait3A, %dma_wait3A_181, %dma_wait3A_182] : memref<2x8x7808xf32, #tpu.memory_space<vmem>> -> memref<1x1x7808xf32, #tpu.memory_space<vmem>>
      %dma_wait3A_184 = tpu.memref_squeeze %dma_wait3A_183 : memref<1x1x7808xf32, #tpu.memory_space<vmem>> -> memref<7808xf32, #tpu.memory_space<vmem>>
      %dma_wait3A_185 = arith.constant 0 : i32
      %dma_wait3A_186 = tpu.memref_slice %arg6[%dma_wait3A_185] : memref<32002048xf32, #tpu.memory_space<hbm>> -> memref<7808xf32, #tpu.memory_space<hbm>>
      %dma_wait3A_187 = arith.constant 0 : i32
      %dma_wait3A_188 = tpu.memref_slice %arg6[%dma_wait3A_187] : memref<32002048xf32, #tpu.memory_space<hbm>> -> memref<7808xf32, #tpu.memory_space<hbm>>
      %dma_wait3A_189 = arith.constant 0 : i32
      %dma_wait3A_190 = tpu.memref_slice %arg10[%dma_wait3A, %dma_wait3A_181, %dma_wait3A_189] : memref<2x8x7808xf32, #tpu.memory_space<vmem>> -> memref<1x1x7808xf32, #tpu.memory_space<vmem>>
      %dma_wait3A_191 = tpu.memref_squeeze %dma_wait3A_190 : memref<1x1x7808xf32, #tpu.memory_space<vmem>> -> memref<7808xf32, #tpu.memory_space<vmem>>
      tpu.wait_dma2 semaphore(%arg12 : memref<!tpu.dma_semaphore, #tpu.memory_space<semaphore_mem>>) src(%dma_wait3A_191 : memref<7808xf32, #tpu.memory_space<vmem>>) dst(%dma_wait3A_188 : memref<7808xf32, #tpu.memory_space<hbm>>)
      %dma_wait3A_192 = arith.constant 0 : i32
      %dma_wait3A_193 = arith.constant 1 : i32
      %dma_wait3A_194 = arith.constant 0 : i32
      %dma_wait3A_195 = tpu.memref_slice %arg10[%dma_wait3A_192, %dma_wait3A_193, %dma_wait3A_194] : memref<2x8x7808xf32, #tpu.memory_space<vmem>> -> memref<1x1x7808xf32, #tpu.memory_space<vmem>>
      %dma_wait3A_196 = tpu.memref_squeeze %dma_wait3A_195 : memref<1x1x7808xf32, #tpu.memory_space<vmem>> -> memref<7808xf32, #tpu.memory_space<vmem>>
      %dma_wait3A_197 = arith.constant 0 : i32
      %dma_wait3A_198 = tpu.memref_slice %arg6[%dma_wait3A_197] : memref<32002048xf32, #tpu.memory_space<hbm>> -> memref<7808xf32, #tpu.memory_space<hbm>>
      %dma_wait3A_199 = arith.constant 0 : i32
      %dma_wait3A_200 = tpu.memref_slice %arg6[%dma_wait3A_199] : memref<32002048xf32, #tpu.memory_space<hbm>> -> memref<7808xf32, #tpu.memory_space<hbm>>
      %dma_wait3A_201 = arith.constant 0 : i32
      %dma_wait3A_202 = tpu.memref_slice %arg10[%dma_wait3A_192, %dma_wait3A_193, %dma_wait3A_201] : memref<2x8x7808xf32, #tpu.memory_space<vmem>> -> memref<1x1x7808xf32, #tpu.memory_space<vmem>>
      %dma_wait3A_203 = tpu.memref_squeeze %dma_wait3A_202 : memref<1x1x7808xf32, #tpu.memory_space<vmem>> -> memref<7808xf32, #tpu.memory_space<vmem>>
      tpu.wait_dma2 semaphore(%arg12 : memref<!tpu.dma_semaphore, #tpu.memory_space<semaphore_mem>>) src(%dma_wait3A_203 : memref<7808xf32, #tpu.memory_space<vmem>>) dst(%dma_wait3A_200 : memref<7808xf32, #tpu.memory_space<hbm>>)
      %dma_wait3A_204 = arith.constant 0 : i32
      %dma_wait3A_205 = arith.constant 2 : i32
      %dma_wait3A_206 = arith.constant 0 : i32
      %dma_wait3A_207 = tpu.memref_slice %arg10[%dma_wait3A_204, %dma_wait3A_205, %dma_wait3A_206] : memref<2x8x7808xf32, #tpu.memory_space<vmem>> -> memref<1x1x7808xf32, #tpu.memory_space<vmem>>
      %dma_wait3A_208 = tpu.memref_squeeze %dma_wait3A_207 : memref<1x1x7808xf32, #tpu.memory_space<vmem>> -> memref<7808xf32, #tpu.memory_space<vmem>>
      %dma_wait3A_209 = arith.constant 0 : i32
      %dma_wait3A_210 = tpu.memref_slice %arg6[%dma_wait3A_209] : memref<32002048xf32, #tpu.memory_space<hbm>> -> memref<7808xf32, #tpu.memory_space<hbm>>
      %dma_wait3A_211 = arith.constant 0 : i32
      %dma_wait3A_212 = tpu.memref_slice %arg6[%dma_wait3A_211] : memref<32002048xf32, #tpu.memory_space<hbm>> -> memref<7808xf32, #tpu.memory_space<hbm>>
      %dma_wait3A_213 = arith.constant 0 : i32
      %dma_wait3A_214 = tpu.memref_slice %arg10[%dma_wait3A_204, %dma_wait3A_205, %dma_wait3A_213] : memref<2x8x7808xf32, #tpu.memory_space<vmem>> -> memref<1x1x7808xf32, #tpu.memory_space<vmem>>
      %dma_wait3A_215 = tpu.memref_squeeze %dma_wait3A_214 : memref<1x1x7808xf32, #tpu.memory_space<vmem>> -> memref<7808xf32, #tpu.memory_space<vmem>>
      tpu.wait_dma2 semaphore(%arg12 : memref<!tpu.dma_semaphore, #tpu.memory_space<semaphore_mem>>) src(%dma_wait3A_215 : memref<7808xf32, #tpu.memory_space<vmem>>) dst(%dma_wait3A_212 : memref<7808xf32, #tpu.memory_space<hbm>>)
      %dma_wait3A_216 = arith.constant 0 : i32
      %dma_wait3A_217 = arith.constant 3 : i32
      %dma_wait3A_218 = arith.constant 0 : i32
      %dma_wait3A_219 = tpu.memref_slice %arg10[%dma_wait3A_216, %dma_wait3A_217, %dma_wait3A_218] : memref<2x8x7808xf32, #tpu.memory_space<vmem>> -> memref<1x1x7808xf32, #tpu.memory_space<vmem>>
      %dma_wait3A_220 = tpu.memref_squeeze %dma_wait3A_219 : memref<1x1x7808xf32, #tpu.memory_space<vmem>> -> memref<7808xf32, #tpu.memory_space<vmem>>
      %dma_wait3A_221 = arith.constant 0 : i32
      %dma_wait3A_222 = tpu.memref_slice %arg6[%dma_wait3A_221] : memref<32002048xf32, #tpu.memory_space<hbm>> -> memref<7808xf32, #tpu.memory_space<hbm>>
      %dma_wait3A_223 = arith.constant 0 : i32
      %dma_wait3A_224 = tpu.memref_slice %arg6[%dma_wait3A_223] : memref<32002048xf32, #tpu.memory_space<hbm>> -> memref<7808xf32, #tpu.memory_space<hbm>>
      %dma_wait3A_225 = arith.constant 0 : i32
      %dma_wait3A_226 = tpu.memref_slice %arg10[%dma_wait3A_216, %dma_wait3A_217, %dma_wait3A_225] : memref<2x8x7808xf32, #tpu.memory_space<vmem>> -> memref<1x1x7808xf32, #tpu.memory_space<vmem>>
      %dma_wait3A_227 = tpu.memref_squeeze %dma_wait3A_226 : memref<1x1x7808xf32, #tpu.memory_space<vmem>> -> memref<7808xf32, #tpu.memory_space<vmem>>
      tpu.wait_dma2 semaphore(%arg12 : memref<!tpu.dma_semaphore, #tpu.memory_space<semaphore_mem>>) src(%dma_wait3A_227 : memref<7808xf32, #tpu.memory_space<vmem>>) dst(%dma_wait3A_224 : memref<7808xf32, #tpu.memory_space<hbm>>)
      %dma_wait3A_228 = arith.constant 0 : i32
      %dma_wait3A_229 = arith.constant 4 : i32
      %dma_wait3A_230 = arith.constant 0 : i32
      %dma_wait3A_231 = tpu.memref_slice %arg10[%dma_wait3A_228, %dma_wait3A_229, %dma_wait3A_230] : memref<2x8x7808xf32, #tpu.memory_space<vmem>> -> memref<1x1x7808xf32, #tpu.memory_space<vmem>>
      %dma_wait3A_232 = tpu.memref_squeeze %dma_wait3A_231 : memref<1x1x7808xf32, #tpu.memory_space<vmem>> -> memref<7808xf32, #tpu.memory_space<vmem>>
      %dma_wait3A_233 = arith.constant 0 : i32
      %dma_wait3A_234 = tpu.memref_slice %arg6[%dma_wait3A_233] : memref<32002048xf32, #tpu.memory_space<hbm>> -> memref<7808xf32, #tpu.memory_space<hbm>>
      %dma_wait3A_235 = arith.constant 0 : i32
      %dma_wait3A_236 = tpu.memref_slice %arg6[%dma_wait3A_235] : memref<32002048xf32, #tpu.memory_space<hbm>> -> memref<7808xf32, #tpu.memory_space<hbm>>
      %dma_wait3A_237 = arith.constant 0 : i32
      %dma_wait3A_238 = tpu.memref_slice %arg10[%dma_wait3A_228, %dma_wait3A_229, %dma_wait3A_237] : memref<2x8x7808xf32, #tpu.memory_space<vmem>> -> memref<1x1x7808xf32, #tpu.memory_space<vmem>>
      %dma_wait3A_239 = tpu.memref_squeeze %dma_wait3A_238 : memref<1x1x7808xf32, #tpu.memory_space<vmem>> -> memref<7808xf32, #tpu.memory_space<vmem>>
      tpu.wait_dma2 semaphore(%arg12 : memref<!tpu.dma_semaphore, #tpu.memory_space<semaphore_mem>>) src(%dma_wait3A_239 : memref<7808xf32, #tpu.memory_space<vmem>>) dst(%dma_wait3A_236 : memref<7808xf32, #tpu.memory_space<hbm>>)
      %dma_wait3A_240 = arith.constant 0 : i32
      %dma_wait3A_241 = arith.constant 5 : i32
      %dma_wait3A_242 = arith.constant 0 : i32
      %dma_wait3A_243 = tpu.memref_slice %arg10[%dma_wait3A_240, %dma_wait3A_241, %dma_wait3A_242] : memref<2x8x7808xf32, #tpu.memory_space<vmem>> -> memref<1x1x7808xf32, #tpu.memory_space<vmem>>
      %dma_wait3A_244 = tpu.memref_squeeze %dma_wait3A_243 : memref<1x1x7808xf32, #tpu.memory_space<vmem>> -> memref<7808xf32, #tpu.memory_space<vmem>>
      %dma_wait3A_245 = arith.constant 0 : i32
      %dma_wait3A_246 = tpu.memref_slice %arg6[%dma_wait3A_245] : memref<32002048xf32, #tpu.memory_space<hbm>> -> memref<7808xf32, #tpu.memory_space<hbm>>
      %dma_wait3A_247 = arith.constant 0 : i32
      %dma_wait3A_248 = tpu.memref_slice %arg6[%dma_wait3A_247] : memref<32002048xf32, #tpu.memory_space<hbm>> -> memref<7808xf32, #tpu.memory_space<hbm>>
      %dma_wait3A_249 = arith.constant 0 : i32
      %dma_wait3A_250 = tpu.memref_slice %arg10[%dma_wait3A_240, %dma_wait3A_241, %dma_wait3A_249] : memref<2x8x7808xf32, #tpu.memory_space<vmem>> -> memref<1x1x7808xf32, #tpu.memory_space<vmem>>
      %dma_wait3A_251 = tpu.memref_squeeze %dma_wait3A_250 : memref<1x1x7808xf32, #tpu.memory_space<vmem>> -> memref<7808xf32, #tpu.memory_space<vmem>>
      tpu.wait_dma2 semaphore(%arg12 : memref<!tpu.dma_semaphore, #tpu.memory_space<semaphore_mem>>) src(%dma_wait3A_251 : memref<7808xf32, #tpu.memory_space<vmem>>) dst(%dma_wait3A_248 : memref<7808xf32, #tpu.memory_space<hbm>>)
      %dma_wait3A_252 = arith.constant 0 : i32
      %dma_wait3A_253 = arith.constant 6 : i32
      %dma_wait3A_254 = arith.constant 0 : i32
      %dma_wait3A_255 = tpu.memref_slice %arg10[%dma_wait3A_252, %dma_wait3A_253, %dma_wait3A_254] : memref<2x8x7808xf32, #tpu.memory_space<vmem>> -> memref<1x1x7808xf32, #tpu.memory_space<vmem>>
      %dma_wait3A_256 = tpu.memref_squeeze %dma_wait3A_255 : memref<1x1x7808xf32, #tpu.memory_space<vmem>> -> memref<7808xf32, #tpu.memory_space<vmem>>
      %dma_wait3A_257 = arith.constant 0 : i32
      %dma_wait3A_258 = tpu.memref_slice %arg6[%dma_wait3A_257] : memref<32002048xf32, #tpu.memory_space<hbm>> -> memref<7808xf32, #tpu.memory_space<hbm>>
      %dma_wait3A_259 = arith.constant 0 : i32
      %dma_wait3A_260 = tpu.memref_slice %arg6[%dma_wait3A_259] : memref<32002048xf32, #tpu.memory_space<hbm>> -> memref<7808xf32, #tpu.memory_space<hbm>>
      %dma_wait3A_261 = arith.constant 0 : i32
      %dma_wait3A_262 = tpu.memref_slice %arg10[%dma_wait3A_252, %dma_wait3A_253, %dma_wait3A_261] : memref<2x8x7808xf32, #tpu.memory_space<vmem>> -> memref<1x1x7808xf32, #tpu.memory_space<vmem>>
      %dma_wait3A_263 = tpu.memref_squeeze %dma_wait3A_262 : memref<1x1x7808xf32, #tpu.memory_space<vmem>> -> memref<7808xf32, #tpu.memory_space<vmem>>
      tpu.wait_dma2 semaphore(%arg12 : memref<!tpu.dma_semaphore, #tpu.memory_space<semaphore_mem>>) src(%dma_wait3A_263 : memref<7808xf32, #tpu.memory_space<vmem>>) dst(%dma_wait3A_260 : memref<7808xf32, #tpu.memory_space<hbm>>)
      %dma_wait3A_264 = arith.constant 0 : i32
      %dma_wait3A_265 = arith.constant 7 : i32
      %dma_wait3A_266 = arith.constant 0 : i32
      %dma_wait3A_267 = tpu.memref_slice %arg10[%dma_wait3A_264, %dma_wait3A_265, %dma_wait3A_266] : memref<2x8x7808xf32, #tpu.memory_space<vmem>> -> memref<1x1x7808xf32, #tpu.memory_space<vmem>>
      %dma_wait3A_268 = tpu.memref_squeeze %dma_wait3A_267 : memref<1x1x7808xf32, #tpu.memory_space<vmem>> -> memref<7808xf32, #tpu.memory_space<vmem>>
      %dma_wait3A_269 = arith.constant 0 : i32
      %dma_wait3A_270 = tpu.memref_slice %arg6[%dma_wait3A_269] : memref<32002048xf32, #tpu.memory_space<hbm>> -> memref<7808xf32, #tpu.memory_space<hbm>>
      %dma_wait3A_271 = arith.constant 0 : i32
      %dma_wait3A_272 = tpu.memref_slice %arg6[%dma_wait3A_271] : memref<32002048xf32, #tpu.memory_space<hbm>> -> memref<7808xf32, #tpu.memory_space<hbm>>
      %dma_wait3A_273 = arith.constant 0 : i32
      %dma_wait3A_274 = tpu.memref_slice %arg10[%dma_wait3A_264, %dma_wait3A_265, %dma_wait3A_273] : memref<2x8x7808xf32, #tpu.memory_space<vmem>> -> memref<1x1x7808xf32, #tpu.memory_space<vmem>>
      %dma_wait3A_275 = tpu.memref_squeeze %dma_wait3A_274 : memref<1x1x7808xf32, #tpu.memory_space<vmem>> -> memref<7808xf32, #tpu.memory_space<vmem>>
      tpu.wait_dma2 semaphore(%arg12 : memref<!tpu.dma_semaphore, #tpu.memory_space<semaphore_mem>>) src(%dma_wait3A_275 : memref<7808xf32, #tpu.memory_space<vmem>>) dst(%dma_wait3A_272 : memref<7808xf32, #tpu.memory_space<hbm>>)
      %eq3A_276 = arith.constant 1 : i32
      %eq3A_277 = arith.cmpi eq, %select_n3A_48, %eq3A_276 : i32
      %convert_element_type3A_278 = arith.extui %eq3A_277 : i1 to i32
      %cond3A_279 = arith.constant 0 : i32
      %cond3A_280 = arith.cmpi ne, %convert_element_type3A_278, %cond3A_279 : i32
      scf.if %cond3A_280 {
        %mul3A_281 = arith.constant 0 : i32
        %mul3A_282 = arith.muli %add3A, %mul3A_281 : i32
        %add3A_283 = arith.constant 999424 : i32
        %add3A_284 = arith.addi %mul3A_282, %add3A_283 : i32
        %multiple_of3A = tpu.assume_multiple %add3A_284, 128 : i32
        %run_scoped3A = arith.constant 0 : i32
        "tpu.region"() ({
          %run_scoped3A_349 = tpu.sem_alloc : memref<!tpu.dma_semaphore, #tpu.memory_space<semaphore_mem>>
          %dma_start3A_350 = arith.constant 0 : i32
          %dma_start3A_351 = arith.constant 0 : i32
          %dma_start3A_352 = tpu.memref_slice %arg10[%run_scoped3A, %dma_start3A_350, %dma_start3A_351] : memref<2x8x7808xf32, #tpu.memory_space<vmem>> -> memref<1x8x640xf32, #tpu.memory_space<vmem>>
          %dma_start3A_353 = tpu.memref_squeeze %dma_start3A_352 : memref<1x8x640xf32, #tpu.memory_space<vmem>> -> memref<8x640xf32, #tpu.memory_space<vmem>>
          %dma_start3A_354 = tpu.memref_slice %arg2[%mul3A_32, %multiple_of3A] : memref<32x1000000xf32, #tpu.memory_space<hbm>> -> memref<8x640xf32, #tpu.memory_space<hbm>>
          %dma_start3A_355 = arith.constant 0 : i32
          %dma_start3A_356 = arith.constant 0 : i32
          %dma_start3A_357 = tpu.memref_slice %arg10[%run_scoped3A, %dma_start3A_355, %dma_start3A_356] : memref<2x8x7808xf32, #tpu.memory_space<vmem>> -> memref<1x8x640xf32, #tpu.memory_space<vmem>>
          %dma_start3A_358 = tpu.memref_squeeze %dma_start3A_357 : memref<1x8x640xf32, #tpu.memory_space<vmem>> -> memref<8x640xf32, #tpu.memory_space<vmem>>
          %dma_start3A_359 = tpu.memref_slice %arg2[%mul3A_32, %multiple_of3A] : memref<32x1000000xf32, #tpu.memory_space<hbm>> -> memref<8x640xf32, #tpu.memory_space<hbm>>
          tpu.enqueue_dma source(%dma_start3A_359 : memref<8x640xf32, #tpu.memory_space<hbm>>) target(%dma_start3A_358 : memref<8x640xf32, #tpu.memory_space<vmem>>) target_semaphore(%run_scoped3A_349 : memref<!tpu.dma_semaphore, #tpu.memory_space<semaphore_mem>>)
          %dma_wait3A_360 = arith.constant 0 : i32
          %dma_wait3A_361 = arith.constant 0 : i32
          %dma_wait3A_362 = tpu.memref_slice %arg10[%run_scoped3A, %dma_wait3A_360, %dma_wait3A_361] : memref<2x8x7808xf32, #tpu.memory_space<vmem>> -> memref<1x8x640xf32, #tpu.memory_space<vmem>>
          %dma_wait3A_363 = tpu.memref_squeeze %dma_wait3A_362 : memref<1x8x640xf32, #tpu.memory_space<vmem>> -> memref<8x640xf32, #tpu.memory_space<vmem>>
          %dma_wait3A_364 = tpu.memref_slice %arg2[%mul3A_32, %multiple_of3A] : memref<32x1000000xf32, #tpu.memory_space<hbm>> -> memref<8x640xf32, #tpu.memory_space<hbm>>
          %dma_wait3A_365 = arith.constant 0 : i32
          %dma_wait3A_366 = arith.constant 0 : i32
          %dma_wait3A_367 = tpu.memref_slice %arg10[%run_scoped3A, %dma_wait3A_365, %dma_wait3A_366] : memref<2x8x7808xf32, #tpu.memory_space<vmem>> -> memref<1x8x640xf32, #tpu.memory_space<vmem>>
          %dma_wait3A_368 = tpu.memref_squeeze %dma_wait3A_367 : memref<1x8x640xf32, #tpu.memory_space<vmem>> -> memref<8x640xf32, #tpu.memory_space<vmem>>
          %dma_wait3A_369 = tpu.memref_slice %arg2[%mul3A_32, %multiple_of3A] : memref<32x1000000xf32, #tpu.memory_space<hbm>> -> memref<8x640xf32, #tpu.memory_space<hbm>>
          tpu.wait_dma2 semaphore(%run_scoped3A_349 : memref<!tpu.dma_semaphore, #tpu.memory_space<semaphore_mem>>) src(%dma_wait3A_369 : memref<8x640xf32, #tpu.memory_space<hbm>>) dst(%dma_wait3A_368 : memref<8x640xf32, #tpu.memory_space<vmem>>)
          tpu.yield
        }) : () -> ()
        %add3A_285 = arith.constant 0 : i32
        %add3A_286 = arith.addi %mul3A_32, %add3A_285 : i32
        %mul3A_287 = arith.constant 1000064 : i32
        %mul3A_288 = arith.muli %add3A_286, %mul3A_287 : i32
        %add3A_289 = arith.constant 999424 : i32
        %add3A_290 = arith.addi %mul3A_288, %add3A_289 : i32
        %run_scoped3A_291 = arith.constant 0 : i32
        %run_scoped3A_292 = arith.constant 0 : i32
        "tpu.region"() ({
          %run_scoped3A_349 = tpu.sem_alloc : memref<!tpu.dma_semaphore, #tpu.memory_space<semaphore_mem>>
          %dma_start3A_350 = arith.constant 0 : i32
          %dma_start3A_351 = tpu.memref_slice %arg10[%run_scoped3A_291, %run_scoped3A_292, %dma_start3A_350] : memref<2x8x7808xf32, #tpu.memory_space<vmem>> -> memref<1x1x640xf32, #tpu.memory_space<vmem>>
          %dma_start3A_352 = tpu.memref_squeeze %dma_start3A_351 : memref<1x1x640xf32, #tpu.memory_space<vmem>> -> memref<640xf32, #tpu.memory_space<vmem>>
          %dma_start3A_353 = tpu.memref_slice %arg6[%add3A_290] : memref<32002048xf32, #tpu.memory_space<hbm>> -> memref<640xf32, #tpu.memory_space<hbm>>
          %dma_start3A_354 = tpu.memref_slice %arg6[%add3A_290] : memref<32002048xf32, #tpu.memory_space<hbm>> -> memref<640xf32, #tpu.memory_space<hbm>>
          %dma_start3A_355 = arith.constant 0 : i32
          %dma_start3A_356 = tpu.memref_slice %arg10[%run_scoped3A_291, %run_scoped3A_292, %dma_start3A_355] : memref<2x8x7808xf32, #tpu.memory_space<vmem>> -> memref<1x1x640xf32, #tpu.memory_space<vmem>>
          %dma_start3A_357 = tpu.memref_squeeze %dma_start3A_356 : memref<1x1x640xf32, #tpu.memory_space<vmem>> -> memref<640xf32, #tpu.memory_space<vmem>>
          tpu.enqueue_dma source(%dma_start3A_357 : memref<640xf32, #tpu.memory_space<vmem>>) target(%dma_start3A_354 : memref<640xf32, #tpu.memory_space<hbm>>) target_semaphore(%run_scoped3A_349 : memref<!tpu.dma_semaphore, #tpu.memory_space<semaphore_mem>>)
          %dma_wait3A_358 = arith.constant 0 : i32
          %dma_wait3A_359 = tpu.memref_slice %arg10[%run_scoped3A_291, %run_scoped3A_292, %dma_wait3A_358] : memref<2x8x7808xf32, #tpu.memory_space<vmem>> -> memref<1x1x640xf32, #tpu.memory_space<vmem>>
          %dma_wait3A_360 = tpu.memref_squeeze %dma_wait3A_359 : memref<1x1x640xf32, #tpu.memory_space<vmem>> -> memref<640xf32, #tpu.memory_space<vmem>>
          %dma_wait3A_361 = tpu.memref_slice %arg6[%add3A_290] : memref<32002048xf32, #tpu.memory_space<hbm>> -> memref<640xf32, #tpu.memory_space<hbm>>
          %dma_wait3A_362 = tpu.memref_slice %arg6[%add3A_290] : memref<32002048xf32, #tpu.memory_space<hbm>> -> memref<640xf32, #tpu.memory_space<hbm>>
          %dma_wait3A_363 = arith.constant 0 : i32
          %dma_wait3A_364 = tpu.memref_slice %arg10[%run_scoped3A_291, %run_scoped3A_292, %dma_wait3A_363] : memref<2x8x7808xf32, #tpu.memory_space<vmem>> -> memref<1x1x640xf32, #tpu.memory_space<vmem>>
          %dma_wait3A_365 = tpu.memref_squeeze %dma_wait3A_364 : memref<1x1x640xf32, #tpu.memory_space<vmem>> -> memref<640xf32, #tpu.memory_space<vmem>>
          tpu.wait_dma2 semaphore(%run_scoped3A_349 : memref<!tpu.dma_semaphore, #tpu.memory_space<semaphore_mem>>) src(%dma_wait3A_365 : memref<640xf32, #tpu.memory_space<vmem>>) dst(%dma_wait3A_362 : memref<640xf32, #tpu.memory_space<hbm>>)
          tpu.yield
        }) : () -> ()
        %add3A_293 = arith.constant 1 : i32
        %add3A_294 = arith.addi %mul3A_32, %add3A_293 : i32
        %mul3A_295 = arith.constant 1000064 : i32
        %mul3A_296 = arith.muli %add3A_294, %mul3A_295 : i32
        %add3A_297 = arith.constant 999424 : i32
        %add3A_298 = arith.addi %mul3A_296, %add3A_297 : i32
        %run_scoped3A_299 = arith.constant 0 : i32
        %run_scoped3A_300 = arith.constant 1 : i32
        "tpu.region"() ({
          %run_scoped3A_349 = tpu.sem_alloc : memref<!tpu.dma_semaphore, #tpu.memory_space<semaphore_mem>>
          %dma_start3A_350 = arith.constant 0 : i32
          %dma_start3A_351 = tpu.memref_slice %arg10[%run_scoped3A_299, %run_scoped3A_300, %dma_start3A_350] : memref<2x8x7808xf32, #tpu.memory_space<vmem>> -> memref<1x1x640xf32, #tpu.memory_space<vmem>>
          %dma_start3A_352 = tpu.memref_squeeze %dma_start3A_351 : memref<1x1x640xf32, #tpu.memory_space<vmem>> -> memref<640xf32, #tpu.memory_space<vmem>>
          %dma_start3A_353 = tpu.memref_slice %arg6[%add3A_298] : memref<32002048xf32, #tpu.memory_space<hbm>> -> memref<640xf32, #tpu.memory_space<hbm>>
          %dma_start3A_354 = tpu.memref_slice %arg6[%add3A_298] : memref<32002048xf32, #tpu.memory_space<hbm>> -> memref<640xf32, #tpu.memory_space<hbm>>
          %dma_start3A_355 = arith.constant 0 : i32
          %dma_start3A_356 = tpu.memref_slice %arg10[%run_scoped3A_299, %run_scoped3A_300, %dma_start3A_355] : memref<2x8x7808xf32, #tpu.memory_space<vmem>> -> memref<1x1x640xf32, #tpu.memory_space<vmem>>
          %dma_start3A_357 = tpu.memref_squeeze %dma_start3A_356 : memref<1x1x640xf32, #tpu.memory_space<vmem>> -> memref<640xf32, #tpu.memory_space<vmem>>
          tpu.enqueue_dma source(%dma_start3A_357 : memref<640xf32, #tpu.memory_space<vmem>>) target(%dma_start3A_354 : memref<640xf32, #tpu.memory_space<hbm>>) target_semaphore(%run_scoped3A_349 : memref<!tpu.dma_semaphore, #tpu.memory_space<semaphore_mem>>)
          %dma_wait3A_358 = arith.constant 0 : i32
          %dma_wait3A_359 = tpu.memref_slice %arg10[%run_scoped3A_299, %run_scoped3A_300, %dma_wait3A_358] : memref<2x8x7808xf32, #tpu.memory_space<vmem>> -> memref<1x1x640xf32, #tpu.memory_space<vmem>>
          %dma_wait3A_360 = tpu.memref_squeeze %dma_wait3A_359 : memref<1x1x640xf32, #tpu.memory_space<vmem>> -> memref<640xf32, #tpu.memory_space<vmem>>
          %dma_wait3A_361 = tpu.memref_slice %arg6[%add3A_298] : memref<32002048xf32, #tpu.memory_space<hbm>> -> memref<640xf32, #tpu.memory_space<hbm>>
          %dma_wait3A_362 = tpu.memref_slice %arg6[%add3A_298] : memref<32002048xf32, #tpu.memory_space<hbm>> -> memref<640xf32, #tpu.memory_space<hbm>>
          %dma_wait3A_363 = arith.constant 0 : i32
          %dma_wait3A_364 = tpu.memref_slice %arg10[%run_scoped3A_299, %run_scoped3A_300, %dma_wait3A_363] : memref<2x8x7808xf32, #tpu.memory_space<vmem>> -> memref<1x1x640xf32, #tpu.memory_space<vmem>>
          %dma_wait3A_365 = tpu.memref_squeeze %dma_wait3A_364 : memref<1x1x640xf32, #tpu.memory_space<vmem>> -> memref<640xf32, #tpu.memory_space<vmem>>
          tpu.wait_dma2 semaphore(%run_scoped3A_349 : memref<!tpu.dma_semaphore, #tpu.memory_space<semaphore_mem>>) src(%dma_wait3A_365 : memref<640xf32, #tpu.memory_space<vmem>>) dst(%dma_wait3A_362 : memref<640xf32, #tpu.memory_space<hbm>>)
          tpu.yield
        }) : () -> ()
        %add3A_301 = arith.constant 2 : i32
        %add3A_302 = arith.addi %mul3A_32, %add3A_301 : i32
        %mul3A_303 = arith.constant 1000064 : i32
        %mul3A_304 = arith.muli %add3A_302, %mul3A_303 : i32
        %add3A_305 = arith.constant 999424 : i32
        %add3A_306 = arith.addi %mul3A_304, %add3A_305 : i32
        %run_scoped3A_307 = arith.constant 0 : i32
        %run_scoped3A_308 = arith.constant 2 : i32
        "tpu.region"() ({
          %run_scoped3A_349 = tpu.sem_alloc : memref<!tpu.dma_semaphore, #tpu.memory_space<semaphore_mem>>
          %dma_start3A_350 = arith.constant 0 : i32
          %dma_start3A_351 = tpu.memref_slice %arg10[%run_scoped3A_307, %run_scoped3A_308, %dma_start3A_350] : memref<2x8x7808xf32, #tpu.memory_space<vmem>> -> memref<1x1x640xf32, #tpu.memory_space<vmem>>
          %dma_start3A_352 = tpu.memref_squeeze %dma_start3A_351 : memref<1x1x640xf32, #tpu.memory_space<vmem>> -> memref<640xf32, #tpu.memory_space<vmem>>
          %dma_start3A_353 = tpu.memref_slice %arg6[%add3A_306] : memref<32002048xf32, #tpu.memory_space<hbm>> -> memref<640xf32, #tpu.memory_space<hbm>>
          %dma_start3A_354 = tpu.memref_slice %arg6[%add3A_306] : memref<32002048xf32, #tpu.memory_space<hbm>> -> memref<640xf32, #tpu.memory_space<hbm>>
          %dma_start3A_355 = arith.constant 0 : i32
          %dma_start3A_356 = tpu.memref_slice %arg10[%run_scoped3A_307, %run_scoped3A_308, %dma_start3A_355] : memref<2x8x7808xf32, #tpu.memory_space<vmem>> -> memref<1x1x640xf32, #tpu.memory_space<vmem>>
          %dma_start3A_357 = tpu.memref_squeeze %dma_start3A_356 : memref<1x1x640xf32, #tpu.memory_space<vmem>> -> memref<640xf32, #tpu.memory_space<vmem>>
          tpu.enqueue_dma source(%dma_start3A_357 : memref<640xf32, #tpu.memory_space<vmem>>) target(%dma_start3A_354 : memref<640xf32, #tpu.memory_space<hbm>>) target_semaphore(%run_scoped3A_349 : memref<!tpu.dma_semaphore, #tpu.memory_space<semaphore_mem>>)
          %dma_wait3A_358 = arith.constant 0 : i32
          %dma_wait3A_359 = tpu.memref_slice %arg10[%run_scoped3A_307, %run_scoped3A_308, %dma_wait3A_358] : memref<2x8x7808xf32, #tpu.memory_space<vmem>> -> memref<1x1x640xf32, #tpu.memory_space<vmem>>
          %dma_wait3A_360 = tpu.memref_squeeze %dma_wait3A_359 : memref<1x1x640xf32, #tpu.memory_space<vmem>> -> memref<640xf32, #tpu.memory_space<vmem>>
          %dma_wait3A_361 = tpu.memref_slice %arg6[%add3A_306] : memref<32002048xf32, #tpu.memory_space<hbm>> -> memref<640xf32, #tpu.memory_space<hbm>>
          %dma_wait3A_362 = tpu.memref_slice %arg6[%add3A_306] : memref<32002048xf32, #tpu.memory_space<hbm>> -> memref<640xf32, #tpu.memory_space<hbm>>
          %dma_wait3A_363 = arith.constant 0 : i32
          %dma_wait3A_364 = tpu.memref_slice %arg10[%run_scoped3A_307, %run_scoped3A_308, %dma_wait3A_363] : memref<2x8x7808xf32, #tpu.memory_space<vmem>> -> memref<1x1x640xf32, #tpu.memory_space<vmem>>
          %dma_wait3A_365 = tpu.memref_squeeze %dma_wait3A_364 : memref<1x1x640xf32, #tpu.memory_space<vmem>> -> memref<640xf32, #tpu.memory_space<vmem>>
          tpu.wait_dma2 semaphore(%run_scoped3A_349 : memref<!tpu.dma_semaphore, #tpu.memory_space<semaphore_mem>>) src(%dma_wait3A_365 : memref<640xf32, #tpu.memory_space<vmem>>) dst(%dma_wait3A_362 : memref<640xf32, #tpu.memory_space<hbm>>)
          tpu.yield
        }) : () -> ()
        %add3A_309 = arith.constant 3 : i32
        %add3A_310 = arith.addi %mul3A_32, %add3A_309 : i32
        %mul3A_311 = arith.constant 1000064 : i32
        %mul3A_312 = arith.muli %add3A_310, %mul3A_311 : i32
        %add3A_313 = arith.constant 999424 : i32
        %add3A_314 = arith.addi %mul3A_312, %add3A_313 : i32
        %run_scoped3A_315 = arith.constant 0 : i32
        %run_scoped3A_316 = arith.constant 3 : i32
        "tpu.region"() ({
          %run_scoped3A_349 = tpu.sem_alloc : memref<!tpu.dma_semaphore, #tpu.memory_space<semaphore_mem>>
          %dma_start3A_350 = arith.constant 0 : i32
          %dma_start3A_351 = tpu.memref_slice %arg10[%run_scoped3A_315, %run_scoped3A_316, %dma_start3A_350] : memref<2x8x7808xf32, #tpu.memory_space<vmem>> -> memref<1x1x640xf32, #tpu.memory_space<vmem>>
          %dma_start3A_352 = tpu.memref_squeeze %dma_start3A_351 : memref<1x1x640xf32, #tpu.memory_space<vmem>> -> memref<640xf32, #tpu.memory_space<vmem>>
          %dma_start3A_353 = tpu.memref_slice %arg6[%add3A_314] : memref<32002048xf32, #tpu.memory_space<hbm>> -> memref<640xf32, #tpu.memory_space<hbm>>
          %dma_start3A_354 = tpu.memref_slice %arg6[%add3A_314] : memref<32002048xf32, #tpu.memory_space<hbm>> -> memref<640xf32, #tpu.memory_space<hbm>>
          %dma_start3A_355 = arith.constant 0 : i32
          %dma_start3A_356 = tpu.memref_slice %arg10[%run_scoped3A_315, %run_scoped3A_316, %dma_start3A_355] : memref<2x8x7808xf32, #tpu.memory_space<vmem>> -> memref<1x1x640xf32, #tpu.memory_space<vmem>>
          %dma_start3A_357 = tpu.memref_squeeze %dma_start3A_356 : memref<1x1x640xf32, #tpu.memory_space<vmem>> -> memref<640xf32, #tpu.memory_space<vmem>>
          tpu.enqueue_dma source(%dma_start3A_357 : memref<640xf32, #tpu.memory_space<vmem>>) target(%dma_start3A_354 : memref<640xf32, #tpu.memory_space<hbm>>) target_semaphore(%run_scoped3A_349 : memref<!tpu.dma_semaphore, #tpu.memory_space<semaphore_mem>>)
          %dma_wait3A_358 = arith.constant 0 : i32
          %dma_wait3A_359 = tpu.memref_slice %arg10[%run_scoped3A_315, %run_scoped3A_316, %dma_wait3A_358] : memref<2x8x7808xf32, #tpu.memory_space<vmem>> -> memref<1x1x640xf32, #tpu.memory_space<vmem>>
          %dma_wait3A_360 = tpu.memref_squeeze %dma_wait3A_359 : memref<1x1x640xf32, #tpu.memory_space<vmem>> -> memref<640xf32, #tpu.memory_space<vmem>>
          %dma_wait3A_361 = tpu.memref_slice %arg6[%add3A_314] : memref<32002048xf32, #tpu.memory_space<hbm>> -> memref<640xf32, #tpu.memory_space<hbm>>
          %dma_wait3A_362 = tpu.memref_slice %arg6[%add3A_314] : memref<32002048xf32, #tpu.memory_space<hbm>> -> memref<640xf32, #tpu.memory_space<hbm>>
          %dma_wait3A_363 = arith.constant 0 : i32
          %dma_wait3A_364 = tpu.memref_slice %arg10[%run_scoped3A_315, %run_scoped3A_316, %dma_wait3A_363] : memref<2x8x7808xf32, #tpu.memory_space<vmem>> -> memref<1x1x640xf32, #tpu.memory_space<vmem>>
          %dma_wait3A_365 = tpu.memref_squeeze %dma_wait3A_364 : memref<1x1x640xf32, #tpu.memory_space<vmem>> -> memref<640xf32, #tpu.memory_space<vmem>>
          tpu.wait_dma2 semaphore(%run_scoped3A_349 : memref<!tpu.dma_semaphore, #tpu.memory_space<semaphore_mem>>) src(%dma_wait3A_365 : memref<640xf32, #tpu.memory_space<vmem>>) dst(%dma_wait3A_362 : memref<640xf32, #tpu.memory_space<hbm>>)
          tpu.yield
        }) : () -> ()
        %add3A_317 = arith.constant 4 : i32
        %add3A_318 = arith.addi %mul3A_32, %add3A_317 : i32
        %mul3A_319 = arith.constant 1000064 : i32
        %mul3A_320 = arith.muli %add3A_318, %mul3A_319 : i32
        %add3A_321 = arith.constant 999424 : i32
        %add3A_322 = arith.addi %mul3A_320, %add3A_321 : i32
        %run_scoped3A_323 = arith.constant 0 : i32
        %run_scoped3A_324 = arith.constant 4 : i32
        "tpu.region"() ({
          %run_scoped3A_349 = tpu.sem_alloc : memref<!tpu.dma_semaphore, #tpu.memory_space<semaphore_mem>>
          %dma_start3A_350 = arith.constant 0 : i32
          %dma_start3A_351 = tpu.memref_slice %arg10[%run_scoped3A_323, %run_scoped3A_324, %dma_start3A_350] : memref<2x8x7808xf32, #tpu.memory_space<vmem>> -> memref<1x1x640xf32, #tpu.memory_space<vmem>>
          %dma_start3A_352 = tpu.memref_squeeze %dma_start3A_351 : memref<1x1x640xf32, #tpu.memory_space<vmem>> -> memref<640xf32, #tpu.memory_space<vmem>>
          %dma_start3A_353 = tpu.memref_slice %arg6[%add3A_322] : memref<32002048xf32, #tpu.memory_space<hbm>> -> memref<640xf32, #tpu.memory_space<hbm>>
          %dma_start3A_354 = tpu.memref_slice %arg6[%add3A_322] : memref<32002048xf32, #tpu.memory_space<hbm>> -> memref<640xf32, #tpu.memory_space<hbm>>
          %dma_start3A_355 = arith.constant 0 : i32
          %dma_start3A_356 = tpu.memref_slice %arg10[%run_scoped3A_323, %run_scoped3A_324, %dma_start3A_355] : memref<2x8x7808xf32, #tpu.memory_space<vmem>> -> memref<1x1x640xf32, #tpu.memory_space<vmem>>
          %dma_start3A_357 = tpu.memref_squeeze %dma_start3A_356 : memref<1x1x640xf32, #tpu.memory_space<vmem>> -> memref<640xf32, #tpu.memory_space<vmem>>
          tpu.enqueue_dma source(%dma_start3A_357 : memref<640xf32, #tpu.memory_space<vmem>>) target(%dma_start3A_354 : memref<640xf32, #tpu.memory_space<hbm>>) target_semaphore(%run_scoped3A_349 : memref<!tpu.dma_semaphore, #tpu.memory_space<semaphore_mem>>)
          %dma_wait3A_358 = arith.constant 0 : i32
          %dma_wait3A_359 = tpu.memref_slice %arg10[%run_scoped3A_323, %run_scoped3A_324, %dma_wait3A_358] : memref<2x8x7808xf32, #tpu.memory_space<vmem>> -> memref<1x1x640xf32, #tpu.memory_space<vmem>>
          %dma_wait3A_360 = tpu.memref_squeeze %dma_wait3A_359 : memref<1x1x640xf32, #tpu.memory_space<vmem>> -> memref<640xf32, #tpu.memory_space<vmem>>
          %dma_wait3A_361 = tpu.memref_slice %arg6[%add3A_322] : memref<32002048xf32, #tpu.memory_space<hbm>> -> memref<640xf32, #tpu.memory_space<hbm>>
          %dma_wait3A_362 = tpu.memref_slice %arg6[%add3A_322] : memref<32002048xf32, #tpu.memory_space<hbm>> -> memref<640xf32, #tpu.memory_space<hbm>>
          %dma_wait3A_363 = arith.constant 0 : i32
          %dma_wait3A_364 = tpu.memref_slice %arg10[%run_scoped3A_323, %run_scoped3A_324, %dma_wait3A_363] : memref<2x8x7808xf32, #tpu.memory_space<vmem>> -> memref<1x1x640xf32, #tpu.memory_space<vmem>>
          %dma_wait3A_365 = tpu.memref_squeeze %dma_wait3A_364 : memref<1x1x640xf32, #tpu.memory_space<vmem>> -> memref<640xf32, #tpu.memory_space<vmem>>
          tpu.wait_dma2 semaphore(%run_scoped3A_349 : memref<!tpu.dma_semaphore, #tpu.memory_space<semaphore_mem>>) src(%dma_wait3A_365 : memref<640xf32, #tpu.memory_space<vmem>>) dst(%dma_wait3A_362 : memref<640xf32, #tpu.memory_space<hbm>>)
          tpu.yield
        }) : () -> ()
        %add3A_325 = arith.constant 5 : i32
        %add3A_326 = arith.addi %mul3A_32, %add3A_325 : i32
        %mul3A_327 = arith.constant 1000064 : i32
        %mul3A_328 = arith.muli %add3A_326, %mul3A_327 : i32
        %add3A_329 = arith.constant 999424 : i32
        %add3A_330 = arith.addi %mul3A_328, %add3A_329 : i32
        %run_scoped3A_331 = arith.constant 0 : i32
        %run_scoped3A_332 = arith.constant 5 : i32
        "tpu.region"() ({
          %run_scoped3A_349 = tpu.sem_alloc : memref<!tpu.dma_semaphore, #tpu.memory_space<semaphore_mem>>
          %dma_start3A_350 = arith.constant 0 : i32
          %dma_start3A_351 = tpu.memref_slice %arg10[%run_scoped3A_331, %run_scoped3A_332, %dma_start3A_350] : memref<2x8x7808xf32, #tpu.memory_space<vmem>> -> memref<1x1x640xf32, #tpu.memory_space<vmem>>
          %dma_start3A_352 = tpu.memref_squeeze %dma_start3A_351 : memref<1x1x640xf32, #tpu.memory_space<vmem>> -> memref<640xf32, #tpu.memory_space<vmem>>
          %dma_start3A_353 = tpu.memref_slice %arg6[%add3A_330] : memref<32002048xf32, #tpu.memory_space<hbm>> -> memref<640xf32, #tpu.memory_space<hbm>>
          %dma_start3A_354 = tpu.memref_slice %arg6[%add3A_330] : memref<32002048xf32, #tpu.memory_space<hbm>> -> memref<640xf32, #tpu.memory_space<hbm>>
          %dma_start3A_355 = arith.constant 0 : i32
          %dma_start3A_356 = tpu.memref_slice %arg10[%run_scoped3A_331, %run_scoped3A_332, %dma_start3A_355] : memref<2x8x7808xf32, #tpu.memory_space<vmem>> -> memref<1x1x640xf32, #tpu.memory_space<vmem>>
          %dma_start3A_357 = tpu.memref_squeeze %dma_start3A_356 : memref<1x1x640xf32, #tpu.memory_space<vmem>> -> memref<640xf32, #tpu.memory_space<vmem>>
          tpu.enqueue_dma source(%dma_start3A_357 : memref<640xf32, #tpu.memory_space<vmem>>) target(%dma_start3A_354 : memref<640xf32, #tpu.memory_space<hbm>>) target_semaphore(%run_scoped3A_349 : memref<!tpu.dma_semaphore, #tpu.memory_space<semaphore_mem>>)
          %dma_wait3A_358 = arith.constant 0 : i32
          %dma_wait3A_359 = tpu.memref_slice %arg10[%run_scoped3A_331, %run_scoped3A_332, %dma_wait3A_358] : memref<2x8x7808xf32, #tpu.memory_space<vmem>> -> memref<1x1x640xf32, #tpu.memory_space<vmem>>
          %dma_wait3A_360 = tpu.memref_squeeze %dma_wait3A_359 : memref<1x1x640xf32, #tpu.memory_space<vmem>> -> memref<640xf32, #tpu.memory_space<vmem>>
          %dma_wait3A_361 = tpu.memref_slice %arg6[%add3A_330] : memref<32002048xf32, #tpu.memory_space<hbm>> -> memref<640xf32, #tpu.memory_space<hbm>>
          %dma_wait3A_362 = tpu.memref_slice %arg6[%add3A_330] : memref<32002048xf32, #tpu.memory_space<hbm>> -> memref<640xf32, #tpu.memory_space<hbm>>
          %dma_wait3A_363 = arith.constant 0 : i32
          %dma_wait3A_364 = tpu.memref_slice %arg10[%run_scoped3A_331, %run_scoped3A_332, %dma_wait3A_363] : memref<2x8x7808xf32, #tpu.memory_space<vmem>> -> memref<1x1x640xf32, #tpu.memory_space<vmem>>
          %dma_wait3A_365 = tpu.memref_squeeze %dma_wait3A_364 : memref<1x1x640xf32, #tpu.memory_space<vmem>> -> memref<640xf32, #tpu.memory_space<vmem>>
          tpu.wait_dma2 semaphore(%run_scoped3A_349 : memref<!tpu.dma_semaphore, #tpu.memory_space<semaphore_mem>>) src(%dma_wait3A_365 : memref<640xf32, #tpu.memory_space<vmem>>) dst(%dma_wait3A_362 : memref<640xf32, #tpu.memory_space<hbm>>)
          tpu.yield
        }) : () -> ()
        %add3A_333 = arith.constant 6 : i32
        %add3A_334 = arith.addi %mul3A_32, %add3A_333 : i32
        %mul3A_335 = arith.constant 1000064 : i32
        %mul3A_336 = arith.muli %add3A_334, %mul3A_335 : i32
        %add3A_337 = arith.constant 999424 : i32
        %add3A_338 = arith.addi %mul3A_336, %add3A_337 : i32
        %run_scoped3A_339 = arith.constant 0 : i32
        %run_scoped3A_340 = arith.constant 6 : i32
        "tpu.region"() ({
          %run_scoped3A_349 = tpu.sem_alloc : memref<!tpu.dma_semaphore, #tpu.memory_space<semaphore_mem>>
          %dma_start3A_350 = arith.constant 0 : i32
          %dma_start3A_351 = tpu.memref_slice %arg10[%run_scoped3A_339, %run_scoped3A_340, %dma_start3A_350] : memref<2x8x7808xf32, #tpu.memory_space<vmem>> -> memref<1x1x640xf32, #tpu.memory_space<vmem>>
          %dma_start3A_352 = tpu.memref_squeeze %dma_start3A_351 : memref<1x1x640xf32, #tpu.memory_space<vmem>> -> memref<640xf32, #tpu.memory_space<vmem>>
          %dma_start3A_353 = tpu.memref_slice %arg6[%add3A_338] : memref<32002048xf32, #tpu.memory_space<hbm>> -> memref<640xf32, #tpu.memory_space<hbm>>
          %dma_start3A_354 = tpu.memref_slice %arg6[%add3A_338] : memref<32002048xf32, #tpu.memory_space<hbm>> -> memref<640xf32, #tpu.memory_space<hbm>>
          %dma_start3A_355 = arith.constant 0 : i32
          %dma_start3A_356 = tpu.memref_slice %arg10[%run_scoped3A_339, %run_scoped3A_340, %dma_start3A_355] : memref<2x8x7808xf32, #tpu.memory_space<vmem>> -> memref<1x1x640xf32, #tpu.memory_space<vmem>>
          %dma_start3A_357 = tpu.memref_squeeze %dma_start3A_356 : memref<1x1x640xf32, #tpu.memory_space<vmem>> -> memref<640xf32, #tpu.memory_space<vmem>>
          tpu.enqueue_dma source(%dma_start3A_357 : memref<640xf32, #tpu.memory_space<vmem>>) target(%dma_start3A_354 : memref<640xf32, #tpu.memory_space<hbm>>) target_semaphore(%run_scoped3A_349 : memref<!tpu.dma_semaphore, #tpu.memory_space<semaphore_mem>>)
          %dma_wait3A_358 = arith.constant 0 : i32
          %dma_wait3A_359 = tpu.memref_slice %arg10[%run_scoped3A_339, %run_scoped3A_340, %dma_wait3A_358] : memref<2x8x7808xf32, #tpu.memory_space<vmem>> -> memref<1x1x640xf32, #tpu.memory_space<vmem>>
          %dma_wait3A_360 = tpu.memref_squeeze %dma_wait3A_359 : memref<1x1x640xf32, #tpu.memory_space<vmem>> -> memref<640xf32, #tpu.memory_space<vmem>>
          %dma_wait3A_361 = tpu.memref_slice %arg6[%add3A_338] : memref<32002048xf32, #tpu.memory_space<hbm>> -> memref<640xf32, #tpu.memory_space<hbm>>
          %dma_wait3A_362 = tpu.memref_slice %arg6[%add3A_338] : memref<32002048xf32, #tpu.memory_space<hbm>> -> memref<640xf32, #tpu.memory_space<hbm>>
          %dma_wait3A_363 = arith.constant 0 : i32
          %dma_wait3A_364 = tpu.memref_slice %arg10[%run_scoped3A_339, %run_scoped3A_340, %dma_wait3A_363] : memref<2x8x7808xf32, #tpu.memory_space<vmem>> -> memref<1x1x640xf32, #tpu.memory_space<vmem>>
          %dma_wait3A_365 = tpu.memref_squeeze %dma_wait3A_364 : memref<1x1x640xf32, #tpu.memory_space<vmem>> -> memref<640xf32, #tpu.memory_space<vmem>>
          tpu.wait_dma2 semaphore(%run_scoped3A_349 : memref<!tpu.dma_semaphore, #tpu.memory_space<semaphore_mem>>) src(%dma_wait3A_365 : memref<640xf32, #tpu.memory_space<vmem>>) dst(%dma_wait3A_362 : memref<640xf32, #tpu.memory_space<hbm>>)
          tpu.yield
        }) : () -> ()
        %add3A_341 = arith.constant 7 : i32
        %add3A_342 = arith.addi %mul3A_32, %add3A_341 : i32
        %mul3A_343 = arith.constant 1000064 : i32
        %mul3A_344 = arith.muli %add3A_342, %mul3A_343 : i32
        %add3A_345 = arith.constant 999424 : i32
        %add3A_346 = arith.addi %mul3A_344, %add3A_345 : i32
        %run_scoped3A_347 = arith.constant 0 : i32
        %run_scoped3A_348 = arith.constant 7 : i32
        "tpu.region"() ({
          %run_scoped3A_349 = tpu.sem_alloc : memref<!tpu.dma_semaphore, #tpu.memory_space<semaphore_mem>>
          %dma_start3A_350 = arith.constant 0 : i32
          %dma_start3A_351 = tpu.memref_slice %arg10[%run_scoped3A_347, %run_scoped3A_348, %dma_start3A_350] : memref<2x8x7808xf32, #tpu.memory_space<vmem>> -> memref<1x1x640xf32, #tpu.memory_space<vmem>>
          %dma_start3A_352 = tpu.memref_squeeze %dma_start3A_351 : memref<1x1x640xf32, #tpu.memory_space<vmem>> -> memref<640xf32, #tpu.memory_space<vmem>>
          %dma_start3A_353 = tpu.memref_slice %arg6[%add3A_346] : memref<32002048xf32, #tpu.memory_space<hbm>> -> memref<640xf32, #tpu.memory_space<hbm>>
          %dma_start3A_354 = tpu.memref_slice %arg6[%add3A_346] : memref<32002048xf32, #tpu.memory_space<hbm>> -> memref<640xf32, #tpu.memory_space<hbm>>
          %dma_start3A_355 = arith.constant 0 : i32
          %dma_start3A_356 = tpu.memref_slice %arg10[%run_scoped3A_347, %run_scoped3A_348, %dma_start3A_355] : memref<2x8x7808xf32, #tpu.memory_space<vmem>> -> memref<1x1x640xf32, #tpu.memory_space<vmem>>
          %dma_start3A_357 = tpu.memref_squeeze %dma_start3A_356 : memref<1x1x640xf32, #tpu.memory_space<vmem>> -> memref<640xf32, #tpu.memory_space<vmem>>
          tpu.enqueue_dma source(%dma_start3A_357 : memref<640xf32, #tpu.memory_space<vmem>>) target(%dma_start3A_354 : memref<640xf32, #tpu.memory_space<hbm>>) target_semaphore(%run_scoped3A_349 : memref<!tpu.dma_semaphore, #tpu.memory_space<semaphore_mem>>)
          %dma_wait3A_358 = arith.constant 0 : i32
          %dma_wait3A_359 = tpu.memref_slice %arg10[%run_scoped3A_347, %run_scoped3A_348, %dma_wait3A_358] : memref<2x8x7808xf32, #tpu.memory_space<vmem>> -> memref<1x1x640xf32, #tpu.memory_space<vmem>>
          %dma_wait3A_360 = tpu.memref_squeeze %dma_wait3A_359 : memref<1x1x640xf32, #tpu.memory_space<vmem>> -> memref<640xf32, #tpu.memory_space<vmem>>
          %dma_wait3A_361 = tpu.memref_slice %arg6[%add3A_346] : memref<32002048xf32, #tpu.memory_space<hbm>> -> memref<640xf32, #tpu.memory_space<hbm>>
          %dma_wait3A_362 = tpu.memref_slice %arg6[%add3A_346] : memref<32002048xf32, #tpu.memory_space<hbm>> -> memref<640xf32, #tpu.memory_space<hbm>>
          %dma_wait3A_363 = arith.constant 0 : i32
          %dma_wait3A_364 = tpu.memref_slice %arg10[%run_scoped3A_347, %run_scoped3A_348, %dma_wait3A_363] : memref<2x8x7808xf32, #tpu.memory_space<vmem>> -> memref<1x1x640xf32, #tpu.memory_space<vmem>>
          %dma_wait3A_365 = tpu.memref_squeeze %dma_wait3A_364 : memref<1x1x640xf32, #tpu.memory_space<vmem>> -> memref<640xf32, #tpu.memory_space<vmem>>
          tpu.wait_dma2 semaphore(%run_scoped3A_349 : memref<!tpu.dma_semaphore, #tpu.memory_space<semaphore_mem>>) src(%dma_wait3A_365 : memref<640xf32, #tpu.memory_space<vmem>>) dst(%dma_wait3A_362 : memref<640xf32, #tpu.memory_space<hbm>>)
          tpu.yield
        }) : () -> ()
      } else {
      }
    } else {
    }
    %jit3A_78 = arith.constant 8 : i32
    %div3A_79 = arith.divsi %add3A, %jit3A_78 : i32
    %sign3A_80 = arith.constant 0 : i32
    %sign3A_81 = arith.cmpi sgt, %add3A, %sign3A_80 : i32
    %sign3A_82 = arith.extui %sign3A_81 : i1 to i32
    %sign3A_83 = arith.constant 0 : i32
    %sign3A_84 = arith.cmpi slt, %add3A, %sign3A_83 : i32
    %sign3A_85 = arith.extui %sign3A_84 : i1 to i32
    %sign3A_86 = arith.subi %sign3A_82, %sign3A_85 : i32
    %sign3A_87 = arith.constant 0 : i32
    %sign3A_88 = arith.cmpi sgt, %jit3A_78, %sign3A_87 : i32
    %sign3A_89 = arith.extui %sign3A_88 : i1 to i32
    %sign3A_90 = arith.constant 0 : i32
    %sign3A_91 = arith.cmpi slt, %jit3A_78, %sign3A_90 : i32
    %sign3A_92 = arith.extui %sign3A_91 : i1 to i32
    %sign3A_93 = arith.subi %sign3A_89, %sign3A_92 : i32
    %ne3A_94 = arith.cmpi ne, %sign3A_86, %sign3A_93 : i32
    %rem3A_95 = arith.remsi %add3A, %jit3A_78 : i32
    %ne3A_96 = arith.constant 0 : i32
    %ne3A_97 = arith.cmpi ne, %rem3A_95, %ne3A_96 : i32
    %and3A_98 = arith.andi %ne3A_94, %ne3A_97 : i1
    %sub3A_99 = arith.constant 1 : i32
    %sub3A_100 = arith.subi %div3A_79, %sub3A_99 : i32
    %select_n3A_101 = arith.select %and3A_98, %sub3A_100, %div3A_79 : i32
    %eq3A_102 = arith.constant 1 : i32
    %eq3A_103 = arith.cmpi eq, %select_n3A_101, %eq3A_102 : i32
    %convert_element_type3A_104 = arith.extui %eq3A_103 : i1 to i32
    %cond3A_105 = arith.constant 0 : i32
    %cond3A_106 = arith.cmpi ne, %convert_element_type3A_104, %cond3A_105 : i32
    scf.if %cond3A_106 {
      %mul3A_165 = arith.constant 7808 : i32
      %mul3A_166 = arith.muli %mul3A_50, %mul3A_165 : i32
      %dma_start3A = arith.constant 0 : i32
      %dma_start3A_167 = arith.constant 0 : i32
      %dma_start3A_168 = arith.constant 0 : i32
      %dma_start3A_169 = tpu.memref_slice %arg10[%dma_start3A, %dma_start3A_167, %dma_start3A_168] : memref<2x8x7808xf32, #tpu.memory_space<vmem>> -> memref<1x8x7808xf32, #tpu.memory_space<vmem>>
      %dma_start3A_170 = tpu.memref_squeeze %dma_start3A_169 : memref<1x8x7808xf32, #tpu.memory_space<vmem>> -> memref<8x7808xf32, #tpu.memory_space<vmem>>
      %dma_start3A_171 = tpu.memref_slice %arg3[%mul3A_32, %mul3A_166] : memref<32x1000000xf32, #tpu.memory_space<hbm>> -> memref<8x7808xf32, #tpu.memory_space<hbm>>
      %dma_start3A_172 = arith.constant 0 : i32
      %dma_start3A_173 = arith.constant 0 : i32
      %dma_start3A_174 = tpu.memref_slice %arg10[%dma_start3A, %dma_start3A_172, %dma_start3A_173] : memref<2x8x7808xf32, #tpu.memory_space<vmem>> -> memref<1x8x7808xf32, #tpu.memory_space<vmem>>
      %dma_start3A_175 = tpu.memref_squeeze %dma_start3A_174 : memref<1x8x7808xf32, #tpu.memory_space<vmem>> -> memref<8x7808xf32, #tpu.memory_space<vmem>>
      %dma_start3A_176 = tpu.memref_slice %arg3[%mul3A_32, %mul3A_166] : memref<32x1000000xf32, #tpu.memory_space<hbm>> -> memref<8x7808xf32, #tpu.memory_space<hbm>>
      tpu.enqueue_dma source(%dma_start3A_176 : memref<8x7808xf32, #tpu.memory_space<hbm>>) target(%dma_start3A_175 : memref<8x7808xf32, #tpu.memory_space<vmem>>) target_semaphore(%arg11 : memref<!tpu.dma_semaphore, #tpu.memory_space<semaphore_mem>>)
      %scan3A = arith.constant 0 : i32
      %scan3A_177 = arith.constant 64 : i32
      %scan3A_178 = arith.addi %scan3A, %scan3A_177 : i32
      %scan3A_179 = arith.constant 1 : i32
      scf.for %scan3A_281 = %scan3A to %scan3A_178 step %scan3A_179  : i32 {
        %mul3A_282 = arith.constant 1 : i32
        %mul3A_283 = arith.muli %scan3A_281, %mul3A_282 : i32
        %add3A_284 = arith.constant 0 : i32
        %add3A_285 = arith.addi %add3A_284, %mul3A_283 : i32
        %add3A_286 = arith.addi %mul3A_50, %add3A_285 : i32
        %jit3A_287 = arith.constant 2 : i32
        %eq3A_288 = arith.constant 0 : i32
        %eq3A_289 = arith.cmpi eq, %jit3A_287, %eq3A_288 : i32
        %jit3A_290 = arith.constant 1 : i32
        %select_n3A_291 = arith.select %eq3A_289, %jit3A_290, %jit3A_287 : i32
        %rem3A_292 = arith.remsi %add3A_285, %select_n3A_291 : i32
        %ne3A_293 = arith.constant 0 : i32
        %ne3A_294 = arith.cmpi ne, %rem3A_292, %ne3A_293 : i32
        %lt3A_295 = arith.constant 0 : i32
        %lt3A_296 = arith.cmpi slt, %rem3A_292, %lt3A_295 : i32
        %lt3A_297 = arith.constant 0 : i32
        %lt3A_298 = arith.cmpi slt, %select_n3A_291, %lt3A_297 : i32
        %ne3A_299 = arith.xori %lt3A_296, %lt3A_298 : i1
        %and3A_300 = arith.andi %ne3A_299, %ne3A_294 : i1
        %add3A_301 = arith.addi %rem3A_292, %select_n3A_291 : i32
        %select_n3A_302 = arith.select %and3A_300, %add3A_301, %rem3A_292 : i32
        %gt3A = arith.constant 0 : i32
        %gt3A_303 = arith.cmpi sgt, %add3A_285, %gt3A : i32
        %convert_element_type3A_304 = arith.extui %gt3A_303 : i1 to i32
        %cond3A_305 = arith.constant 0 : i32
        %cond3A_306 = arith.cmpi ne, %convert_element_type3A_304, %cond3A_305 : i32
        scf.if %cond3A_306 {
          %dma_wait3A_455 = arith.constant 0 : i32
          %dma_wait3A_456 = arith.constant 0 : i32
          %dma_wait3A_457 = arith.constant 0 : i32
          %dma_wait3A_458 = tpu.memref_slice %arg10[%dma_wait3A_455, %dma_wait3A_456, %dma_wait3A_457] : memref<2x8x7808xf32, #tpu.memory_space<vmem>> -> memref<1x1x7808xf32, #tpu.memory_space<vmem>>
          %dma_wait3A_459 = tpu.memref_squeeze %dma_wait3A_458 : memref<1x1x7808xf32, #tpu.memory_space<vmem>> -> memref<7808xf32, #tpu.memory_space<vmem>>
          %dma_wait3A_460 = arith.constant 0 : i32
          %dma_wait3A_461 = tpu.memref_slice %arg7[%dma_wait3A_460] : memref<32002048xf32, #tpu.memory_space<hbm>> -> memref<7808xf32, #tpu.memory_space<hbm>>
          %dma_wait3A_462 = arith.constant 0 : i32
          %dma_wait3A_463 = tpu.memref_slice %arg7[%dma_wait3A_462] : memref<32002048xf32, #tpu.memory_space<hbm>> -> memref<7808xf32, #tpu.memory_space<hbm>>
          %dma_wait3A_464 = arith.constant 0 : i32
          %dma_wait3A_465 = tpu.memref_slice %arg10[%dma_wait3A_455, %dma_wait3A_456, %dma_wait3A_464] : memref<2x8x7808xf32, #tpu.memory_space<vmem>> -> memref<1x1x7808xf32, #tpu.memory_space<vmem>>
          %dma_wait3A_466 = tpu.memref_squeeze %dma_wait3A_465 : memref<1x1x7808xf32, #tpu.memory_space<vmem>> -> memref<7808xf32, #tpu.memory_space<vmem>>
          tpu.wait_dma2 semaphore(%arg12 : memref<!tpu.dma_semaphore, #tpu.memory_space<semaphore_mem>>) src(%dma_wait3A_466 : memref<7808xf32, #tpu.memory_space<vmem>>) dst(%dma_wait3A_463 : memref<7808xf32, #tpu.memory_space<hbm>>)
          %dma_wait3A_467 = arith.constant 0 : i32
          %dma_wait3A_468 = arith.constant 1 : i32
          %dma_wait3A_469 = arith.constant 0 : i32
          %dma_wait3A_470 = tpu.memref_slice %arg10[%dma_wait3A_467, %dma_wait3A_468, %dma_wait3A_469] : memref<2x8x7808xf32, #tpu.memory_space<vmem>> -> memref<1x1x7808xf32, #tpu.memory_space<vmem>>
          %dma_wait3A_471 = tpu.memref_squeeze %dma_wait3A_470 : memref<1x1x7808xf32, #tpu.memory_space<vmem>> -> memref<7808xf32, #tpu.memory_space<vmem>>
          %dma_wait3A_472 = arith.constant 0 : i32
          %dma_wait3A_473 = tpu.memref_slice %arg7[%dma_wait3A_472] : memref<32002048xf32, #tpu.memory_space<hbm>> -> memref<7808xf32, #tpu.memory_space<hbm>>
          %dma_wait3A_474 = arith.constant 0 : i32
          %dma_wait3A_475 = tpu.memref_slice %arg7[%dma_wait3A_474] : memref<32002048xf32, #tpu.memory_space<hbm>> -> memref<7808xf32, #tpu.memory_space<hbm>>
          %dma_wait3A_476 = arith.constant 0 : i32
          %dma_wait3A_477 = tpu.memref_slice %arg10[%dma_wait3A_467, %dma_wait3A_468, %dma_wait3A_476] : memref<2x8x7808xf32, #tpu.memory_space<vmem>> -> memref<1x1x7808xf32, #tpu.memory_space<vmem>>
          %dma_wait3A_478 = tpu.memref_squeeze %dma_wait3A_477 : memref<1x1x7808xf32, #tpu.memory_space<vmem>> -> memref<7808xf32, #tpu.memory_space<vmem>>
          tpu.wait_dma2 semaphore(%arg12 : memref<!tpu.dma_semaphore, #tpu.memory_space<semaphore_mem>>) src(%dma_wait3A_478 : memref<7808xf32, #tpu.memory_space<vmem>>) dst(%dma_wait3A_475 : memref<7808xf32, #tpu.memory_space<hbm>>)
          %dma_wait3A_479 = arith.constant 0 : i32
          %dma_wait3A_480 = arith.constant 2 : i32
          %dma_wait3A_481 = arith.constant 0 : i32
          %dma_wait3A_482 = tpu.memref_slice %arg10[%dma_wait3A_479, %dma_wait3A_480, %dma_wait3A_481] : memref<2x8x7808xf32, #tpu.memory_space<vmem>> -> memref<1x1x7808xf32, #tpu.memory_space<vmem>>
          %dma_wait3A_483 = tpu.memref_squeeze %dma_wait3A_482 : memref<1x1x7808xf32, #tpu.memory_space<vmem>> -> memref<7808xf32, #tpu.memory_space<vmem>>
          %dma_wait3A_484 = arith.constant 0 : i32
          %dma_wait3A_485 = tpu.memref_slice %arg7[%dma_wait3A_484] : memref<32002048xf32, #tpu.memory_space<hbm>> -> memref<7808xf32, #tpu.memory_space<hbm>>
          %dma_wait3A_486 = arith.constant 0 : i32
          %dma_wait3A_487 = tpu.memref_slice %arg7[%dma_wait3A_486] : memref<32002048xf32, #tpu.memory_space<hbm>> -> memref<7808xf32, #tpu.memory_space<hbm>>
          %dma_wait3A_488 = arith.constant 0 : i32
          %dma_wait3A_489 = tpu.memref_slice %arg10[%dma_wait3A_479, %dma_wait3A_480, %dma_wait3A_488] : memref<2x8x7808xf32, #tpu.memory_space<vmem>> -> memref<1x1x7808xf32, #tpu.memory_space<vmem>>
          %dma_wait3A_490 = tpu.memref_squeeze %dma_wait3A_489 : memref<1x1x7808xf32, #tpu.memory_space<vmem>> -> memref<7808xf32, #tpu.memory_space<vmem>>
          tpu.wait_dma2 semaphore(%arg12 : memref<!tpu.dma_semaphore, #tpu.memory_space<semaphore_mem>>) src(%dma_wait3A_490 : memref<7808xf32, #tpu.memory_space<vmem>>) dst(%dma_wait3A_487 : memref<7808xf32, #tpu.memory_space<hbm>>)
          %dma_wait3A_491 = arith.constant 0 : i32
          %dma_wait3A_492 = arith.constant 3 : i32
          %dma_wait3A_493 = arith.constant 0 : i32
          %dma_wait3A_494 = tpu.memref_slice %arg10[%dma_wait3A_491, %dma_wait3A_492, %dma_wait3A_493] : memref<2x8x7808xf32, #tpu.memory_space<vmem>> -> memref<1x1x7808xf32, #tpu.memory_space<vmem>>
          %dma_wait3A_495 = tpu.memref_squeeze %dma_wait3A_494 : memref<1x1x7808xf32, #tpu.memory_space<vmem>> -> memref<7808xf32, #tpu.memory_space<vmem>>
          %dma_wait3A_496 = arith.constant 0 : i32
          %dma_wait3A_497 = tpu.memref_slice %arg7[%dma_wait3A_496] : memref<32002048xf32, #tpu.memory_space<hbm>> -> memref<7808xf32, #tpu.memory_space<hbm>>
          %dma_wait3A_498 = arith.constant 0 : i32
          %dma_wait3A_499 = tpu.memref_slice %arg7[%dma_wait3A_498] : memref<32002048xf32, #tpu.memory_space<hbm>> -> memref<7808xf32, #tpu.memory_space<hbm>>
          %dma_wait3A_500 = arith.constant 0 : i32
          %dma_wait3A_501 = tpu.memref_slice %arg10[%dma_wait3A_491, %dma_wait3A_492, %dma_wait3A_500] : memref<2x8x7808xf32, #tpu.memory_space<vmem>> -> memref<1x1x7808xf32, #tpu.memory_space<vmem>>
          %dma_wait3A_502 = tpu.memref_squeeze %dma_wait3A_501 : memref<1x1x7808xf32, #tpu.memory_space<vmem>> -> memref<7808xf32, #tpu.memory_space<vmem>>
          tpu.wait_dma2 semaphore(%arg12 : memref<!tpu.dma_semaphore, #tpu.memory_space<semaphore_mem>>) src(%dma_wait3A_502 : memref<7808xf32, #tpu.memory_space<vmem>>) dst(%dma_wait3A_499 : memref<7808xf32, #tpu.memory_space<hbm>>)
          %dma_wait3A_503 = arith.constant 0 : i32
          %dma_wait3A_504 = arith.constant 4 : i32
          %dma_wait3A_505 = arith.constant 0 : i32
          %dma_wait3A_506 = tpu.memref_slice %arg10[%dma_wait3A_503, %dma_wait3A_504, %dma_wait3A_505] : memref<2x8x7808xf32, #tpu.memory_space<vmem>> -> memref<1x1x7808xf32, #tpu.memory_space<vmem>>
          %dma_wait3A_507 = tpu.memref_squeeze %dma_wait3A_506 : memref<1x1x7808xf32, #tpu.memory_space<vmem>> -> memref<7808xf32, #tpu.memory_space<vmem>>
          %dma_wait3A_508 = arith.constant 0 : i32
          %dma_wait3A_509 = tpu.memref_slice %arg7[%dma_wait3A_508] : memref<32002048xf32, #tpu.memory_space<hbm>> -> memref<7808xf32, #tpu.memory_space<hbm>>
          %dma_wait3A_510 = arith.constant 0 : i32
          %dma_wait3A_511 = tpu.memref_slice %arg7[%dma_wait3A_510] : memref<32002048xf32, #tpu.memory_space<hbm>> -> memref<7808xf32, #tpu.memory_space<hbm>>
          %dma_wait3A_512 = arith.constant 0 : i32
          %dma_wait3A_513 = tpu.memref_slice %arg10[%dma_wait3A_503, %dma_wait3A_504, %dma_wait3A_512] : memref<2x8x7808xf32, #tpu.memory_space<vmem>> -> memref<1x1x7808xf32, #tpu.memory_space<vmem>>
          %dma_wait3A_514 = tpu.memref_squeeze %dma_wait3A_513 : memref<1x1x7808xf32, #tpu.memory_space<vmem>> -> memref<7808xf32, #tpu.memory_space<vmem>>
          tpu.wait_dma2 semaphore(%arg12 : memref<!tpu.dma_semaphore, #tpu.memory_space<semaphore_mem>>) src(%dma_wait3A_514 : memref<7808xf32, #tpu.memory_space<vmem>>) dst(%dma_wait3A_511 : memref<7808xf32, #tpu.memory_space<hbm>>)
          %dma_wait3A_515 = arith.constant 0 : i32
          %dma_wait3A_516 = arith.constant 5 : i32
          %dma_wait3A_517 = arith.constant 0 : i32
          %dma_wait3A_518 = tpu.memref_slice %arg10[%dma_wait3A_515, %dma_wait3A_516, %dma_wait3A_517] : memref<2x8x7808xf32, #tpu.memory_space<vmem>> -> memref<1x1x7808xf32, #tpu.memory_space<vmem>>
          %dma_wait3A_519 = tpu.memref_squeeze %dma_wait3A_518 : memref<1x1x7808xf32, #tpu.memory_space<vmem>> -> memref<7808xf32, #tpu.memory_space<vmem>>
          %dma_wait3A_520 = arith.constant 0 : i32
          %dma_wait3A_521 = tpu.memref_slice %arg7[%dma_wait3A_520] : memref<32002048xf32, #tpu.memory_space<hbm>> -> memref<7808xf32, #tpu.memory_space<hbm>>
          %dma_wait3A_522 = arith.constant 0 : i32
          %dma_wait3A_523 = tpu.memref_slice %arg7[%dma_wait3A_522] : memref<32002048xf32, #tpu.memory_space<hbm>> -> memref<7808xf32, #tpu.memory_space<hbm>>
          %dma_wait3A_524 = arith.constant 0 : i32
          %dma_wait3A_525 = tpu.memref_slice %arg10[%dma_wait3A_515, %dma_wait3A_516, %dma_wait3A_524] : memref<2x8x7808xf32, #tpu.memory_space<vmem>> -> memref<1x1x7808xf32, #tpu.memory_space<vmem>>
          %dma_wait3A_526 = tpu.memref_squeeze %dma_wait3A_525 : memref<1x1x7808xf32, #tpu.memory_space<vmem>> -> memref<7808xf32, #tpu.memory_space<vmem>>
          tpu.wait_dma2 semaphore(%arg12 : memref<!tpu.dma_semaphore, #tpu.memory_space<semaphore_mem>>) src(%dma_wait3A_526 : memref<7808xf32, #tpu.memory_space<vmem>>) dst(%dma_wait3A_523 : memref<7808xf32, #tpu.memory_space<hbm>>)
          %dma_wait3A_527 = arith.constant 0 : i32
          %dma_wait3A_528 = arith.constant 6 : i32
          %dma_wait3A_529 = arith.constant 0 : i32
          %dma_wait3A_530 = tpu.memref_slice %arg10[%dma_wait3A_527, %dma_wait3A_528, %dma_wait3A_529] : memref<2x8x7808xf32, #tpu.memory_space<vmem>> -> memref<1x1x7808xf32, #tpu.memory_space<vmem>>
          %dma_wait3A_531 = tpu.memref_squeeze %dma_wait3A_530 : memref<1x1x7808xf32, #tpu.memory_space<vmem>> -> memref<7808xf32, #tpu.memory_space<vmem>>
          %dma_wait3A_532 = arith.constant 0 : i32
          %dma_wait3A_533 = tpu.memref_slice %arg7[%dma_wait3A_532] : memref<32002048xf32, #tpu.memory_space<hbm>> -> memref<7808xf32, #tpu.memory_space<hbm>>
          %dma_wait3A_534 = arith.constant 0 : i32
          %dma_wait3A_535 = tpu.memref_slice %arg7[%dma_wait3A_534] : memref<32002048xf32, #tpu.memory_space<hbm>> -> memref<7808xf32, #tpu.memory_space<hbm>>
          %dma_wait3A_536 = arith.constant 0 : i32
          %dma_wait3A_537 = tpu.memref_slice %arg10[%dma_wait3A_527, %dma_wait3A_528, %dma_wait3A_536] : memref<2x8x7808xf32, #tpu.memory_space<vmem>> -> memref<1x1x7808xf32, #tpu.memory_space<vmem>>
          %dma_wait3A_538 = tpu.memref_squeeze %dma_wait3A_537 : memref<1x1x7808xf32, #tpu.memory_space<vmem>> -> memref<7808xf32, #tpu.memory_space<vmem>>
          tpu.wait_dma2 semaphore(%arg12 : memref<!tpu.dma_semaphore, #tpu.memory_space<semaphore_mem>>) src(%dma_wait3A_538 : memref<7808xf32, #tpu.memory_space<vmem>>) dst(%dma_wait3A_535 : memref<7808xf32, #tpu.memory_space<hbm>>)
          %dma_wait3A_539 = arith.constant 0 : i32
          %dma_wait3A_540 = arith.constant 7 : i32
          %dma_wait3A_541 = arith.constant 0 : i32
          %dma_wait3A_542 = tpu.memref_slice %arg10[%dma_wait3A_539, %dma_wait3A_540, %dma_wait3A_541] : memref<2x8x7808xf32, #tpu.memory_space<vmem>> -> memref<1x1x7808xf32, #tpu.memory_space<vmem>>
          %dma_wait3A_543 = tpu.memref_squeeze %dma_wait3A_542 : memref<1x1x7808xf32, #tpu.memory_space<vmem>> -> memref<7808xf32, #tpu.memory_space<vmem>>
          %dma_wait3A_544 = arith.constant 0 : i32
          %dma_wait3A_545 = tpu.memref_slice %arg7[%dma_wait3A_544] : memref<32002048xf32, #tpu.memory_space<hbm>> -> memref<7808xf32, #tpu.memory_space<hbm>>
          %dma_wait3A_546 = arith.constant 0 : i32
          %dma_wait3A_547 = tpu.memref_slice %arg7[%dma_wait3A_546] : memref<32002048xf32, #tpu.memory_space<hbm>> -> memref<7808xf32, #tpu.memory_space<hbm>>
          %dma_wait3A_548 = arith.constant 0 : i32
          %dma_wait3A_549 = tpu.memref_slice %arg10[%dma_wait3A_539, %dma_wait3A_540, %dma_wait3A_548] : memref<2x8x7808xf32, #tpu.memory_space<vmem>> -> memref<1x1x7808xf32, #tpu.memory_space<vmem>>
          %dma_wait3A_550 = tpu.memref_squeeze %dma_wait3A_549 : memref<1x1x7808xf32, #tpu.memory_space<vmem>> -> memref<7808xf32, #tpu.memory_space<vmem>>
          tpu.wait_dma2 semaphore(%arg12 : memref<!tpu.dma_semaphore, #tpu.memory_space<semaphore_mem>>) src(%dma_wait3A_550 : memref<7808xf32, #tpu.memory_space<vmem>>) dst(%dma_wait3A_547 : memref<7808xf32, #tpu.memory_space<hbm>>)
        } else {
        }
        %lt3A_307 = arith.constant 63 : i32
        %lt3A_308 = arith.cmpi slt, %add3A_285, %lt3A_307 : i32
        %convert_element_type3A_309 = arith.extui %lt3A_308 : i1 to i32
        %cond3A_310 = arith.constant 0 : i32
        %cond3A_311 = arith.cmpi ne, %convert_element_type3A_309, %cond3A_310 : i32
        scf.if %cond3A_311 {
          %add3A_455 = arith.constant 1 : i32
          %add3A_456 = arith.addi %add3A_286, %add3A_455 : i32
          %add3A_457 = arith.constant 1 : i32
          %add3A_458 = arith.addi %add3A_285, %add3A_457 : i32
          %jit3A_459 = arith.constant 2 : i32
          %eq3A_460 = arith.constant 0 : i32
          %eq3A_461 = arith.cmpi eq, %jit3A_459, %eq3A_460 : i32
          %jit3A_462 = arith.constant 1 : i32
          %select_n3A_463 = arith.select %eq3A_461, %jit3A_462, %jit3A_459 : i32
          %rem3A_464 = arith.remsi %add3A_458, %select_n3A_463 : i32
          %ne3A_465 = arith.constant 0 : i32
          %ne3A_466 = arith.cmpi ne, %rem3A_464, %ne3A_465 : i32
          %lt3A_467 = arith.constant 0 : i32
          %lt3A_468 = arith.cmpi slt, %rem3A_464, %lt3A_467 : i32
          %lt3A_469 = arith.constant 0 : i32
          %lt3A_470 = arith.cmpi slt, %select_n3A_463, %lt3A_469 : i32
          %ne3A_471 = arith.xori %lt3A_468, %lt3A_470 : i1
          %and3A_472 = arith.andi %ne3A_471, %ne3A_466 : i1
          %add3A_473 = arith.addi %rem3A_464, %select_n3A_463 : i32
          %select_n3A_474 = arith.select %and3A_472, %add3A_473, %rem3A_464 : i32
          %mul3A_475 = arith.constant 7808 : i32
          %mul3A_476 = arith.muli %add3A_456, %mul3A_475 : i32
          %dma_start3A_477 = arith.constant 0 : i32
          %dma_start3A_478 = arith.constant 0 : i32
          %dma_start3A_479 = tpu.memref_slice %arg10[%select_n3A_474, %dma_start3A_477, %dma_start3A_478] : memref<2x8x7808xf32, #tpu.memory_space<vmem>> -> memref<1x8x7808xf32, #tpu.memory_space<vmem>>
          %dma_start3A_480 = tpu.memref_squeeze %dma_start3A_479 : memref<1x8x7808xf32, #tpu.memory_space<vmem>> -> memref<8x7808xf32, #tpu.memory_space<vmem>>
          %dma_start3A_481 = tpu.memref_slice %arg3[%mul3A_32, %mul3A_476] : memref<32x1000000xf32, #tpu.memory_space<hbm>> -> memref<8x7808xf32, #tpu.memory_space<hbm>>
          %dma_start3A_482 = arith.constant 0 : i32
          %dma_start3A_483 = arith.constant 0 : i32
          %dma_start3A_484 = tpu.memref_slice %arg10[%select_n3A_474, %dma_start3A_482, %dma_start3A_483] : memref<2x8x7808xf32, #tpu.memory_space<vmem>> -> memref<1x8x7808xf32, #tpu.memory_space<vmem>>
          %dma_start3A_485 = tpu.memref_squeeze %dma_start3A_484 : memref<1x8x7808xf32, #tpu.memory_space<vmem>> -> memref<8x7808xf32, #tpu.memory_space<vmem>>
          %dma_start3A_486 = tpu.memref_slice %arg3[%mul3A_32, %mul3A_476] : memref<32x1000000xf32, #tpu.memory_space<hbm>> -> memref<8x7808xf32, #tpu.memory_space<hbm>>
          tpu.enqueue_dma source(%dma_start3A_486 : memref<8x7808xf32, #tpu.memory_space<hbm>>) target(%dma_start3A_485 : memref<8x7808xf32, #tpu.memory_space<vmem>>) target_semaphore(%arg11 : memref<!tpu.dma_semaphore, #tpu.memory_space<semaphore_mem>>)
        } else {
        }
        %dma_wait3A_312 = arith.constant 0 : i32
        %dma_wait3A_313 = arith.constant 0 : i32
        %dma_wait3A_314 = arith.constant 0 : i32
        %dma_wait3A_315 = tpu.memref_slice %arg10[%dma_wait3A_312, %dma_wait3A_313, %dma_wait3A_314] : memref<2x8x7808xf32, #tpu.memory_space<vmem>> -> memref<1x8x7808xf32, #tpu.memory_space<vmem>>
        %dma_wait3A_316 = tpu.memref_squeeze %dma_wait3A_315 : memref<1x8x7808xf32, #tpu.memory_space<vmem>> -> memref<8x7808xf32, #tpu.memory_space<vmem>>
        %dma_wait3A_317 = arith.constant 0 : i32
        %dma_wait3A_318 = arith.constant 0 : i32
        %dma_wait3A_319 = tpu.memref_slice %arg3[%dma_wait3A_317, %dma_wait3A_318] : memref<32x1000000xf32, #tpu.memory_space<hbm>> -> memref<8x7808xf32, #tpu.memory_space<hbm>>
        %dma_wait3A_320 = arith.constant 0 : i32
        %dma_wait3A_321 = arith.constant 0 : i32
        %dma_wait3A_322 = tpu.memref_slice %arg10[%dma_wait3A_312, %dma_wait3A_320, %dma_wait3A_321] : memref<2x8x7808xf32, #tpu.memory_space<vmem>> -> memref<1x8x7808xf32, #tpu.memory_space<vmem>>
        %dma_wait3A_323 = tpu.memref_squeeze %dma_wait3A_322 : memref<1x8x7808xf32, #tpu.memory_space<vmem>> -> memref<8x7808xf32, #tpu.memory_space<vmem>>
        %dma_wait3A_324 = arith.constant 0 : i32
        %dma_wait3A_325 = arith.constant 0 : i32
        %dma_wait3A_326 = tpu.memref_slice %arg3[%dma_wait3A_324, %dma_wait3A_325] : memref<32x1000000xf32, #tpu.memory_space<hbm>> -> memref<8x7808xf32, #tpu.memory_space<hbm>>
        tpu.wait_dma2 semaphore(%arg11 : memref<!tpu.dma_semaphore, #tpu.memory_space<semaphore_mem>>) src(%dma_wait3A_326 : memref<8x7808xf32, #tpu.memory_space<hbm>>) dst(%dma_wait3A_323 : memref<8x7808xf32, #tpu.memory_space<vmem>>)
        %add3A_327 = arith.constant 0 : i32
        %add3A_328 = arith.addi %mul3A_32, %add3A_327 : i32
        %mul3A_329 = arith.constant 1000064 : i32
        %mul3A_330 = arith.muli %add3A_328, %mul3A_329 : i32
        %mul3A_331 = arith.constant 7808 : i32
        %mul3A_332 = arith.muli %add3A_286, %mul3A_331 : i32
        %add3A_333 = arith.addi %mul3A_330, %mul3A_332 : i32
        %dma_start3A_334 = arith.constant 0 : i32
        %dma_start3A_335 = arith.constant 0 : i32
        %dma_start3A_336 = tpu.memref_slice %arg10[%select_n3A_302, %dma_start3A_334, %dma_start3A_335] : memref<2x8x7808xf32, #tpu.memory_space<vmem>> -> memref<1x1x7808xf32, #tpu.memory_space<vmem>>
        %dma_start3A_337 = tpu.memref_squeeze %dma_start3A_336 : memref<1x1x7808xf32, #tpu.memory_space<vmem>> -> memref<7808xf32, #tpu.memory_space<vmem>>
        %dma_start3A_338 = tpu.memref_slice %arg7[%add3A_333] : memref<32002048xf32, #tpu.memory_space<hbm>> -> memref<7808xf32, #tpu.memory_space<hbm>>
        %dma_start3A_339 = tpu.memref_slice %arg7[%add3A_333] : memref<32002048xf32, #tpu.memory_space<hbm>> -> memref<7808xf32, #tpu.memory_space<hbm>>
        %dma_start3A_340 = arith.constant 0 : i32
        %dma_start3A_341 = tpu.memref_slice %arg10[%select_n3A_302, %dma_start3A_334, %dma_start3A_340] : memref<2x8x7808xf32, #tpu.memory_space<vmem>> -> memref<1x1x7808xf32, #tpu.memory_space<vmem>>
        %dma_start3A_342 = tpu.memref_squeeze %dma_start3A_341 : memref<1x1x7808xf32, #tpu.memory_space<vmem>> -> memref<7808xf32, #tpu.memory_space<vmem>>
        tpu.enqueue_dma source(%dma_start3A_342 : memref<7808xf32, #tpu.memory_space<vmem>>) target(%dma_start3A_339 : memref<7808xf32, #tpu.memory_space<hbm>>) target_semaphore(%arg12 : memref<!tpu.dma_semaphore, #tpu.memory_space<semaphore_mem>>)
        %add3A_343 = arith.constant 1 : i32
        %add3A_344 = arith.addi %mul3A_32, %add3A_343 : i32
        %mul3A_345 = arith.constant 1000064 : i32
        %mul3A_346 = arith.muli %add3A_344, %mul3A_345 : i32
        %mul3A_347 = arith.constant 7808 : i32
        %mul3A_348 = arith.muli %add3A_286, %mul3A_347 : i32
        %add3A_349 = arith.addi %mul3A_346, %mul3A_348 : i32
        %dma_start3A_350 = arith.constant 1 : i32
        %dma_start3A_351 = arith.constant 0 : i32
        %dma_start3A_352 = tpu.memref_slice %arg10[%select_n3A_302, %dma_start3A_350, %dma_start3A_351] : memref<2x8x7808xf32, #tpu.memory_space<vmem>> -> memref<1x1x7808xf32, #tpu.memory_space<vmem>>
        %dma_start3A_353 = tpu.memref_squeeze %dma_start3A_352 : memref<1x1x7808xf32, #tpu.memory_space<vmem>> -> memref<7808xf32, #tpu.memory_space<vmem>>
        %dma_start3A_354 = tpu.memref_slice %arg7[%add3A_349] : memref<32002048xf32, #tpu.memory_space<hbm>> -> memref<7808xf32, #tpu.memory_space<hbm>>
        %dma_start3A_355 = tpu.memref_slice %arg7[%add3A_349] : memref<32002048xf32, #tpu.memory_space<hbm>> -> memref<7808xf32, #tpu.memory_space<hbm>>
        %dma_start3A_356 = arith.constant 0 : i32
        %dma_start3A_357 = tpu.memref_slice %arg10[%select_n3A_302, %dma_start3A_350, %dma_start3A_356] : memref<2x8x7808xf32, #tpu.memory_space<vmem>> -> memref<1x1x7808xf32, #tpu.memory_space<vmem>>
        %dma_start3A_358 = tpu.memref_squeeze %dma_start3A_357 : memref<1x1x7808xf32, #tpu.memory_space<vmem>> -> memref<7808xf32, #tpu.memory_space<vmem>>
        tpu.enqueue_dma source(%dma_start3A_358 : memref<7808xf32, #tpu.memory_space<vmem>>) target(%dma_start3A_355 : memref<7808xf32, #tpu.memory_space<hbm>>) target_semaphore(%arg12 : memref<!tpu.dma_semaphore, #tpu.memory_space<semaphore_mem>>)
        %add3A_359 = arith.constant 2 : i32
        %add3A_360 = arith.addi %mul3A_32, %add3A_359 : i32
        %mul3A_361 = arith.constant 1000064 : i32
        %mul3A_362 = arith.muli %add3A_360, %mul3A_361 : i32
        %mul3A_363 = arith.constant 7808 : i32
        %mul3A_364 = arith.muli %add3A_286, %mul3A_363 : i32
        %add3A_365 = arith.addi %mul3A_362, %mul3A_364 : i32
        %dma_start3A_366 = arith.constant 2 : i32
        %dma_start3A_367 = arith.constant 0 : i32
        %dma_start3A_368 = tpu.memref_slice %arg10[%select_n3A_302, %dma_start3A_366, %dma_start3A_367] : memref<2x8x7808xf32, #tpu.memory_space<vmem>> -> memref<1x1x7808xf32, #tpu.memory_space<vmem>>
        %dma_start3A_369 = tpu.memref_squeeze %dma_start3A_368 : memref<1x1x7808xf32, #tpu.memory_space<vmem>> -> memref<7808xf32, #tpu.memory_space<vmem>>
        %dma_start3A_370 = tpu.memref_slice %arg7[%add3A_365] : memref<32002048xf32, #tpu.memory_space<hbm>> -> memref<7808xf32, #tpu.memory_space<hbm>>
        %dma_start3A_371 = tpu.memref_slice %arg7[%add3A_365] : memref<32002048xf32, #tpu.memory_space<hbm>> -> memref<7808xf32, #tpu.memory_space<hbm>>
        %dma_start3A_372 = arith.constant 0 : i32
        %dma_start3A_373 = tpu.memref_slice %arg10[%select_n3A_302, %dma_start3A_366, %dma_start3A_372] : memref<2x8x7808xf32, #tpu.memory_space<vmem>> -> memref<1x1x7808xf32, #tpu.memory_space<vmem>>
        %dma_start3A_374 = tpu.memref_squeeze %dma_start3A_373 : memref<1x1x7808xf32, #tpu.memory_space<vmem>> -> memref<7808xf32, #tpu.memory_space<vmem>>
        tpu.enqueue_dma source(%dma_start3A_374 : memref<7808xf32, #tpu.memory_space<vmem>>) target(%dma_start3A_371 : memref<7808xf32, #tpu.memory_space<hbm>>) target_semaphore(%arg12 : memref<!tpu.dma_semaphore, #tpu.memory_space<semaphore_mem>>)
        %add3A_375 = arith.constant 3 : i32
        %add3A_376 = arith.addi %mul3A_32, %add3A_375 : i32
        %mul3A_377 = arith.constant 1000064 : i32
        %mul3A_378 = arith.muli %add3A_376, %mul3A_377 : i32
        %mul3A_379 = arith.constant 7808 : i32
        %mul3A_380 = arith.muli %add3A_286, %mul3A_379 : i32
        %add3A_381 = arith.addi %mul3A_378, %mul3A_380 : i32
        %dma_start3A_382 = arith.constant 3 : i32
        %dma_start3A_383 = arith.constant 0 : i32
        %dma_start3A_384 = tpu.memref_slice %arg10[%select_n3A_302, %dma_start3A_382, %dma_start3A_383] : memref<2x8x7808xf32, #tpu.memory_space<vmem>> -> memref<1x1x7808xf32, #tpu.memory_space<vmem>>
        %dma_start3A_385 = tpu.memref_squeeze %dma_start3A_384 : memref<1x1x7808xf32, #tpu.memory_space<vmem>> -> memref<7808xf32, #tpu.memory_space<vmem>>
        %dma_start3A_386 = tpu.memref_slice %arg7[%add3A_381] : memref<32002048xf32, #tpu.memory_space<hbm>> -> memref<7808xf32, #tpu.memory_space<hbm>>
        %dma_start3A_387 = tpu.memref_slice %arg7[%add3A_381] : memref<32002048xf32, #tpu.memory_space<hbm>> -> memref<7808xf32, #tpu.memory_space<hbm>>
        %dma_start3A_388 = arith.constant 0 : i32
        %dma_start3A_389 = tpu.memref_slice %arg10[%select_n3A_302, %dma_start3A_382, %dma_start3A_388] : memref<2x8x7808xf32, #tpu.memory_space<vmem>> -> memref<1x1x7808xf32, #tpu.memory_space<vmem>>
        %dma_start3A_390 = tpu.memref_squeeze %dma_start3A_389 : memref<1x1x7808xf32, #tpu.memory_space<vmem>> -> memref<7808xf32, #tpu.memory_space<vmem>>
        tpu.enqueue_dma source(%dma_start3A_390 : memref<7808xf32, #tpu.memory_space<vmem>>) target(%dma_start3A_387 : memref<7808xf32, #tpu.memory_space<hbm>>) target_semaphore(%arg12 : memref<!tpu.dma_semaphore, #tpu.memory_space<semaphore_mem>>)
        %add3A_391 = arith.constant 4 : i32
        %add3A_392 = arith.addi %mul3A_32, %add3A_391 : i32
        %mul3A_393 = arith.constant 1000064 : i32
        %mul3A_394 = arith.muli %add3A_392, %mul3A_393 : i32
        %mul3A_395 = arith.constant 7808 : i32
        %mul3A_396 = arith.muli %add3A_286, %mul3A_395 : i32
        %add3A_397 = arith.addi %mul3A_394, %mul3A_396 : i32
        %dma_start3A_398 = arith.constant 4 : i32
        %dma_start3A_399 = arith.constant 0 : i32
        %dma_start3A_400 = tpu.memref_slice %arg10[%select_n3A_302, %dma_start3A_398, %dma_start3A_399] : memref<2x8x7808xf32, #tpu.memory_space<vmem>> -> memref<1x1x7808xf32, #tpu.memory_space<vmem>>
        %dma_start3A_401 = tpu.memref_squeeze %dma_start3A_400 : memref<1x1x7808xf32, #tpu.memory_space<vmem>> -> memref<7808xf32, #tpu.memory_space<vmem>>
        %dma_start3A_402 = tpu.memref_slice %arg7[%add3A_397] : memref<32002048xf32, #tpu.memory_space<hbm>> -> memref<7808xf32, #tpu.memory_space<hbm>>
        %dma_start3A_403 = tpu.memref_slice %arg7[%add3A_397] : memref<32002048xf32, #tpu.memory_space<hbm>> -> memref<7808xf32, #tpu.memory_space<hbm>>
        %dma_start3A_404 = arith.constant 0 : i32
        %dma_start3A_405 = tpu.memref_slice %arg10[%select_n3A_302, %dma_start3A_398, %dma_start3A_404] : memref<2x8x7808xf32, #tpu.memory_space<vmem>> -> memref<1x1x7808xf32, #tpu.memory_space<vmem>>
        %dma_start3A_406 = tpu.memref_squeeze %dma_start3A_405 : memref<1x1x7808xf32, #tpu.memory_space<vmem>> -> memref<7808xf32, #tpu.memory_space<vmem>>
        tpu.enqueue_dma source(%dma_start3A_406 : memref<7808xf32, #tpu.memory_space<vmem>>) target(%dma_start3A_403 : memref<7808xf32, #tpu.memory_space<hbm>>) target_semaphore(%arg12 : memref<!tpu.dma_semaphore, #tpu.memory_space<semaphore_mem>>)
        %add3A_407 = arith.constant 5 : i32
        %add3A_408 = arith.addi %mul3A_32, %add3A_407 : i32
        %mul3A_409 = arith.constant 1000064 : i32
        %mul3A_410 = arith.muli %add3A_408, %mul3A_409 : i32
        %mul3A_411 = arith.constant 7808 : i32
        %mul3A_412 = arith.muli %add3A_286, %mul3A_411 : i32
        %add3A_413 = arith.addi %mul3A_410, %mul3A_412 : i32
        %dma_start3A_414 = arith.constant 5 : i32
        %dma_start3A_415 = arith.constant 0 : i32
        %dma_start3A_416 = tpu.memref_slice %arg10[%select_n3A_302, %dma_start3A_414, %dma_start3A_415] : memref<2x8x7808xf32, #tpu.memory_space<vmem>> -> memref<1x1x7808xf32, #tpu.memory_space<vmem>>
        %dma_start3A_417 = tpu.memref_squeeze %dma_start3A_416 : memref<1x1x7808xf32, #tpu.memory_space<vmem>> -> memref<7808xf32, #tpu.memory_space<vmem>>
        %dma_start3A_418 = tpu.memref_slice %arg7[%add3A_413] : memref<32002048xf32, #tpu.memory_space<hbm>> -> memref<7808xf32, #tpu.memory_space<hbm>>
        %dma_start3A_419 = tpu.memref_slice %arg7[%add3A_413] : memref<32002048xf32, #tpu.memory_space<hbm>> -> memref<7808xf32, #tpu.memory_space<hbm>>
        %dma_start3A_420 = arith.constant 0 : i32
        %dma_start3A_421 = tpu.memref_slice %arg10[%select_n3A_302, %dma_start3A_414, %dma_start3A_420] : memref<2x8x7808xf32, #tpu.memory_space<vmem>> -> memref<1x1x7808xf32, #tpu.memory_space<vmem>>
        %dma_start3A_422 = tpu.memref_squeeze %dma_start3A_421 : memref<1x1x7808xf32, #tpu.memory_space<vmem>> -> memref<7808xf32, #tpu.memory_space<vmem>>
        tpu.enqueue_dma source(%dma_start3A_422 : memref<7808xf32, #tpu.memory_space<vmem>>) target(%dma_start3A_419 : memref<7808xf32, #tpu.memory_space<hbm>>) target_semaphore(%arg12 : memref<!tpu.dma_semaphore, #tpu.memory_space<semaphore_mem>>)
        %add3A_423 = arith.constant 6 : i32
        %add3A_424 = arith.addi %mul3A_32, %add3A_423 : i32
        %mul3A_425 = arith.constant 1000064 : i32
        %mul3A_426 = arith.muli %add3A_424, %mul3A_425 : i32
        %mul3A_427 = arith.constant 7808 : i32
        %mul3A_428 = arith.muli %add3A_286, %mul3A_427 : i32
        %add3A_429 = arith.addi %mul3A_426, %mul3A_428 : i32
        %dma_start3A_430 = arith.constant 6 : i32
        %dma_start3A_431 = arith.constant 0 : i32
        %dma_start3A_432 = tpu.memref_slice %arg10[%select_n3A_302, %dma_start3A_430, %dma_start3A_431] : memref<2x8x7808xf32, #tpu.memory_space<vmem>> -> memref<1x1x7808xf32, #tpu.memory_space<vmem>>
        %dma_start3A_433 = tpu.memref_squeeze %dma_start3A_432 : memref<1x1x7808xf32, #tpu.memory_space<vmem>> -> memref<7808xf32, #tpu.memory_space<vmem>>
        %dma_start3A_434 = tpu.memref_slice %arg7[%add3A_429] : memref<32002048xf32, #tpu.memory_space<hbm>> -> memref<7808xf32, #tpu.memory_space<hbm>>
        %dma_start3A_435 = tpu.memref_slice %arg7[%add3A_429] : memref<32002048xf32, #tpu.memory_space<hbm>> -> memref<7808xf32, #tpu.memory_space<hbm>>
        %dma_start3A_436 = arith.constant 0 : i32
        %dma_start3A_437 = tpu.memref_slice %arg10[%select_n3A_302, %dma_start3A_430, %dma_start3A_436] : memref<2x8x7808xf32, #tpu.memory_space<vmem>> -> memref<1x1x7808xf32, #tpu.memory_space<vmem>>
        %dma_start3A_438 = tpu.memref_squeeze %dma_start3A_437 : memref<1x1x7808xf32, #tpu.memory_space<vmem>> -> memref<7808xf32, #tpu.memory_space<vmem>>
        tpu.enqueue_dma source(%dma_start3A_438 : memref<7808xf32, #tpu.memory_space<vmem>>) target(%dma_start3A_435 : memref<7808xf32, #tpu.memory_space<hbm>>) target_semaphore(%arg12 : memref<!tpu.dma_semaphore, #tpu.memory_space<semaphore_mem>>)
        %add3A_439 = arith.constant 7 : i32
        %add3A_440 = arith.addi %mul3A_32, %add3A_439 : i32
        %mul3A_441 = arith.constant 1000064 : i32
        %mul3A_442 = arith.muli %add3A_440, %mul3A_441 : i32
        %mul3A_443 = arith.constant 7808 : i32
        %mul3A_444 = arith.muli %add3A_286, %mul3A_443 : i32
        %add3A_445 = arith.addi %mul3A_442, %mul3A_444 : i32
        %dma_start3A_446 = arith.constant 7 : i32
        %dma_start3A_447 = arith.constant 0 : i32
        %dma_start3A_448 = tpu.memref_slice %arg10[%select_n3A_302, %dma_start3A_446, %dma_start3A_447] : memref<2x8x7808xf32, #tpu.memory_space<vmem>> -> memref<1x1x7808xf32, #tpu.memory_space<vmem>>
        %dma_start3A_449 = tpu.memref_squeeze %dma_start3A_448 : memref<1x1x7808xf32, #tpu.memory_space<vmem>> -> memref<7808xf32, #tpu.memory_space<vmem>>
        %dma_start3A_450 = tpu.memref_slice %arg7[%add3A_445] : memref<32002048xf32, #tpu.memory_space<hbm>> -> memref<7808xf32, #tpu.memory_space<hbm>>
        %dma_start3A_451 = tpu.memref_slice %arg7[%add3A_445] : memref<32002048xf32, #tpu.memory_space<hbm>> -> memref<7808xf32, #tpu.memory_space<hbm>>
        %dma_start3A_452 = arith.constant 0 : i32
        %dma_start3A_453 = tpu.memref_slice %arg10[%select_n3A_302, %dma_start3A_446, %dma_start3A_452] : memref<2x8x7808xf32, #tpu.memory_space<vmem>> -> memref<1x1x7808xf32, #tpu.memory_space<vmem>>
        %dma_start3A_454 = tpu.memref_squeeze %dma_start3A_453 : memref<1x1x7808xf32, #tpu.memory_space<vmem>> -> memref<7808xf32, #tpu.memory_space<vmem>>
        tpu.enqueue_dma source(%dma_start3A_454 : memref<7808xf32, #tpu.memory_space<vmem>>) target(%dma_start3A_451 : memref<7808xf32, #tpu.memory_space<hbm>>) target_semaphore(%arg12 : memref<!tpu.dma_semaphore, #tpu.memory_space<semaphore_mem>>)
      }
      %scan3A_180 = arith.constant 64 : i32
      %dma_wait3A = arith.constant 0 : i32
      %dma_wait3A_181 = arith.constant 0 : i32
      %dma_wait3A_182 = arith.constant 0 : i32
      %dma_wait3A_183 = tpu.memref_slice %arg10[%dma_wait3A, %dma_wait3A_181, %dma_wait3A_182] : memref<2x8x7808xf32, #tpu.memory_space<vmem>> -> memref<1x1x7808xf32, #tpu.memory_space<vmem>>
      %dma_wait3A_184 = tpu.memref_squeeze %dma_wait3A_183 : memref<1x1x7808xf32, #tpu.memory_space<vmem>> -> memref<7808xf32, #tpu.memory_space<vmem>>
      %dma_wait3A_185 = arith.constant 0 : i32
      %dma_wait3A_186 = tpu.memref_slice %arg7[%dma_wait3A_185] : memref<32002048xf32, #tpu.memory_space<hbm>> -> memref<7808xf32, #tpu.memory_space<hbm>>
      %dma_wait3A_187 = arith.constant 0 : i32
      %dma_wait3A_188 = tpu.memref_slice %arg7[%dma_wait3A_187] : memref<32002048xf32, #tpu.memory_space<hbm>> -> memref<7808xf32, #tpu.memory_space<hbm>>
      %dma_wait3A_189 = arith.constant 0 : i32
      %dma_wait3A_190 = tpu.memref_slice %arg10[%dma_wait3A, %dma_wait3A_181, %dma_wait3A_189] : memref<2x8x7808xf32, #tpu.memory_space<vmem>> -> memref<1x1x7808xf32, #tpu.memory_space<vmem>>
      %dma_wait3A_191 = tpu.memref_squeeze %dma_wait3A_190 : memref<1x1x7808xf32, #tpu.memory_space<vmem>> -> memref<7808xf32, #tpu.memory_space<vmem>>
      tpu.wait_dma2 semaphore(%arg12 : memref<!tpu.dma_semaphore, #tpu.memory_space<semaphore_mem>>) src(%dma_wait3A_191 : memref<7808xf32, #tpu.memory_space<vmem>>) dst(%dma_wait3A_188 : memref<7808xf32, #tpu.memory_space<hbm>>)
      %dma_wait3A_192 = arith.constant 0 : i32
      %dma_wait3A_193 = arith.constant 1 : i32
      %dma_wait3A_194 = arith.constant 0 : i32
      %dma_wait3A_195 = tpu.memref_slice %arg10[%dma_wait3A_192, %dma_wait3A_193, %dma_wait3A_194] : memref<2x8x7808xf32, #tpu.memory_space<vmem>> -> memref<1x1x7808xf32, #tpu.memory_space<vmem>>
      %dma_wait3A_196 = tpu.memref_squeeze %dma_wait3A_195 : memref<1x1x7808xf32, #tpu.memory_space<vmem>> -> memref<7808xf32, #tpu.memory_space<vmem>>
      %dma_wait3A_197 = arith.constant 0 : i32
      %dma_wait3A_198 = tpu.memref_slice %arg7[%dma_wait3A_197] : memref<32002048xf32, #tpu.memory_space<hbm>> -> memref<7808xf32, #tpu.memory_space<hbm>>
      %dma_wait3A_199 = arith.constant 0 : i32
      %dma_wait3A_200 = tpu.memref_slice %arg7[%dma_wait3A_199] : memref<32002048xf32, #tpu.memory_space<hbm>> -> memref<7808xf32, #tpu.memory_space<hbm>>
      %dma_wait3A_201 = arith.constant 0 : i32
      %dma_wait3A_202 = tpu.memref_slice %arg10[%dma_wait3A_192, %dma_wait3A_193, %dma_wait3A_201] : memref<2x8x7808xf32, #tpu.memory_space<vmem>> -> memref<1x1x7808xf32, #tpu.memory_space<vmem>>
      %dma_wait3A_203 = tpu.memref_squeeze %dma_wait3A_202 : memref<1x1x7808xf32, #tpu.memory_space<vmem>> -> memref<7808xf32, #tpu.memory_space<vmem>>
      tpu.wait_dma2 semaphore(%arg12 : memref<!tpu.dma_semaphore, #tpu.memory_space<semaphore_mem>>) src(%dma_wait3A_203 : memref<7808xf32, #tpu.memory_space<vmem>>) dst(%dma_wait3A_200 : memref<7808xf32, #tpu.memory_space<hbm>>)
      %dma_wait3A_204 = arith.constant 0 : i32
      %dma_wait3A_205 = arith.constant 2 : i32
      %dma_wait3A_206 = arith.constant 0 : i32
      %dma_wait3A_207 = tpu.memref_slice %arg10[%dma_wait3A_204, %dma_wait3A_205, %dma_wait3A_206] : memref<2x8x7808xf32, #tpu.memory_space<vmem>> -> memref<1x1x7808xf32, #tpu.memory_space<vmem>>
      %dma_wait3A_208 = tpu.memref_squeeze %dma_wait3A_207 : memref<1x1x7808xf32, #tpu.memory_space<vmem>> -> memref<7808xf32, #tpu.memory_space<vmem>>
      %dma_wait3A_209 = arith.constant 0 : i32
      %dma_wait3A_210 = tpu.memref_slice %arg7[%dma_wait3A_209] : memref<32002048xf32, #tpu.memory_space<hbm>> -> memref<7808xf32, #tpu.memory_space<hbm>>
      %dma_wait3A_211 = arith.constant 0 : i32
      %dma_wait3A_212 = tpu.memref_slice %arg7[%dma_wait3A_211] : memref<32002048xf32, #tpu.memory_space<hbm>> -> memref<7808xf32, #tpu.memory_space<hbm>>
      %dma_wait3A_213 = arith.constant 0 : i32
      %dma_wait3A_214 = tpu.memref_slice %arg10[%dma_wait3A_204, %dma_wait3A_205, %dma_wait3A_213] : memref<2x8x7808xf32, #tpu.memory_space<vmem>> -> memref<1x1x7808xf32, #tpu.memory_space<vmem>>
      %dma_wait3A_215 = tpu.memref_squeeze %dma_wait3A_214 : memref<1x1x7808xf32, #tpu.memory_space<vmem>> -> memref<7808xf32, #tpu.memory_space<vmem>>
      tpu.wait_dma2 semaphore(%arg12 : memref<!tpu.dma_semaphore, #tpu.memory_space<semaphore_mem>>) src(%dma_wait3A_215 : memref<7808xf32, #tpu.memory_space<vmem>>) dst(%dma_wait3A_212 : memref<7808xf32, #tpu.memory_space<hbm>>)
      %dma_wait3A_216 = arith.constant 0 : i32
      %dma_wait3A_217 = arith.constant 3 : i32
      %dma_wait3A_218 = arith.constant 0 : i32
      %dma_wait3A_219 = tpu.memref_slice %arg10[%dma_wait3A_216, %dma_wait3A_217, %dma_wait3A_218] : memref<2x8x7808xf32, #tpu.memory_space<vmem>> -> memref<1x1x7808xf32, #tpu.memory_space<vmem>>
      %dma_wait3A_220 = tpu.memref_squeeze %dma_wait3A_219 : memref<1x1x7808xf32, #tpu.memory_space<vmem>> -> memref<7808xf32, #tpu.memory_space<vmem>>
      %dma_wait3A_221 = arith.constant 0 : i32
      %dma_wait3A_222 = tpu.memref_slice %arg7[%dma_wait3A_221] : memref<32002048xf32, #tpu.memory_space<hbm>> -> memref<7808xf32, #tpu.memory_space<hbm>>
      %dma_wait3A_223 = arith.constant 0 : i32
      %dma_wait3A_224 = tpu.memref_slice %arg7[%dma_wait3A_223] : memref<32002048xf32, #tpu.memory_space<hbm>> -> memref<7808xf32, #tpu.memory_space<hbm>>
      %dma_wait3A_225 = arith.constant 0 : i32
      %dma_wait3A_226 = tpu.memref_slice %arg10[%dma_wait3A_216, %dma_wait3A_217, %dma_wait3A_225] : memref<2x8x7808xf32, #tpu.memory_space<vmem>> -> memref<1x1x7808xf32, #tpu.memory_space<vmem>>
      %dma_wait3A_227 = tpu.memref_squeeze %dma_wait3A_226 : memref<1x1x7808xf32, #tpu.memory_space<vmem>> -> memref<7808xf32, #tpu.memory_space<vmem>>
      tpu.wait_dma2 semaphore(%arg12 : memref<!tpu.dma_semaphore, #tpu.memory_space<semaphore_mem>>) src(%dma_wait3A_227 : memref<7808xf32, #tpu.memory_space<vmem>>) dst(%dma_wait3A_224 : memref<7808xf32, #tpu.memory_space<hbm>>)
      %dma_wait3A_228 = arith.constant 0 : i32
      %dma_wait3A_229 = arith.constant 4 : i32
      %dma_wait3A_230 = arith.constant 0 : i32
      %dma_wait3A_231 = tpu.memref_slice %arg10[%dma_wait3A_228, %dma_wait3A_229, %dma_wait3A_230] : memref<2x8x7808xf32, #tpu.memory_space<vmem>> -> memref<1x1x7808xf32, #tpu.memory_space<vmem>>
      %dma_wait3A_232 = tpu.memref_squeeze %dma_wait3A_231 : memref<1x1x7808xf32, #tpu.memory_space<vmem>> -> memref<7808xf32, #tpu.memory_space<vmem>>
      %dma_wait3A_233 = arith.constant 0 : i32
      %dma_wait3A_234 = tpu.memref_slice %arg7[%dma_wait3A_233] : memref<32002048xf32, #tpu.memory_space<hbm>> -> memref<7808xf32, #tpu.memory_space<hbm>>
      %dma_wait3A_235 = arith.constant 0 : i32
      %dma_wait3A_236 = tpu.memref_slice %arg7[%dma_wait3A_235] : memref<32002048xf32, #tpu.memory_space<hbm>> -> memref<7808xf32, #tpu.memory_space<hbm>>
      %dma_wait3A_237 = arith.constant 0 : i32
      %dma_wait3A_238 = tpu.memref_slice %arg10[%dma_wait3A_228, %dma_wait3A_229, %dma_wait3A_237] : memref<2x8x7808xf32, #tpu.memory_space<vmem>> -> memref<1x1x7808xf32, #tpu.memory_space<vmem>>
      %dma_wait3A_239 = tpu.memref_squeeze %dma_wait3A_238 : memref<1x1x7808xf32, #tpu.memory_space<vmem>> -> memref<7808xf32, #tpu.memory_space<vmem>>
      tpu.wait_dma2 semaphore(%arg12 : memref<!tpu.dma_semaphore, #tpu.memory_space<semaphore_mem>>) src(%dma_wait3A_239 : memref<7808xf32, #tpu.memory_space<vmem>>) dst(%dma_wait3A_236 : memref<7808xf32, #tpu.memory_space<hbm>>)
      %dma_wait3A_240 = arith.constant 0 : i32
      %dma_wait3A_241 = arith.constant 5 : i32
      %dma_wait3A_242 = arith.constant 0 : i32
      %dma_wait3A_243 = tpu.memref_slice %arg10[%dma_wait3A_240, %dma_wait3A_241, %dma_wait3A_242] : memref<2x8x7808xf32, #tpu.memory_space<vmem>> -> memref<1x1x7808xf32, #tpu.memory_space<vmem>>
      %dma_wait3A_244 = tpu.memref_squeeze %dma_wait3A_243 : memref<1x1x7808xf32, #tpu.memory_space<vmem>> -> memref<7808xf32, #tpu.memory_space<vmem>>
      %dma_wait3A_245 = arith.constant 0 : i32
      %dma_wait3A_246 = tpu.memref_slice %arg7[%dma_wait3A_245] : memref<32002048xf32, #tpu.memory_space<hbm>> -> memref<7808xf32, #tpu.memory_space<hbm>>
      %dma_wait3A_247 = arith.constant 0 : i32
      %dma_wait3A_248 = tpu.memref_slice %arg7[%dma_wait3A_247] : memref<32002048xf32, #tpu.memory_space<hbm>> -> memref<7808xf32, #tpu.memory_space<hbm>>
      %dma_wait3A_249 = arith.constant 0 : i32
      %dma_wait3A_250 = tpu.memref_slice %arg10[%dma_wait3A_240, %dma_wait3A_241, %dma_wait3A_249] : memref<2x8x7808xf32, #tpu.memory_space<vmem>> -> memref<1x1x7808xf32, #tpu.memory_space<vmem>>
      %dma_wait3A_251 = tpu.memref_squeeze %dma_wait3A_250 : memref<1x1x7808xf32, #tpu.memory_space<vmem>> -> memref<7808xf32, #tpu.memory_space<vmem>>
      tpu.wait_dma2 semaphore(%arg12 : memref<!tpu.dma_semaphore, #tpu.memory_space<semaphore_mem>>) src(%dma_wait3A_251 : memref<7808xf32, #tpu.memory_space<vmem>>) dst(%dma_wait3A_248 : memref<7808xf32, #tpu.memory_space<hbm>>)
      %dma_wait3A_252 = arith.constant 0 : i32
      %dma_wait3A_253 = arith.constant 6 : i32
      %dma_wait3A_254 = arith.constant 0 : i32
      %dma_wait3A_255 = tpu.memref_slice %arg10[%dma_wait3A_252, %dma_wait3A_253, %dma_wait3A_254] : memref<2x8x7808xf32, #tpu.memory_space<vmem>> -> memref<1x1x7808xf32, #tpu.memory_space<vmem>>
      %dma_wait3A_256 = tpu.memref_squeeze %dma_wait3A_255 : memref<1x1x7808xf32, #tpu.memory_space<vmem>> -> memref<7808xf32, #tpu.memory_space<vmem>>
      %dma_wait3A_257 = arith.constant 0 : i32
      %dma_wait3A_258 = tpu.memref_slice %arg7[%dma_wait3A_257] : memref<32002048xf32, #tpu.memory_space<hbm>> -> memref<7808xf32, #tpu.memory_space<hbm>>
      %dma_wait3A_259 = arith.constant 0 : i32
      %dma_wait3A_260 = tpu.memref_slice %arg7[%dma_wait3A_259] : memref<32002048xf32, #tpu.memory_space<hbm>> -> memref<7808xf32, #tpu.memory_space<hbm>>
      %dma_wait3A_261 = arith.constant 0 : i32
      %dma_wait3A_262 = tpu.memref_slice %arg10[%dma_wait3A_252, %dma_wait3A_253, %dma_wait3A_261] : memref<2x8x7808xf32, #tpu.memory_space<vmem>> -> memref<1x1x7808xf32, #tpu.memory_space<vmem>>
      %dma_wait3A_263 = tpu.memref_squeeze %dma_wait3A_262 : memref<1x1x7808xf32, #tpu.memory_space<vmem>> -> memref<7808xf32, #tpu.memory_space<vmem>>
      tpu.wait_dma2 semaphore(%arg12 : memref<!tpu.dma_semaphore, #tpu.memory_space<semaphore_mem>>) src(%dma_wait3A_263 : memref<7808xf32, #tpu.memory_space<vmem>>) dst(%dma_wait3A_260 : memref<7808xf32, #tpu.memory_space<hbm>>)
      %dma_wait3A_264 = arith.constant 0 : i32
      %dma_wait3A_265 = arith.constant 7 : i32
      %dma_wait3A_266 = arith.constant 0 : i32
      %dma_wait3A_267 = tpu.memref_slice %arg10[%dma_wait3A_264, %dma_wait3A_265, %dma_wait3A_266] : memref<2x8x7808xf32, #tpu.memory_space<vmem>> -> memref<1x1x7808xf32, #tpu.memory_space<vmem>>
      %dma_wait3A_268 = tpu.memref_squeeze %dma_wait3A_267 : memref<1x1x7808xf32, #tpu.memory_space<vmem>> -> memref<7808xf32, #tpu.memory_space<vmem>>
      %dma_wait3A_269 = arith.constant 0 : i32
      %dma_wait3A_270 = tpu.memref_slice %arg7[%dma_wait3A_269] : memref<32002048xf32, #tpu.memory_space<hbm>> -> memref<7808xf32, #tpu.memory_space<hbm>>
      %dma_wait3A_271 = arith.constant 0 : i32
      %dma_wait3A_272 = tpu.memref_slice %arg7[%dma_wait3A_271] : memref<32002048xf32, #tpu.memory_space<hbm>> -> memref<7808xf32, #tpu.memory_space<hbm>>
      %dma_wait3A_273 = arith.constant 0 : i32
      %dma_wait3A_274 = tpu.memref_slice %arg10[%dma_wait3A_264, %dma_wait3A_265, %dma_wait3A_273] : memref<2x8x7808xf32, #tpu.memory_space<vmem>> -> memref<1x1x7808xf32, #tpu.memory_space<vmem>>
      %dma_wait3A_275 = tpu.memref_squeeze %dma_wait3A_274 : memref<1x1x7808xf32, #tpu.memory_space<vmem>> -> memref<7808xf32, #tpu.memory_space<vmem>>
      tpu.wait_dma2 semaphore(%arg12 : memref<!tpu.dma_semaphore, #tpu.memory_space<semaphore_mem>>) src(%dma_wait3A_275 : memref<7808xf32, #tpu.memory_space<vmem>>) dst(%dma_wait3A_272 : memref<7808xf32, #tpu.memory_space<hbm>>)
      %eq3A_276 = arith.constant 1 : i32
      %eq3A_277 = arith.cmpi eq, %select_n3A_48, %eq3A_276 : i32
      %convert_element_type3A_278 = arith.extui %eq3A_277 : i1 to i32
      %cond3A_279 = arith.constant 0 : i32
      %cond3A_280 = arith.cmpi ne, %convert_element_type3A_278, %cond3A_279 : i32
      scf.if %cond3A_280 {
        %mul3A_281 = arith.constant 0 : i32
        %mul3A_282 = arith.muli %add3A, %mul3A_281 : i32
        %add3A_283 = arith.constant 999424 : i32
        %add3A_284 = arith.addi %mul3A_282, %add3A_283 : i32
        %multiple_of3A = tpu.assume_multiple %add3A_284, 128 : i32
        %run_scoped3A = arith.constant 0 : i32
        "tpu.region"() ({
          %run_scoped3A_349 = tpu.sem_alloc : memref<!tpu.dma_semaphore, #tpu.memory_space<semaphore_mem>>
          %dma_start3A_350 = arith.constant 0 : i32
          %dma_start3A_351 = arith.constant 0 : i32
          %dma_start3A_352 = tpu.memref_slice %arg10[%run_scoped3A, %dma_start3A_350, %dma_start3A_351] : memref<2x8x7808xf32, #tpu.memory_space<vmem>> -> memref<1x8x640xf32, #tpu.memory_space<vmem>>
          %dma_start3A_353 = tpu.memref_squeeze %dma_start3A_352 : memref<1x8x640xf32, #tpu.memory_space<vmem>> -> memref<8x640xf32, #tpu.memory_space<vmem>>
          %dma_start3A_354 = tpu.memref_slice %arg3[%mul3A_32, %multiple_of3A] : memref<32x1000000xf32, #tpu.memory_space<hbm>> -> memref<8x640xf32, #tpu.memory_space<hbm>>
          %dma_start3A_355 = arith.constant 0 : i32
          %dma_start3A_356 = arith.constant 0 : i32
          %dma_start3A_357 = tpu.memref_slice %arg10[%run_scoped3A, %dma_start3A_355, %dma_start3A_356] : memref<2x8x7808xf32, #tpu.memory_space<vmem>> -> memref<1x8x640xf32, #tpu.memory_space<vmem>>
          %dma_start3A_358 = tpu.memref_squeeze %dma_start3A_357 : memref<1x8x640xf32, #tpu.memory_space<vmem>> -> memref<8x640xf32, #tpu.memory_space<vmem>>
          %dma_start3A_359 = tpu.memref_slice %arg3[%mul3A_32, %multiple_of3A] : memref<32x1000000xf32, #tpu.memory_space<hbm>> -> memref<8x640xf32, #tpu.memory_space<hbm>>
          tpu.enqueue_dma source(%dma_start3A_359 : memref<8x640xf32, #tpu.memory_space<hbm>>) target(%dma_start3A_358 : memref<8x640xf32, #tpu.memory_space<vmem>>) target_semaphore(%run_scoped3A_349 : memref<!tpu.dma_semaphore, #tpu.memory_space<semaphore_mem>>)
          %dma_wait3A_360 = arith.constant 0 : i32
          %dma_wait3A_361 = arith.constant 0 : i32
          %dma_wait3A_362 = tpu.memref_slice %arg10[%run_scoped3A, %dma_wait3A_360, %dma_wait3A_361] : memref<2x8x7808xf32, #tpu.memory_space<vmem>> -> memref<1x8x640xf32, #tpu.memory_space<vmem>>
          %dma_wait3A_363 = tpu.memref_squeeze %dma_wait3A_362 : memref<1x8x640xf32, #tpu.memory_space<vmem>> -> memref<8x640xf32, #tpu.memory_space<vmem>>
          %dma_wait3A_364 = tpu.memref_slice %arg3[%mul3A_32, %multiple_of3A] : memref<32x1000000xf32, #tpu.memory_space<hbm>> -> memref<8x640xf32, #tpu.memory_space<hbm>>
          %dma_wait3A_365 = arith.constant 0 : i32
          %dma_wait3A_366 = arith.constant 0 : i32
          %dma_wait3A_367 = tpu.memref_slice %arg10[%run_scoped3A, %dma_wait3A_365, %dma_wait3A_366] : memref<2x8x7808xf32, #tpu.memory_space<vmem>> -> memref<1x8x640xf32, #tpu.memory_space<vmem>>
          %dma_wait3A_368 = tpu.memref_squeeze %dma_wait3A_367 : memref<1x8x640xf32, #tpu.memory_space<vmem>> -> memref<8x640xf32, #tpu.memory_space<vmem>>
          %dma_wait3A_369 = tpu.memref_slice %arg3[%mul3A_32, %multiple_of3A] : memref<32x1000000xf32, #tpu.memory_space<hbm>> -> memref<8x640xf32, #tpu.memory_space<hbm>>
          tpu.wait_dma2 semaphore(%run_scoped3A_349 : memref<!tpu.dma_semaphore, #tpu.memory_space<semaphore_mem>>) src(%dma_wait3A_369 : memref<8x640xf32, #tpu.memory_space<hbm>>) dst(%dma_wait3A_368 : memref<8x640xf32, #tpu.memory_space<vmem>>)
          tpu.yield
        }) : () -> ()
        %add3A_285 = arith.constant 0 : i32
        %add3A_286 = arith.addi %mul3A_32, %add3A_285 : i32
        %mul3A_287 = arith.constant 1000064 : i32
        %mul3A_288 = arith.muli %add3A_286, %mul3A_287 : i32
        %add3A_289 = arith.constant 999424 : i32
        %add3A_290 = arith.addi %mul3A_288, %add3A_289 : i32
        %run_scoped3A_291 = arith.constant 0 : i32
        %run_scoped3A_292 = arith.constant 0 : i32
        "tpu.region"() ({
          %run_scoped3A_349 = tpu.sem_alloc : memref<!tpu.dma_semaphore, #tpu.memory_space<semaphore_mem>>
          %dma_start3A_350 = arith.constant 0 : i32
          %dma_start3A_351 = tpu.memref_slice %arg10[%run_scoped3A_291, %run_scoped3A_292, %dma_start3A_350] : memref<2x8x7808xf32, #tpu.memory_space<vmem>> -> memref<1x1x640xf32, #tpu.memory_space<vmem>>
          %dma_start3A_352 = tpu.memref_squeeze %dma_start3A_351 : memref<1x1x640xf32, #tpu.memory_space<vmem>> -> memref<640xf32, #tpu.memory_space<vmem>>
          %dma_start3A_353 = tpu.memref_slice %arg7[%add3A_290] : memref<32002048xf32, #tpu.memory_space<hbm>> -> memref<640xf32, #tpu.memory_space<hbm>>
          %dma_start3A_354 = tpu.memref_slice %arg7[%add3A_290] : memref<32002048xf32, #tpu.memory_space<hbm>> -> memref<640xf32, #tpu.memory_space<hbm>>
          %dma_start3A_355 = arith.constant 0 : i32
          %dma_start3A_356 = tpu.memref_slice %arg10[%run_scoped3A_291, %run_scoped3A_292, %dma_start3A_355] : memref<2x8x7808xf32, #tpu.memory_space<vmem>> -> memref<1x1x640xf32, #tpu.memory_space<vmem>>
          %dma_start3A_357 = tpu.memref_squeeze %dma_start3A_356 : memref<1x1x640xf32, #tpu.memory_space<vmem>> -> memref<640xf32, #tpu.memory_space<vmem>>
          tpu.enqueue_dma source(%dma_start3A_357 : memref<640xf32, #tpu.memory_space<vmem>>) target(%dma_start3A_354 : memref<640xf32, #tpu.memory_space<hbm>>) target_semaphore(%run_scoped3A_349 : memref<!tpu.dma_semaphore, #tpu.memory_space<semaphore_mem>>)
          %dma_wait3A_358 = arith.constant 0 : i32
          %dma_wait3A_359 = tpu.memref_slice %arg10[%run_scoped3A_291, %run_scoped3A_292, %dma_wait3A_358] : memref<2x8x7808xf32, #tpu.memory_space<vmem>> -> memref<1x1x640xf32, #tpu.memory_space<vmem>>
          %dma_wait3A_360 = tpu.memref_squeeze %dma_wait3A_359 : memref<1x1x640xf32, #tpu.memory_space<vmem>> -> memref<640xf32, #tpu.memory_space<vmem>>
          %dma_wait3A_361 = tpu.memref_slice %arg7[%add3A_290] : memref<32002048xf32, #tpu.memory_space<hbm>> -> memref<640xf32, #tpu.memory_space<hbm>>
          %dma_wait3A_362 = tpu.memref_slice %arg7[%add3A_290] : memref<32002048xf32, #tpu.memory_space<hbm>> -> memref<640xf32, #tpu.memory_space<hbm>>
          %dma_wait3A_363 = arith.constant 0 : i32
          %dma_wait3A_364 = tpu.memref_slice %arg10[%run_scoped3A_291, %run_scoped3A_292, %dma_wait3A_363] : memref<2x8x7808xf32, #tpu.memory_space<vmem>> -> memref<1x1x640xf32, #tpu.memory_space<vmem>>
          %dma_wait3A_365 = tpu.memref_squeeze %dma_wait3A_364 : memref<1x1x640xf32, #tpu.memory_space<vmem>> -> memref<640xf32, #tpu.memory_space<vmem>>
          tpu.wait_dma2 semaphore(%run_scoped3A_349 : memref<!tpu.dma_semaphore, #tpu.memory_space<semaphore_mem>>) src(%dma_wait3A_365 : memref<640xf32, #tpu.memory_space<vmem>>) dst(%dma_wait3A_362 : memref<640xf32, #tpu.memory_space<hbm>>)
          tpu.yield
        }) : () -> ()
        %add3A_293 = arith.constant 1 : i32
        %add3A_294 = arith.addi %mul3A_32, %add3A_293 : i32
        %mul3A_295 = arith.constant 1000064 : i32
        %mul3A_296 = arith.muli %add3A_294, %mul3A_295 : i32
        %add3A_297 = arith.constant 999424 : i32
        %add3A_298 = arith.addi %mul3A_296, %add3A_297 : i32
        %run_scoped3A_299 = arith.constant 0 : i32
        %run_scoped3A_300 = arith.constant 1 : i32
        "tpu.region"() ({
          %run_scoped3A_349 = tpu.sem_alloc : memref<!tpu.dma_semaphore, #tpu.memory_space<semaphore_mem>>
          %dma_start3A_350 = arith.constant 0 : i32
          %dma_start3A_351 = tpu.memref_slice %arg10[%run_scoped3A_299, %run_scoped3A_300, %dma_start3A_350] : memref<2x8x7808xf32, #tpu.memory_space<vmem>> -> memref<1x1x640xf32, #tpu.memory_space<vmem>>
          %dma_start3A_352 = tpu.memref_squeeze %dma_start3A_351 : memref<1x1x640xf32, #tpu.memory_space<vmem>> -> memref<640xf32, #tpu.memory_space<vmem>>
          %dma_start3A_353 = tpu.memref_slice %arg7[%add3A_298] : memref<32002048xf32, #tpu.memory_space<hbm>> -> memref<640xf32, #tpu.memory_space<hbm>>
          %dma_start3A_354 = tpu.memref_slice %arg7[%add3A_298] : memref<32002048xf32, #tpu.memory_space<hbm>> -> memref<640xf32, #tpu.memory_space<hbm>>
          %dma_start3A_355 = arith.constant 0 : i32
          %dma_start3A_356 = tpu.memref_slice %arg10[%run_scoped3A_299, %run_scoped3A_300, %dma_start3A_355] : memref<2x8x7808xf32, #tpu.memory_space<vmem>> -> memref<1x1x640xf32, #tpu.memory_space<vmem>>
          %dma_start3A_357 = tpu.memref_squeeze %dma_start3A_356 : memref<1x1x640xf32, #tpu.memory_space<vmem>> -> memref<640xf32, #tpu.memory_space<vmem>>
          tpu.enqueue_dma source(%dma_start3A_357 : memref<640xf32, #tpu.memory_space<vmem>>) target(%dma_start3A_354 : memref<640xf32, #tpu.memory_space<hbm>>) target_semaphore(%run_scoped3A_349 : memref<!tpu.dma_semaphore, #tpu.memory_space<semaphore_mem>>)
          %dma_wait3A_358 = arith.constant 0 : i32
          %dma_wait3A_359 = tpu.memref_slice %arg10[%run_scoped3A_299, %run_scoped3A_300, %dma_wait3A_358] : memref<2x8x7808xf32, #tpu.memory_space<vmem>> -> memref<1x1x640xf32, #tpu.memory_space<vmem>>
          %dma_wait3A_360 = tpu.memref_squeeze %dma_wait3A_359 : memref<1x1x640xf32, #tpu.memory_space<vmem>> -> memref<640xf32, #tpu.memory_space<vmem>>
          %dma_wait3A_361 = tpu.memref_slice %arg7[%add3A_298] : memref<32002048xf32, #tpu.memory_space<hbm>> -> memref<640xf32, #tpu.memory_space<hbm>>
          %dma_wait3A_362 = tpu.memref_slice %arg7[%add3A_298] : memref<32002048xf32, #tpu.memory_space<hbm>> -> memref<640xf32, #tpu.memory_space<hbm>>
          %dma_wait3A_363 = arith.constant 0 : i32
          %dma_wait3A_364 = tpu.memref_slice %arg10[%run_scoped3A_299, %run_scoped3A_300, %dma_wait3A_363] : memref<2x8x7808xf32, #tpu.memory_space<vmem>> -> memref<1x1x640xf32, #tpu.memory_space<vmem>>
          %dma_wait3A_365 = tpu.memref_squeeze %dma_wait3A_364 : memref<1x1x640xf32, #tpu.memory_space<vmem>> -> memref<640xf32, #tpu.memory_space<vmem>>
          tpu.wait_dma2 semaphore(%run_scoped3A_349 : memref<!tpu.dma_semaphore, #tpu.memory_space<semaphore_mem>>) src(%dma_wait3A_365 : memref<640xf32, #tpu.memory_space<vmem>>) dst(%dma_wait3A_362 : memref<640xf32, #tpu.memory_space<hbm>>)
          tpu.yield
        }) : () -> ()
        %add3A_301 = arith.constant 2 : i32
        %add3A_302 = arith.addi %mul3A_32, %add3A_301 : i32
        %mul3A_303 = arith.constant 1000064 : i32
        %mul3A_304 = arith.muli %add3A_302, %mul3A_303 : i32
        %add3A_305 = arith.constant 999424 : i32
        %add3A_306 = arith.addi %mul3A_304, %add3A_305 : i32
        %run_scoped3A_307 = arith.constant 0 : i32
        %run_scoped3A_308 = arith.constant 2 : i32
        "tpu.region"() ({
          %run_scoped3A_349 = tpu.sem_alloc : memref<!tpu.dma_semaphore, #tpu.memory_space<semaphore_mem>>
          %dma_start3A_350 = arith.constant 0 : i32
          %dma_start3A_351 = tpu.memref_slice %arg10[%run_scoped3A_307, %run_scoped3A_308, %dma_start3A_350] : memref<2x8x7808xf32, #tpu.memory_space<vmem>> -> memref<1x1x640xf32, #tpu.memory_space<vmem>>
          %dma_start3A_352 = tpu.memref_squeeze %dma_start3A_351 : memref<1x1x640xf32, #tpu.memory_space<vmem>> -> memref<640xf32, #tpu.memory_space<vmem>>
          %dma_start3A_353 = tpu.memref_slice %arg7[%add3A_306] : memref<32002048xf32, #tpu.memory_space<hbm>> -> memref<640xf32, #tpu.memory_space<hbm>>
          %dma_start3A_354 = tpu.memref_slice %arg7[%add3A_306] : memref<32002048xf32, #tpu.memory_space<hbm>> -> memref<640xf32, #tpu.memory_space<hbm>>
          %dma_start3A_355 = arith.constant 0 : i32
          %dma_start3A_356 = tpu.memref_slice %arg10[%run_scoped3A_307, %run_scoped3A_308, %dma_start3A_355] : memref<2x8x7808xf32, #tpu.memory_space<vmem>> -> memref<1x1x640xf32, #tpu.memory_space<vmem>>
          %dma_start3A_357 = tpu.memref_squeeze %dma_start3A_356 : memref<1x1x640xf32, #tpu.memory_space<vmem>> -> memref<640xf32, #tpu.memory_space<vmem>>
          tpu.enqueue_dma source(%dma_start3A_357 : memref<640xf32, #tpu.memory_space<vmem>>) target(%dma_start3A_354 : memref<640xf32, #tpu.memory_space<hbm>>) target_semaphore(%run_scoped3A_349 : memref<!tpu.dma_semaphore, #tpu.memory_space<semaphore_mem>>)
          %dma_wait3A_358 = arith.constant 0 : i32
          %dma_wait3A_359 = tpu.memref_slice %arg10[%run_scoped3A_307, %run_scoped3A_308, %dma_wait3A_358] : memref<2x8x7808xf32, #tpu.memory_space<vmem>> -> memref<1x1x640xf32, #tpu.memory_space<vmem>>
          %dma_wait3A_360 = tpu.memref_squeeze %dma_wait3A_359 : memref<1x1x640xf32, #tpu.memory_space<vmem>> -> memref<640xf32, #tpu.memory_space<vmem>>
          %dma_wait3A_361 = tpu.memref_slice %arg7[%add3A_306] : memref<32002048xf32, #tpu.memory_space<hbm>> -> memref<640xf32, #tpu.memory_space<hbm>>
          %dma_wait3A_362 = tpu.memref_slice %arg7[%add3A_306] : memref<32002048xf32, #tpu.memory_space<hbm>> -> memref<640xf32, #tpu.memory_space<hbm>>
          %dma_wait3A_363 = arith.constant 0 : i32
          %dma_wait3A_364 = tpu.memref_slice %arg10[%run_scoped3A_307, %run_scoped3A_308, %dma_wait3A_363] : memref<2x8x7808xf32, #tpu.memory_space<vmem>> -> memref<1x1x640xf32, #tpu.memory_space<vmem>>
          %dma_wait3A_365 = tpu.memref_squeeze %dma_wait3A_364 : memref<1x1x640xf32, #tpu.memory_space<vmem>> -> memref<640xf32, #tpu.memory_space<vmem>>
          tpu.wait_dma2 semaphore(%run_scoped3A_349 : memref<!tpu.dma_semaphore, #tpu.memory_space<semaphore_mem>>) src(%dma_wait3A_365 : memref<640xf32, #tpu.memory_space<vmem>>) dst(%dma_wait3A_362 : memref<640xf32, #tpu.memory_space<hbm>>)
          tpu.yield
        }) : () -> ()
        %add3A_309 = arith.constant 3 : i32
        %add3A_310 = arith.addi %mul3A_32, %add3A_309 : i32
        %mul3A_311 = arith.constant 1000064 : i32
        %mul3A_312 = arith.muli %add3A_310, %mul3A_311 : i32
        %add3A_313 = arith.constant 999424 : i32
        %add3A_314 = arith.addi %mul3A_312, %add3A_313 : i32
        %run_scoped3A_315 = arith.constant 0 : i32
        %run_scoped3A_316 = arith.constant 3 : i32
        "tpu.region"() ({
          %run_scoped3A_349 = tpu.sem_alloc : memref<!tpu.dma_semaphore, #tpu.memory_space<semaphore_mem>>
          %dma_start3A_350 = arith.constant 0 : i32
          %dma_start3A_351 = tpu.memref_slice %arg10[%run_scoped3A_315, %run_scoped3A_316, %dma_start3A_350] : memref<2x8x7808xf32, #tpu.memory_space<vmem>> -> memref<1x1x640xf32, #tpu.memory_space<vmem>>
          %dma_start3A_352 = tpu.memref_squeeze %dma_start3A_351 : memref<1x1x640xf32, #tpu.memory_space<vmem>> -> memref<640xf32, #tpu.memory_space<vmem>>
          %dma_start3A_353 = tpu.memref_slice %arg7[%add3A_314] : memref<32002048xf32, #tpu.memory_space<hbm>> -> memref<640xf32, #tpu.memory_space<hbm>>
          %dma_start3A_354 = tpu.memref_slice %arg7[%add3A_314] : memref<32002048xf32, #tpu.memory_space<hbm>> -> memref<640xf32, #tpu.memory_space<hbm>>
          %dma_start3A_355 = arith.constant 0 : i32
          %dma_start3A_356 = tpu.memref_slice %arg10[%run_scoped3A_315, %run_scoped3A_316, %dma_start3A_355] : memref<2x8x7808xf32, #tpu.memory_space<vmem>> -> memref<1x1x640xf32, #tpu.memory_space<vmem>>
          %dma_start3A_357 = tpu.memref_squeeze %dma_start3A_356 : memref<1x1x640xf32, #tpu.memory_space<vmem>> -> memref<640xf32, #tpu.memory_space<vmem>>
          tpu.enqueue_dma source(%dma_start3A_357 : memref<640xf32, #tpu.memory_space<vmem>>) target(%dma_start3A_354 : memref<640xf32, #tpu.memory_space<hbm>>) target_semaphore(%run_scoped3A_349 : memref<!tpu.dma_semaphore, #tpu.memory_space<semaphore_mem>>)
          %dma_wait3A_358 = arith.constant 0 : i32
          %dma_wait3A_359 = tpu.memref_slice %arg10[%run_scoped3A_315, %run_scoped3A_316, %dma_wait3A_358] : memref<2x8x7808xf32, #tpu.memory_space<vmem>> -> memref<1x1x640xf32, #tpu.memory_space<vmem>>
          %dma_wait3A_360 = tpu.memref_squeeze %dma_wait3A_359 : memref<1x1x640xf32, #tpu.memory_space<vmem>> -> memref<640xf32, #tpu.memory_space<vmem>>
          %dma_wait3A_361 = tpu.memref_slice %arg7[%add3A_314] : memref<32002048xf32, #tpu.memory_space<hbm>> -> memref<640xf32, #tpu.memory_space<hbm>>
          %dma_wait3A_362 = tpu.memref_slice %arg7[%add3A_314] : memref<32002048xf32, #tpu.memory_space<hbm>> -> memref<640xf32, #tpu.memory_space<hbm>>
          %dma_wait3A_363 = arith.constant 0 : i32
          %dma_wait3A_364 = tpu.memref_slice %arg10[%run_scoped3A_315, %run_scoped3A_316, %dma_wait3A_363] : memref<2x8x7808xf32, #tpu.memory_space<vmem>> -> memref<1x1x640xf32, #tpu.memory_space<vmem>>
          %dma_wait3A_365 = tpu.memref_squeeze %dma_wait3A_364 : memref<1x1x640xf32, #tpu.memory_space<vmem>> -> memref<640xf32, #tpu.memory_space<vmem>>
          tpu.wait_dma2 semaphore(%run_scoped3A_349 : memref<!tpu.dma_semaphore, #tpu.memory_space<semaphore_mem>>) src(%dma_wait3A_365 : memref<640xf32, #tpu.memory_space<vmem>>) dst(%dma_wait3A_362 : memref<640xf32, #tpu.memory_space<hbm>>)
          tpu.yield
        }) : () -> ()
        %add3A_317 = arith.constant 4 : i32
        %add3A_318 = arith.addi %mul3A_32, %add3A_317 : i32
        %mul3A_319 = arith.constant 1000064 : i32
        %mul3A_320 = arith.muli %add3A_318, %mul3A_319 : i32
        %add3A_321 = arith.constant 999424 : i32
        %add3A_322 = arith.addi %mul3A_320, %add3A_321 : i32
        %run_scoped3A_323 = arith.constant 0 : i32
        %run_scoped3A_324 = arith.constant 4 : i32
        "tpu.region"() ({
          %run_scoped3A_349 = tpu.sem_alloc : memref<!tpu.dma_semaphore, #tpu.memory_space<semaphore_mem>>
          %dma_start3A_350 = arith.constant 0 : i32
          %dma_start3A_351 = tpu.memref_slice %arg10[%run_scoped3A_323, %run_scoped3A_324, %dma_start3A_350] : memref<2x8x7808xf32, #tpu.memory_space<vmem>> -> memref<1x1x640xf32, #tpu.memory_space<vmem>>
          %dma_start3A_352 = tpu.memref_squeeze %dma_start3A_351 : memref<1x1x640xf32, #tpu.memory_space<vmem>> -> memref<640xf32, #tpu.memory_space<vmem>>
          %dma_start3A_353 = tpu.memref_slice %arg7[%add3A_322] : memref<32002048xf32, #tpu.memory_space<hbm>> -> memref<640xf32, #tpu.memory_space<hbm>>
          %dma_start3A_354 = tpu.memref_slice %arg7[%add3A_322] : memref<32002048xf32, #tpu.memory_space<hbm>> -> memref<640xf32, #tpu.memory_space<hbm>>
          %dma_start3A_355 = arith.constant 0 : i32
          %dma_start3A_356 = tpu.memref_slice %arg10[%run_scoped3A_323, %run_scoped3A_324, %dma_start3A_355] : memref<2x8x7808xf32, #tpu.memory_space<vmem>> -> memref<1x1x640xf32, #tpu.memory_space<vmem>>
          %dma_start3A_357 = tpu.memref_squeeze %dma_start3A_356 : memref<1x1x640xf32, #tpu.memory_space<vmem>> -> memref<640xf32, #tpu.memory_space<vmem>>
          tpu.enqueue_dma source(%dma_start3A_357 : memref<640xf32, #tpu.memory_space<vmem>>) target(%dma_start3A_354 : memref<640xf32, #tpu.memory_space<hbm>>) target_semaphore(%run_scoped3A_349 : memref<!tpu.dma_semaphore, #tpu.memory_space<semaphore_mem>>)
          %dma_wait3A_358 = arith.constant 0 : i32
          %dma_wait3A_359 = tpu.memref_slice %arg10[%run_scoped3A_323, %run_scoped3A_324, %dma_wait3A_358] : memref<2x8x7808xf32, #tpu.memory_space<vmem>> -> memref<1x1x640xf32, #tpu.memory_space<vmem>>
          %dma_wait3A_360 = tpu.memref_squeeze %dma_wait3A_359 : memref<1x1x640xf32, #tpu.memory_space<vmem>> -> memref<640xf32, #tpu.memory_space<vmem>>
          %dma_wait3A_361 = tpu.memref_slice %arg7[%add3A_322] : memref<32002048xf32, #tpu.memory_space<hbm>> -> memref<640xf32, #tpu.memory_space<hbm>>
          %dma_wait3A_362 = tpu.memref_slice %arg7[%add3A_322] : memref<32002048xf32, #tpu.memory_space<hbm>> -> memref<640xf32, #tpu.memory_space<hbm>>
          %dma_wait3A_363 = arith.constant 0 : i32
          %dma_wait3A_364 = tpu.memref_slice %arg10[%run_scoped3A_323, %run_scoped3A_324, %dma_wait3A_363] : memref<2x8x7808xf32, #tpu.memory_space<vmem>> -> memref<1x1x640xf32, #tpu.memory_space<vmem>>
          %dma_wait3A_365 = tpu.memref_squeeze %dma_wait3A_364 : memref<1x1x640xf32, #tpu.memory_space<vmem>> -> memref<640xf32, #tpu.memory_space<vmem>>
          tpu.wait_dma2 semaphore(%run_scoped3A_349 : memref<!tpu.dma_semaphore, #tpu.memory_space<semaphore_mem>>) src(%dma_wait3A_365 : memref<640xf32, #tpu.memory_space<vmem>>) dst(%dma_wait3A_362 : memref<640xf32, #tpu.memory_space<hbm>>)
          tpu.yield
        }) : () -> ()
        %add3A_325 = arith.constant 5 : i32
        %add3A_326 = arith.addi %mul3A_32, %add3A_325 : i32
        %mul3A_327 = arith.constant 1000064 : i32
        %mul3A_328 = arith.muli %add3A_326, %mul3A_327 : i32
        %add3A_329 = arith.constant 999424 : i32
        %add3A_330 = arith.addi %mul3A_328, %add3A_329 : i32
        %run_scoped3A_331 = arith.constant 0 : i32
        %run_scoped3A_332 = arith.constant 5 : i32
        "tpu.region"() ({
          %run_scoped3A_349 = tpu.sem_alloc : memref<!tpu.dma_semaphore, #tpu.memory_space<semaphore_mem>>
          %dma_start3A_350 = arith.constant 0 : i32
          %dma_start3A_351 = tpu.memref_slice %arg10[%run_scoped3A_331, %run_scoped3A_332, %dma_start3A_350] : memref<2x8x7808xf32, #tpu.memory_space<vmem>> -> memref<1x1x640xf32, #tpu.memory_space<vmem>>
          %dma_start3A_352 = tpu.memref_squeeze %dma_start3A_351 : memref<1x1x640xf32, #tpu.memory_space<vmem>> -> memref<640xf32, #tpu.memory_space<vmem>>
          %dma_start3A_353 = tpu.memref_slice %arg7[%add3A_330] : memref<32002048xf32, #tpu.memory_space<hbm>> -> memref<640xf32, #tpu.memory_space<hbm>>
          %dma_start3A_354 = tpu.memref_slice %arg7[%add3A_330] : memref<32002048xf32, #tpu.memory_space<hbm>> -> memref<640xf32, #tpu.memory_space<hbm>>
          %dma_start3A_355 = arith.constant 0 : i32
          %dma_start3A_356 = tpu.memref_slice %arg10[%run_scoped3A_331, %run_scoped3A_332, %dma_start3A_355] : memref<2x8x7808xf32, #tpu.memory_space<vmem>> -> memref<1x1x640xf32, #tpu.memory_space<vmem>>
          %dma_start3A_357 = tpu.memref_squeeze %dma_start3A_356 : memref<1x1x640xf32, #tpu.memory_space<vmem>> -> memref<640xf32, #tpu.memory_space<vmem>>
          tpu.enqueue_dma source(%dma_start3A_357 : memref<640xf32, #tpu.memory_space<vmem>>) target(%dma_start3A_354 : memref<640xf32, #tpu.memory_space<hbm>>) target_semaphore(%run_scoped3A_349 : memref<!tpu.dma_semaphore, #tpu.memory_space<semaphore_mem>>)
          %dma_wait3A_358 = arith.constant 0 : i32
          %dma_wait3A_359 = tpu.memref_slice %arg10[%run_scoped3A_331, %run_scoped3A_332, %dma_wait3A_358] : memref<2x8x7808xf32, #tpu.memory_space<vmem>> -> memref<1x1x640xf32, #tpu.memory_space<vmem>>
          %dma_wait3A_360 = tpu.memref_squeeze %dma_wait3A_359 : memref<1x1x640xf32, #tpu.memory_space<vmem>> -> memref<640xf32, #tpu.memory_space<vmem>>
          %dma_wait3A_361 = tpu.memref_slice %arg7[%add3A_330] : memref<32002048xf32, #tpu.memory_space<hbm>> -> memref<640xf32, #tpu.memory_space<hbm>>
          %dma_wait3A_362 = tpu.memref_slice %arg7[%add3A_330] : memref<32002048xf32, #tpu.memory_space<hbm>> -> memref<640xf32, #tpu.memory_space<hbm>>
          %dma_wait3A_363 = arith.constant 0 : i32
          %dma_wait3A_364 = tpu.memref_slice %arg10[%run_scoped3A_331, %run_scoped3A_332, %dma_wait3A_363] : memref<2x8x7808xf32, #tpu.memory_space<vmem>> -> memref<1x1x640xf32, #tpu.memory_space<vmem>>
          %dma_wait3A_365 = tpu.memref_squeeze %dma_wait3A_364 : memref<1x1x640xf32, #tpu.memory_space<vmem>> -> memref<640xf32, #tpu.memory_space<vmem>>
          tpu.wait_dma2 semaphore(%run_scoped3A_349 : memref<!tpu.dma_semaphore, #tpu.memory_space<semaphore_mem>>) src(%dma_wait3A_365 : memref<640xf32, #tpu.memory_space<vmem>>) dst(%dma_wait3A_362 : memref<640xf32, #tpu.memory_space<hbm>>)
          tpu.yield
        }) : () -> ()
        %add3A_333 = arith.constant 6 : i32
        %add3A_334 = arith.addi %mul3A_32, %add3A_333 : i32
        %mul3A_335 = arith.constant 1000064 : i32
        %mul3A_336 = arith.muli %add3A_334, %mul3A_335 : i32
        %add3A_337 = arith.constant 999424 : i32
        %add3A_338 = arith.addi %mul3A_336, %add3A_337 : i32
        %run_scoped3A_339 = arith.constant 0 : i32
        %run_scoped3A_340 = arith.constant 6 : i32
        "tpu.region"() ({
          %run_scoped3A_349 = tpu.sem_alloc : memref<!tpu.dma_semaphore, #tpu.memory_space<semaphore_mem>>
          %dma_start3A_350 = arith.constant 0 : i32
          %dma_start3A_351 = tpu.memref_slice %arg10[%run_scoped3A_339, %run_scoped3A_340, %dma_start3A_350] : memref<2x8x7808xf32, #tpu.memory_space<vmem>> -> memref<1x1x640xf32, #tpu.memory_space<vmem>>
          %dma_start3A_352 = tpu.memref_squeeze %dma_start3A_351 : memref<1x1x640xf32, #tpu.memory_space<vmem>> -> memref<640xf32, #tpu.memory_space<vmem>>
          %dma_start3A_353 = tpu.memref_slice %arg7[%add3A_338] : memref<32002048xf32, #tpu.memory_space<hbm>> -> memref<640xf32, #tpu.memory_space<hbm>>
          %dma_start3A_354 = tpu.memref_slice %arg7[%add3A_338] : memref<32002048xf32, #tpu.memory_space<hbm>> -> memref<640xf32, #tpu.memory_space<hbm>>
          %dma_start3A_355 = arith.constant 0 : i32
          %dma_start3A_356 = tpu.memref_slice %arg10[%run_scoped3A_339, %run_scoped3A_340, %dma_start3A_355] : memref<2x8x7808xf32, #tpu.memory_space<vmem>> -> memref<1x1x640xf32, #tpu.memory_space<vmem>>
          %dma_start3A_357 = tpu.memref_squeeze %dma_start3A_356 : memref<1x1x640xf32, #tpu.memory_space<vmem>> -> memref<640xf32, #tpu.memory_space<vmem>>
          tpu.enqueue_dma source(%dma_start3A_357 : memref<640xf32, #tpu.memory_space<vmem>>) target(%dma_start3A_354 : memref<640xf32, #tpu.memory_space<hbm>>) target_semaphore(%run_scoped3A_349 : memref<!tpu.dma_semaphore, #tpu.memory_space<semaphore_mem>>)
          %dma_wait3A_358 = arith.constant 0 : i32
          %dma_wait3A_359 = tpu.memref_slice %arg10[%run_scoped3A_339, %run_scoped3A_340, %dma_wait3A_358] : memref<2x8x7808xf32, #tpu.memory_space<vmem>> -> memref<1x1x640xf32, #tpu.memory_space<vmem>>
          %dma_wait3A_360 = tpu.memref_squeeze %dma_wait3A_359 : memref<1x1x640xf32, #tpu.memory_space<vmem>> -> memref<640xf32, #tpu.memory_space<vmem>>
          %dma_wait3A_361 = tpu.memref_slice %arg7[%add3A_338] : memref<32002048xf32, #tpu.memory_space<hbm>> -> memref<640xf32, #tpu.memory_space<hbm>>
          %dma_wait3A_362 = tpu.memref_slice %arg7[%add3A_338] : memref<32002048xf32, #tpu.memory_space<hbm>> -> memref<640xf32, #tpu.memory_space<hbm>>
          %dma_wait3A_363 = arith.constant 0 : i32
          %dma_wait3A_364 = tpu.memref_slice %arg10[%run_scoped3A_339, %run_scoped3A_340, %dma_wait3A_363] : memref<2x8x7808xf32, #tpu.memory_space<vmem>> -> memref<1x1x640xf32, #tpu.memory_space<vmem>>
          %dma_wait3A_365 = tpu.memref_squeeze %dma_wait3A_364 : memref<1x1x640xf32, #tpu.memory_space<vmem>> -> memref<640xf32, #tpu.memory_space<vmem>>
          tpu.wait_dma2 semaphore(%run_scoped3A_349 : memref<!tpu.dma_semaphore, #tpu.memory_space<semaphore_mem>>) src(%dma_wait3A_365 : memref<640xf32, #tpu.memory_space<vmem>>) dst(%dma_wait3A_362 : memref<640xf32, #tpu.memory_space<hbm>>)
          tpu.yield
        }) : () -> ()
        %add3A_341 = arith.constant 7 : i32
        %add3A_342 = arith.addi %mul3A_32, %add3A_341 : i32
        %mul3A_343 = arith.constant 1000064 : i32
        %mul3A_344 = arith.muli %add3A_342, %mul3A_343 : i32
        %add3A_345 = arith.constant 999424 : i32
        %add3A_346 = arith.addi %mul3A_344, %add3A_345 : i32
        %run_scoped3A_347 = arith.constant 0 : i32
        %run_scoped3A_348 = arith.constant 7 : i32
        "tpu.region"() ({
          %run_scoped3A_349 = tpu.sem_alloc : memref<!tpu.dma_semaphore, #tpu.memory_space<semaphore_mem>>
          %dma_start3A_350 = arith.constant 0 : i32
          %dma_start3A_351 = tpu.memref_slice %arg10[%run_scoped3A_347, %run_scoped3A_348, %dma_start3A_350] : memref<2x8x7808xf32, #tpu.memory_space<vmem>> -> memref<1x1x640xf32, #tpu.memory_space<vmem>>
          %dma_start3A_352 = tpu.memref_squeeze %dma_start3A_351 : memref<1x1x640xf32, #tpu.memory_space<vmem>> -> memref<640xf32, #tpu.memory_space<vmem>>
          %dma_start3A_353 = tpu.memref_slice %arg7[%add3A_346] : memref<32002048xf32, #tpu.memory_space<hbm>> -> memref<640xf32, #tpu.memory_space<hbm>>
          %dma_start3A_354 = tpu.memref_slice %arg7[%add3A_346] : memref<32002048xf32, #tpu.memory_space<hbm>> -> memref<640xf32, #tpu.memory_space<hbm>>
          %dma_start3A_355 = arith.constant 0 : i32
          %dma_start3A_356 = tpu.memref_slice %arg10[%run_scoped3A_347, %run_scoped3A_348, %dma_start3A_355] : memref<2x8x7808xf32, #tpu.memory_space<vmem>> -> memref<1x1x640xf32, #tpu.memory_space<vmem>>
          %dma_start3A_357 = tpu.memref_squeeze %dma_start3A_356 : memref<1x1x640xf32, #tpu.memory_space<vmem>> -> memref<640xf32, #tpu.memory_space<vmem>>
          tpu.enqueue_dma source(%dma_start3A_357 : memref<640xf32, #tpu.memory_space<vmem>>) target(%dma_start3A_354 : memref<640xf32, #tpu.memory_space<hbm>>) target_semaphore(%run_scoped3A_349 : memref<!tpu.dma_semaphore, #tpu.memory_space<semaphore_mem>>)
          %dma_wait3A_358 = arith.constant 0 : i32
          %dma_wait3A_359 = tpu.memref_slice %arg10[%run_scoped3A_347, %run_scoped3A_348, %dma_wait3A_358] : memref<2x8x7808xf32, #tpu.memory_space<vmem>> -> memref<1x1x640xf32, #tpu.memory_space<vmem>>
          %dma_wait3A_360 = tpu.memref_squeeze %dma_wait3A_359 : memref<1x1x640xf32, #tpu.memory_space<vmem>> -> memref<640xf32, #tpu.memory_space<vmem>>
          %dma_wait3A_361 = tpu.memref_slice %arg7[%add3A_346] : memref<32002048xf32, #tpu.memory_space<hbm>> -> memref<640xf32, #tpu.memory_space<hbm>>
          %dma_wait3A_362 = tpu.memref_slice %arg7[%add3A_346] : memref<32002048xf32, #tpu.memory_space<hbm>> -> memref<640xf32, #tpu.memory_space<hbm>>
          %dma_wait3A_363 = arith.constant 0 : i32
          %dma_wait3A_364 = tpu.memref_slice %arg10[%run_scoped3A_347, %run_scoped3A_348, %dma_wait3A_363] : memref<2x8x7808xf32, #tpu.memory_space<vmem>> -> memref<1x1x640xf32, #tpu.memory_space<vmem>>
          %dma_wait3A_365 = tpu.memref_squeeze %dma_wait3A_364 : memref<1x1x640xf32, #tpu.memory_space<vmem>> -> memref<640xf32, #tpu.memory_space<vmem>>
          tpu.wait_dma2 semaphore(%run_scoped3A_349 : memref<!tpu.dma_semaphore, #tpu.memory_space<semaphore_mem>>) src(%dma_wait3A_365 : memref<640xf32, #tpu.memory_space<vmem>>) dst(%dma_wait3A_362 : memref<640xf32, #tpu.memory_space<hbm>>)
          tpu.yield
        }) : () -> ()
      } else {
      }
    } else {
    }
    %jit3A_107 = arith.constant 8 : i32
    %div3A_108 = arith.divsi %add3A, %jit3A_107 : i32
    %sign3A_109 = arith.constant 0 : i32
    %sign3A_110 = arith.cmpi sgt, %add3A, %sign3A_109 : i32
    %sign3A_111 = arith.extui %sign3A_110 : i1 to i32
    %sign3A_112 = arith.constant 0 : i32
    %sign3A_113 = arith.cmpi slt, %add3A, %sign3A_112 : i32
    %sign3A_114 = arith.extui %sign3A_113 : i1 to i32
    %sign3A_115 = arith.subi %sign3A_111, %sign3A_114 : i32
    %sign3A_116 = arith.constant 0 : i32
    %sign3A_117 = arith.cmpi sgt, %jit3A_107, %sign3A_116 : i32
    %sign3A_118 = arith.extui %sign3A_117 : i1 to i32
    %sign3A_119 = arith.constant 0 : i32
    %sign3A_120 = arith.cmpi slt, %jit3A_107, %sign3A_119 : i32
    %sign3A_121 = arith.extui %sign3A_120 : i1 to i32
    %sign3A_122 = arith.subi %sign3A_118, %sign3A_121 : i32
    %ne3A_123 = arith.cmpi ne, %sign3A_115, %sign3A_122 : i32
    %rem3A_124 = arith.remsi %add3A, %jit3A_107 : i32
    %ne3A_125 = arith.constant 0 : i32
    %ne3A_126 = arith.cmpi ne, %rem3A_124, %ne3A_125 : i32
    %and3A_127 = arith.andi %ne3A_123, %ne3A_126 : i1
    %sub3A_128 = arith.constant 1 : i32
    %sub3A_129 = arith.subi %div3A_108, %sub3A_128 : i32
    %select_n3A_130 = arith.select %and3A_127, %sub3A_129, %div3A_108 : i32
    %eq3A_131 = arith.constant 2 : i32
    %eq3A_132 = arith.cmpi eq, %select_n3A_130, %eq3A_131 : i32
    %convert_element_type3A_133 = arith.extui %eq3A_132 : i1 to i32
    %cond3A_134 = arith.constant 0 : i32
    %cond3A_135 = arith.cmpi ne, %convert_element_type3A_133, %cond3A_134 : i32
    scf.if %cond3A_135 {
      %mul3A_165 = arith.constant 7808 : i32
      %mul3A_166 = arith.muli %mul3A_50, %mul3A_165 : i32
      %dma_start3A = arith.constant 0 : i32
      %dma_start3A_167 = arith.constant 0 : i32
      %dma_start3A_168 = arith.constant 0 : i32
      %dma_start3A_169 = tpu.memref_slice %arg10[%dma_start3A, %dma_start3A_167, %dma_start3A_168] : memref<2x8x7808xf32, #tpu.memory_space<vmem>> -> memref<1x8x7808xf32, #tpu.memory_space<vmem>>
      %dma_start3A_170 = tpu.memref_squeeze %dma_start3A_169 : memref<1x8x7808xf32, #tpu.memory_space<vmem>> -> memref<8x7808xf32, #tpu.memory_space<vmem>>
      %dma_start3A_171 = tpu.memref_slice %arg4[%mul3A_32, %mul3A_166] : memref<32x1000000xf32, #tpu.memory_space<hbm>> -> memref<8x7808xf32, #tpu.memory_space<hbm>>
      %dma_start3A_172 = arith.constant 0 : i32
      %dma_start3A_173 = arith.constant 0 : i32
      %dma_start3A_174 = tpu.memref_slice %arg10[%dma_start3A, %dma_start3A_172, %dma_start3A_173] : memref<2x8x7808xf32, #tpu.memory_space<vmem>> -> memref<1x8x7808xf32, #tpu.memory_space<vmem>>
      %dma_start3A_175 = tpu.memref_squeeze %dma_start3A_174 : memref<1x8x7808xf32, #tpu.memory_space<vmem>> -> memref<8x7808xf32, #tpu.memory_space<vmem>>
      %dma_start3A_176 = tpu.memref_slice %arg4[%mul3A_32, %mul3A_166] : memref<32x1000000xf32, #tpu.memory_space<hbm>> -> memref<8x7808xf32, #tpu.memory_space<hbm>>
      tpu.enqueue_dma source(%dma_start3A_176 : memref<8x7808xf32, #tpu.memory_space<hbm>>) target(%dma_start3A_175 : memref<8x7808xf32, #tpu.memory_space<vmem>>) target_semaphore(%arg11 : memref<!tpu.dma_semaphore, #tpu.memory_space<semaphore_mem>>)
      %scan3A = arith.constant 0 : i32
      %scan3A_177 = arith.constant 64 : i32
      %scan3A_178 = arith.addi %scan3A, %scan3A_177 : i32
      %scan3A_179 = arith.constant 1 : i32
      scf.for %scan3A_281 = %scan3A to %scan3A_178 step %scan3A_179  : i32 {
        %mul3A_282 = arith.constant 1 : i32
        %mul3A_283 = arith.muli %scan3A_281, %mul3A_282 : i32
        %add3A_284 = arith.constant 0 : i32
        %add3A_285 = arith.addi %add3A_284, %mul3A_283 : i32
        %add3A_286 = arith.addi %mul3A_50, %add3A_285 : i32
        %jit3A_287 = arith.constant 2 : i32
        %eq3A_288 = arith.constant 0 : i32
        %eq3A_289 = arith.cmpi eq, %jit3A_287, %eq3A_288 : i32
        %jit3A_290 = arith.constant 1 : i32
        %select_n3A_291 = arith.select %eq3A_289, %jit3A_290, %jit3A_287 : i32
        %rem3A_292 = arith.remsi %add3A_285, %select_n3A_291 : i32
        %ne3A_293 = arith.constant 0 : i32
        %ne3A_294 = arith.cmpi ne, %rem3A_292, %ne3A_293 : i32
        %lt3A_295 = arith.constant 0 : i32
        %lt3A_296 = arith.cmpi slt, %rem3A_292, %lt3A_295 : i32
        %lt3A_297 = arith.constant 0 : i32
        %lt3A_298 = arith.cmpi slt, %select_n3A_291, %lt3A_297 : i32
        %ne3A_299 = arith.xori %lt3A_296, %lt3A_298 : i1
        %and3A_300 = arith.andi %ne3A_299, %ne3A_294 : i1
        %add3A_301 = arith.addi %rem3A_292, %select_n3A_291 : i32
        %select_n3A_302 = arith.select %and3A_300, %add3A_301, %rem3A_292 : i32
        %gt3A = arith.constant 0 : i32
        %gt3A_303 = arith.cmpi sgt, %add3A_285, %gt3A : i32
        %convert_element_type3A_304 = arith.extui %gt3A_303 : i1 to i32
        %cond3A_305 = arith.constant 0 : i32
        %cond3A_306 = arith.cmpi ne, %convert_element_type3A_304, %cond3A_305 : i32
        scf.if %cond3A_306 {
          %dma_wait3A_455 = arith.constant 0 : i32
          %dma_wait3A_456 = arith.constant 0 : i32
          %dma_wait3A_457 = arith.constant 0 : i32
          %dma_wait3A_458 = tpu.memref_slice %arg10[%dma_wait3A_455, %dma_wait3A_456, %dma_wait3A_457] : memref<2x8x7808xf32, #tpu.memory_space<vmem>> -> memref<1x1x7808xf32, #tpu.memory_space<vmem>>
          %dma_wait3A_459 = tpu.memref_squeeze %dma_wait3A_458 : memref<1x1x7808xf32, #tpu.memory_space<vmem>> -> memref<7808xf32, #tpu.memory_space<vmem>>
          %dma_wait3A_460 = arith.constant 0 : i32
          %dma_wait3A_461 = tpu.memref_slice %arg8[%dma_wait3A_460] : memref<32002048xf32, #tpu.memory_space<hbm>> -> memref<7808xf32, #tpu.memory_space<hbm>>
          %dma_wait3A_462 = arith.constant 0 : i32
          %dma_wait3A_463 = tpu.memref_slice %arg8[%dma_wait3A_462] : memref<32002048xf32, #tpu.memory_space<hbm>> -> memref<7808xf32, #tpu.memory_space<hbm>>
          %dma_wait3A_464 = arith.constant 0 : i32
          %dma_wait3A_465 = tpu.memref_slice %arg10[%dma_wait3A_455, %dma_wait3A_456, %dma_wait3A_464] : memref<2x8x7808xf32, #tpu.memory_space<vmem>> -> memref<1x1x7808xf32, #tpu.memory_space<vmem>>
          %dma_wait3A_466 = tpu.memref_squeeze %dma_wait3A_465 : memref<1x1x7808xf32, #tpu.memory_space<vmem>> -> memref<7808xf32, #tpu.memory_space<vmem>>
          tpu.wait_dma2 semaphore(%arg12 : memref<!tpu.dma_semaphore, #tpu.memory_space<semaphore_mem>>) src(%dma_wait3A_466 : memref<7808xf32, #tpu.memory_space<vmem>>) dst(%dma_wait3A_463 : memref<7808xf32, #tpu.memory_space<hbm>>)
          %dma_wait3A_467 = arith.constant 0 : i32
          %dma_wait3A_468 = arith.constant 1 : i32
          %dma_wait3A_469 = arith.constant 0 : i32
          %dma_wait3A_470 = tpu.memref_slice %arg10[%dma_wait3A_467, %dma_wait3A_468, %dma_wait3A_469] : memref<2x8x7808xf32, #tpu.memory_space<vmem>> -> memref<1x1x7808xf32, #tpu.memory_space<vmem>>
          %dma_wait3A_471 = tpu.memref_squeeze %dma_wait3A_470 : memref<1x1x7808xf32, #tpu.memory_space<vmem>> -> memref<7808xf32, #tpu.memory_space<vmem>>
          %dma_wait3A_472 = arith.constant 0 : i32
          %dma_wait3A_473 = tpu.memref_slice %arg8[%dma_wait3A_472] : memref<32002048xf32, #tpu.memory_space<hbm>> -> memref<7808xf32, #tpu.memory_space<hbm>>
          %dma_wait3A_474 = arith.constant 0 : i32
          %dma_wait3A_475 = tpu.memref_slice %arg8[%dma_wait3A_474] : memref<32002048xf32, #tpu.memory_space<hbm>> -> memref<7808xf32, #tpu.memory_space<hbm>>
          %dma_wait3A_476 = arith.constant 0 : i32
          %dma_wait3A_477 = tpu.memref_slice %arg10[%dma_wait3A_467, %dma_wait3A_468, %dma_wait3A_476] : memref<2x8x7808xf32, #tpu.memory_space<vmem>> -> memref<1x1x7808xf32, #tpu.memory_space<vmem>>
          %dma_wait3A_478 = tpu.memref_squeeze %dma_wait3A_477 : memref<1x1x7808xf32, #tpu.memory_space<vmem>> -> memref<7808xf32, #tpu.memory_space<vmem>>
          tpu.wait_dma2 semaphore(%arg12 : memref<!tpu.dma_semaphore, #tpu.memory_space<semaphore_mem>>) src(%dma_wait3A_478 : memref<7808xf32, #tpu.memory_space<vmem>>) dst(%dma_wait3A_475 : memref<7808xf32, #tpu.memory_space<hbm>>)
          %dma_wait3A_479 = arith.constant 0 : i32
          %dma_wait3A_480 = arith.constant 2 : i32
          %dma_wait3A_481 = arith.constant 0 : i32
          %dma_wait3A_482 = tpu.memref_slice %arg10[%dma_wait3A_479, %dma_wait3A_480, %dma_wait3A_481] : memref<2x8x7808xf32, #tpu.memory_space<vmem>> -> memref<1x1x7808xf32, #tpu.memory_space<vmem>>
          %dma_wait3A_483 = tpu.memref_squeeze %dma_wait3A_482 : memref<1x1x7808xf32, #tpu.memory_space<vmem>> -> memref<7808xf32, #tpu.memory_space<vmem>>
          %dma_wait3A_484 = arith.constant 0 : i32
          %dma_wait3A_485 = tpu.memref_slice %arg8[%dma_wait3A_484] : memref<32002048xf32, #tpu.memory_space<hbm>> -> memref<7808xf32, #tpu.memory_space<hbm>>
          %dma_wait3A_486 = arith.constant 0 : i32
          %dma_wait3A_487 = tpu.memref_slice %arg8[%dma_wait3A_486] : memref<32002048xf32, #tpu.memory_space<hbm>> -> memref<7808xf32, #tpu.memory_space<hbm>>
          %dma_wait3A_488 = arith.constant 0 : i32
          %dma_wait3A_489 = tpu.memref_slice %arg10[%dma_wait3A_479, %dma_wait3A_480, %dma_wait3A_488] : memref<2x8x7808xf32, #tpu.memory_space<vmem>> -> memref<1x1x7808xf32, #tpu.memory_space<vmem>>
          %dma_wait3A_490 = tpu.memref_squeeze %dma_wait3A_489 : memref<1x1x7808xf32, #tpu.memory_space<vmem>> -> memref<7808xf32, #tpu.memory_space<vmem>>
          tpu.wait_dma2 semaphore(%arg12 : memref<!tpu.dma_semaphore, #tpu.memory_space<semaphore_mem>>) src(%dma_wait3A_490 : memref<7808xf32, #tpu.memory_space<vmem>>) dst(%dma_wait3A_487 : memref<7808xf32, #tpu.memory_space<hbm>>)
          %dma_wait3A_491 = arith.constant 0 : i32
          %dma_wait3A_492 = arith.constant 3 : i32
          %dma_wait3A_493 = arith.constant 0 : i32
          %dma_wait3A_494 = tpu.memref_slice %arg10[%dma_wait3A_491, %dma_wait3A_492, %dma_wait3A_493] : memref<2x8x7808xf32, #tpu.memory_space<vmem>> -> memref<1x1x7808xf32, #tpu.memory_space<vmem>>
          %dma_wait3A_495 = tpu.memref_squeeze %dma_wait3A_494 : memref<1x1x7808xf32, #tpu.memory_space<vmem>> -> memref<7808xf32, #tpu.memory_space<vmem>>
          %dma_wait3A_496 = arith.constant 0 : i32
          %dma_wait3A_497 = tpu.memref_slice %arg8[%dma_wait3A_496] : memref<32002048xf32, #tpu.memory_space<hbm>> -> memref<7808xf32, #tpu.memory_space<hbm>>
          %dma_wait3A_498 = arith.constant 0 : i32
          %dma_wait3A_499 = tpu.memref_slice %arg8[%dma_wait3A_498] : memref<32002048xf32, #tpu.memory_space<hbm>> -> memref<7808xf32, #tpu.memory_space<hbm>>
          %dma_wait3A_500 = arith.constant 0 : i32
          %dma_wait3A_501 = tpu.memref_slice %arg10[%dma_wait3A_491, %dma_wait3A_492, %dma_wait3A_500] : memref<2x8x7808xf32, #tpu.memory_space<vmem>> -> memref<1x1x7808xf32, #tpu.memory_space<vmem>>
          %dma_wait3A_502 = tpu.memref_squeeze %dma_wait3A_501 : memref<1x1x7808xf32, #tpu.memory_space<vmem>> -> memref<7808xf32, #tpu.memory_space<vmem>>
          tpu.wait_dma2 semaphore(%arg12 : memref<!tpu.dma_semaphore, #tpu.memory_space<semaphore_mem>>) src(%dma_wait3A_502 : memref<7808xf32, #tpu.memory_space<vmem>>) dst(%dma_wait3A_499 : memref<7808xf32, #tpu.memory_space<hbm>>)
          %dma_wait3A_503 = arith.constant 0 : i32
          %dma_wait3A_504 = arith.constant 4 : i32
          %dma_wait3A_505 = arith.constant 0 : i32
          %dma_wait3A_506 = tpu.memref_slice %arg10[%dma_wait3A_503, %dma_wait3A_504, %dma_wait3A_505] : memref<2x8x7808xf32, #tpu.memory_space<vmem>> -> memref<1x1x7808xf32, #tpu.memory_space<vmem>>
          %dma_wait3A_507 = tpu.memref_squeeze %dma_wait3A_506 : memref<1x1x7808xf32, #tpu.memory_space<vmem>> -> memref<7808xf32, #tpu.memory_space<vmem>>
          %dma_wait3A_508 = arith.constant 0 : i32
          %dma_wait3A_509 = tpu.memref_slice %arg8[%dma_wait3A_508] : memref<32002048xf32, #tpu.memory_space<hbm>> -> memref<7808xf32, #tpu.memory_space<hbm>>
          %dma_wait3A_510 = arith.constant 0 : i32
          %dma_wait3A_511 = tpu.memref_slice %arg8[%dma_wait3A_510] : memref<32002048xf32, #tpu.memory_space<hbm>> -> memref<7808xf32, #tpu.memory_space<hbm>>
          %dma_wait3A_512 = arith.constant 0 : i32
          %dma_wait3A_513 = tpu.memref_slice %arg10[%dma_wait3A_503, %dma_wait3A_504, %dma_wait3A_512] : memref<2x8x7808xf32, #tpu.memory_space<vmem>> -> memref<1x1x7808xf32, #tpu.memory_space<vmem>>
          %dma_wait3A_514 = tpu.memref_squeeze %dma_wait3A_513 : memref<1x1x7808xf32, #tpu.memory_space<vmem>> -> memref<7808xf32, #tpu.memory_space<vmem>>
          tpu.wait_dma2 semaphore(%arg12 : memref<!tpu.dma_semaphore, #tpu.memory_space<semaphore_mem>>) src(%dma_wait3A_514 : memref<7808xf32, #tpu.memory_space<vmem>>) dst(%dma_wait3A_511 : memref<7808xf32, #tpu.memory_space<hbm>>)
          %dma_wait3A_515 = arith.constant 0 : i32
          %dma_wait3A_516 = arith.constant 5 : i32
          %dma_wait3A_517 = arith.constant 0 : i32
          %dma_wait3A_518 = tpu.memref_slice %arg10[%dma_wait3A_515, %dma_wait3A_516, %dma_wait3A_517] : memref<2x8x7808xf32, #tpu.memory_space<vmem>> -> memref<1x1x7808xf32, #tpu.memory_space<vmem>>
          %dma_wait3A_519 = tpu.memref_squeeze %dma_wait3A_518 : memref<1x1x7808xf32, #tpu.memory_space<vmem>> -> memref<7808xf32, #tpu.memory_space<vmem>>
          %dma_wait3A_520 = arith.constant 0 : i32
          %dma_wait3A_521 = tpu.memref_slice %arg8[%dma_wait3A_520] : memref<32002048xf32, #tpu.memory_space<hbm>> -> memref<7808xf32, #tpu.memory_space<hbm>>
          %dma_wait3A_522 = arith.constant 0 : i32
          %dma_wait3A_523 = tpu.memref_slice %arg8[%dma_wait3A_522] : memref<32002048xf32, #tpu.memory_space<hbm>> -> memref<7808xf32, #tpu.memory_space<hbm>>
          %dma_wait3A_524 = arith.constant 0 : i32
          %dma_wait3A_525 = tpu.memref_slice %arg10[%dma_wait3A_515, %dma_wait3A_516, %dma_wait3A_524] : memref<2x8x7808xf32, #tpu.memory_space<vmem>> -> memref<1x1x7808xf32, #tpu.memory_space<vmem>>
          %dma_wait3A_526 = tpu.memref_squeeze %dma_wait3A_525 : memref<1x1x7808xf32, #tpu.memory_space<vmem>> -> memref<7808xf32, #tpu.memory_space<vmem>>
          tpu.wait_dma2 semaphore(%arg12 : memref<!tpu.dma_semaphore, #tpu.memory_space<semaphore_mem>>) src(%dma_wait3A_526 : memref<7808xf32, #tpu.memory_space<vmem>>) dst(%dma_wait3A_523 : memref<7808xf32, #tpu.memory_space<hbm>>)
          %dma_wait3A_527 = arith.constant 0 : i32
          %dma_wait3A_528 = arith.constant 6 : i32
          %dma_wait3A_529 = arith.constant 0 : i32
          %dma_wait3A_530 = tpu.memref_slice %arg10[%dma_wait3A_527, %dma_wait3A_528, %dma_wait3A_529] : memref<2x8x7808xf32, #tpu.memory_space<vmem>> -> memref<1x1x7808xf32, #tpu.memory_space<vmem>>
          %dma_wait3A_531 = tpu.memref_squeeze %dma_wait3A_530 : memref<1x1x7808xf32, #tpu.memory_space<vmem>> -> memref<7808xf32, #tpu.memory_space<vmem>>
          %dma_wait3A_532 = arith.constant 0 : i32
          %dma_wait3A_533 = tpu.memref_slice %arg8[%dma_wait3A_532] : memref<32002048xf32, #tpu.memory_space<hbm>> -> memref<7808xf32, #tpu.memory_space<hbm>>
          %dma_wait3A_534 = arith.constant 0 : i32
          %dma_wait3A_535 = tpu.memref_slice %arg8[%dma_wait3A_534] : memref<32002048xf32, #tpu.memory_space<hbm>> -> memref<7808xf32, #tpu.memory_space<hbm>>
          %dma_wait3A_536 = arith.constant 0 : i32
          %dma_wait3A_537 = tpu.memref_slice %arg10[%dma_wait3A_527, %dma_wait3A_528, %dma_wait3A_536] : memref<2x8x7808xf32, #tpu.memory_space<vmem>> -> memref<1x1x7808xf32, #tpu.memory_space<vmem>>
          %dma_wait3A_538 = tpu.memref_squeeze %dma_wait3A_537 : memref<1x1x7808xf32, #tpu.memory_space<vmem>> -> memref<7808xf32, #tpu.memory_space<vmem>>
          tpu.wait_dma2 semaphore(%arg12 : memref<!tpu.dma_semaphore, #tpu.memory_space<semaphore_mem>>) src(%dma_wait3A_538 : memref<7808xf32, #tpu.memory_space<vmem>>) dst(%dma_wait3A_535 : memref<7808xf32, #tpu.memory_space<hbm>>)
          %dma_wait3A_539 = arith.constant 0 : i32
          %dma_wait3A_540 = arith.constant 7 : i32
          %dma_wait3A_541 = arith.constant 0 : i32
          %dma_wait3A_542 = tpu.memref_slice %arg10[%dma_wait3A_539, %dma_wait3A_540, %dma_wait3A_541] : memref<2x8x7808xf32, #tpu.memory_space<vmem>> -> memref<1x1x7808xf32, #tpu.memory_space<vmem>>
          %dma_wait3A_543 = tpu.memref_squeeze %dma_wait3A_542 : memref<1x1x7808xf32, #tpu.memory_space<vmem>> -> memref<7808xf32, #tpu.memory_space<vmem>>
          %dma_wait3A_544 = arith.constant 0 : i32
          %dma_wait3A_545 = tpu.memref_slice %arg8[%dma_wait3A_544] : memref<32002048xf32, #tpu.memory_space<hbm>> -> memref<7808xf32, #tpu.memory_space<hbm>>
          %dma_wait3A_546 = arith.constant 0 : i32
          %dma_wait3A_547 = tpu.memref_slice %arg8[%dma_wait3A_546] : memref<32002048xf32, #tpu.memory_space<hbm>> -> memref<7808xf32, #tpu.memory_space<hbm>>
          %dma_wait3A_548 = arith.constant 0 : i32
          %dma_wait3A_549 = tpu.memref_slice %arg10[%dma_wait3A_539, %dma_wait3A_540, %dma_wait3A_548] : memref<2x8x7808xf32, #tpu.memory_space<vmem>> -> memref<1x1x7808xf32, #tpu.memory_space<vmem>>
          %dma_wait3A_550 = tpu.memref_squeeze %dma_wait3A_549 : memref<1x1x7808xf32, #tpu.memory_space<vmem>> -> memref<7808xf32, #tpu.memory_space<vmem>>
          tpu.wait_dma2 semaphore(%arg12 : memref<!tpu.dma_semaphore, #tpu.memory_space<semaphore_mem>>) src(%dma_wait3A_550 : memref<7808xf32, #tpu.memory_space<vmem>>) dst(%dma_wait3A_547 : memref<7808xf32, #tpu.memory_space<hbm>>)
        } else {
        }
        %lt3A_307 = arith.constant 63 : i32
        %lt3A_308 = arith.cmpi slt, %add3A_285, %lt3A_307 : i32
        %convert_element_type3A_309 = arith.extui %lt3A_308 : i1 to i32
        %cond3A_310 = arith.constant 0 : i32
        %cond3A_311 = arith.cmpi ne, %convert_element_type3A_309, %cond3A_310 : i32
        scf.if %cond3A_311 {
          %add3A_455 = arith.constant 1 : i32
          %add3A_456 = arith.addi %add3A_286, %add3A_455 : i32
          %add3A_457 = arith.constant 1 : i32
          %add3A_458 = arith.addi %add3A_285, %add3A_457 : i32
          %jit3A_459 = arith.constant 2 : i32
          %eq3A_460 = arith.constant 0 : i32
          %eq3A_461 = arith.cmpi eq, %jit3A_459, %eq3A_460 : i32
          %jit3A_462 = arith.constant 1 : i32
          %select_n3A_463 = arith.select %eq3A_461, %jit3A_462, %jit3A_459 : i32
          %rem3A_464 = arith.remsi %add3A_458, %select_n3A_463 : i32
          %ne3A_465 = arith.constant 0 : i32
          %ne3A_466 = arith.cmpi ne, %rem3A_464, %ne3A_465 : i32
          %lt3A_467 = arith.constant 0 : i32
          %lt3A_468 = arith.cmpi slt, %rem3A_464, %lt3A_467 : i32
          %lt3A_469 = arith.constant 0 : i32
          %lt3A_470 = arith.cmpi slt, %select_n3A_463, %lt3A_469 : i32
          %ne3A_471 = arith.xori %lt3A_468, %lt3A_470 : i1
          %and3A_472 = arith.andi %ne3A_471, %ne3A_466 : i1
          %add3A_473 = arith.addi %rem3A_464, %select_n3A_463 : i32
          %select_n3A_474 = arith.select %and3A_472, %add3A_473, %rem3A_464 : i32
          %mul3A_475 = arith.constant 7808 : i32
          %mul3A_476 = arith.muli %add3A_456, %mul3A_475 : i32
          %dma_start3A_477 = arith.constant 0 : i32
          %dma_start3A_478 = arith.constant 0 : i32
          %dma_start3A_479 = tpu.memref_slice %arg10[%select_n3A_474, %dma_start3A_477, %dma_start3A_478] : memref<2x8x7808xf32, #tpu.memory_space<vmem>> -> memref<1x8x7808xf32, #tpu.memory_space<vmem>>
          %dma_start3A_480 = tpu.memref_squeeze %dma_start3A_479 : memref<1x8x7808xf32, #tpu.memory_space<vmem>> -> memref<8x7808xf32, #tpu.memory_space<vmem>>
          %dma_start3A_481 = tpu.memref_slice %arg4[%mul3A_32, %mul3A_476] : memref<32x1000000xf32, #tpu.memory_space<hbm>> -> memref<8x7808xf32, #tpu.memory_space<hbm>>
          %dma_start3A_482 = arith.constant 0 : i32
          %dma_start3A_483 = arith.constant 0 : i32
          %dma_start3A_484 = tpu.memref_slice %arg10[%select_n3A_474, %dma_start3A_482, %dma_start3A_483] : memref<2x8x7808xf32, #tpu.memory_space<vmem>> -> memref<1x8x7808xf32, #tpu.memory_space<vmem>>
          %dma_start3A_485 = tpu.memref_squeeze %dma_start3A_484 : memref<1x8x7808xf32, #tpu.memory_space<vmem>> -> memref<8x7808xf32, #tpu.memory_space<vmem>>
          %dma_start3A_486 = tpu.memref_slice %arg4[%mul3A_32, %mul3A_476] : memref<32x1000000xf32, #tpu.memory_space<hbm>> -> memref<8x7808xf32, #tpu.memory_space<hbm>>
          tpu.enqueue_dma source(%dma_start3A_486 : memref<8x7808xf32, #tpu.memory_space<hbm>>) target(%dma_start3A_485 : memref<8x7808xf32, #tpu.memory_space<vmem>>) target_semaphore(%arg11 : memref<!tpu.dma_semaphore, #tpu.memory_space<semaphore_mem>>)
        } else {
        }
        %dma_wait3A_312 = arith.constant 0 : i32
        %dma_wait3A_313 = arith.constant 0 : i32
        %dma_wait3A_314 = arith.constant 0 : i32
        %dma_wait3A_315 = tpu.memref_slice %arg10[%dma_wait3A_312, %dma_wait3A_313, %dma_wait3A_314] : memref<2x8x7808xf32, #tpu.memory_space<vmem>> -> memref<1x8x7808xf32, #tpu.memory_space<vmem>>
        %dma_wait3A_316 = tpu.memref_squeeze %dma_wait3A_315 : memref<1x8x7808xf32, #tpu.memory_space<vmem>> -> memref<8x7808xf32, #tpu.memory_space<vmem>>
        %dma_wait3A_317 = arith.constant 0 : i32
        %dma_wait3A_318 = arith.constant 0 : i32
        %dma_wait3A_319 = tpu.memref_slice %arg4[%dma_wait3A_317, %dma_wait3A_318] : memref<32x1000000xf32, #tpu.memory_space<hbm>> -> memref<8x7808xf32, #tpu.memory_space<hbm>>
        %dma_wait3A_320 = arith.constant 0 : i32
        %dma_wait3A_321 = arith.constant 0 : i32
        %dma_wait3A_322 = tpu.memref_slice %arg10[%dma_wait3A_312, %dma_wait3A_320, %dma_wait3A_321] : memref<2x8x7808xf32, #tpu.memory_space<vmem>> -> memref<1x8x7808xf32, #tpu.memory_space<vmem>>
        %dma_wait3A_323 = tpu.memref_squeeze %dma_wait3A_322 : memref<1x8x7808xf32, #tpu.memory_space<vmem>> -> memref<8x7808xf32, #tpu.memory_space<vmem>>
        %dma_wait3A_324 = arith.constant 0 : i32
        %dma_wait3A_325 = arith.constant 0 : i32
        %dma_wait3A_326 = tpu.memref_slice %arg4[%dma_wait3A_324, %dma_wait3A_325] : memref<32x1000000xf32, #tpu.memory_space<hbm>> -> memref<8x7808xf32, #tpu.memory_space<hbm>>
        tpu.wait_dma2 semaphore(%arg11 : memref<!tpu.dma_semaphore, #tpu.memory_space<semaphore_mem>>) src(%dma_wait3A_326 : memref<8x7808xf32, #tpu.memory_space<hbm>>) dst(%dma_wait3A_323 : memref<8x7808xf32, #tpu.memory_space<vmem>>)
        %add3A_327 = arith.constant 0 : i32
        %add3A_328 = arith.addi %mul3A_32, %add3A_327 : i32
        %mul3A_329 = arith.constant 1000064 : i32
        %mul3A_330 = arith.muli %add3A_328, %mul3A_329 : i32
        %mul3A_331 = arith.constant 7808 : i32
        %mul3A_332 = arith.muli %add3A_286, %mul3A_331 : i32
        %add3A_333 = arith.addi %mul3A_330, %mul3A_332 : i32
        %dma_start3A_334 = arith.constant 0 : i32
        %dma_start3A_335 = arith.constant 0 : i32
        %dma_start3A_336 = tpu.memref_slice %arg10[%select_n3A_302, %dma_start3A_334, %dma_start3A_335] : memref<2x8x7808xf32, #tpu.memory_space<vmem>> -> memref<1x1x7808xf32, #tpu.memory_space<vmem>>
        %dma_start3A_337 = tpu.memref_squeeze %dma_start3A_336 : memref<1x1x7808xf32, #tpu.memory_space<vmem>> -> memref<7808xf32, #tpu.memory_space<vmem>>
        %dma_start3A_338 = tpu.memref_slice %arg8[%add3A_333] : memref<32002048xf32, #tpu.memory_space<hbm>> -> memref<7808xf32, #tpu.memory_space<hbm>>
        %dma_start3A_339 = tpu.memref_slice %arg8[%add3A_333] : memref<32002048xf32, #tpu.memory_space<hbm>> -> memref<7808xf32, #tpu.memory_space<hbm>>
        %dma_start3A_340 = arith.constant 0 : i32
        %dma_start3A_341 = tpu.memref_slice %arg10[%select_n3A_302, %dma_start3A_334, %dma_start3A_340] : memref<2x8x7808xf32, #tpu.memory_space<vmem>> -> memref<1x1x7808xf32, #tpu.memory_space<vmem>>
        %dma_start3A_342 = tpu.memref_squeeze %dma_start3A_341 : memref<1x1x7808xf32, #tpu.memory_space<vmem>> -> memref<7808xf32, #tpu.memory_space<vmem>>
        tpu.enqueue_dma source(%dma_start3A_342 : memref<7808xf32, #tpu.memory_space<vmem>>) target(%dma_start3A_339 : memref<7808xf32, #tpu.memory_space<hbm>>) target_semaphore(%arg12 : memref<!tpu.dma_semaphore, #tpu.memory_space<semaphore_mem>>)
        %add3A_343 = arith.constant 1 : i32
        %add3A_344 = arith.addi %mul3A_32, %add3A_343 : i32
        %mul3A_345 = arith.constant 1000064 : i32
        %mul3A_346 = arith.muli %add3A_344, %mul3A_345 : i32
        %mul3A_347 = arith.constant 7808 : i32
        %mul3A_348 = arith.muli %add3A_286, %mul3A_347 : i32
        %add3A_349 = arith.addi %mul3A_346, %mul3A_348 : i32
        %dma_start3A_350 = arith.constant 1 : i32
        %dma_start3A_351 = arith.constant 0 : i32
        %dma_start3A_352 = tpu.memref_slice %arg10[%select_n3A_302, %dma_start3A_350, %dma_start3A_351] : memref<2x8x7808xf32, #tpu.memory_space<vmem>> -> memref<1x1x7808xf32, #tpu.memory_space<vmem>>
        %dma_start3A_353 = tpu.memref_squeeze %dma_start3A_352 : memref<1x1x7808xf32, #tpu.memory_space<vmem>> -> memref<7808xf32, #tpu.memory_space<vmem>>
        %dma_start3A_354 = tpu.memref_slice %arg8[%add3A_349] : memref<32002048xf32, #tpu.memory_space<hbm>> -> memref<7808xf32, #tpu.memory_space<hbm>>
        %dma_start3A_355 = tpu.memref_slice %arg8[%add3A_349] : memref<32002048xf32, #tpu.memory_space<hbm>> -> memref<7808xf32, #tpu.memory_space<hbm>>
        %dma_start3A_356 = arith.constant 0 : i32
        %dma_start3A_357 = tpu.memref_slice %arg10[%select_n3A_302, %dma_start3A_350, %dma_start3A_356] : memref<2x8x7808xf32, #tpu.memory_space<vmem>> -> memref<1x1x7808xf32, #tpu.memory_space<vmem>>
        %dma_start3A_358 = tpu.memref_squeeze %dma_start3A_357 : memref<1x1x7808xf32, #tpu.memory_space<vmem>> -> memref<7808xf32, #tpu.memory_space<vmem>>
        tpu.enqueue_dma source(%dma_start3A_358 : memref<7808xf32, #tpu.memory_space<vmem>>) target(%dma_start3A_355 : memref<7808xf32, #tpu.memory_space<hbm>>) target_semaphore(%arg12 : memref<!tpu.dma_semaphore, #tpu.memory_space<semaphore_mem>>)
        %add3A_359 = arith.constant 2 : i32
        %add3A_360 = arith.addi %mul3A_32, %add3A_359 : i32
        %mul3A_361 = arith.constant 1000064 : i32
        %mul3A_362 = arith.muli %add3A_360, %mul3A_361 : i32
        %mul3A_363 = arith.constant 7808 : i32
        %mul3A_364 = arith.muli %add3A_286, %mul3A_363 : i32
        %add3A_365 = arith.addi %mul3A_362, %mul3A_364 : i32
        %dma_start3A_366 = arith.constant 2 : i32
        %dma_start3A_367 = arith.constant 0 : i32
        %dma_start3A_368 = tpu.memref_slice %arg10[%select_n3A_302, %dma_start3A_366, %dma_start3A_367] : memref<2x8x7808xf32, #tpu.memory_space<vmem>> -> memref<1x1x7808xf32, #tpu.memory_space<vmem>>
        %dma_start3A_369 = tpu.memref_squeeze %dma_start3A_368 : memref<1x1x7808xf32, #tpu.memory_space<vmem>> -> memref<7808xf32, #tpu.memory_space<vmem>>
        %dma_start3A_370 = tpu.memref_slice %arg8[%add3A_365] : memref<32002048xf32, #tpu.memory_space<hbm>> -> memref<7808xf32, #tpu.memory_space<hbm>>
        %dma_start3A_371 = tpu.memref_slice %arg8[%add3A_365] : memref<32002048xf32, #tpu.memory_space<hbm>> -> memref<7808xf32, #tpu.memory_space<hbm>>
        %dma_start3A_372 = arith.constant 0 : i32
        %dma_start3A_373 = tpu.memref_slice %arg10[%select_n3A_302, %dma_start3A_366, %dma_start3A_372] : memref<2x8x7808xf32, #tpu.memory_space<vmem>> -> memref<1x1x7808xf32, #tpu.memory_space<vmem>>
        %dma_start3A_374 = tpu.memref_squeeze %dma_start3A_373 : memref<1x1x7808xf32, #tpu.memory_space<vmem>> -> memref<7808xf32, #tpu.memory_space<vmem>>
        tpu.enqueue_dma source(%dma_start3A_374 : memref<7808xf32, #tpu.memory_space<vmem>>) target(%dma_start3A_371 : memref<7808xf32, #tpu.memory_space<hbm>>) target_semaphore(%arg12 : memref<!tpu.dma_semaphore, #tpu.memory_space<semaphore_mem>>)
        %add3A_375 = arith.constant 3 : i32
        %add3A_376 = arith.addi %mul3A_32, %add3A_375 : i32
        %mul3A_377 = arith.constant 1000064 : i32
        %mul3A_378 = arith.muli %add3A_376, %mul3A_377 : i32
        %mul3A_379 = arith.constant 7808 : i32
        %mul3A_380 = arith.muli %add3A_286, %mul3A_379 : i32
        %add3A_381 = arith.addi %mul3A_378, %mul3A_380 : i32
        %dma_start3A_382 = arith.constant 3 : i32
        %dma_start3A_383 = arith.constant 0 : i32
        %dma_start3A_384 = tpu.memref_slice %arg10[%select_n3A_302, %dma_start3A_382, %dma_start3A_383] : memref<2x8x7808xf32, #tpu.memory_space<vmem>> -> memref<1x1x7808xf32, #tpu.memory_space<vmem>>
        %dma_start3A_385 = tpu.memref_squeeze %dma_start3A_384 : memref<1x1x7808xf32, #tpu.memory_space<vmem>> -> memref<7808xf32, #tpu.memory_space<vmem>>
        %dma_start3A_386 = tpu.memref_slice %arg8[%add3A_381] : memref<32002048xf32, #tpu.memory_space<hbm>> -> memref<7808xf32, #tpu.memory_space<hbm>>
        %dma_start3A_387 = tpu.memref_slice %arg8[%add3A_381] : memref<32002048xf32, #tpu.memory_space<hbm>> -> memref<7808xf32, #tpu.memory_space<hbm>>
        %dma_start3A_388 = arith.constant 0 : i32
        %dma_start3A_389 = tpu.memref_slice %arg10[%select_n3A_302, %dma_start3A_382, %dma_start3A_388] : memref<2x8x7808xf32, #tpu.memory_space<vmem>> -> memref<1x1x7808xf32, #tpu.memory_space<vmem>>
        %dma_start3A_390 = tpu.memref_squeeze %dma_start3A_389 : memref<1x1x7808xf32, #tpu.memory_space<vmem>> -> memref<7808xf32, #tpu.memory_space<vmem>>
        tpu.enqueue_dma source(%dma_start3A_390 : memref<7808xf32, #tpu.memory_space<vmem>>) target(%dma_start3A_387 : memref<7808xf32, #tpu.memory_space<hbm>>) target_semaphore(%arg12 : memref<!tpu.dma_semaphore, #tpu.memory_space<semaphore_mem>>)
        %add3A_391 = arith.constant 4 : i32
        %add3A_392 = arith.addi %mul3A_32, %add3A_391 : i32
        %mul3A_393 = arith.constant 1000064 : i32
        %mul3A_394 = arith.muli %add3A_392, %mul3A_393 : i32
        %mul3A_395 = arith.constant 7808 : i32
        %mul3A_396 = arith.muli %add3A_286, %mul3A_395 : i32
        %add3A_397 = arith.addi %mul3A_394, %mul3A_396 : i32
        %dma_start3A_398 = arith.constant 4 : i32
        %dma_start3A_399 = arith.constant 0 : i32
        %dma_start3A_400 = tpu.memref_slice %arg10[%select_n3A_302, %dma_start3A_398, %dma_start3A_399] : memref<2x8x7808xf32, #tpu.memory_space<vmem>> -> memref<1x1x7808xf32, #tpu.memory_space<vmem>>
        %dma_start3A_401 = tpu.memref_squeeze %dma_start3A_400 : memref<1x1x7808xf32, #tpu.memory_space<vmem>> -> memref<7808xf32, #tpu.memory_space<vmem>>
        %dma_start3A_402 = tpu.memref_slice %arg8[%add3A_397] : memref<32002048xf32, #tpu.memory_space<hbm>> -> memref<7808xf32, #tpu.memory_space<hbm>>
        %dma_start3A_403 = tpu.memref_slice %arg8[%add3A_397] : memref<32002048xf32, #tpu.memory_space<hbm>> -> memref<7808xf32, #tpu.memory_space<hbm>>
        %dma_start3A_404 = arith.constant 0 : i32
        %dma_start3A_405 = tpu.memref_slice %arg10[%select_n3A_302, %dma_start3A_398, %dma_start3A_404] : memref<2x8x7808xf32, #tpu.memory_space<vmem>> -> memref<1x1x7808xf32, #tpu.memory_space<vmem>>
        %dma_start3A_406 = tpu.memref_squeeze %dma_start3A_405 : memref<1x1x7808xf32, #tpu.memory_space<vmem>> -> memref<7808xf32, #tpu.memory_space<vmem>>
        tpu.enqueue_dma source(%dma_start3A_406 : memref<7808xf32, #tpu.memory_space<vmem>>) target(%dma_start3A_403 : memref<7808xf32, #tpu.memory_space<hbm>>) target_semaphore(%arg12 : memref<!tpu.dma_semaphore, #tpu.memory_space<semaphore_mem>>)
        %add3A_407 = arith.constant 5 : i32
        %add3A_408 = arith.addi %mul3A_32, %add3A_407 : i32
        %mul3A_409 = arith.constant 1000064 : i32
        %mul3A_410 = arith.muli %add3A_408, %mul3A_409 : i32
        %mul3A_411 = arith.constant 7808 : i32
        %mul3A_412 = arith.muli %add3A_286, %mul3A_411 : i32
        %add3A_413 = arith.addi %mul3A_410, %mul3A_412 : i32
        %dma_start3A_414 = arith.constant 5 : i32
        %dma_start3A_415 = arith.constant 0 : i32
        %dma_start3A_416 = tpu.memref_slice %arg10[%select_n3A_302, %dma_start3A_414, %dma_start3A_415] : memref<2x8x7808xf32, #tpu.memory_space<vmem>> -> memref<1x1x7808xf32, #tpu.memory_space<vmem>>
        %dma_start3A_417 = tpu.memref_squeeze %dma_start3A_416 : memref<1x1x7808xf32, #tpu.memory_space<vmem>> -> memref<7808xf32, #tpu.memory_space<vmem>>
        %dma_start3A_418 = tpu.memref_slice %arg8[%add3A_413] : memref<32002048xf32, #tpu.memory_space<hbm>> -> memref<7808xf32, #tpu.memory_space<hbm>>
        %dma_start3A_419 = tpu.memref_slice %arg8[%add3A_413] : memref<32002048xf32, #tpu.memory_space<hbm>> -> memref<7808xf32, #tpu.memory_space<hbm>>
        %dma_start3A_420 = arith.constant 0 : i32
        %dma_start3A_421 = tpu.memref_slice %arg10[%select_n3A_302, %dma_start3A_414, %dma_start3A_420] : memref<2x8x7808xf32, #tpu.memory_space<vmem>> -> memref<1x1x7808xf32, #tpu.memory_space<vmem>>
        %dma_start3A_422 = tpu.memref_squeeze %dma_start3A_421 : memref<1x1x7808xf32, #tpu.memory_space<vmem>> -> memref<7808xf32, #tpu.memory_space<vmem>>
        tpu.enqueue_dma source(%dma_start3A_422 : memref<7808xf32, #tpu.memory_space<vmem>>) target(%dma_start3A_419 : memref<7808xf32, #tpu.memory_space<hbm>>) target_semaphore(%arg12 : memref<!tpu.dma_semaphore, #tpu.memory_space<semaphore_mem>>)
        %add3A_423 = arith.constant 6 : i32
        %add3A_424 = arith.addi %mul3A_32, %add3A_423 : i32
        %mul3A_425 = arith.constant 1000064 : i32
        %mul3A_426 = arith.muli %add3A_424, %mul3A_425 : i32
        %mul3A_427 = arith.constant 7808 : i32
        %mul3A_428 = arith.muli %add3A_286, %mul3A_427 : i32
        %add3A_429 = arith.addi %mul3A_426, %mul3A_428 : i32
        %dma_start3A_430 = arith.constant 6 : i32
        %dma_start3A_431 = arith.constant 0 : i32
        %dma_start3A_432 = tpu.memref_slice %arg10[%select_n3A_302, %dma_start3A_430, %dma_start3A_431] : memref<2x8x7808xf32, #tpu.memory_space<vmem>> -> memref<1x1x7808xf32, #tpu.memory_space<vmem>>
        %dma_start3A_433 = tpu.memref_squeeze %dma_start3A_432 : memref<1x1x7808xf32, #tpu.memory_space<vmem>> -> memref<7808xf32, #tpu.memory_space<vmem>>
        %dma_start3A_434 = tpu.memref_slice %arg8[%add3A_429] : memref<32002048xf32, #tpu.memory_space<hbm>> -> memref<7808xf32, #tpu.memory_space<hbm>>
        %dma_start3A_435 = tpu.memref_slice %arg8[%add3A_429] : memref<32002048xf32, #tpu.memory_space<hbm>> -> memref<7808xf32, #tpu.memory_space<hbm>>
        %dma_start3A_436 = arith.constant 0 : i32
        %dma_start3A_437 = tpu.memref_slice %arg10[%select_n3A_302, %dma_start3A_430, %dma_start3A_436] : memref<2x8x7808xf32, #tpu.memory_space<vmem>> -> memref<1x1x7808xf32, #tpu.memory_space<vmem>>
        %dma_start3A_438 = tpu.memref_squeeze %dma_start3A_437 : memref<1x1x7808xf32, #tpu.memory_space<vmem>> -> memref<7808xf32, #tpu.memory_space<vmem>>
        tpu.enqueue_dma source(%dma_start3A_438 : memref<7808xf32, #tpu.memory_space<vmem>>) target(%dma_start3A_435 : memref<7808xf32, #tpu.memory_space<hbm>>) target_semaphore(%arg12 : memref<!tpu.dma_semaphore, #tpu.memory_space<semaphore_mem>>)
        %add3A_439 = arith.constant 7 : i32
        %add3A_440 = arith.addi %mul3A_32, %add3A_439 : i32
        %mul3A_441 = arith.constant 1000064 : i32
        %mul3A_442 = arith.muli %add3A_440, %mul3A_441 : i32
        %mul3A_443 = arith.constant 7808 : i32
        %mul3A_444 = arith.muli %add3A_286, %mul3A_443 : i32
        %add3A_445 = arith.addi %mul3A_442, %mul3A_444 : i32
        %dma_start3A_446 = arith.constant 7 : i32
        %dma_start3A_447 = arith.constant 0 : i32
        %dma_start3A_448 = tpu.memref_slice %arg10[%select_n3A_302, %dma_start3A_446, %dma_start3A_447] : memref<2x8x7808xf32, #tpu.memory_space<vmem>> -> memref<1x1x7808xf32, #tpu.memory_space<vmem>>
        %dma_start3A_449 = tpu.memref_squeeze %dma_start3A_448 : memref<1x1x7808xf32, #tpu.memory_space<vmem>> -> memref<7808xf32, #tpu.memory_space<vmem>>
        %dma_start3A_450 = tpu.memref_slice %arg8[%add3A_445] : memref<32002048xf32, #tpu.memory_space<hbm>> -> memref<7808xf32, #tpu.memory_space<hbm>>
        %dma_start3A_451 = tpu.memref_slice %arg8[%add3A_445] : memref<32002048xf32, #tpu.memory_space<hbm>> -> memref<7808xf32, #tpu.memory_space<hbm>>
        %dma_start3A_452 = arith.constant 0 : i32
        %dma_start3A_453 = tpu.memref_slice %arg10[%select_n3A_302, %dma_start3A_446, %dma_start3A_452] : memref<2x8x7808xf32, #tpu.memory_space<vmem>> -> memref<1x1x7808xf32, #tpu.memory_space<vmem>>
        %dma_start3A_454 = tpu.memref_squeeze %dma_start3A_453 : memref<1x1x7808xf32, #tpu.memory_space<vmem>> -> memref<7808xf32, #tpu.memory_space<vmem>>
        tpu.enqueue_dma source(%dma_start3A_454 : memref<7808xf32, #tpu.memory_space<vmem>>) target(%dma_start3A_451 : memref<7808xf32, #tpu.memory_space<hbm>>) target_semaphore(%arg12 : memref<!tpu.dma_semaphore, #tpu.memory_space<semaphore_mem>>)
      }
      %scan3A_180 = arith.constant 64 : i32
      %dma_wait3A = arith.constant 0 : i32
      %dma_wait3A_181 = arith.constant 0 : i32
      %dma_wait3A_182 = arith.constant 0 : i32
      %dma_wait3A_183 = tpu.memref_slice %arg10[%dma_wait3A, %dma_wait3A_181, %dma_wait3A_182] : memref<2x8x7808xf32, #tpu.memory_space<vmem>> -> memref<1x1x7808xf32, #tpu.memory_space<vmem>>
      %dma_wait3A_184 = tpu.memref_squeeze %dma_wait3A_183 : memref<1x1x7808xf32, #tpu.memory_space<vmem>> -> memref<7808xf32, #tpu.memory_space<vmem>>
      %dma_wait3A_185 = arith.constant 0 : i32
      %dma_wait3A_186 = tpu.memref_slice %arg8[%dma_wait3A_185] : memref<32002048xf32, #tpu.memory_space<hbm>> -> memref<7808xf32, #tpu.memory_space<hbm>>
      %dma_wait3A_187 = arith.constant 0 : i32
      %dma_wait3A_188 = tpu.memref_slice %arg8[%dma_wait3A_187] : memref<32002048xf32, #tpu.memory_space<hbm>> -> memref<7808xf32, #tpu.memory_space<hbm>>
      %dma_wait3A_189 = arith.constant 0 : i32
      %dma_wait3A_190 = tpu.memref_slice %arg10[%dma_wait3A, %dma_wait3A_181, %dma_wait3A_189] : memref<2x8x7808xf32, #tpu.memory_space<vmem>> -> memref<1x1x7808xf32, #tpu.memory_space<vmem>>
      %dma_wait3A_191 = tpu.memref_squeeze %dma_wait3A_190 : memref<1x1x7808xf32, #tpu.memory_space<vmem>> -> memref<7808xf32, #tpu.memory_space<vmem>>
      tpu.wait_dma2 semaphore(%arg12 : memref<!tpu.dma_semaphore, #tpu.memory_space<semaphore_mem>>) src(%dma_wait3A_191 : memref<7808xf32, #tpu.memory_space<vmem>>) dst(%dma_wait3A_188 : memref<7808xf32, #tpu.memory_space<hbm>>)
      %dma_wait3A_192 = arith.constant 0 : i32
      %dma_wait3A_193 = arith.constant 1 : i32
      %dma_wait3A_194 = arith.constant 0 : i32
      %dma_wait3A_195 = tpu.memref_slice %arg10[%dma_wait3A_192, %dma_wait3A_193, %dma_wait3A_194] : memref<2x8x7808xf32, #tpu.memory_space<vmem>> -> memref<1x1x7808xf32, #tpu.memory_space<vmem>>
      %dma_wait3A_196 = tpu.memref_squeeze %dma_wait3A_195 : memref<1x1x7808xf32, #tpu.memory_space<vmem>> -> memref<7808xf32, #tpu.memory_space<vmem>>
      %dma_wait3A_197 = arith.constant 0 : i32
      %dma_wait3A_198 = tpu.memref_slice %arg8[%dma_wait3A_197] : memref<32002048xf32, #tpu.memory_space<hbm>> -> memref<7808xf32, #tpu.memory_space<hbm>>
      %dma_wait3A_199 = arith.constant 0 : i32
      %dma_wait3A_200 = tpu.memref_slice %arg8[%dma_wait3A_199] : memref<32002048xf32, #tpu.memory_space<hbm>> -> memref<7808xf32, #tpu.memory_space<hbm>>
      %dma_wait3A_201 = arith.constant 0 : i32
      %dma_wait3A_202 = tpu.memref_slice %arg10[%dma_wait3A_192, %dma_wait3A_193, %dma_wait3A_201] : memref<2x8x7808xf32, #tpu.memory_space<vmem>> -> memref<1x1x7808xf32, #tpu.memory_space<vmem>>
      %dma_wait3A_203 = tpu.memref_squeeze %dma_wait3A_202 : memref<1x1x7808xf32, #tpu.memory_space<vmem>> -> memref<7808xf32, #tpu.memory_space<vmem>>
      tpu.wait_dma2 semaphore(%arg12 : memref<!tpu.dma_semaphore, #tpu.memory_space<semaphore_mem>>) src(%dma_wait3A_203 : memref<7808xf32, #tpu.memory_space<vmem>>) dst(%dma_wait3A_200 : memref<7808xf32, #tpu.memory_space<hbm>>)
      %dma_wait3A_204 = arith.constant 0 : i32
      %dma_wait3A_205 = arith.constant 2 : i32
      %dma_wait3A_206 = arith.constant 0 : i32
      %dma_wait3A_207 = tpu.memref_slice %arg10[%dma_wait3A_204, %dma_wait3A_205, %dma_wait3A_206] : memref<2x8x7808xf32, #tpu.memory_space<vmem>> -> memref<1x1x7808xf32, #tpu.memory_space<vmem>>
      %dma_wait3A_208 = tpu.memref_squeeze %dma_wait3A_207 : memref<1x1x7808xf32, #tpu.memory_space<vmem>> -> memref<7808xf32, #tpu.memory_space<vmem>>
      %dma_wait3A_209 = arith.constant 0 : i32
      %dma_wait3A_210 = tpu.memref_slice %arg8[%dma_wait3A_209] : memref<32002048xf32, #tpu.memory_space<hbm>> -> memref<7808xf32, #tpu.memory_space<hbm>>
      %dma_wait3A_211 = arith.constant 0 : i32
      %dma_wait3A_212 = tpu.memref_slice %arg8[%dma_wait3A_211] : memref<32002048xf32, #tpu.memory_space<hbm>> -> memref<7808xf32, #tpu.memory_space<hbm>>
      %dma_wait3A_213 = arith.constant 0 : i32
      %dma_wait3A_214 = tpu.memref_slice %arg10[%dma_wait3A_204, %dma_wait3A_205, %dma_wait3A_213] : memref<2x8x7808xf32, #tpu.memory_space<vmem>> -> memref<1x1x7808xf32, #tpu.memory_space<vmem>>
      %dma_wait3A_215 = tpu.memref_squeeze %dma_wait3A_214 : memref<1x1x7808xf32, #tpu.memory_space<vmem>> -> memref<7808xf32, #tpu.memory_space<vmem>>
      tpu.wait_dma2 semaphore(%arg12 : memref<!tpu.dma_semaphore, #tpu.memory_space<semaphore_mem>>) src(%dma_wait3A_215 : memref<7808xf32, #tpu.memory_space<vmem>>) dst(%dma_wait3A_212 : memref<7808xf32, #tpu.memory_space<hbm>>)
      %dma_wait3A_216 = arith.constant 0 : i32
      %dma_wait3A_217 = arith.constant 3 : i32
      %dma_wait3A_218 = arith.constant 0 : i32
      %dma_wait3A_219 = tpu.memref_slice %arg10[%dma_wait3A_216, %dma_wait3A_217, %dma_wait3A_218] : memref<2x8x7808xf32, #tpu.memory_space<vmem>> -> memref<1x1x7808xf32, #tpu.memory_space<vmem>>
      %dma_wait3A_220 = tpu.memref_squeeze %dma_wait3A_219 : memref<1x1x7808xf32, #tpu.memory_space<vmem>> -> memref<7808xf32, #tpu.memory_space<vmem>>
      %dma_wait3A_221 = arith.constant 0 : i32
      %dma_wait3A_222 = tpu.memref_slice %arg8[%dma_wait3A_221] : memref<32002048xf32, #tpu.memory_space<hbm>> -> memref<7808xf32, #tpu.memory_space<hbm>>
      %dma_wait3A_223 = arith.constant 0 : i32
      %dma_wait3A_224 = tpu.memref_slice %arg8[%dma_wait3A_223] : memref<32002048xf32, #tpu.memory_space<hbm>> -> memref<7808xf32, #tpu.memory_space<hbm>>
      %dma_wait3A_225 = arith.constant 0 : i32
      %dma_wait3A_226 = tpu.memref_slice %arg10[%dma_wait3A_216, %dma_wait3A_217, %dma_wait3A_225] : memref<2x8x7808xf32, #tpu.memory_space<vmem>> -> memref<1x1x7808xf32, #tpu.memory_space<vmem>>
      %dma_wait3A_227 = tpu.memref_squeeze %dma_wait3A_226 : memref<1x1x7808xf32, #tpu.memory_space<vmem>> -> memref<7808xf32, #tpu.memory_space<vmem>>
      tpu.wait_dma2 semaphore(%arg12 : memref<!tpu.dma_semaphore, #tpu.memory_space<semaphore_mem>>) src(%dma_wait3A_227 : memref<7808xf32, #tpu.memory_space<vmem>>) dst(%dma_wait3A_224 : memref<7808xf32, #tpu.memory_space<hbm>>)
      %dma_wait3A_228 = arith.constant 0 : i32
      %dma_wait3A_229 = arith.constant 4 : i32
      %dma_wait3A_230 = arith.constant 0 : i32
      %dma_wait3A_231 = tpu.memref_slice %arg10[%dma_wait3A_228, %dma_wait3A_229, %dma_wait3A_230] : memref<2x8x7808xf32, #tpu.memory_space<vmem>> -> memref<1x1x7808xf32, #tpu.memory_space<vmem>>
      %dma_wait3A_232 = tpu.memref_squeeze %dma_wait3A_231 : memref<1x1x7808xf32, #tpu.memory_space<vmem>> -> memref<7808xf32, #tpu.memory_space<vmem>>
      %dma_wait3A_233 = arith.constant 0 : i32
      %dma_wait3A_234 = tpu.memref_slice %arg8[%dma_wait3A_233] : memref<32002048xf32, #tpu.memory_space<hbm>> -> memref<7808xf32, #tpu.memory_space<hbm>>
      %dma_wait3A_235 = arith.constant 0 : i32
      %dma_wait3A_236 = tpu.memref_slice %arg8[%dma_wait3A_235] : memref<32002048xf32, #tpu.memory_space<hbm>> -> memref<7808xf32, #tpu.memory_space<hbm>>
      %dma_wait3A_237 = arith.constant 0 : i32
      %dma_wait3A_238 = tpu.memref_slice %arg10[%dma_wait3A_228, %dma_wait3A_229, %dma_wait3A_237] : memref<2x8x7808xf32, #tpu.memory_space<vmem>> -> memref<1x1x7808xf32, #tpu.memory_space<vmem>>
      %dma_wait3A_239 = tpu.memref_squeeze %dma_wait3A_238 : memref<1x1x7808xf32, #tpu.memory_space<vmem>> -> memref<7808xf32, #tpu.memory_space<vmem>>
      tpu.wait_dma2 semaphore(%arg12 : memref<!tpu.dma_semaphore, #tpu.memory_space<semaphore_mem>>) src(%dma_wait3A_239 : memref<7808xf32, #tpu.memory_space<vmem>>) dst(%dma_wait3A_236 : memref<7808xf32, #tpu.memory_space<hbm>>)
      %dma_wait3A_240 = arith.constant 0 : i32
      %dma_wait3A_241 = arith.constant 5 : i32
      %dma_wait3A_242 = arith.constant 0 : i32
      %dma_wait3A_243 = tpu.memref_slice %arg10[%dma_wait3A_240, %dma_wait3A_241, %dma_wait3A_242] : memref<2x8x7808xf32, #tpu.memory_space<vmem>> -> memref<1x1x7808xf32, #tpu.memory_space<vmem>>
      %dma_wait3A_244 = tpu.memref_squeeze %dma_wait3A_243 : memref<1x1x7808xf32, #tpu.memory_space<vmem>> -> memref<7808xf32, #tpu.memory_space<vmem>>
      %dma_wait3A_245 = arith.constant 0 : i32
      %dma_wait3A_246 = tpu.memref_slice %arg8[%dma_wait3A_245] : memref<32002048xf32, #tpu.memory_space<hbm>> -> memref<7808xf32, #tpu.memory_space<hbm>>
      %dma_wait3A_247 = arith.constant 0 : i32
      %dma_wait3A_248 = tpu.memref_slice %arg8[%dma_wait3A_247] : memref<32002048xf32, #tpu.memory_space<hbm>> -> memref<7808xf32, #tpu.memory_space<hbm>>
      %dma_wait3A_249 = arith.constant 0 : i32
      %dma_wait3A_250 = tpu.memref_slice %arg10[%dma_wait3A_240, %dma_wait3A_241, %dma_wait3A_249] : memref<2x8x7808xf32, #tpu.memory_space<vmem>> -> memref<1x1x7808xf32, #tpu.memory_space<vmem>>
      %dma_wait3A_251 = tpu.memref_squeeze %dma_wait3A_250 : memref<1x1x7808xf32, #tpu.memory_space<vmem>> -> memref<7808xf32, #tpu.memory_space<vmem>>
      tpu.wait_dma2 semaphore(%arg12 : memref<!tpu.dma_semaphore, #tpu.memory_space<semaphore_mem>>) src(%dma_wait3A_251 : memref<7808xf32, #tpu.memory_space<vmem>>) dst(%dma_wait3A_248 : memref<7808xf32, #tpu.memory_space<hbm>>)
      %dma_wait3A_252 = arith.constant 0 : i32
      %dma_wait3A_253 = arith.constant 6 : i32
      %dma_wait3A_254 = arith.constant 0 : i32
      %dma_wait3A_255 = tpu.memref_slice %arg10[%dma_wait3A_252, %dma_wait3A_253, %dma_wait3A_254] : memref<2x8x7808xf32, #tpu.memory_space<vmem>> -> memref<1x1x7808xf32, #tpu.memory_space<vmem>>
      %dma_wait3A_256 = tpu.memref_squeeze %dma_wait3A_255 : memref<1x1x7808xf32, #tpu.memory_space<vmem>> -> memref<7808xf32, #tpu.memory_space<vmem>>
      %dma_wait3A_257 = arith.constant 0 : i32
      %dma_wait3A_258 = tpu.memref_slice %arg8[%dma_wait3A_257] : memref<32002048xf32, #tpu.memory_space<hbm>> -> memref<7808xf32, #tpu.memory_space<hbm>>
      %dma_wait3A_259 = arith.constant 0 : i32
      %dma_wait3A_260 = tpu.memref_slice %arg8[%dma_wait3A_259] : memref<32002048xf32, #tpu.memory_space<hbm>> -> memref<7808xf32, #tpu.memory_space<hbm>>
      %dma_wait3A_261 = arith.constant 0 : i32
      %dma_wait3A_262 = tpu.memref_slice %arg10[%dma_wait3A_252, %dma_wait3A_253, %dma_wait3A_261] : memref<2x8x7808xf32, #tpu.memory_space<vmem>> -> memref<1x1x7808xf32, #tpu.memory_space<vmem>>
      %dma_wait3A_263 = tpu.memref_squeeze %dma_wait3A_262 : memref<1x1x7808xf32, #tpu.memory_space<vmem>> -> memref<7808xf32, #tpu.memory_space<vmem>>
      tpu.wait_dma2 semaphore(%arg12 : memref<!tpu.dma_semaphore, #tpu.memory_space<semaphore_mem>>) src(%dma_wait3A_263 : memref<7808xf32, #tpu.memory_space<vmem>>) dst(%dma_wait3A_260 : memref<7808xf32, #tpu.memory_space<hbm>>)
      %dma_wait3A_264 = arith.constant 0 : i32
      %dma_wait3A_265 = arith.constant 7 : i32
      %dma_wait3A_266 = arith.constant 0 : i32
      %dma_wait3A_267 = tpu.memref_slice %arg10[%dma_wait3A_264, %dma_wait3A_265, %dma_wait3A_266] : memref<2x8x7808xf32, #tpu.memory_space<vmem>> -> memref<1x1x7808xf32, #tpu.memory_space<vmem>>
      %dma_wait3A_268 = tpu.memref_squeeze %dma_wait3A_267 : memref<1x1x7808xf32, #tpu.memory_space<vmem>> -> memref<7808xf32, #tpu.memory_space<vmem>>
      %dma_wait3A_269 = arith.constant 0 : i32
      %dma_wait3A_270 = tpu.memref_slice %arg8[%dma_wait3A_269] : memref<32002048xf32, #tpu.memory_space<hbm>> -> memref<7808xf32, #tpu.memory_space<hbm>>
      %dma_wait3A_271 = arith.constant 0 : i32
      %dma_wait3A_272 = tpu.memref_slice %arg8[%dma_wait3A_271] : memref<32002048xf32, #tpu.memory_space<hbm>> -> memref<7808xf32, #tpu.memory_space<hbm>>
      %dma_wait3A_273 = arith.constant 0 : i32
      %dma_wait3A_274 = tpu.memref_slice %arg10[%dma_wait3A_264, %dma_wait3A_265, %dma_wait3A_273] : memref<2x8x7808xf32, #tpu.memory_space<vmem>> -> memref<1x1x7808xf32, #tpu.memory_space<vmem>>
      %dma_wait3A_275 = tpu.memref_squeeze %dma_wait3A_274 : memref<1x1x7808xf32, #tpu.memory_space<vmem>> -> memref<7808xf32, #tpu.memory_space<vmem>>
      tpu.wait_dma2 semaphore(%arg12 : memref<!tpu.dma_semaphore, #tpu.memory_space<semaphore_mem>>) src(%dma_wait3A_275 : memref<7808xf32, #tpu.memory_space<vmem>>) dst(%dma_wait3A_272 : memref<7808xf32, #tpu.memory_space<hbm>>)
      %eq3A_276 = arith.constant 1 : i32
      %eq3A_277 = arith.cmpi eq, %select_n3A_48, %eq3A_276 : i32
      %convert_element_type3A_278 = arith.extui %eq3A_277 : i1 to i32
      %cond3A_279 = arith.constant 0 : i32
      %cond3A_280 = arith.cmpi ne, %convert_element_type3A_278, %cond3A_279 : i32
      scf.if %cond3A_280 {
        %mul3A_281 = arith.constant 0 : i32
        %mul3A_282 = arith.muli %add3A, %mul3A_281 : i32
        %add3A_283 = arith.constant 999424 : i32
        %add3A_284 = arith.addi %mul3A_282, %add3A_283 : i32
        %multiple_of3A = tpu.assume_multiple %add3A_284, 128 : i32
        %run_scoped3A = arith.constant 0 : i32
        "tpu.region"() ({
          %run_scoped3A_349 = tpu.sem_alloc : memref<!tpu.dma_semaphore, #tpu.memory_space<semaphore_mem>>
          %dma_start3A_350 = arith.constant 0 : i32
          %dma_start3A_351 = arith.constant 0 : i32
          %dma_start3A_352 = tpu.memref_slice %arg10[%run_scoped3A, %dma_start3A_350, %dma_start3A_351] : memref<2x8x7808xf32, #tpu.memory_space<vmem>> -> memref<1x8x640xf32, #tpu.memory_space<vmem>>
          %dma_start3A_353 = tpu.memref_squeeze %dma_start3A_352 : memref<1x8x640xf32, #tpu.memory_space<vmem>> -> memref<8x640xf32, #tpu.memory_space<vmem>>
          %dma_start3A_354 = tpu.memref_slice %arg4[%mul3A_32, %multiple_of3A] : memref<32x1000000xf32, #tpu.memory_space<hbm>> -> memref<8x640xf32, #tpu.memory_space<hbm>>
          %dma_start3A_355 = arith.constant 0 : i32
          %dma_start3A_356 = arith.constant 0 : i32
          %dma_start3A_357 = tpu.memref_slice %arg10[%run_scoped3A, %dma_start3A_355, %dma_start3A_356] : memref<2x8x7808xf32, #tpu.memory_space<vmem>> -> memref<1x8x640xf32, #tpu.memory_space<vmem>>
          %dma_start3A_358 = tpu.memref_squeeze %dma_start3A_357 : memref<1x8x640xf32, #tpu.memory_space<vmem>> -> memref<8x640xf32, #tpu.memory_space<vmem>>
          %dma_start3A_359 = tpu.memref_slice %arg4[%mul3A_32, %multiple_of3A] : memref<32x1000000xf32, #tpu.memory_space<hbm>> -> memref<8x640xf32, #tpu.memory_space<hbm>>
          tpu.enqueue_dma source(%dma_start3A_359 : memref<8x640xf32, #tpu.memory_space<hbm>>) target(%dma_start3A_358 : memref<8x640xf32, #tpu.memory_space<vmem>>) target_semaphore(%run_scoped3A_349 : memref<!tpu.dma_semaphore, #tpu.memory_space<semaphore_mem>>)
          %dma_wait3A_360 = arith.constant 0 : i32
          %dma_wait3A_361 = arith.constant 0 : i32
          %dma_wait3A_362 = tpu.memref_slice %arg10[%run_scoped3A, %dma_wait3A_360, %dma_wait3A_361] : memref<2x8x7808xf32, #tpu.memory_space<vmem>> -> memref<1x8x640xf32, #tpu.memory_space<vmem>>
          %dma_wait3A_363 = tpu.memref_squeeze %dma_wait3A_362 : memref<1x8x640xf32, #tpu.memory_space<vmem>> -> memref<8x640xf32, #tpu.memory_space<vmem>>
          %dma_wait3A_364 = tpu.memref_slice %arg4[%mul3A_32, %multiple_of3A] : memref<32x1000000xf32, #tpu.memory_space<hbm>> -> memref<8x640xf32, #tpu.memory_space<hbm>>
          %dma_wait3A_365 = arith.constant 0 : i32
          %dma_wait3A_366 = arith.constant 0 : i32
          %dma_wait3A_367 = tpu.memref_slice %arg10[%run_scoped3A, %dma_wait3A_365, %dma_wait3A_366] : memref<2x8x7808xf32, #tpu.memory_space<vmem>> -> memref<1x8x640xf32, #tpu.memory_space<vmem>>
          %dma_wait3A_368 = tpu.memref_squeeze %dma_wait3A_367 : memref<1x8x640xf32, #tpu.memory_space<vmem>> -> memref<8x640xf32, #tpu.memory_space<vmem>>
          %dma_wait3A_369 = tpu.memref_slice %arg4[%mul3A_32, %multiple_of3A] : memref<32x1000000xf32, #tpu.memory_space<hbm>> -> memref<8x640xf32, #tpu.memory_space<hbm>>
          tpu.wait_dma2 semaphore(%run_scoped3A_349 : memref<!tpu.dma_semaphore, #tpu.memory_space<semaphore_mem>>) src(%dma_wait3A_369 : memref<8x640xf32, #tpu.memory_space<hbm>>) dst(%dma_wait3A_368 : memref<8x640xf32, #tpu.memory_space<vmem>>)
          tpu.yield
        }) : () -> ()
        %add3A_285 = arith.constant 0 : i32
        %add3A_286 = arith.addi %mul3A_32, %add3A_285 : i32
        %mul3A_287 = arith.constant 1000064 : i32
        %mul3A_288 = arith.muli %add3A_286, %mul3A_287 : i32
        %add3A_289 = arith.constant 999424 : i32
        %add3A_290 = arith.addi %mul3A_288, %add3A_289 : i32
        %run_scoped3A_291 = arith.constant 0 : i32
        %run_scoped3A_292 = arith.constant 0 : i32
        "tpu.region"() ({
          %run_scoped3A_349 = tpu.sem_alloc : memref<!tpu.dma_semaphore, #tpu.memory_space<semaphore_mem>>
          %dma_start3A_350 = arith.constant 0 : i32
          %dma_start3A_351 = tpu.memref_slice %arg10[%run_scoped3A_291, %run_scoped3A_292, %dma_start3A_350] : memref<2x8x7808xf32, #tpu.memory_space<vmem>> -> memref<1x1x640xf32, #tpu.memory_space<vmem>>
          %dma_start3A_352 = tpu.memref_squeeze %dma_start3A_351 : memref<1x1x640xf32, #tpu.memory_space<vmem>> -> memref<640xf32, #tpu.memory_space<vmem>>
          %dma_start3A_353 = tpu.memref_slice %arg8[%add3A_290] : memref<32002048xf32, #tpu.memory_space<hbm>> -> memref<640xf32, #tpu.memory_space<hbm>>
          %dma_start3A_354 = tpu.memref_slice %arg8[%add3A_290] : memref<32002048xf32, #tpu.memory_space<hbm>> -> memref<640xf32, #tpu.memory_space<hbm>>
          %dma_start3A_355 = arith.constant 0 : i32
          %dma_start3A_356 = tpu.memref_slice %arg10[%run_scoped3A_291, %run_scoped3A_292, %dma_start3A_355] : memref<2x8x7808xf32, #tpu.memory_space<vmem>> -> memref<1x1x640xf32, #tpu.memory_space<vmem>>
          %dma_start3A_357 = tpu.memref_squeeze %dma_start3A_356 : memref<1x1x640xf32, #tpu.memory_space<vmem>> -> memref<640xf32, #tpu.memory_space<vmem>>
          tpu.enqueue_dma source(%dma_start3A_357 : memref<640xf32, #tpu.memory_space<vmem>>) target(%dma_start3A_354 : memref<640xf32, #tpu.memory_space<hbm>>) target_semaphore(%run_scoped3A_349 : memref<!tpu.dma_semaphore, #tpu.memory_space<semaphore_mem>>)
          %dma_wait3A_358 = arith.constant 0 : i32
          %dma_wait3A_359 = tpu.memref_slice %arg10[%run_scoped3A_291, %run_scoped3A_292, %dma_wait3A_358] : memref<2x8x7808xf32, #tpu.memory_space<vmem>> -> memref<1x1x640xf32, #tpu.memory_space<vmem>>
          %dma_wait3A_360 = tpu.memref_squeeze %dma_wait3A_359 : memref<1x1x640xf32, #tpu.memory_space<vmem>> -> memref<640xf32, #tpu.memory_space<vmem>>
          %dma_wait3A_361 = tpu.memref_slice %arg8[%add3A_290] : memref<32002048xf32, #tpu.memory_space<hbm>> -> memref<640xf32, #tpu.memory_space<hbm>>
          %dma_wait3A_362 = tpu.memref_slice %arg8[%add3A_290] : memref<32002048xf32, #tpu.memory_space<hbm>> -> memref<640xf32, #tpu.memory_space<hbm>>
          %dma_wait3A_363 = arith.constant 0 : i32
          %dma_wait3A_364 = tpu.memref_slice %arg10[%run_scoped3A_291, %run_scoped3A_292, %dma_wait3A_363] : memref<2x8x7808xf32, #tpu.memory_space<vmem>> -> memref<1x1x640xf32, #tpu.memory_space<vmem>>
          %dma_wait3A_365 = tpu.memref_squeeze %dma_wait3A_364 : memref<1x1x640xf32, #tpu.memory_space<vmem>> -> memref<640xf32, #tpu.memory_space<vmem>>
          tpu.wait_dma2 semaphore(%run_scoped3A_349 : memref<!tpu.dma_semaphore, #tpu.memory_space<semaphore_mem>>) src(%dma_wait3A_365 : memref<640xf32, #tpu.memory_space<vmem>>) dst(%dma_wait3A_362 : memref<640xf32, #tpu.memory_space<hbm>>)
          tpu.yield
        }) : () -> ()
        %add3A_293 = arith.constant 1 : i32
        %add3A_294 = arith.addi %mul3A_32, %add3A_293 : i32
        %mul3A_295 = arith.constant 1000064 : i32
        %mul3A_296 = arith.muli %add3A_294, %mul3A_295 : i32
        %add3A_297 = arith.constant 999424 : i32
        %add3A_298 = arith.addi %mul3A_296, %add3A_297 : i32
        %run_scoped3A_299 = arith.constant 0 : i32
        %run_scoped3A_300 = arith.constant 1 : i32
        "tpu.region"() ({
          %run_scoped3A_349 = tpu.sem_alloc : memref<!tpu.dma_semaphore, #tpu.memory_space<semaphore_mem>>
          %dma_start3A_350 = arith.constant 0 : i32
          %dma_start3A_351 = tpu.memref_slice %arg10[%run_scoped3A_299, %run_scoped3A_300, %dma_start3A_350] : memref<2x8x7808xf32, #tpu.memory_space<vmem>> -> memref<1x1x640xf32, #tpu.memory_space<vmem>>
          %dma_start3A_352 = tpu.memref_squeeze %dma_start3A_351 : memref<1x1x640xf32, #tpu.memory_space<vmem>> -> memref<640xf32, #tpu.memory_space<vmem>>
          %dma_start3A_353 = tpu.memref_slice %arg8[%add3A_298] : memref<32002048xf32, #tpu.memory_space<hbm>> -> memref<640xf32, #tpu.memory_space<hbm>>
          %dma_start3A_354 = tpu.memref_slice %arg8[%add3A_298] : memref<32002048xf32, #tpu.memory_space<hbm>> -> memref<640xf32, #tpu.memory_space<hbm>>
          %dma_start3A_355 = arith.constant 0 : i32
          %dma_start3A_356 = tpu.memref_slice %arg10[%run_scoped3A_299, %run_scoped3A_300, %dma_start3A_355] : memref<2x8x7808xf32, #tpu.memory_space<vmem>> -> memref<1x1x640xf32, #tpu.memory_space<vmem>>
          %dma_start3A_357 = tpu.memref_squeeze %dma_start3A_356 : memref<1x1x640xf32, #tpu.memory_space<vmem>> -> memref<640xf32, #tpu.memory_space<vmem>>
          tpu.enqueue_dma source(%dma_start3A_357 : memref<640xf32, #tpu.memory_space<vmem>>) target(%dma_start3A_354 : memref<640xf32, #tpu.memory_space<hbm>>) target_semaphore(%run_scoped3A_349 : memref<!tpu.dma_semaphore, #tpu.memory_space<semaphore_mem>>)
          %dma_wait3A_358 = arith.constant 0 : i32
          %dma_wait3A_359 = tpu.memref_slice %arg10[%run_scoped3A_299, %run_scoped3A_300, %dma_wait3A_358] : memref<2x8x7808xf32, #tpu.memory_space<vmem>> -> memref<1x1x640xf32, #tpu.memory_space<vmem>>
          %dma_wait3A_360 = tpu.memref_squeeze %dma_wait3A_359 : memref<1x1x640xf32, #tpu.memory_space<vmem>> -> memref<640xf32, #tpu.memory_space<vmem>>
          %dma_wait3A_361 = tpu.memref_slice %arg8[%add3A_298] : memref<32002048xf32, #tpu.memory_space<hbm>> -> memref<640xf32, #tpu.memory_space<hbm>>
          %dma_wait3A_362 = tpu.memref_slice %arg8[%add3A_298] : memref<32002048xf32, #tpu.memory_space<hbm>> -> memref<640xf32, #tpu.memory_space<hbm>>
          %dma_wait3A_363 = arith.constant 0 : i32
          %dma_wait3A_364 = tpu.memref_slice %arg10[%run_scoped3A_299, %run_scoped3A_300, %dma_wait3A_363] : memref<2x8x7808xf32, #tpu.memory_space<vmem>> -> memref<1x1x640xf32, #tpu.memory_space<vmem>>
          %dma_wait3A_365 = tpu.memref_squeeze %dma_wait3A_364 : memref<1x1x640xf32, #tpu.memory_space<vmem>> -> memref<640xf32, #tpu.memory_space<vmem>>
          tpu.wait_dma2 semaphore(%run_scoped3A_349 : memref<!tpu.dma_semaphore, #tpu.memory_space<semaphore_mem>>) src(%dma_wait3A_365 : memref<640xf32, #tpu.memory_space<vmem>>) dst(%dma_wait3A_362 : memref<640xf32, #tpu.memory_space<hbm>>)
          tpu.yield
        }) : () -> ()
        %add3A_301 = arith.constant 2 : i32
        %add3A_302 = arith.addi %mul3A_32, %add3A_301 : i32
        %mul3A_303 = arith.constant 1000064 : i32
        %mul3A_304 = arith.muli %add3A_302, %mul3A_303 : i32
        %add3A_305 = arith.constant 999424 : i32
        %add3A_306 = arith.addi %mul3A_304, %add3A_305 : i32
        %run_scoped3A_307 = arith.constant 0 : i32
        %run_scoped3A_308 = arith.constant 2 : i32
        "tpu.region"() ({
          %run_scoped3A_349 = tpu.sem_alloc : memref<!tpu.dma_semaphore, #tpu.memory_space<semaphore_mem>>
          %dma_start3A_350 = arith.constant 0 : i32
          %dma_start3A_351 = tpu.memref_slice %arg10[%run_scoped3A_307, %run_scoped3A_308, %dma_start3A_350] : memref<2x8x7808xf32, #tpu.memory_space<vmem>> -> memref<1x1x640xf32, #tpu.memory_space<vmem>>
          %dma_start3A_352 = tpu.memref_squeeze %dma_start3A_351 : memref<1x1x640xf32, #tpu.memory_space<vmem>> -> memref<640xf32, #tpu.memory_space<vmem>>
          %dma_start3A_353 = tpu.memref_slice %arg8[%add3A_306] : memref<32002048xf32, #tpu.memory_space<hbm>> -> memref<640xf32, #tpu.memory_space<hbm>>
          %dma_start3A_354 = tpu.memref_slice %arg8[%add3A_306] : memref<32002048xf32, #tpu.memory_space<hbm>> -> memref<640xf32, #tpu.memory_space<hbm>>
          %dma_start3A_355 = arith.constant 0 : i32
          %dma_start3A_356 = tpu.memref_slice %arg10[%run_scoped3A_307, %run_scoped3A_308, %dma_start3A_355] : memref<2x8x7808xf32, #tpu.memory_space<vmem>> -> memref<1x1x640xf32, #tpu.memory_space<vmem>>
          %dma_start3A_357 = tpu.memref_squeeze %dma_start3A_356 : memref<1x1x640xf32, #tpu.memory_space<vmem>> -> memref<640xf32, #tpu.memory_space<vmem>>
          tpu.enqueue_dma source(%dma_start3A_357 : memref<640xf32, #tpu.memory_space<vmem>>) target(%dma_start3A_354 : memref<640xf32, #tpu.memory_space<hbm>>) target_semaphore(%run_scoped3A_349 : memref<!tpu.dma_semaphore, #tpu.memory_space<semaphore_mem>>)
          %dma_wait3A_358 = arith.constant 0 : i32
          %dma_wait3A_359 = tpu.memref_slice %arg10[%run_scoped3A_307, %run_scoped3A_308, %dma_wait3A_358] : memref<2x8x7808xf32, #tpu.memory_space<vmem>> -> memref<1x1x640xf32, #tpu.memory_space<vmem>>
          %dma_wait3A_360 = tpu.memref_squeeze %dma_wait3A_359 : memref<1x1x640xf32, #tpu.memory_space<vmem>> -> memref<640xf32, #tpu.memory_space<vmem>>
          %dma_wait3A_361 = tpu.memref_slice %arg8[%add3A_306] : memref<32002048xf32, #tpu.memory_space<hbm>> -> memref<640xf32, #tpu.memory_space<hbm>>
          %dma_wait3A_362 = tpu.memref_slice %arg8[%add3A_306] : memref<32002048xf32, #tpu.memory_space<hbm>> -> memref<640xf32, #tpu.memory_space<hbm>>
          %dma_wait3A_363 = arith.constant 0 : i32
          %dma_wait3A_364 = tpu.memref_slice %arg10[%run_scoped3A_307, %run_scoped3A_308, %dma_wait3A_363] : memref<2x8x7808xf32, #tpu.memory_space<vmem>> -> memref<1x1x640xf32, #tpu.memory_space<vmem>>
          %dma_wait3A_365 = tpu.memref_squeeze %dma_wait3A_364 : memref<1x1x640xf32, #tpu.memory_space<vmem>> -> memref<640xf32, #tpu.memory_space<vmem>>
          tpu.wait_dma2 semaphore(%run_scoped3A_349 : memref<!tpu.dma_semaphore, #tpu.memory_space<semaphore_mem>>) src(%dma_wait3A_365 : memref<640xf32, #tpu.memory_space<vmem>>) dst(%dma_wait3A_362 : memref<640xf32, #tpu.memory_space<hbm>>)
          tpu.yield
        }) : () -> ()
        %add3A_309 = arith.constant 3 : i32
        %add3A_310 = arith.addi %mul3A_32, %add3A_309 : i32
        %mul3A_311 = arith.constant 1000064 : i32
        %mul3A_312 = arith.muli %add3A_310, %mul3A_311 : i32
        %add3A_313 = arith.constant 999424 : i32
        %add3A_314 = arith.addi %mul3A_312, %add3A_313 : i32
        %run_scoped3A_315 = arith.constant 0 : i32
        %run_scoped3A_316 = arith.constant 3 : i32
        "tpu.region"() ({
          %run_scoped3A_349 = tpu.sem_alloc : memref<!tpu.dma_semaphore, #tpu.memory_space<semaphore_mem>>
          %dma_start3A_350 = arith.constant 0 : i32
          %dma_start3A_351 = tpu.memref_slice %arg10[%run_scoped3A_315, %run_scoped3A_316, %dma_start3A_350] : memref<2x8x7808xf32, #tpu.memory_space<vmem>> -> memref<1x1x640xf32, #tpu.memory_space<vmem>>
          %dma_start3A_352 = tpu.memref_squeeze %dma_start3A_351 : memref<1x1x640xf32, #tpu.memory_space<vmem>> -> memref<640xf32, #tpu.memory_space<vmem>>
          %dma_start3A_353 = tpu.memref_slice %arg8[%add3A_314] : memref<32002048xf32, #tpu.memory_space<hbm>> -> memref<640xf32, #tpu.memory_space<hbm>>
          %dma_start3A_354 = tpu.memref_slice %arg8[%add3A_314] : memref<32002048xf32, #tpu.memory_space<hbm>> -> memref<640xf32, #tpu.memory_space<hbm>>
          %dma_start3A_355 = arith.constant 0 : i32
          %dma_start3A_356 = tpu.memref_slice %arg10[%run_scoped3A_315, %run_scoped3A_316, %dma_start3A_355] : memref<2x8x7808xf32, #tpu.memory_space<vmem>> -> memref<1x1x640xf32, #tpu.memory_space<vmem>>
          %dma_start3A_357 = tpu.memref_squeeze %dma_start3A_356 : memref<1x1x640xf32, #tpu.memory_space<vmem>> -> memref<640xf32, #tpu.memory_space<vmem>>
          tpu.enqueue_dma source(%dma_start3A_357 : memref<640xf32, #tpu.memory_space<vmem>>) target(%dma_start3A_354 : memref<640xf32, #tpu.memory_space<hbm>>) target_semaphore(%run_scoped3A_349 : memref<!tpu.dma_semaphore, #tpu.memory_space<semaphore_mem>>)
          %dma_wait3A_358 = arith.constant 0 : i32
          %dma_wait3A_359 = tpu.memref_slice %arg10[%run_scoped3A_315, %run_scoped3A_316, %dma_wait3A_358] : memref<2x8x7808xf32, #tpu.memory_space<vmem>> -> memref<1x1x640xf32, #tpu.memory_space<vmem>>
          %dma_wait3A_360 = tpu.memref_squeeze %dma_wait3A_359 : memref<1x1x640xf32, #tpu.memory_space<vmem>> -> memref<640xf32, #tpu.memory_space<vmem>>
          %dma_wait3A_361 = tpu.memref_slice %arg8[%add3A_314] : memref<32002048xf32, #tpu.memory_space<hbm>> -> memref<640xf32, #tpu.memory_space<hbm>>
          %dma_wait3A_362 = tpu.memref_slice %arg8[%add3A_314] : memref<32002048xf32, #tpu.memory_space<hbm>> -> memref<640xf32, #tpu.memory_space<hbm>>
          %dma_wait3A_363 = arith.constant 0 : i32
          %dma_wait3A_364 = tpu.memref_slice %arg10[%run_scoped3A_315, %run_scoped3A_316, %dma_wait3A_363] : memref<2x8x7808xf32, #tpu.memory_space<vmem>> -> memref<1x1x640xf32, #tpu.memory_space<vmem>>
          %dma_wait3A_365 = tpu.memref_squeeze %dma_wait3A_364 : memref<1x1x640xf32, #tpu.memory_space<vmem>> -> memref<640xf32, #tpu.memory_space<vmem>>
          tpu.wait_dma2 semaphore(%run_scoped3A_349 : memref<!tpu.dma_semaphore, #tpu.memory_space<semaphore_mem>>) src(%dma_wait3A_365 : memref<640xf32, #tpu.memory_space<vmem>>) dst(%dma_wait3A_362 : memref<640xf32, #tpu.memory_space<hbm>>)
          tpu.yield
        }) : () -> ()
        %add3A_317 = arith.constant 4 : i32
        %add3A_318 = arith.addi %mul3A_32, %add3A_317 : i32
        %mul3A_319 = arith.constant 1000064 : i32
        %mul3A_320 = arith.muli %add3A_318, %mul3A_319 : i32
        %add3A_321 = arith.constant 999424 : i32
        %add3A_322 = arith.addi %mul3A_320, %add3A_321 : i32
        %run_scoped3A_323 = arith.constant 0 : i32
        %run_scoped3A_324 = arith.constant 4 : i32
        "tpu.region"() ({
          %run_scoped3A_349 = tpu.sem_alloc : memref<!tpu.dma_semaphore, #tpu.memory_space<semaphore_mem>>
          %dma_start3A_350 = arith.constant 0 : i32
          %dma_start3A_351 = tpu.memref_slice %arg10[%run_scoped3A_323, %run_scoped3A_324, %dma_start3A_350] : memref<2x8x7808xf32, #tpu.memory_space<vmem>> -> memref<1x1x640xf32, #tpu.memory_space<vmem>>
          %dma_start3A_352 = tpu.memref_squeeze %dma_start3A_351 : memref<1x1x640xf32, #tpu.memory_space<vmem>> -> memref<640xf32, #tpu.memory_space<vmem>>
          %dma_start3A_353 = tpu.memref_slice %arg8[%add3A_322] : memref<32002048xf32, #tpu.memory_space<hbm>> -> memref<640xf32, #tpu.memory_space<hbm>>
          %dma_start3A_354 = tpu.memref_slice %arg8[%add3A_322] : memref<32002048xf32, #tpu.memory_space<hbm>> -> memref<640xf32, #tpu.memory_space<hbm>>
          %dma_start3A_355 = arith.constant 0 : i32
          %dma_start3A_356 = tpu.memref_slice %arg10[%run_scoped3A_323, %run_scoped3A_324, %dma_start3A_355] : memref<2x8x7808xf32, #tpu.memory_space<vmem>> -> memref<1x1x640xf32, #tpu.memory_space<vmem>>
          %dma_start3A_357 = tpu.memref_squeeze %dma_start3A_356 : memref<1x1x640xf32, #tpu.memory_space<vmem>> -> memref<640xf32, #tpu.memory_space<vmem>>
          tpu.enqueue_dma source(%dma_start3A_357 : memref<640xf32, #tpu.memory_space<vmem>>) target(%dma_start3A_354 : memref<640xf32, #tpu.memory_space<hbm>>) target_semaphore(%run_scoped3A_349 : memref<!tpu.dma_semaphore, #tpu.memory_space<semaphore_mem>>)
          %dma_wait3A_358 = arith.constant 0 : i32
          %dma_wait3A_359 = tpu.memref_slice %arg10[%run_scoped3A_323, %run_scoped3A_324, %dma_wait3A_358] : memref<2x8x7808xf32, #tpu.memory_space<vmem>> -> memref<1x1x640xf32, #tpu.memory_space<vmem>>
          %dma_wait3A_360 = tpu.memref_squeeze %dma_wait3A_359 : memref<1x1x640xf32, #tpu.memory_space<vmem>> -> memref<640xf32, #tpu.memory_space<vmem>>
          %dma_wait3A_361 = tpu.memref_slice %arg8[%add3A_322] : memref<32002048xf32, #tpu.memory_space<hbm>> -> memref<640xf32, #tpu.memory_space<hbm>>
          %dma_wait3A_362 = tpu.memref_slice %arg8[%add3A_322] : memref<32002048xf32, #tpu.memory_space<hbm>> -> memref<640xf32, #tpu.memory_space<hbm>>
          %dma_wait3A_363 = arith.constant 0 : i32
          %dma_wait3A_364 = tpu.memref_slice %arg10[%run_scoped3A_323, %run_scoped3A_324, %dma_wait3A_363] : memref<2x8x7808xf32, #tpu.memory_space<vmem>> -> memref<1x1x640xf32, #tpu.memory_space<vmem>>
          %dma_wait3A_365 = tpu.memref_squeeze %dma_wait3A_364 : memref<1x1x640xf32, #tpu.memory_space<vmem>> -> memref<640xf32, #tpu.memory_space<vmem>>
          tpu.wait_dma2 semaphore(%run_scoped3A_349 : memref<!tpu.dma_semaphore, #tpu.memory_space<semaphore_mem>>) src(%dma_wait3A_365 : memref<640xf32, #tpu.memory_space<vmem>>) dst(%dma_wait3A_362 : memref<640xf32, #tpu.memory_space<hbm>>)
          tpu.yield
        }) : () -> ()
        %add3A_325 = arith.constant 5 : i32
        %add3A_326 = arith.addi %mul3A_32, %add3A_325 : i32
        %mul3A_327 = arith.constant 1000064 : i32
        %mul3A_328 = arith.muli %add3A_326, %mul3A_327 : i32
        %add3A_329 = arith.constant 999424 : i32
        %add3A_330 = arith.addi %mul3A_328, %add3A_329 : i32
        %run_scoped3A_331 = arith.constant 0 : i32
        %run_scoped3A_332 = arith.constant 5 : i32
        "tpu.region"() ({
          %run_scoped3A_349 = tpu.sem_alloc : memref<!tpu.dma_semaphore, #tpu.memory_space<semaphore_mem>>
          %dma_start3A_350 = arith.constant 0 : i32
          %dma_start3A_351 = tpu.memref_slice %arg10[%run_scoped3A_331, %run_scoped3A_332, %dma_start3A_350] : memref<2x8x7808xf32, #tpu.memory_space<vmem>> -> memref<1x1x640xf32, #tpu.memory_space<vmem>>
          %dma_start3A_352 = tpu.memref_squeeze %dma_start3A_351 : memref<1x1x640xf32, #tpu.memory_space<vmem>> -> memref<640xf32, #tpu.memory_space<vmem>>
          %dma_start3A_353 = tpu.memref_slice %arg8[%add3A_330] : memref<32002048xf32, #tpu.memory_space<hbm>> -> memref<640xf32, #tpu.memory_space<hbm>>
          %dma_start3A_354 = tpu.memref_slice %arg8[%add3A_330] : memref<32002048xf32, #tpu.memory_space<hbm>> -> memref<640xf32, #tpu.memory_space<hbm>>
          %dma_start3A_355 = arith.constant 0 : i32
          %dma_start3A_356 = tpu.memref_slice %arg10[%run_scoped3A_331, %run_scoped3A_332, %dma_start3A_355] : memref<2x8x7808xf32, #tpu.memory_space<vmem>> -> memref<1x1x640xf32, #tpu.memory_space<vmem>>
          %dma_start3A_357 = tpu.memref_squeeze %dma_start3A_356 : memref<1x1x640xf32, #tpu.memory_space<vmem>> -> memref<640xf32, #tpu.memory_space<vmem>>
          tpu.enqueue_dma source(%dma_start3A_357 : memref<640xf32, #tpu.memory_space<vmem>>) target(%dma_start3A_354 : memref<640xf32, #tpu.memory_space<hbm>>) target_semaphore(%run_scoped3A_349 : memref<!tpu.dma_semaphore, #tpu.memory_space<semaphore_mem>>)
          %dma_wait3A_358 = arith.constant 0 : i32
          %dma_wait3A_359 = tpu.memref_slice %arg10[%run_scoped3A_331, %run_scoped3A_332, %dma_wait3A_358] : memref<2x8x7808xf32, #tpu.memory_space<vmem>> -> memref<1x1x640xf32, #tpu.memory_space<vmem>>
          %dma_wait3A_360 = tpu.memref_squeeze %dma_wait3A_359 : memref<1x1x640xf32, #tpu.memory_space<vmem>> -> memref<640xf32, #tpu.memory_space<vmem>>
          %dma_wait3A_361 = tpu.memref_slice %arg8[%add3A_330] : memref<32002048xf32, #tpu.memory_space<hbm>> -> memref<640xf32, #tpu.memory_space<hbm>>
          %dma_wait3A_362 = tpu.memref_slice %arg8[%add3A_330] : memref<32002048xf32, #tpu.memory_space<hbm>> -> memref<640xf32, #tpu.memory_space<hbm>>
          %dma_wait3A_363 = arith.constant 0 : i32
          %dma_wait3A_364 = tpu.memref_slice %arg10[%run_scoped3A_331, %run_scoped3A_332, %dma_wait3A_363] : memref<2x8x7808xf32, #tpu.memory_space<vmem>> -> memref<1x1x640xf32, #tpu.memory_space<vmem>>
          %dma_wait3A_365 = tpu.memref_squeeze %dma_wait3A_364 : memref<1x1x640xf32, #tpu.memory_space<vmem>> -> memref<640xf32, #tpu.memory_space<vmem>>
          tpu.wait_dma2 semaphore(%run_scoped3A_349 : memref<!tpu.dma_semaphore, #tpu.memory_space<semaphore_mem>>) src(%dma_wait3A_365 : memref<640xf32, #tpu.memory_space<vmem>>) dst(%dma_wait3A_362 : memref<640xf32, #tpu.memory_space<hbm>>)
          tpu.yield
        }) : () -> ()
        %add3A_333 = arith.constant 6 : i32
        %add3A_334 = arith.addi %mul3A_32, %add3A_333 : i32
        %mul3A_335 = arith.constant 1000064 : i32
        %mul3A_336 = arith.muli %add3A_334, %mul3A_335 : i32
        %add3A_337 = arith.constant 999424 : i32
        %add3A_338 = arith.addi %mul3A_336, %add3A_337 : i32
        %run_scoped3A_339 = arith.constant 0 : i32
        %run_scoped3A_340 = arith.constant 6 : i32
        "tpu.region"() ({
          %run_scoped3A_349 = tpu.sem_alloc : memref<!tpu.dma_semaphore, #tpu.memory_space<semaphore_mem>>
          %dma_start3A_350 = arith.constant 0 : i32
          %dma_start3A_351 = tpu.memref_slice %arg10[%run_scoped3A_339, %run_scoped3A_340, %dma_start3A_350] : memref<2x8x7808xf32, #tpu.memory_space<vmem>> -> memref<1x1x640xf32, #tpu.memory_space<vmem>>
          %dma_start3A_352 = tpu.memref_squeeze %dma_start3A_351 : memref<1x1x640xf32, #tpu.memory_space<vmem>> -> memref<640xf32, #tpu.memory_space<vmem>>
          %dma_start3A_353 = tpu.memref_slice %arg8[%add3A_338] : memref<32002048xf32, #tpu.memory_space<hbm>> -> memref<640xf32, #tpu.memory_space<hbm>>
          %dma_start3A_354 = tpu.memref_slice %arg8[%add3A_338] : memref<32002048xf32, #tpu.memory_space<hbm>> -> memref<640xf32, #tpu.memory_space<hbm>>
          %dma_start3A_355 = arith.constant 0 : i32
          %dma_start3A_356 = tpu.memref_slice %arg10[%run_scoped3A_339, %run_scoped3A_340, %dma_start3A_355] : memref<2x8x7808xf32, #tpu.memory_space<vmem>> -> memref<1x1x640xf32, #tpu.memory_space<vmem>>
          %dma_start3A_357 = tpu.memref_squeeze %dma_start3A_356 : memref<1x1x640xf32, #tpu.memory_space<vmem>> -> memref<640xf32, #tpu.memory_space<vmem>>
          tpu.enqueue_dma source(%dma_start3A_357 : memref<640xf32, #tpu.memory_space<vmem>>) target(%dma_start3A_354 : memref<640xf32, #tpu.memory_space<hbm>>) target_semaphore(%run_scoped3A_349 : memref<!tpu.dma_semaphore, #tpu.memory_space<semaphore_mem>>)
          %dma_wait3A_358 = arith.constant 0 : i32
          %dma_wait3A_359 = tpu.memref_slice %arg10[%run_scoped3A_339, %run_scoped3A_340, %dma_wait3A_358] : memref<2x8x7808xf32, #tpu.memory_space<vmem>> -> memref<1x1x640xf32, #tpu.memory_space<vmem>>
          %dma_wait3A_360 = tpu.memref_squeeze %dma_wait3A_359 : memref<1x1x640xf32, #tpu.memory_space<vmem>> -> memref<640xf32, #tpu.memory_space<vmem>>
          %dma_wait3A_361 = tpu.memref_slice %arg8[%add3A_338] : memref<32002048xf32, #tpu.memory_space<hbm>> -> memref<640xf32, #tpu.memory_space<hbm>>
          %dma_wait3A_362 = tpu.memref_slice %arg8[%add3A_338] : memref<32002048xf32, #tpu.memory_space<hbm>> -> memref<640xf32, #tpu.memory_space<hbm>>
          %dma_wait3A_363 = arith.constant 0 : i32
          %dma_wait3A_364 = tpu.memref_slice %arg10[%run_scoped3A_339, %run_scoped3A_340, %dma_wait3A_363] : memref<2x8x7808xf32, #tpu.memory_space<vmem>> -> memref<1x1x640xf32, #tpu.memory_space<vmem>>
          %dma_wait3A_365 = tpu.memref_squeeze %dma_wait3A_364 : memref<1x1x640xf32, #tpu.memory_space<vmem>> -> memref<640xf32, #tpu.memory_space<vmem>>
          tpu.wait_dma2 semaphore(%run_scoped3A_349 : memref<!tpu.dma_semaphore, #tpu.memory_space<semaphore_mem>>) src(%dma_wait3A_365 : memref<640xf32, #tpu.memory_space<vmem>>) dst(%dma_wait3A_362 : memref<640xf32, #tpu.memory_space<hbm>>)
          tpu.yield
        }) : () -> ()
        %add3A_341 = arith.constant 7 : i32
        %add3A_342 = arith.addi %mul3A_32, %add3A_341 : i32
        %mul3A_343 = arith.constant 1000064 : i32
        %mul3A_344 = arith.muli %add3A_342, %mul3A_343 : i32
        %add3A_345 = arith.constant 999424 : i32
        %add3A_346 = arith.addi %mul3A_344, %add3A_345 : i32
        %run_scoped3A_347 = arith.constant 0 : i32
        %run_scoped3A_348 = arith.constant 7 : i32
        "tpu.region"() ({
          %run_scoped3A_349 = tpu.sem_alloc : memref<!tpu.dma_semaphore, #tpu.memory_space<semaphore_mem>>
          %dma_start3A_350 = arith.constant 0 : i32
          %dma_start3A_351 = tpu.memref_slice %arg10[%run_scoped3A_347, %run_scoped3A_348, %dma_start3A_350] : memref<2x8x7808xf32, #tpu.memory_space<vmem>> -> memref<1x1x640xf32, #tpu.memory_space<vmem>>
          %dma_start3A_352 = tpu.memref_squeeze %dma_start3A_351 : memref<1x1x640xf32, #tpu.memory_space<vmem>> -> memref<640xf32, #tpu.memory_space<vmem>>
          %dma_start3A_353 = tpu.memref_slice %arg8[%add3A_346] : memref<32002048xf32, #tpu.memory_space<hbm>> -> memref<640xf32, #tpu.memory_space<hbm>>
          %dma_start3A_354 = tpu.memref_slice %arg8[%add3A_346] : memref<32002048xf32, #tpu.memory_space<hbm>> -> memref<640xf32, #tpu.memory_space<hbm>>
          %dma_start3A_355 = arith.constant 0 : i32
          %dma_start3A_356 = tpu.memref_slice %arg10[%run_scoped3A_347, %run_scoped3A_348, %dma_start3A_355] : memref<2x8x7808xf32, #tpu.memory_space<vmem>> -> memref<1x1x640xf32, #tpu.memory_space<vmem>>
          %dma_start3A_357 = tpu.memref_squeeze %dma_start3A_356 : memref<1x1x640xf32, #tpu.memory_space<vmem>> -> memref<640xf32, #tpu.memory_space<vmem>>
          tpu.enqueue_dma source(%dma_start3A_357 : memref<640xf32, #tpu.memory_space<vmem>>) target(%dma_start3A_354 : memref<640xf32, #tpu.memory_space<hbm>>) target_semaphore(%run_scoped3A_349 : memref<!tpu.dma_semaphore, #tpu.memory_space<semaphore_mem>>)
          %dma_wait3A_358 = arith.constant 0 : i32
          %dma_wait3A_359 = tpu.memref_slice %arg10[%run_scoped3A_347, %run_scoped3A_348, %dma_wait3A_358] : memref<2x8x7808xf32, #tpu.memory_space<vmem>> -> memref<1x1x640xf32, #tpu.memory_space<vmem>>
          %dma_wait3A_360 = tpu.memref_squeeze %dma_wait3A_359 : memref<1x1x640xf32, #tpu.memory_space<vmem>> -> memref<640xf32, #tpu.memory_space<vmem>>
          %dma_wait3A_361 = tpu.memref_slice %arg8[%add3A_346] : memref<32002048xf32, #tpu.memory_space<hbm>> -> memref<640xf32, #tpu.memory_space<hbm>>
          %dma_wait3A_362 = tpu.memref_slice %arg8[%add3A_346] : memref<32002048xf32, #tpu.memory_space<hbm>> -> memref<640xf32, #tpu.memory_space<hbm>>
          %dma_wait3A_363 = arith.constant 0 : i32
          %dma_wait3A_364 = tpu.memref_slice %arg10[%run_scoped3A_347, %run_scoped3A_348, %dma_wait3A_363] : memref<2x8x7808xf32, #tpu.memory_space<vmem>> -> memref<1x1x640xf32, #tpu.memory_space<vmem>>
          %dma_wait3A_365 = tpu.memref_squeeze %dma_wait3A_364 : memref<1x1x640xf32, #tpu.memory_space<vmem>> -> memref<640xf32, #tpu.memory_space<vmem>>
          tpu.wait_dma2 semaphore(%run_scoped3A_349 : memref<!tpu.dma_semaphore, #tpu.memory_space<semaphore_mem>>) src(%dma_wait3A_365 : memref<640xf32, #tpu.memory_space<vmem>>) dst(%dma_wait3A_362 : memref<640xf32, #tpu.memory_space<hbm>>)
          tpu.yield
        }) : () -> ()
      } else {
      }
    } else {
    }
    %jit3A_136 = arith.constant 8 : i32
    %div3A_137 = arith.divsi %add3A, %jit3A_136 : i32
    %sign3A_138 = arith.constant 0 : i32
    %sign3A_139 = arith.cmpi sgt, %add3A, %sign3A_138 : i32
    %sign3A_140 = arith.extui %sign3A_139 : i1 to i32
    %sign3A_141 = arith.constant 0 : i32
    %sign3A_142 = arith.cmpi slt, %add3A, %sign3A_141 : i32
    %sign3A_143 = arith.extui %sign3A_142 : i1 to i32
    %sign3A_144 = arith.subi %sign3A_140, %sign3A_143 : i32
    %sign3A_145 = arith.constant 0 : i32
    %sign3A_146 = arith.cmpi sgt, %jit3A_136, %sign3A_145 : i32
    %sign3A_147 = arith.extui %sign3A_146 : i1 to i32
    %sign3A_148 = arith.constant 0 : i32
    %sign3A_149 = arith.cmpi slt, %jit3A_136, %sign3A_148 : i32
    %sign3A_150 = arith.extui %sign3A_149 : i1 to i32
    %sign3A_151 = arith.subi %sign3A_147, %sign3A_150 : i32
    %ne3A_152 = arith.cmpi ne, %sign3A_144, %sign3A_151 : i32
    %rem3A_153 = arith.remsi %add3A, %jit3A_136 : i32
    %ne3A_154 = arith.constant 0 : i32
    %ne3A_155 = arith.cmpi ne, %rem3A_153, %ne3A_154 : i32
    %and3A_156 = arith.andi %ne3A_152, %ne3A_155 : i1
    %sub3A_157 = arith.constant 1 : i32
    %sub3A_158 = arith.subi %div3A_137, %sub3A_157 : i32
    %select_n3A_159 = arith.select %and3A_156, %sub3A_158, %div3A_137 : i32
    %eq3A_160 = arith.constant 3 : i32
    %eq3A_161 = arith.cmpi eq, %select_n3A_159, %eq3A_160 : i32
    %convert_element_type3A_162 = arith.extui %eq3A_161 : i1 to i32
    %cond3A_163 = arith.constant 0 : i32
    %cond3A_164 = arith.cmpi ne, %convert_element_type3A_162, %cond3A_163 : i32
    scf.if %cond3A_164 {
      %mul3A_165 = arith.constant 7808 : i32
      %mul3A_166 = arith.muli %mul3A_50, %mul3A_165 : i32
      %dma_start3A = arith.constant 0 : i32
      %dma_start3A_167 = arith.constant 0 : i32
      %dma_start3A_168 = arith.constant 0 : i32
      %dma_start3A_169 = tpu.memref_slice %arg10[%dma_start3A, %dma_start3A_167, %dma_start3A_168] : memref<2x8x7808xf32, #tpu.memory_space<vmem>> -> memref<1x8x7808xf32, #tpu.memory_space<vmem>>
      %dma_start3A_170 = tpu.memref_squeeze %dma_start3A_169 : memref<1x8x7808xf32, #tpu.memory_space<vmem>> -> memref<8x7808xf32, #tpu.memory_space<vmem>>
      %dma_start3A_171 = tpu.memref_slice %arg5[%mul3A_32, %mul3A_166] : memref<32x1000000xf32, #tpu.memory_space<hbm>> -> memref<8x7808xf32, #tpu.memory_space<hbm>>
      %dma_start3A_172 = arith.constant 0 : i32
      %dma_start3A_173 = arith.constant 0 : i32
      %dma_start3A_174 = tpu.memref_slice %arg10[%dma_start3A, %dma_start3A_172, %dma_start3A_173] : memref<2x8x7808xf32, #tpu.memory_space<vmem>> -> memref<1x8x7808xf32, #tpu.memory_space<vmem>>
      %dma_start3A_175 = tpu.memref_squeeze %dma_start3A_174 : memref<1x8x7808xf32, #tpu.memory_space<vmem>> -> memref<8x7808xf32, #tpu.memory_space<vmem>>
      %dma_start3A_176 = tpu.memref_slice %arg5[%mul3A_32, %mul3A_166] : memref<32x1000000xf32, #tpu.memory_space<hbm>> -> memref<8x7808xf32, #tpu.memory_space<hbm>>
      tpu.enqueue_dma source(%dma_start3A_176 : memref<8x7808xf32, #tpu.memory_space<hbm>>) target(%dma_start3A_175 : memref<8x7808xf32, #tpu.memory_space<vmem>>) target_semaphore(%arg11 : memref<!tpu.dma_semaphore, #tpu.memory_space<semaphore_mem>>)
      %scan3A = arith.constant 0 : i32
      %scan3A_177 = arith.constant 64 : i32
      %scan3A_178 = arith.addi %scan3A, %scan3A_177 : i32
      %scan3A_179 = arith.constant 1 : i32
      scf.for %scan3A_281 = %scan3A to %scan3A_178 step %scan3A_179  : i32 {
        %mul3A_282 = arith.constant 1 : i32
        %mul3A_283 = arith.muli %scan3A_281, %mul3A_282 : i32
        %add3A_284 = arith.constant 0 : i32
        %add3A_285 = arith.addi %add3A_284, %mul3A_283 : i32
        %add3A_286 = arith.addi %mul3A_50, %add3A_285 : i32
        %jit3A_287 = arith.constant 2 : i32
        %eq3A_288 = arith.constant 0 : i32
        %eq3A_289 = arith.cmpi eq, %jit3A_287, %eq3A_288 : i32
        %jit3A_290 = arith.constant 1 : i32
        %select_n3A_291 = arith.select %eq3A_289, %jit3A_290, %jit3A_287 : i32
        %rem3A_292 = arith.remsi %add3A_285, %select_n3A_291 : i32
        %ne3A_293 = arith.constant 0 : i32
        %ne3A_294 = arith.cmpi ne, %rem3A_292, %ne3A_293 : i32
        %lt3A_295 = arith.constant 0 : i32
        %lt3A_296 = arith.cmpi slt, %rem3A_292, %lt3A_295 : i32
        %lt3A_297 = arith.constant 0 : i32
        %lt3A_298 = arith.cmpi slt, %select_n3A_291, %lt3A_297 : i32
        %ne3A_299 = arith.xori %lt3A_296, %lt3A_298 : i1
        %and3A_300 = arith.andi %ne3A_299, %ne3A_294 : i1
        %add3A_301 = arith.addi %rem3A_292, %select_n3A_291 : i32
        %select_n3A_302 = arith.select %and3A_300, %add3A_301, %rem3A_292 : i32
        %gt3A = arith.constant 0 : i32
        %gt3A_303 = arith.cmpi sgt, %add3A_285, %gt3A : i32
        %convert_element_type3A_304 = arith.extui %gt3A_303 : i1 to i32
        %cond3A_305 = arith.constant 0 : i32
        %cond3A_306 = arith.cmpi ne, %convert_element_type3A_304, %cond3A_305 : i32
        scf.if %cond3A_306 {
          %dma_wait3A_455 = arith.constant 0 : i32
          %dma_wait3A_456 = arith.constant 0 : i32
          %dma_wait3A_457 = arith.constant 0 : i32
          %dma_wait3A_458 = tpu.memref_slice %arg10[%dma_wait3A_455, %dma_wait3A_456, %dma_wait3A_457] : memref<2x8x7808xf32, #tpu.memory_space<vmem>> -> memref<1x1x7808xf32, #tpu.memory_space<vmem>>
          %dma_wait3A_459 = tpu.memref_squeeze %dma_wait3A_458 : memref<1x1x7808xf32, #tpu.memory_space<vmem>> -> memref<7808xf32, #tpu.memory_space<vmem>>
          %dma_wait3A_460 = arith.constant 0 : i32
          %dma_wait3A_461 = tpu.memref_slice %arg9[%dma_wait3A_460] : memref<32002048xf32, #tpu.memory_space<hbm>> -> memref<7808xf32, #tpu.memory_space<hbm>>
          %dma_wait3A_462 = arith.constant 0 : i32
          %dma_wait3A_463 = tpu.memref_slice %arg9[%dma_wait3A_462] : memref<32002048xf32, #tpu.memory_space<hbm>> -> memref<7808xf32, #tpu.memory_space<hbm>>
          %dma_wait3A_464 = arith.constant 0 : i32
          %dma_wait3A_465 = tpu.memref_slice %arg10[%dma_wait3A_455, %dma_wait3A_456, %dma_wait3A_464] : memref<2x8x7808xf32, #tpu.memory_space<vmem>> -> memref<1x1x7808xf32, #tpu.memory_space<vmem>>
          %dma_wait3A_466 = tpu.memref_squeeze %dma_wait3A_465 : memref<1x1x7808xf32, #tpu.memory_space<vmem>> -> memref<7808xf32, #tpu.memory_space<vmem>>
          tpu.wait_dma2 semaphore(%arg12 : memref<!tpu.dma_semaphore, #tpu.memory_space<semaphore_mem>>) src(%dma_wait3A_466 : memref<7808xf32, #tpu.memory_space<vmem>>) dst(%dma_wait3A_463 : memref<7808xf32, #tpu.memory_space<hbm>>)
          %dma_wait3A_467 = arith.constant 0 : i32
          %dma_wait3A_468 = arith.constant 1 : i32
          %dma_wait3A_469 = arith.constant 0 : i32
          %dma_wait3A_470 = tpu.memref_slice %arg10[%dma_wait3A_467, %dma_wait3A_468, %dma_wait3A_469] : memref<2x8x7808xf32, #tpu.memory_space<vmem>> -> memref<1x1x7808xf32, #tpu.memory_space<vmem>>
          %dma_wait3A_471 = tpu.memref_squeeze %dma_wait3A_470 : memref<1x1x7808xf32, #tpu.memory_space<vmem>> -> memref<7808xf32, #tpu.memory_space<vmem>>
          %dma_wait3A_472 = arith.constant 0 : i32
          %dma_wait3A_473 = tpu.memref_slice %arg9[%dma_wait3A_472] : memref<32002048xf32, #tpu.memory_space<hbm>> -> memref<7808xf32, #tpu.memory_space<hbm>>
          %dma_wait3A_474 = arith.constant 0 : i32
          %dma_wait3A_475 = tpu.memref_slice %arg9[%dma_wait3A_474] : memref<32002048xf32, #tpu.memory_space<hbm>> -> memref<7808xf32, #tpu.memory_space<hbm>>
          %dma_wait3A_476 = arith.constant 0 : i32
          %dma_wait3A_477 = tpu.memref_slice %arg10[%dma_wait3A_467, %dma_wait3A_468, %dma_wait3A_476] : memref<2x8x7808xf32, #tpu.memory_space<vmem>> -> memref<1x1x7808xf32, #tpu.memory_space<vmem>>
          %dma_wait3A_478 = tpu.memref_squeeze %dma_wait3A_477 : memref<1x1x7808xf32, #tpu.memory_space<vmem>> -> memref<7808xf32, #tpu.memory_space<vmem>>
          tpu.wait_dma2 semaphore(%arg12 : memref<!tpu.dma_semaphore, #tpu.memory_space<semaphore_mem>>) src(%dma_wait3A_478 : memref<7808xf32, #tpu.memory_space<vmem>>) dst(%dma_wait3A_475 : memref<7808xf32, #tpu.memory_space<hbm>>)
          %dma_wait3A_479 = arith.constant 0 : i32
          %dma_wait3A_480 = arith.constant 2 : i32
          %dma_wait3A_481 = arith.constant 0 : i32
          %dma_wait3A_482 = tpu.memref_slice %arg10[%dma_wait3A_479, %dma_wait3A_480, %dma_wait3A_481] : memref<2x8x7808xf32, #tpu.memory_space<vmem>> -> memref<1x1x7808xf32, #tpu.memory_space<vmem>>
          %dma_wait3A_483 = tpu.memref_squeeze %dma_wait3A_482 : memref<1x1x7808xf32, #tpu.memory_space<vmem>> -> memref<7808xf32, #tpu.memory_space<vmem>>
          %dma_wait3A_484 = arith.constant 0 : i32
          %dma_wait3A_485 = tpu.memref_slice %arg9[%dma_wait3A_484] : memref<32002048xf32, #tpu.memory_space<hbm>> -> memref<7808xf32, #tpu.memory_space<hbm>>
          %dma_wait3A_486 = arith.constant 0 : i32
          %dma_wait3A_487 = tpu.memref_slice %arg9[%dma_wait3A_486] : memref<32002048xf32, #tpu.memory_space<hbm>> -> memref<7808xf32, #tpu.memory_space<hbm>>
          %dma_wait3A_488 = arith.constant 0 : i32
          %dma_wait3A_489 = tpu.memref_slice %arg10[%dma_wait3A_479, %dma_wait3A_480, %dma_wait3A_488] : memref<2x8x7808xf32, #tpu.memory_space<vmem>> -> memref<1x1x7808xf32, #tpu.memory_space<vmem>>
          %dma_wait3A_490 = tpu.memref_squeeze %dma_wait3A_489 : memref<1x1x7808xf32, #tpu.memory_space<vmem>> -> memref<7808xf32, #tpu.memory_space<vmem>>
          tpu.wait_dma2 semaphore(%arg12 : memref<!tpu.dma_semaphore, #tpu.memory_space<semaphore_mem>>) src(%dma_wait3A_490 : memref<7808xf32, #tpu.memory_space<vmem>>) dst(%dma_wait3A_487 : memref<7808xf32, #tpu.memory_space<hbm>>)
          %dma_wait3A_491 = arith.constant 0 : i32
          %dma_wait3A_492 = arith.constant 3 : i32
          %dma_wait3A_493 = arith.constant 0 : i32
          %dma_wait3A_494 = tpu.memref_slice %arg10[%dma_wait3A_491, %dma_wait3A_492, %dma_wait3A_493] : memref<2x8x7808xf32, #tpu.memory_space<vmem>> -> memref<1x1x7808xf32, #tpu.memory_space<vmem>>
          %dma_wait3A_495 = tpu.memref_squeeze %dma_wait3A_494 : memref<1x1x7808xf32, #tpu.memory_space<vmem>> -> memref<7808xf32, #tpu.memory_space<vmem>>
          %dma_wait3A_496 = arith.constant 0 : i32
          %dma_wait3A_497 = tpu.memref_slice %arg9[%dma_wait3A_496] : memref<32002048xf32, #tpu.memory_space<hbm>> -> memref<7808xf32, #tpu.memory_space<hbm>>
          %dma_wait3A_498 = arith.constant 0 : i32
          %dma_wait3A_499 = tpu.memref_slice %arg9[%dma_wait3A_498] : memref<32002048xf32, #tpu.memory_space<hbm>> -> memref<7808xf32, #tpu.memory_space<hbm>>
          %dma_wait3A_500 = arith.constant 0 : i32
          %dma_wait3A_501 = tpu.memref_slice %arg10[%dma_wait3A_491, %dma_wait3A_492, %dma_wait3A_500] : memref<2x8x7808xf32, #tpu.memory_space<vmem>> -> memref<1x1x7808xf32, #tpu.memory_space<vmem>>
          %dma_wait3A_502 = tpu.memref_squeeze %dma_wait3A_501 : memref<1x1x7808xf32, #tpu.memory_space<vmem>> -> memref<7808xf32, #tpu.memory_space<vmem>>
          tpu.wait_dma2 semaphore(%arg12 : memref<!tpu.dma_semaphore, #tpu.memory_space<semaphore_mem>>) src(%dma_wait3A_502 : memref<7808xf32, #tpu.memory_space<vmem>>) dst(%dma_wait3A_499 : memref<7808xf32, #tpu.memory_space<hbm>>)
          %dma_wait3A_503 = arith.constant 0 : i32
          %dma_wait3A_504 = arith.constant 4 : i32
          %dma_wait3A_505 = arith.constant 0 : i32
          %dma_wait3A_506 = tpu.memref_slice %arg10[%dma_wait3A_503, %dma_wait3A_504, %dma_wait3A_505] : memref<2x8x7808xf32, #tpu.memory_space<vmem>> -> memref<1x1x7808xf32, #tpu.memory_space<vmem>>
          %dma_wait3A_507 = tpu.memref_squeeze %dma_wait3A_506 : memref<1x1x7808xf32, #tpu.memory_space<vmem>> -> memref<7808xf32, #tpu.memory_space<vmem>>
          %dma_wait3A_508 = arith.constant 0 : i32
          %dma_wait3A_509 = tpu.memref_slice %arg9[%dma_wait3A_508] : memref<32002048xf32, #tpu.memory_space<hbm>> -> memref<7808xf32, #tpu.memory_space<hbm>>
          %dma_wait3A_510 = arith.constant 0 : i32
          %dma_wait3A_511 = tpu.memref_slice %arg9[%dma_wait3A_510] : memref<32002048xf32, #tpu.memory_space<hbm>> -> memref<7808xf32, #tpu.memory_space<hbm>>
          %dma_wait3A_512 = arith.constant 0 : i32
          %dma_wait3A_513 = tpu.memref_slice %arg10[%dma_wait3A_503, %dma_wait3A_504, %dma_wait3A_512] : memref<2x8x7808xf32, #tpu.memory_space<vmem>> -> memref<1x1x7808xf32, #tpu.memory_space<vmem>>
          %dma_wait3A_514 = tpu.memref_squeeze %dma_wait3A_513 : memref<1x1x7808xf32, #tpu.memory_space<vmem>> -> memref<7808xf32, #tpu.memory_space<vmem>>
          tpu.wait_dma2 semaphore(%arg12 : memref<!tpu.dma_semaphore, #tpu.memory_space<semaphore_mem>>) src(%dma_wait3A_514 : memref<7808xf32, #tpu.memory_space<vmem>>) dst(%dma_wait3A_511 : memref<7808xf32, #tpu.memory_space<hbm>>)
          %dma_wait3A_515 = arith.constant 0 : i32
          %dma_wait3A_516 = arith.constant 5 : i32
          %dma_wait3A_517 = arith.constant 0 : i32
          %dma_wait3A_518 = tpu.memref_slice %arg10[%dma_wait3A_515, %dma_wait3A_516, %dma_wait3A_517] : memref<2x8x7808xf32, #tpu.memory_space<vmem>> -> memref<1x1x7808xf32, #tpu.memory_space<vmem>>
          %dma_wait3A_519 = tpu.memref_squeeze %dma_wait3A_518 : memref<1x1x7808xf32, #tpu.memory_space<vmem>> -> memref<7808xf32, #tpu.memory_space<vmem>>
          %dma_wait3A_520 = arith.constant 0 : i32
          %dma_wait3A_521 = tpu.memref_slice %arg9[%dma_wait3A_520] : memref<32002048xf32, #tpu.memory_space<hbm>> -> memref<7808xf32, #tpu.memory_space<hbm>>
          %dma_wait3A_522 = arith.constant 0 : i32
          %dma_wait3A_523 = tpu.memref_slice %arg9[%dma_wait3A_522] : memref<32002048xf32, #tpu.memory_space<hbm>> -> memref<7808xf32, #tpu.memory_space<hbm>>
          %dma_wait3A_524 = arith.constant 0 : i32
          %dma_wait3A_525 = tpu.memref_slice %arg10[%dma_wait3A_515, %dma_wait3A_516, %dma_wait3A_524] : memref<2x8x7808xf32, #tpu.memory_space<vmem>> -> memref<1x1x7808xf32, #tpu.memory_space<vmem>>
          %dma_wait3A_526 = tpu.memref_squeeze %dma_wait3A_525 : memref<1x1x7808xf32, #tpu.memory_space<vmem>> -> memref<7808xf32, #tpu.memory_space<vmem>>
          tpu.wait_dma2 semaphore(%arg12 : memref<!tpu.dma_semaphore, #tpu.memory_space<semaphore_mem>>) src(%dma_wait3A_526 : memref<7808xf32, #tpu.memory_space<vmem>>) dst(%dma_wait3A_523 : memref<7808xf32, #tpu.memory_space<hbm>>)
          %dma_wait3A_527 = arith.constant 0 : i32
          %dma_wait3A_528 = arith.constant 6 : i32
          %dma_wait3A_529 = arith.constant 0 : i32
          %dma_wait3A_530 = tpu.memref_slice %arg10[%dma_wait3A_527, %dma_wait3A_528, %dma_wait3A_529] : memref<2x8x7808xf32, #tpu.memory_space<vmem>> -> memref<1x1x7808xf32, #tpu.memory_space<vmem>>
          %dma_wait3A_531 = tpu.memref_squeeze %dma_wait3A_530 : memref<1x1x7808xf32, #tpu.memory_space<vmem>> -> memref<7808xf32, #tpu.memory_space<vmem>>
          %dma_wait3A_532 = arith.constant 0 : i32
          %dma_wait3A_533 = tpu.memref_slice %arg9[%dma_wait3A_532] : memref<32002048xf32, #tpu.memory_space<hbm>> -> memref<7808xf32, #tpu.memory_space<hbm>>
          %dma_wait3A_534 = arith.constant 0 : i32
          %dma_wait3A_535 = tpu.memref_slice %arg9[%dma_wait3A_534] : memref<32002048xf32, #tpu.memory_space<hbm>> -> memref<7808xf32, #tpu.memory_space<hbm>>
          %dma_wait3A_536 = arith.constant 0 : i32
          %dma_wait3A_537 = tpu.memref_slice %arg10[%dma_wait3A_527, %dma_wait3A_528, %dma_wait3A_536] : memref<2x8x7808xf32, #tpu.memory_space<vmem>> -> memref<1x1x7808xf32, #tpu.memory_space<vmem>>
          %dma_wait3A_538 = tpu.memref_squeeze %dma_wait3A_537 : memref<1x1x7808xf32, #tpu.memory_space<vmem>> -> memref<7808xf32, #tpu.memory_space<vmem>>
          tpu.wait_dma2 semaphore(%arg12 : memref<!tpu.dma_semaphore, #tpu.memory_space<semaphore_mem>>) src(%dma_wait3A_538 : memref<7808xf32, #tpu.memory_space<vmem>>) dst(%dma_wait3A_535 : memref<7808xf32, #tpu.memory_space<hbm>>)
          %dma_wait3A_539 = arith.constant 0 : i32
          %dma_wait3A_540 = arith.constant 7 : i32
          %dma_wait3A_541 = arith.constant 0 : i32
          %dma_wait3A_542 = tpu.memref_slice %arg10[%dma_wait3A_539, %dma_wait3A_540, %dma_wait3A_541] : memref<2x8x7808xf32, #tpu.memory_space<vmem>> -> memref<1x1x7808xf32, #tpu.memory_space<vmem>>
          %dma_wait3A_543 = tpu.memref_squeeze %dma_wait3A_542 : memref<1x1x7808xf32, #tpu.memory_space<vmem>> -> memref<7808xf32, #tpu.memory_space<vmem>>
          %dma_wait3A_544 = arith.constant 0 : i32
          %dma_wait3A_545 = tpu.memref_slice %arg9[%dma_wait3A_544] : memref<32002048xf32, #tpu.memory_space<hbm>> -> memref<7808xf32, #tpu.memory_space<hbm>>
          %dma_wait3A_546 = arith.constant 0 : i32
          %dma_wait3A_547 = tpu.memref_slice %arg9[%dma_wait3A_546] : memref<32002048xf32, #tpu.memory_space<hbm>> -> memref<7808xf32, #tpu.memory_space<hbm>>
          %dma_wait3A_548 = arith.constant 0 : i32
          %dma_wait3A_549 = tpu.memref_slice %arg10[%dma_wait3A_539, %dma_wait3A_540, %dma_wait3A_548] : memref<2x8x7808xf32, #tpu.memory_space<vmem>> -> memref<1x1x7808xf32, #tpu.memory_space<vmem>>
          %dma_wait3A_550 = tpu.memref_squeeze %dma_wait3A_549 : memref<1x1x7808xf32, #tpu.memory_space<vmem>> -> memref<7808xf32, #tpu.memory_space<vmem>>
          tpu.wait_dma2 semaphore(%arg12 : memref<!tpu.dma_semaphore, #tpu.memory_space<semaphore_mem>>) src(%dma_wait3A_550 : memref<7808xf32, #tpu.memory_space<vmem>>) dst(%dma_wait3A_547 : memref<7808xf32, #tpu.memory_space<hbm>>)
        } else {
        }
        %lt3A_307 = arith.constant 63 : i32
        %lt3A_308 = arith.cmpi slt, %add3A_285, %lt3A_307 : i32
        %convert_element_type3A_309 = arith.extui %lt3A_308 : i1 to i32
        %cond3A_310 = arith.constant 0 : i32
        %cond3A_311 = arith.cmpi ne, %convert_element_type3A_309, %cond3A_310 : i32
        scf.if %cond3A_311 {
          %add3A_455 = arith.constant 1 : i32
          %add3A_456 = arith.addi %add3A_286, %add3A_455 : i32
          %add3A_457 = arith.constant 1 : i32
          %add3A_458 = arith.addi %add3A_285, %add3A_457 : i32
          %jit3A_459 = arith.constant 2 : i32
          %eq3A_460 = arith.constant 0 : i32
          %eq3A_461 = arith.cmpi eq, %jit3A_459, %eq3A_460 : i32
          %jit3A_462 = arith.constant 1 : i32
          %select_n3A_463 = arith.select %eq3A_461, %jit3A_462, %jit3A_459 : i32
          %rem3A_464 = arith.remsi %add3A_458, %select_n3A_463 : i32
          %ne3A_465 = arith.constant 0 : i32
          %ne3A_466 = arith.cmpi ne, %rem3A_464, %ne3A_465 : i32
          %lt3A_467 = arith.constant 0 : i32
          %lt3A_468 = arith.cmpi slt, %rem3A_464, %lt3A_467 : i32
          %lt3A_469 = arith.constant 0 : i32
          %lt3A_470 = arith.cmpi slt, %select_n3A_463, %lt3A_469 : i32
          %ne3A_471 = arith.xori %lt3A_468, %lt3A_470 : i1
          %and3A_472 = arith.andi %ne3A_471, %ne3A_466 : i1
          %add3A_473 = arith.addi %rem3A_464, %select_n3A_463 : i32
          %select_n3A_474 = arith.select %and3A_472, %add3A_473, %rem3A_464 : i32
          %mul3A_475 = arith.constant 7808 : i32
          %mul3A_476 = arith.muli %add3A_456, %mul3A_475 : i32
          %dma_start3A_477 = arith.constant 0 : i32
          %dma_start3A_478 = arith.constant 0 : i32
          %dma_start3A_479 = tpu.memref_slice %arg10[%select_n3A_474, %dma_start3A_477, %dma_start3A_478] : memref<2x8x7808xf32, #tpu.memory_space<vmem>> -> memref<1x8x7808xf32, #tpu.memory_space<vmem>>
          %dma_start3A_480 = tpu.memref_squeeze %dma_start3A_479 : memref<1x8x7808xf32, #tpu.memory_space<vmem>> -> memref<8x7808xf32, #tpu.memory_space<vmem>>
          %dma_start3A_481 = tpu.memref_slice %arg5[%mul3A_32, %mul3A_476] : memref<32x1000000xf32, #tpu.memory_space<hbm>> -> memref<8x7808xf32, #tpu.memory_space<hbm>>
          %dma_start3A_482 = arith.constant 0 : i32
          %dma_start3A_483 = arith.constant 0 : i32
          %dma_start3A_484 = tpu.memref_slice %arg10[%select_n3A_474, %dma_start3A_482, %dma_start3A_483] : memref<2x8x7808xf32, #tpu.memory_space<vmem>> -> memref<1x8x7808xf32, #tpu.memory_space<vmem>>
          %dma_start3A_485 = tpu.memref_squeeze %dma_start3A_484 : memref<1x8x7808xf32, #tpu.memory_space<vmem>> -> memref<8x7808xf32, #tpu.memory_space<vmem>>
          %dma_start3A_486 = tpu.memref_slice %arg5[%mul3A_32, %mul3A_476] : memref<32x1000000xf32, #tpu.memory_space<hbm>> -> memref<8x7808xf32, #tpu.memory_space<hbm>>
          tpu.enqueue_dma source(%dma_start3A_486 : memref<8x7808xf32, #tpu.memory_space<hbm>>) target(%dma_start3A_485 : memref<8x7808xf32, #tpu.memory_space<vmem>>) target_semaphore(%arg11 : memref<!tpu.dma_semaphore, #tpu.memory_space<semaphore_mem>>)
        } else {
        }
        %dma_wait3A_312 = arith.constant 0 : i32
        %dma_wait3A_313 = arith.constant 0 : i32
        %dma_wait3A_314 = arith.constant 0 : i32
        %dma_wait3A_315 = tpu.memref_slice %arg10[%dma_wait3A_312, %dma_wait3A_313, %dma_wait3A_314] : memref<2x8x7808xf32, #tpu.memory_space<vmem>> -> memref<1x8x7808xf32, #tpu.memory_space<vmem>>
        %dma_wait3A_316 = tpu.memref_squeeze %dma_wait3A_315 : memref<1x8x7808xf32, #tpu.memory_space<vmem>> -> memref<8x7808xf32, #tpu.memory_space<vmem>>
        %dma_wait3A_317 = arith.constant 0 : i32
        %dma_wait3A_318 = arith.constant 0 : i32
        %dma_wait3A_319 = tpu.memref_slice %arg5[%dma_wait3A_317, %dma_wait3A_318] : memref<32x1000000xf32, #tpu.memory_space<hbm>> -> memref<8x7808xf32, #tpu.memory_space<hbm>>
        %dma_wait3A_320 = arith.constant 0 : i32
        %dma_wait3A_321 = arith.constant 0 : i32
        %dma_wait3A_322 = tpu.memref_slice %arg10[%dma_wait3A_312, %dma_wait3A_320, %dma_wait3A_321] : memref<2x8x7808xf32, #tpu.memory_space<vmem>> -> memref<1x8x7808xf32, #tpu.memory_space<vmem>>
        %dma_wait3A_323 = tpu.memref_squeeze %dma_wait3A_322 : memref<1x8x7808xf32, #tpu.memory_space<vmem>> -> memref<8x7808xf32, #tpu.memory_space<vmem>>
        %dma_wait3A_324 = arith.constant 0 : i32
        %dma_wait3A_325 = arith.constant 0 : i32
        %dma_wait3A_326 = tpu.memref_slice %arg5[%dma_wait3A_324, %dma_wait3A_325] : memref<32x1000000xf32, #tpu.memory_space<hbm>> -> memref<8x7808xf32, #tpu.memory_space<hbm>>
        tpu.wait_dma2 semaphore(%arg11 : memref<!tpu.dma_semaphore, #tpu.memory_space<semaphore_mem>>) src(%dma_wait3A_326 : memref<8x7808xf32, #tpu.memory_space<hbm>>) dst(%dma_wait3A_323 : memref<8x7808xf32, #tpu.memory_space<vmem>>)
        %add3A_327 = arith.constant 0 : i32
        %add3A_328 = arith.addi %mul3A_32, %add3A_327 : i32
        %mul3A_329 = arith.constant 1000064 : i32
        %mul3A_330 = arith.muli %add3A_328, %mul3A_329 : i32
        %mul3A_331 = arith.constant 7808 : i32
        %mul3A_332 = arith.muli %add3A_286, %mul3A_331 : i32
        %add3A_333 = arith.addi %mul3A_330, %mul3A_332 : i32
        %dma_start3A_334 = arith.constant 0 : i32
        %dma_start3A_335 = arith.constant 0 : i32
        %dma_start3A_336 = tpu.memref_slice %arg10[%select_n3A_302, %dma_start3A_334, %dma_start3A_335] : memref<2x8x7808xf32, #tpu.memory_space<vmem>> -> memref<1x1x7808xf32, #tpu.memory_space<vmem>>
        %dma_start3A_337 = tpu.memref_squeeze %dma_start3A_336 : memref<1x1x7808xf32, #tpu.memory_space<vmem>> -> memref<7808xf32, #tpu.memory_space<vmem>>
        %dma_start3A_338 = tpu.memref_slice %arg9[%add3A_333] : memref<32002048xf32, #tpu.memory_space<hbm>> -> memref<7808xf32, #tpu.memory_space<hbm>>
        %dma_start3A_339 = tpu.memref_slice %arg9[%add3A_333] : memref<32002048xf32, #tpu.memory_space<hbm>> -> memref<7808xf32, #tpu.memory_space<hbm>>
        %dma_start3A_340 = arith.constant 0 : i32
        %dma_start3A_341 = tpu.memref_slice %arg10[%select_n3A_302, %dma_start3A_334, %dma_start3A_340] : memref<2x8x7808xf32, #tpu.memory_space<vmem>> -> memref<1x1x7808xf32, #tpu.memory_space<vmem>>
        %dma_start3A_342 = tpu.memref_squeeze %dma_start3A_341 : memref<1x1x7808xf32, #tpu.memory_space<vmem>> -> memref<7808xf32, #tpu.memory_space<vmem>>
        tpu.enqueue_dma source(%dma_start3A_342 : memref<7808xf32, #tpu.memory_space<vmem>>) target(%dma_start3A_339 : memref<7808xf32, #tpu.memory_space<hbm>>) target_semaphore(%arg12 : memref<!tpu.dma_semaphore, #tpu.memory_space<semaphore_mem>>)
        %add3A_343 = arith.constant 1 : i32
        %add3A_344 = arith.addi %mul3A_32, %add3A_343 : i32
        %mul3A_345 = arith.constant 1000064 : i32
        %mul3A_346 = arith.muli %add3A_344, %mul3A_345 : i32
        %mul3A_347 = arith.constant 7808 : i32
        %mul3A_348 = arith.muli %add3A_286, %mul3A_347 : i32
        %add3A_349 = arith.addi %mul3A_346, %mul3A_348 : i32
        %dma_start3A_350 = arith.constant 1 : i32
        %dma_start3A_351 = arith.constant 0 : i32
        %dma_start3A_352 = tpu.memref_slice %arg10[%select_n3A_302, %dma_start3A_350, %dma_start3A_351] : memref<2x8x7808xf32, #tpu.memory_space<vmem>> -> memref<1x1x7808xf32, #tpu.memory_space<vmem>>
        %dma_start3A_353 = tpu.memref_squeeze %dma_start3A_352 : memref<1x1x7808xf32, #tpu.memory_space<vmem>> -> memref<7808xf32, #tpu.memory_space<vmem>>
        %dma_start3A_354 = tpu.memref_slice %arg9[%add3A_349] : memref<32002048xf32, #tpu.memory_space<hbm>> -> memref<7808xf32, #tpu.memory_space<hbm>>
        %dma_start3A_355 = tpu.memref_slice %arg9[%add3A_349] : memref<32002048xf32, #tpu.memory_space<hbm>> -> memref<7808xf32, #tpu.memory_space<hbm>>
        %dma_start3A_356 = arith.constant 0 : i32
        %dma_start3A_357 = tpu.memref_slice %arg10[%select_n3A_302, %dma_start3A_350, %dma_start3A_356] : memref<2x8x7808xf32, #tpu.memory_space<vmem>> -> memref<1x1x7808xf32, #tpu.memory_space<vmem>>
        %dma_start3A_358 = tpu.memref_squeeze %dma_start3A_357 : memref<1x1x7808xf32, #tpu.memory_space<vmem>> -> memref<7808xf32, #tpu.memory_space<vmem>>
        tpu.enqueue_dma source(%dma_start3A_358 : memref<7808xf32, #tpu.memory_space<vmem>>) target(%dma_start3A_355 : memref<7808xf32, #tpu.memory_space<hbm>>) target_semaphore(%arg12 : memref<!tpu.dma_semaphore, #tpu.memory_space<semaphore_mem>>)
        %add3A_359 = arith.constant 2 : i32
        %add3A_360 = arith.addi %mul3A_32, %add3A_359 : i32
        %mul3A_361 = arith.constant 1000064 : i32
        %mul3A_362 = arith.muli %add3A_360, %mul3A_361 : i32
        %mul3A_363 = arith.constant 7808 : i32
        %mul3A_364 = arith.muli %add3A_286, %mul3A_363 : i32
        %add3A_365 = arith.addi %mul3A_362, %mul3A_364 : i32
        %dma_start3A_366 = arith.constant 2 : i32
        %dma_start3A_367 = arith.constant 0 : i32
        %dma_start3A_368 = tpu.memref_slice %arg10[%select_n3A_302, %dma_start3A_366, %dma_start3A_367] : memref<2x8x7808xf32, #tpu.memory_space<vmem>> -> memref<1x1x7808xf32, #tpu.memory_space<vmem>>
        %dma_start3A_369 = tpu.memref_squeeze %dma_start3A_368 : memref<1x1x7808xf32, #tpu.memory_space<vmem>> -> memref<7808xf32, #tpu.memory_space<vmem>>
        %dma_start3A_370 = tpu.memref_slice %arg9[%add3A_365] : memref<32002048xf32, #tpu.memory_space<hbm>> -> memref<7808xf32, #tpu.memory_space<hbm>>
        %dma_start3A_371 = tpu.memref_slice %arg9[%add3A_365] : memref<32002048xf32, #tpu.memory_space<hbm>> -> memref<7808xf32, #tpu.memory_space<hbm>>
        %dma_start3A_372 = arith.constant 0 : i32
        %dma_start3A_373 = tpu.memref_slice %arg10[%select_n3A_302, %dma_start3A_366, %dma_start3A_372] : memref<2x8x7808xf32, #tpu.memory_space<vmem>> -> memref<1x1x7808xf32, #tpu.memory_space<vmem>>
        %dma_start3A_374 = tpu.memref_squeeze %dma_start3A_373 : memref<1x1x7808xf32, #tpu.memory_space<vmem>> -> memref<7808xf32, #tpu.memory_space<vmem>>
        tpu.enqueue_dma source(%dma_start3A_374 : memref<7808xf32, #tpu.memory_space<vmem>>) target(%dma_start3A_371 : memref<7808xf32, #tpu.memory_space<hbm>>) target_semaphore(%arg12 : memref<!tpu.dma_semaphore, #tpu.memory_space<semaphore_mem>>)
        %add3A_375 = arith.constant 3 : i32
        %add3A_376 = arith.addi %mul3A_32, %add3A_375 : i32
        %mul3A_377 = arith.constant 1000064 : i32
        %mul3A_378 = arith.muli %add3A_376, %mul3A_377 : i32
        %mul3A_379 = arith.constant 7808 : i32
        %mul3A_380 = arith.muli %add3A_286, %mul3A_379 : i32
        %add3A_381 = arith.addi %mul3A_378, %mul3A_380 : i32
        %dma_start3A_382 = arith.constant 3 : i32
        %dma_start3A_383 = arith.constant 0 : i32
        %dma_start3A_384 = tpu.memref_slice %arg10[%select_n3A_302, %dma_start3A_382, %dma_start3A_383] : memref<2x8x7808xf32, #tpu.memory_space<vmem>> -> memref<1x1x7808xf32, #tpu.memory_space<vmem>>
        %dma_start3A_385 = tpu.memref_squeeze %dma_start3A_384 : memref<1x1x7808xf32, #tpu.memory_space<vmem>> -> memref<7808xf32, #tpu.memory_space<vmem>>
        %dma_start3A_386 = tpu.memref_slice %arg9[%add3A_381] : memref<32002048xf32, #tpu.memory_space<hbm>> -> memref<7808xf32, #tpu.memory_space<hbm>>
        %dma_start3A_387 = tpu.memref_slice %arg9[%add3A_381] : memref<32002048xf32, #tpu.memory_space<hbm>> -> memref<7808xf32, #tpu.memory_space<hbm>>
        %dma_start3A_388 = arith.constant 0 : i32
        %dma_start3A_389 = tpu.memref_slice %arg10[%select_n3A_302, %dma_start3A_382, %dma_start3A_388] : memref<2x8x7808xf32, #tpu.memory_space<vmem>> -> memref<1x1x7808xf32, #tpu.memory_space<vmem>>
        %dma_start3A_390 = tpu.memref_squeeze %dma_start3A_389 : memref<1x1x7808xf32, #tpu.memory_space<vmem>> -> memref<7808xf32, #tpu.memory_space<vmem>>
        tpu.enqueue_dma source(%dma_start3A_390 : memref<7808xf32, #tpu.memory_space<vmem>>) target(%dma_start3A_387 : memref<7808xf32, #tpu.memory_space<hbm>>) target_semaphore(%arg12 : memref<!tpu.dma_semaphore, #tpu.memory_space<semaphore_mem>>)
        %add3A_391 = arith.constant 4 : i32
        %add3A_392 = arith.addi %mul3A_32, %add3A_391 : i32
        %mul3A_393 = arith.constant 1000064 : i32
        %mul3A_394 = arith.muli %add3A_392, %mul3A_393 : i32
        %mul3A_395 = arith.constant 7808 : i32
        %mul3A_396 = arith.muli %add3A_286, %mul3A_395 : i32
        %add3A_397 = arith.addi %mul3A_394, %mul3A_396 : i32
        %dma_start3A_398 = arith.constant 4 : i32
        %dma_start3A_399 = arith.constant 0 : i32
        %dma_start3A_400 = tpu.memref_slice %arg10[%select_n3A_302, %dma_start3A_398, %dma_start3A_399] : memref<2x8x7808xf32, #tpu.memory_space<vmem>> -> memref<1x1x7808xf32, #tpu.memory_space<vmem>>
        %dma_start3A_401 = tpu.memref_squeeze %dma_start3A_400 : memref<1x1x7808xf32, #tpu.memory_space<vmem>> -> memref<7808xf32, #tpu.memory_space<vmem>>
        %dma_start3A_402 = tpu.memref_slice %arg9[%add3A_397] : memref<32002048xf32, #tpu.memory_space<hbm>> -> memref<7808xf32, #tpu.memory_space<hbm>>
        %dma_start3A_403 = tpu.memref_slice %arg9[%add3A_397] : memref<32002048xf32, #tpu.memory_space<hbm>> -> memref<7808xf32, #tpu.memory_space<hbm>>
        %dma_start3A_404 = arith.constant 0 : i32
        %dma_start3A_405 = tpu.memref_slice %arg10[%select_n3A_302, %dma_start3A_398, %dma_start3A_404] : memref<2x8x7808xf32, #tpu.memory_space<vmem>> -> memref<1x1x7808xf32, #tpu.memory_space<vmem>>
        %dma_start3A_406 = tpu.memref_squeeze %dma_start3A_405 : memref<1x1x7808xf32, #tpu.memory_space<vmem>> -> memref<7808xf32, #tpu.memory_space<vmem>>
        tpu.enqueue_dma source(%dma_start3A_406 : memref<7808xf32, #tpu.memory_space<vmem>>) target(%dma_start3A_403 : memref<7808xf32, #tpu.memory_space<hbm>>) target_semaphore(%arg12 : memref<!tpu.dma_semaphore, #tpu.memory_space<semaphore_mem>>)
        %add3A_407 = arith.constant 5 : i32
        %add3A_408 = arith.addi %mul3A_32, %add3A_407 : i32
        %mul3A_409 = arith.constant 1000064 : i32
        %mul3A_410 = arith.muli %add3A_408, %mul3A_409 : i32
        %mul3A_411 = arith.constant 7808 : i32
        %mul3A_412 = arith.muli %add3A_286, %mul3A_411 : i32
        %add3A_413 = arith.addi %mul3A_410, %mul3A_412 : i32
        %dma_start3A_414 = arith.constant 5 : i32
        %dma_start3A_415 = arith.constant 0 : i32
        %dma_start3A_416 = tpu.memref_slice %arg10[%select_n3A_302, %dma_start3A_414, %dma_start3A_415] : memref<2x8x7808xf32, #tpu.memory_space<vmem>> -> memref<1x1x7808xf32, #tpu.memory_space<vmem>>
        %dma_start3A_417 = tpu.memref_squeeze %dma_start3A_416 : memref<1x1x7808xf32, #tpu.memory_space<vmem>> -> memref<7808xf32, #tpu.memory_space<vmem>>
        %dma_start3A_418 = tpu.memref_slice %arg9[%add3A_413] : memref<32002048xf32, #tpu.memory_space<hbm>> -> memref<7808xf32, #tpu.memory_space<hbm>>
        %dma_start3A_419 = tpu.memref_slice %arg9[%add3A_413] : memref<32002048xf32, #tpu.memory_space<hbm>> -> memref<7808xf32, #tpu.memory_space<hbm>>
        %dma_start3A_420 = arith.constant 0 : i32
        %dma_start3A_421 = tpu.memref_slice %arg10[%select_n3A_302, %dma_start3A_414, %dma_start3A_420] : memref<2x8x7808xf32, #tpu.memory_space<vmem>> -> memref<1x1x7808xf32, #tpu.memory_space<vmem>>
        %dma_start3A_422 = tpu.memref_squeeze %dma_start3A_421 : memref<1x1x7808xf32, #tpu.memory_space<vmem>> -> memref<7808xf32, #tpu.memory_space<vmem>>
        tpu.enqueue_dma source(%dma_start3A_422 : memref<7808xf32, #tpu.memory_space<vmem>>) target(%dma_start3A_419 : memref<7808xf32, #tpu.memory_space<hbm>>) target_semaphore(%arg12 : memref<!tpu.dma_semaphore, #tpu.memory_space<semaphore_mem>>)
        %add3A_423 = arith.constant 6 : i32
        %add3A_424 = arith.addi %mul3A_32, %add3A_423 : i32
        %mul3A_425 = arith.constant 1000064 : i32
        %mul3A_426 = arith.muli %add3A_424, %mul3A_425 : i32
        %mul3A_427 = arith.constant 7808 : i32
        %mul3A_428 = arith.muli %add3A_286, %mul3A_427 : i32
        %add3A_429 = arith.addi %mul3A_426, %mul3A_428 : i32
        %dma_start3A_430 = arith.constant 6 : i32
        %dma_start3A_431 = arith.constant 0 : i32
        %dma_start3A_432 = tpu.memref_slice %arg10[%select_n3A_302, %dma_start3A_430, %dma_start3A_431] : memref<2x8x7808xf32, #tpu.memory_space<vmem>> -> memref<1x1x7808xf32, #tpu.memory_space<vmem>>
        %dma_start3A_433 = tpu.memref_squeeze %dma_start3A_432 : memref<1x1x7808xf32, #tpu.memory_space<vmem>> -> memref<7808xf32, #tpu.memory_space<vmem>>
        %dma_start3A_434 = tpu.memref_slice %arg9[%add3A_429] : memref<32002048xf32, #tpu.memory_space<hbm>> -> memref<7808xf32, #tpu.memory_space<hbm>>
        %dma_start3A_435 = tpu.memref_slice %arg9[%add3A_429] : memref<32002048xf32, #tpu.memory_space<hbm>> -> memref<7808xf32, #tpu.memory_space<hbm>>
        %dma_start3A_436 = arith.constant 0 : i32
        %dma_start3A_437 = tpu.memref_slice %arg10[%select_n3A_302, %dma_start3A_430, %dma_start3A_436] : memref<2x8x7808xf32, #tpu.memory_space<vmem>> -> memref<1x1x7808xf32, #tpu.memory_space<vmem>>
        %dma_start3A_438 = tpu.memref_squeeze %dma_start3A_437 : memref<1x1x7808xf32, #tpu.memory_space<vmem>> -> memref<7808xf32, #tpu.memory_space<vmem>>
        tpu.enqueue_dma source(%dma_start3A_438 : memref<7808xf32, #tpu.memory_space<vmem>>) target(%dma_start3A_435 : memref<7808xf32, #tpu.memory_space<hbm>>) target_semaphore(%arg12 : memref<!tpu.dma_semaphore, #tpu.memory_space<semaphore_mem>>)
        %add3A_439 = arith.constant 7 : i32
        %add3A_440 = arith.addi %mul3A_32, %add3A_439 : i32
        %mul3A_441 = arith.constant 1000064 : i32
        %mul3A_442 = arith.muli %add3A_440, %mul3A_441 : i32
        %mul3A_443 = arith.constant 7808 : i32
        %mul3A_444 = arith.muli %add3A_286, %mul3A_443 : i32
        %add3A_445 = arith.addi %mul3A_442, %mul3A_444 : i32
        %dma_start3A_446 = arith.constant 7 : i32
        %dma_start3A_447 = arith.constant 0 : i32
        %dma_start3A_448 = tpu.memref_slice %arg10[%select_n3A_302, %dma_start3A_446, %dma_start3A_447] : memref<2x8x7808xf32, #tpu.memory_space<vmem>> -> memref<1x1x7808xf32, #tpu.memory_space<vmem>>
        %dma_start3A_449 = tpu.memref_squeeze %dma_start3A_448 : memref<1x1x7808xf32, #tpu.memory_space<vmem>> -> memref<7808xf32, #tpu.memory_space<vmem>>
        %dma_start3A_450 = tpu.memref_slice %arg9[%add3A_445] : memref<32002048xf32, #tpu.memory_space<hbm>> -> memref<7808xf32, #tpu.memory_space<hbm>>
        %dma_start3A_451 = tpu.memref_slice %arg9[%add3A_445] : memref<32002048xf32, #tpu.memory_space<hbm>> -> memref<7808xf32, #tpu.memory_space<hbm>>
        %dma_start3A_452 = arith.constant 0 : i32
        %dma_start3A_453 = tpu.memref_slice %arg10[%select_n3A_302, %dma_start3A_446, %dma_start3A_452] : memref<2x8x7808xf32, #tpu.memory_space<vmem>> -> memref<1x1x7808xf32, #tpu.memory_space<vmem>>
        %dma_start3A_454 = tpu.memref_squeeze %dma_start3A_453 : memref<1x1x7808xf32, #tpu.memory_space<vmem>> -> memref<7808xf32, #tpu.memory_space<vmem>>
        tpu.enqueue_dma source(%dma_start3A_454 : memref<7808xf32, #tpu.memory_space<vmem>>) target(%dma_start3A_451 : memref<7808xf32, #tpu.memory_space<hbm>>) target_semaphore(%arg12 : memref<!tpu.dma_semaphore, #tpu.memory_space<semaphore_mem>>)
      }
      %scan3A_180 = arith.constant 64 : i32
      %dma_wait3A = arith.constant 0 : i32
      %dma_wait3A_181 = arith.constant 0 : i32
      %dma_wait3A_182 = arith.constant 0 : i32
      %dma_wait3A_183 = tpu.memref_slice %arg10[%dma_wait3A, %dma_wait3A_181, %dma_wait3A_182] : memref<2x8x7808xf32, #tpu.memory_space<vmem>> -> memref<1x1x7808xf32, #tpu.memory_space<vmem>>
      %dma_wait3A_184 = tpu.memref_squeeze %dma_wait3A_183 : memref<1x1x7808xf32, #tpu.memory_space<vmem>> -> memref<7808xf32, #tpu.memory_space<vmem>>
      %dma_wait3A_185 = arith.constant 0 : i32
      %dma_wait3A_186 = tpu.memref_slice %arg9[%dma_wait3A_185] : memref<32002048xf32, #tpu.memory_space<hbm>> -> memref<7808xf32, #tpu.memory_space<hbm>>
      %dma_wait3A_187 = arith.constant 0 : i32
      %dma_wait3A_188 = tpu.memref_slice %arg9[%dma_wait3A_187] : memref<32002048xf32, #tpu.memory_space<hbm>> -> memref<7808xf32, #tpu.memory_space<hbm>>
      %dma_wait3A_189 = arith.constant 0 : i32
      %dma_wait3A_190 = tpu.memref_slice %arg10[%dma_wait3A, %dma_wait3A_181, %dma_wait3A_189] : memref<2x8x7808xf32, #tpu.memory_space<vmem>> -> memref<1x1x7808xf32, #tpu.memory_space<vmem>>
      %dma_wait3A_191 = tpu.memref_squeeze %dma_wait3A_190 : memref<1x1x7808xf32, #tpu.memory_space<vmem>> -> memref<7808xf32, #tpu.memory_space<vmem>>
      tpu.wait_dma2 semaphore(%arg12 : memref<!tpu.dma_semaphore, #tpu.memory_space<semaphore_mem>>) src(%dma_wait3A_191 : memref<7808xf32, #tpu.memory_space<vmem>>) dst(%dma_wait3A_188 : memref<7808xf32, #tpu.memory_space<hbm>>)
      %dma_wait3A_192 = arith.constant 0 : i32
      %dma_wait3A_193 = arith.constant 1 : i32
      %dma_wait3A_194 = arith.constant 0 : i32
      %dma_wait3A_195 = tpu.memref_slice %arg10[%dma_wait3A_192, %dma_wait3A_193, %dma_wait3A_194] : memref<2x8x7808xf32, #tpu.memory_space<vmem>> -> memref<1x1x7808xf32, #tpu.memory_space<vmem>>
      %dma_wait3A_196 = tpu.memref_squeeze %dma_wait3A_195 : memref<1x1x7808xf32, #tpu.memory_space<vmem>> -> memref<7808xf32, #tpu.memory_space<vmem>>
      %dma_wait3A_197 = arith.constant 0 : i32
      %dma_wait3A_198 = tpu.memref_slice %arg9[%dma_wait3A_197] : memref<32002048xf32, #tpu.memory_space<hbm>> -> memref<7808xf32, #tpu.memory_space<hbm>>
      %dma_wait3A_199 = arith.constant 0 : i32
      %dma_wait3A_200 = tpu.memref_slice %arg9[%dma_wait3A_199] : memref<32002048xf32, #tpu.memory_space<hbm>> -> memref<7808xf32, #tpu.memory_space<hbm>>
      %dma_wait3A_201 = arith.constant 0 : i32
      %dma_wait3A_202 = tpu.memref_slice %arg10[%dma_wait3A_192, %dma_wait3A_193, %dma_wait3A_201] : memref<2x8x7808xf32, #tpu.memory_space<vmem>> -> memref<1x1x7808xf32, #tpu.memory_space<vmem>>
      %dma_wait3A_203 = tpu.memref_squeeze %dma_wait3A_202 : memref<1x1x7808xf32, #tpu.memory_space<vmem>> -> memref<7808xf32, #tpu.memory_space<vmem>>
      tpu.wait_dma2 semaphore(%arg12 : memref<!tpu.dma_semaphore, #tpu.memory_space<semaphore_mem>>) src(%dma_wait3A_203 : memref<7808xf32, #tpu.memory_space<vmem>>) dst(%dma_wait3A_200 : memref<7808xf32, #tpu.memory_space<hbm>>)
      %dma_wait3A_204 = arith.constant 0 : i32
      %dma_wait3A_205 = arith.constant 2 : i32
      %dma_wait3A_206 = arith.constant 0 : i32
      %dma_wait3A_207 = tpu.memref_slice %arg10[%dma_wait3A_204, %dma_wait3A_205, %dma_wait3A_206] : memref<2x8x7808xf32, #tpu.memory_space<vmem>> -> memref<1x1x7808xf32, #tpu.memory_space<vmem>>
      %dma_wait3A_208 = tpu.memref_squeeze %dma_wait3A_207 : memref<1x1x7808xf32, #tpu.memory_space<vmem>> -> memref<7808xf32, #tpu.memory_space<vmem>>
      %dma_wait3A_209 = arith.constant 0 : i32
      %dma_wait3A_210 = tpu.memref_slice %arg9[%dma_wait3A_209] : memref<32002048xf32, #tpu.memory_space<hbm>> -> memref<7808xf32, #tpu.memory_space<hbm>>
      %dma_wait3A_211 = arith.constant 0 : i32
      %dma_wait3A_212 = tpu.memref_slice %arg9[%dma_wait3A_211] : memref<32002048xf32, #tpu.memory_space<hbm>> -> memref<7808xf32, #tpu.memory_space<hbm>>
      %dma_wait3A_213 = arith.constant 0 : i32
      %dma_wait3A_214 = tpu.memref_slice %arg10[%dma_wait3A_204, %dma_wait3A_205, %dma_wait3A_213] : memref<2x8x7808xf32, #tpu.memory_space<vmem>> -> memref<1x1x7808xf32, #tpu.memory_space<vmem>>
      %dma_wait3A_215 = tpu.memref_squeeze %dma_wait3A_214 : memref<1x1x7808xf32, #tpu.memory_space<vmem>> -> memref<7808xf32, #tpu.memory_space<vmem>>
      tpu.wait_dma2 semaphore(%arg12 : memref<!tpu.dma_semaphore, #tpu.memory_space<semaphore_mem>>) src(%dma_wait3A_215 : memref<7808xf32, #tpu.memory_space<vmem>>) dst(%dma_wait3A_212 : memref<7808xf32, #tpu.memory_space<hbm>>)
      %dma_wait3A_216 = arith.constant 0 : i32
      %dma_wait3A_217 = arith.constant 3 : i32
      %dma_wait3A_218 = arith.constant 0 : i32
      %dma_wait3A_219 = tpu.memref_slice %arg10[%dma_wait3A_216, %dma_wait3A_217, %dma_wait3A_218] : memref<2x8x7808xf32, #tpu.memory_space<vmem>> -> memref<1x1x7808xf32, #tpu.memory_space<vmem>>
      %dma_wait3A_220 = tpu.memref_squeeze %dma_wait3A_219 : memref<1x1x7808xf32, #tpu.memory_space<vmem>> -> memref<7808xf32, #tpu.memory_space<vmem>>
      %dma_wait3A_221 = arith.constant 0 : i32
      %dma_wait3A_222 = tpu.memref_slice %arg9[%dma_wait3A_221] : memref<32002048xf32, #tpu.memory_space<hbm>> -> memref<7808xf32, #tpu.memory_space<hbm>>
      %dma_wait3A_223 = arith.constant 0 : i32
      %dma_wait3A_224 = tpu.memref_slice %arg9[%dma_wait3A_223] : memref<32002048xf32, #tpu.memory_space<hbm>> -> memref<7808xf32, #tpu.memory_space<hbm>>
      %dma_wait3A_225 = arith.constant 0 : i32
      %dma_wait3A_226 = tpu.memref_slice %arg10[%dma_wait3A_216, %dma_wait3A_217, %dma_wait3A_225] : memref<2x8x7808xf32, #tpu.memory_space<vmem>> -> memref<1x1x7808xf32, #tpu.memory_space<vmem>>
      %dma_wait3A_227 = tpu.memref_squeeze %dma_wait3A_226 : memref<1x1x7808xf32, #tpu.memory_space<vmem>> -> memref<7808xf32, #tpu.memory_space<vmem>>
      tpu.wait_dma2 semaphore(%arg12 : memref<!tpu.dma_semaphore, #tpu.memory_space<semaphore_mem>>) src(%dma_wait3A_227 : memref<7808xf32, #tpu.memory_space<vmem>>) dst(%dma_wait3A_224 : memref<7808xf32, #tpu.memory_space<hbm>>)
      %dma_wait3A_228 = arith.constant 0 : i32
      %dma_wait3A_229 = arith.constant 4 : i32
      %dma_wait3A_230 = arith.constant 0 : i32
      %dma_wait3A_231 = tpu.memref_slice %arg10[%dma_wait3A_228, %dma_wait3A_229, %dma_wait3A_230] : memref<2x8x7808xf32, #tpu.memory_space<vmem>> -> memref<1x1x7808xf32, #tpu.memory_space<vmem>>
      %dma_wait3A_232 = tpu.memref_squeeze %dma_wait3A_231 : memref<1x1x7808xf32, #tpu.memory_space<vmem>> -> memref<7808xf32, #tpu.memory_space<vmem>>
      %dma_wait3A_233 = arith.constant 0 : i32
      %dma_wait3A_234 = tpu.memref_slice %arg9[%dma_wait3A_233] : memref<32002048xf32, #tpu.memory_space<hbm>> -> memref<7808xf32, #tpu.memory_space<hbm>>
      %dma_wait3A_235 = arith.constant 0 : i32
      %dma_wait3A_236 = tpu.memref_slice %arg9[%dma_wait3A_235] : memref<32002048xf32, #tpu.memory_space<hbm>> -> memref<7808xf32, #tpu.memory_space<hbm>>
      %dma_wait3A_237 = arith.constant 0 : i32
      %dma_wait3A_238 = tpu.memref_slice %arg10[%dma_wait3A_228, %dma_wait3A_229, %dma_wait3A_237] : memref<2x8x7808xf32, #tpu.memory_space<vmem>> -> memref<1x1x7808xf32, #tpu.memory_space<vmem>>
      %dma_wait3A_239 = tpu.memref_squeeze %dma_wait3A_238 : memref<1x1x7808xf32, #tpu.memory_space<vmem>> -> memref<7808xf32, #tpu.memory_space<vmem>>
      tpu.wait_dma2 semaphore(%arg12 : memref<!tpu.dma_semaphore, #tpu.memory_space<semaphore_mem>>) src(%dma_wait3A_239 : memref<7808xf32, #tpu.memory_space<vmem>>) dst(%dma_wait3A_236 : memref<7808xf32, #tpu.memory_space<hbm>>)
      %dma_wait3A_240 = arith.constant 0 : i32
      %dma_wait3A_241 = arith.constant 5 : i32
      %dma_wait3A_242 = arith.constant 0 : i32
      %dma_wait3A_243 = tpu.memref_slice %arg10[%dma_wait3A_240, %dma_wait3A_241, %dma_wait3A_242] : memref<2x8x7808xf32, #tpu.memory_space<vmem>> -> memref<1x1x7808xf32, #tpu.memory_space<vmem>>
      %dma_wait3A_244 = tpu.memref_squeeze %dma_wait3A_243 : memref<1x1x7808xf32, #tpu.memory_space<vmem>> -> memref<7808xf32, #tpu.memory_space<vmem>>
      %dma_wait3A_245 = arith.constant 0 : i32
      %dma_wait3A_246 = tpu.memref_slice %arg9[%dma_wait3A_245] : memref<32002048xf32, #tpu.memory_space<hbm>> -> memref<7808xf32, #tpu.memory_space<hbm>>
      %dma_wait3A_247 = arith.constant 0 : i32
      %dma_wait3A_248 = tpu.memref_slice %arg9[%dma_wait3A_247] : memref<32002048xf32, #tpu.memory_space<hbm>> -> memref<7808xf32, #tpu.memory_space<hbm>>
      %dma_wait3A_249 = arith.constant 0 : i32
      %dma_wait3A_250 = tpu.memref_slice %arg10[%dma_wait3A_240, %dma_wait3A_241, %dma_wait3A_249] : memref<2x8x7808xf32, #tpu.memory_space<vmem>> -> memref<1x1x7808xf32, #tpu.memory_space<vmem>>
      %dma_wait3A_251 = tpu.memref_squeeze %dma_wait3A_250 : memref<1x1x7808xf32, #tpu.memory_space<vmem>> -> memref<7808xf32, #tpu.memory_space<vmem>>
      tpu.wait_dma2 semaphore(%arg12 : memref<!tpu.dma_semaphore, #tpu.memory_space<semaphore_mem>>) src(%dma_wait3A_251 : memref<7808xf32, #tpu.memory_space<vmem>>) dst(%dma_wait3A_248 : memref<7808xf32, #tpu.memory_space<hbm>>)
      %dma_wait3A_252 = arith.constant 0 : i32
      %dma_wait3A_253 = arith.constant 6 : i32
      %dma_wait3A_254 = arith.constant 0 : i32
      %dma_wait3A_255 = tpu.memref_slice %arg10[%dma_wait3A_252, %dma_wait3A_253, %dma_wait3A_254] : memref<2x8x7808xf32, #tpu.memory_space<vmem>> -> memref<1x1x7808xf32, #tpu.memory_space<vmem>>
      %dma_wait3A_256 = tpu.memref_squeeze %dma_wait3A_255 : memref<1x1x7808xf32, #tpu.memory_space<vmem>> -> memref<7808xf32, #tpu.memory_space<vmem>>
      %dma_wait3A_257 = arith.constant 0 : i32
      %dma_wait3A_258 = tpu.memref_slice %arg9[%dma_wait3A_257] : memref<32002048xf32, #tpu.memory_space<hbm>> -> memref<7808xf32, #tpu.memory_space<hbm>>
      %dma_wait3A_259 = arith.constant 0 : i32
      %dma_wait3A_260 = tpu.memref_slice %arg9[%dma_wait3A_259] : memref<32002048xf32, #tpu.memory_space<hbm>> -> memref<7808xf32, #tpu.memory_space<hbm>>
      %dma_wait3A_261 = arith.constant 0 : i32
      %dma_wait3A_262 = tpu.memref_slice %arg10[%dma_wait3A_252, %dma_wait3A_253, %dma_wait3A_261] : memref<2x8x7808xf32, #tpu.memory_space<vmem>> -> memref<1x1x7808xf32, #tpu.memory_space<vmem>>
      %dma_wait3A_263 = tpu.memref_squeeze %dma_wait3A_262 : memref<1x1x7808xf32, #tpu.memory_space<vmem>> -> memref<7808xf32, #tpu.memory_space<vmem>>
      tpu.wait_dma2 semaphore(%arg12 : memref<!tpu.dma_semaphore, #tpu.memory_space<semaphore_mem>>) src(%dma_wait3A_263 : memref<7808xf32, #tpu.memory_space<vmem>>) dst(%dma_wait3A_260 : memref<7808xf32, #tpu.memory_space<hbm>>)
      %dma_wait3A_264 = arith.constant 0 : i32
      %dma_wait3A_265 = arith.constant 7 : i32
      %dma_wait3A_266 = arith.constant 0 : i32
      %dma_wait3A_267 = tpu.memref_slice %arg10[%dma_wait3A_264, %dma_wait3A_265, %dma_wait3A_266] : memref<2x8x7808xf32, #tpu.memory_space<vmem>> -> memref<1x1x7808xf32, #tpu.memory_space<vmem>>
      %dma_wait3A_268 = tpu.memref_squeeze %dma_wait3A_267 : memref<1x1x7808xf32, #tpu.memory_space<vmem>> -> memref<7808xf32, #tpu.memory_space<vmem>>
      %dma_wait3A_269 = arith.constant 0 : i32
      %dma_wait3A_270 = tpu.memref_slice %arg9[%dma_wait3A_269] : memref<32002048xf32, #tpu.memory_space<hbm>> -> memref<7808xf32, #tpu.memory_space<hbm>>
      %dma_wait3A_271 = arith.constant 0 : i32
      %dma_wait3A_272 = tpu.memref_slice %arg9[%dma_wait3A_271] : memref<32002048xf32, #tpu.memory_space<hbm>> -> memref<7808xf32, #tpu.memory_space<hbm>>
      %dma_wait3A_273 = arith.constant 0 : i32
      %dma_wait3A_274 = tpu.memref_slice %arg10[%dma_wait3A_264, %dma_wait3A_265, %dma_wait3A_273] : memref<2x8x7808xf32, #tpu.memory_space<vmem>> -> memref<1x1x7808xf32, #tpu.memory_space<vmem>>
      %dma_wait3A_275 = tpu.memref_squeeze %dma_wait3A_274 : memref<1x1x7808xf32, #tpu.memory_space<vmem>> -> memref<7808xf32, #tpu.memory_space<vmem>>
      tpu.wait_dma2 semaphore(%arg12 : memref<!tpu.dma_semaphore, #tpu.memory_space<semaphore_mem>>) src(%dma_wait3A_275 : memref<7808xf32, #tpu.memory_space<vmem>>) dst(%dma_wait3A_272 : memref<7808xf32, #tpu.memory_space<hbm>>)
      %eq3A_276 = arith.constant 1 : i32
      %eq3A_277 = arith.cmpi eq, %select_n3A_48, %eq3A_276 : i32
      %convert_element_type3A_278 = arith.extui %eq3A_277 : i1 to i32
      %cond3A_279 = arith.constant 0 : i32
      %cond3A_280 = arith.cmpi ne, %convert_element_type3A_278, %cond3A_279 : i32
      scf.if %cond3A_280 {
        %mul3A_281 = arith.constant 0 : i32
        %mul3A_282 = arith.muli %add3A, %mul3A_281 : i32
        %add3A_283 = arith.constant 999424 : i32
        %add3A_284 = arith.addi %mul3A_282, %add3A_283 : i32
        %multiple_of3A = tpu.assume_multiple %add3A_284, 128 : i32
        %run_scoped3A = arith.constant 0 : i32
        "tpu.region"() ({
          %run_scoped3A_349 = tpu.sem_alloc : memref<!tpu.dma_semaphore, #tpu.memory_space<semaphore_mem>>
          %dma_start3A_350 = arith.constant 0 : i32
          %dma_start3A_351 = arith.constant 0 : i32
          %dma_start3A_352 = tpu.memref_slice %arg10[%run_scoped3A, %dma_start3A_350, %dma_start3A_351] : memref<2x8x7808xf32, #tpu.memory_space<vmem>> -> memref<1x8x640xf32, #tpu.memory_space<vmem>>
          %dma_start3A_353 = tpu.memref_squeeze %dma_start3A_352 : memref<1x8x640xf32, #tpu.memory_space<vmem>> -> memref<8x640xf32, #tpu.memory_space<vmem>>
          %dma_start3A_354 = tpu.memref_slice %arg5[%mul3A_32, %multiple_of3A] : memref<32x1000000xf32, #tpu.memory_space<hbm>> -> memref<8x640xf32, #tpu.memory_space<hbm>>
          %dma_start3A_355 = arith.constant 0 : i32
          %dma_start3A_356 = arith.constant 0 : i32
          %dma_start3A_357 = tpu.memref_slice %arg10[%run_scoped3A, %dma_start3A_355, %dma_start3A_356] : memref<2x8x7808xf32, #tpu.memory_space<vmem>> -> memref<1x8x640xf32, #tpu.memory_space<vmem>>
          %dma_start3A_358 = tpu.memref_squeeze %dma_start3A_357 : memref<1x8x640xf32, #tpu.memory_space<vmem>> -> memref<8x640xf32, #tpu.memory_space<vmem>>
          %dma_start3A_359 = tpu.memref_slice %arg5[%mul3A_32, %multiple_of3A] : memref<32x1000000xf32, #tpu.memory_space<hbm>> -> memref<8x640xf32, #tpu.memory_space<hbm>>
          tpu.enqueue_dma source(%dma_start3A_359 : memref<8x640xf32, #tpu.memory_space<hbm>>) target(%dma_start3A_358 : memref<8x640xf32, #tpu.memory_space<vmem>>) target_semaphore(%run_scoped3A_349 : memref<!tpu.dma_semaphore, #tpu.memory_space<semaphore_mem>>)
          %dma_wait3A_360 = arith.constant 0 : i32
          %dma_wait3A_361 = arith.constant 0 : i32
          %dma_wait3A_362 = tpu.memref_slice %arg10[%run_scoped3A, %dma_wait3A_360, %dma_wait3A_361] : memref<2x8x7808xf32, #tpu.memory_space<vmem>> -> memref<1x8x640xf32, #tpu.memory_space<vmem>>
          %dma_wait3A_363 = tpu.memref_squeeze %dma_wait3A_362 : memref<1x8x640xf32, #tpu.memory_space<vmem>> -> memref<8x640xf32, #tpu.memory_space<vmem>>
          %dma_wait3A_364 = tpu.memref_slice %arg5[%mul3A_32, %multiple_of3A] : memref<32x1000000xf32, #tpu.memory_space<hbm>> -> memref<8x640xf32, #tpu.memory_space<hbm>>
          %dma_wait3A_365 = arith.constant 0 : i32
          %dma_wait3A_366 = arith.constant 0 : i32
          %dma_wait3A_367 = tpu.memref_slice %arg10[%run_scoped3A, %dma_wait3A_365, %dma_wait3A_366] : memref<2x8x7808xf32, #tpu.memory_space<vmem>> -> memref<1x8x640xf32, #tpu.memory_space<vmem>>
          %dma_wait3A_368 = tpu.memref_squeeze %dma_wait3A_367 : memref<1x8x640xf32, #tpu.memory_space<vmem>> -> memref<8x640xf32, #tpu.memory_space<vmem>>
          %dma_wait3A_369 = tpu.memref_slice %arg5[%mul3A_32, %multiple_of3A] : memref<32x1000000xf32, #tpu.memory_space<hbm>> -> memref<8x640xf32, #tpu.memory_space<hbm>>
          tpu.wait_dma2 semaphore(%run_scoped3A_349 : memref<!tpu.dma_semaphore, #tpu.memory_space<semaphore_mem>>) src(%dma_wait3A_369 : memref<8x640xf32, #tpu.memory_space<hbm>>) dst(%dma_wait3A_368 : memref<8x640xf32, #tpu.memory_space<vmem>>)
          tpu.yield
        }) : () -> ()
        %add3A_285 = arith.constant 0 : i32
        %add3A_286 = arith.addi %mul3A_32, %add3A_285 : i32
        %mul3A_287 = arith.constant 1000064 : i32
        %mul3A_288 = arith.muli %add3A_286, %mul3A_287 : i32
        %add3A_289 = arith.constant 999424 : i32
        %add3A_290 = arith.addi %mul3A_288, %add3A_289 : i32
        %run_scoped3A_291 = arith.constant 0 : i32
        %run_scoped3A_292 = arith.constant 0 : i32
        "tpu.region"() ({
          %run_scoped3A_349 = tpu.sem_alloc : memref<!tpu.dma_semaphore, #tpu.memory_space<semaphore_mem>>
          %dma_start3A_350 = arith.constant 0 : i32
          %dma_start3A_351 = tpu.memref_slice %arg10[%run_scoped3A_291, %run_scoped3A_292, %dma_start3A_350] : memref<2x8x7808xf32, #tpu.memory_space<vmem>> -> memref<1x1x640xf32, #tpu.memory_space<vmem>>
          %dma_start3A_352 = tpu.memref_squeeze %dma_start3A_351 : memref<1x1x640xf32, #tpu.memory_space<vmem>> -> memref<640xf32, #tpu.memory_space<vmem>>
          %dma_start3A_353 = tpu.memref_slice %arg9[%add3A_290] : memref<32002048xf32, #tpu.memory_space<hbm>> -> memref<640xf32, #tpu.memory_space<hbm>>
          %dma_start3A_354 = tpu.memref_slice %arg9[%add3A_290] : memref<32002048xf32, #tpu.memory_space<hbm>> -> memref<640xf32, #tpu.memory_space<hbm>>
          %dma_start3A_355 = arith.constant 0 : i32
          %dma_start3A_356 = tpu.memref_slice %arg10[%run_scoped3A_291, %run_scoped3A_292, %dma_start3A_355] : memref<2x8x7808xf32, #tpu.memory_space<vmem>> -> memref<1x1x640xf32, #tpu.memory_space<vmem>>
          %dma_start3A_357 = tpu.memref_squeeze %dma_start3A_356 : memref<1x1x640xf32, #tpu.memory_space<vmem>> -> memref<640xf32, #tpu.memory_space<vmem>>
          tpu.enqueue_dma source(%dma_start3A_357 : memref<640xf32, #tpu.memory_space<vmem>>) target(%dma_start3A_354 : memref<640xf32, #tpu.memory_space<hbm>>) target_semaphore(%run_scoped3A_349 : memref<!tpu.dma_semaphore, #tpu.memory_space<semaphore_mem>>)
          %dma_wait3A_358 = arith.constant 0 : i32
          %dma_wait3A_359 = tpu.memref_slice %arg10[%run_scoped3A_291, %run_scoped3A_292, %dma_wait3A_358] : memref<2x8x7808xf32, #tpu.memory_space<vmem>> -> memref<1x1x640xf32, #tpu.memory_space<vmem>>
          %dma_wait3A_360 = tpu.memref_squeeze %dma_wait3A_359 : memref<1x1x640xf32, #tpu.memory_space<vmem>> -> memref<640xf32, #tpu.memory_space<vmem>>
          %dma_wait3A_361 = tpu.memref_slice %arg9[%add3A_290] : memref<32002048xf32, #tpu.memory_space<hbm>> -> memref<640xf32, #tpu.memory_space<hbm>>
          %dma_wait3A_362 = tpu.memref_slice %arg9[%add3A_290] : memref<32002048xf32, #tpu.memory_space<hbm>> -> memref<640xf32, #tpu.memory_space<hbm>>
          %dma_wait3A_363 = arith.constant 0 : i32
          %dma_wait3A_364 = tpu.memref_slice %arg10[%run_scoped3A_291, %run_scoped3A_292, %dma_wait3A_363] : memref<2x8x7808xf32, #tpu.memory_space<vmem>> -> memref<1x1x640xf32, #tpu.memory_space<vmem>>
          %dma_wait3A_365 = tpu.memref_squeeze %dma_wait3A_364 : memref<1x1x640xf32, #tpu.memory_space<vmem>> -> memref<640xf32, #tpu.memory_space<vmem>>
          tpu.wait_dma2 semaphore(%run_scoped3A_349 : memref<!tpu.dma_semaphore, #tpu.memory_space<semaphore_mem>>) src(%dma_wait3A_365 : memref<640xf32, #tpu.memory_space<vmem>>) dst(%dma_wait3A_362 : memref<640xf32, #tpu.memory_space<hbm>>)
          tpu.yield
        }) : () -> ()
        %add3A_293 = arith.constant 1 : i32
        %add3A_294 = arith.addi %mul3A_32, %add3A_293 : i32
        %mul3A_295 = arith.constant 1000064 : i32
        %mul3A_296 = arith.muli %add3A_294, %mul3A_295 : i32
        %add3A_297 = arith.constant 999424 : i32
        %add3A_298 = arith.addi %mul3A_296, %add3A_297 : i32
        %run_scoped3A_299 = arith.constant 0 : i32
        %run_scoped3A_300 = arith.constant 1 : i32
        "tpu.region"() ({
          %run_scoped3A_349 = tpu.sem_alloc : memref<!tpu.dma_semaphore, #tpu.memory_space<semaphore_mem>>
          %dma_start3A_350 = arith.constant 0 : i32
          %dma_start3A_351 = tpu.memref_slice %arg10[%run_scoped3A_299, %run_scoped3A_300, %dma_start3A_350] : memref<2x8x7808xf32, #tpu.memory_space<vmem>> -> memref<1x1x640xf32, #tpu.memory_space<vmem>>
          %dma_start3A_352 = tpu.memref_squeeze %dma_start3A_351 : memref<1x1x640xf32, #tpu.memory_space<vmem>> -> memref<640xf32, #tpu.memory_space<vmem>>
          %dma_start3A_353 = tpu.memref_slice %arg9[%add3A_298] : memref<32002048xf32, #tpu.memory_space<hbm>> -> memref<640xf32, #tpu.memory_space<hbm>>
          %dma_start3A_354 = tpu.memref_slice %arg9[%add3A_298] : memref<32002048xf32, #tpu.memory_space<hbm>> -> memref<640xf32, #tpu.memory_space<hbm>>
          %dma_start3A_355 = arith.constant 0 : i32
          %dma_start3A_356 = tpu.memref_slice %arg10[%run_scoped3A_299, %run_scoped3A_300, %dma_start3A_355] : memref<2x8x7808xf32, #tpu.memory_space<vmem>> -> memref<1x1x640xf32, #tpu.memory_space<vmem>>
          %dma_start3A_357 = tpu.memref_squeeze %dma_start3A_356 : memref<1x1x640xf32, #tpu.memory_space<vmem>> -> memref<640xf32, #tpu.memory_space<vmem>>
          tpu.enqueue_dma source(%dma_start3A_357 : memref<640xf32, #tpu.memory_space<vmem>>) target(%dma_start3A_354 : memref<640xf32, #tpu.memory_space<hbm>>) target_semaphore(%run_scoped3A_349 : memref<!tpu.dma_semaphore, #tpu.memory_space<semaphore_mem>>)
          %dma_wait3A_358 = arith.constant 0 : i32
          %dma_wait3A_359 = tpu.memref_slice %arg10[%run_scoped3A_299, %run_scoped3A_300, %dma_wait3A_358] : memref<2x8x7808xf32, #tpu.memory_space<vmem>> -> memref<1x1x640xf32, #tpu.memory_space<vmem>>
          %dma_wait3A_360 = tpu.memref_squeeze %dma_wait3A_359 : memref<1x1x640xf32, #tpu.memory_space<vmem>> -> memref<640xf32, #tpu.memory_space<vmem>>
          %dma_wait3A_361 = tpu.memref_slice %arg9[%add3A_298] : memref<32002048xf32, #tpu.memory_space<hbm>> -> memref<640xf32, #tpu.memory_space<hbm>>
          %dma_wait3A_362 = tpu.memref_slice %arg9[%add3A_298] : memref<32002048xf32, #tpu.memory_space<hbm>> -> memref<640xf32, #tpu.memory_space<hbm>>
          %dma_wait3A_363 = arith.constant 0 : i32
          %dma_wait3A_364 = tpu.memref_slice %arg10[%run_scoped3A_299, %run_scoped3A_300, %dma_wait3A_363] : memref<2x8x7808xf32, #tpu.memory_space<vmem>> -> memref<1x1x640xf32, #tpu.memory_space<vmem>>
          %dma_wait3A_365 = tpu.memref_squeeze %dma_wait3A_364 : memref<1x1x640xf32, #tpu.memory_space<vmem>> -> memref<640xf32, #tpu.memory_space<vmem>>
          tpu.wait_dma2 semaphore(%run_scoped3A_349 : memref<!tpu.dma_semaphore, #tpu.memory_space<semaphore_mem>>) src(%dma_wait3A_365 : memref<640xf32, #tpu.memory_space<vmem>>) dst(%dma_wait3A_362 : memref<640xf32, #tpu.memory_space<hbm>>)
          tpu.yield
        }) : () -> ()
        %add3A_301 = arith.constant 2 : i32
        %add3A_302 = arith.addi %mul3A_32, %add3A_301 : i32
        %mul3A_303 = arith.constant 1000064 : i32
        %mul3A_304 = arith.muli %add3A_302, %mul3A_303 : i32
        %add3A_305 = arith.constant 999424 : i32
        %add3A_306 = arith.addi %mul3A_304, %add3A_305 : i32
        %run_scoped3A_307 = arith.constant 0 : i32
        %run_scoped3A_308 = arith.constant 2 : i32
        "tpu.region"() ({
          %run_scoped3A_349 = tpu.sem_alloc : memref<!tpu.dma_semaphore, #tpu.memory_space<semaphore_mem>>
          %dma_start3A_350 = arith.constant 0 : i32
          %dma_start3A_351 = tpu.memref_slice %arg10[%run_scoped3A_307, %run_scoped3A_308, %dma_start3A_350] : memref<2x8x7808xf32, #tpu.memory_space<vmem>> -> memref<1x1x640xf32, #tpu.memory_space<vmem>>
          %dma_start3A_352 = tpu.memref_squeeze %dma_start3A_351 : memref<1x1x640xf32, #tpu.memory_space<vmem>> -> memref<640xf32, #tpu.memory_space<vmem>>
          %dma_start3A_353 = tpu.memref_slice %arg9[%add3A_306] : memref<32002048xf32, #tpu.memory_space<hbm>> -> memref<640xf32, #tpu.memory_space<hbm>>
          %dma_start3A_354 = tpu.memref_slice %arg9[%add3A_306] : memref<32002048xf32, #tpu.memory_space<hbm>> -> memref<640xf32, #tpu.memory_space<hbm>>
          %dma_start3A_355 = arith.constant 0 : i32
          %dma_start3A_356 = tpu.memref_slice %arg10[%run_scoped3A_307, %run_scoped3A_308, %dma_start3A_355] : memref<2x8x7808xf32, #tpu.memory_space<vmem>> -> memref<1x1x640xf32, #tpu.memory_space<vmem>>
          %dma_start3A_357 = tpu.memref_squeeze %dma_start3A_356 : memref<1x1x640xf32, #tpu.memory_space<vmem>> -> memref<640xf32, #tpu.memory_space<vmem>>
          tpu.enqueue_dma source(%dma_start3A_357 : memref<640xf32, #tpu.memory_space<vmem>>) target(%dma_start3A_354 : memref<640xf32, #tpu.memory_space<hbm>>) target_semaphore(%run_scoped3A_349 : memref<!tpu.dma_semaphore, #tpu.memory_space<semaphore_mem>>)
          %dma_wait3A_358 = arith.constant 0 : i32
          %dma_wait3A_359 = tpu.memref_slice %arg10[%run_scoped3A_307, %run_scoped3A_308, %dma_wait3A_358] : memref<2x8x7808xf32, #tpu.memory_space<vmem>> -> memref<1x1x640xf32, #tpu.memory_space<vmem>>
          %dma_wait3A_360 = tpu.memref_squeeze %dma_wait3A_359 : memref<1x1x640xf32, #tpu.memory_space<vmem>> -> memref<640xf32, #tpu.memory_space<vmem>>
          %dma_wait3A_361 = tpu.memref_slice %arg9[%add3A_306] : memref<32002048xf32, #tpu.memory_space<hbm>> -> memref<640xf32, #tpu.memory_space<hbm>>
          %dma_wait3A_362 = tpu.memref_slice %arg9[%add3A_306] : memref<32002048xf32, #tpu.memory_space<hbm>> -> memref<640xf32, #tpu.memory_space<hbm>>
          %dma_wait3A_363 = arith.constant 0 : i32
          %dma_wait3A_364 = tpu.memref_slice %arg10[%run_scoped3A_307, %run_scoped3A_308, %dma_wait3A_363] : memref<2x8x7808xf32, #tpu.memory_space<vmem>> -> memref<1x1x640xf32, #tpu.memory_space<vmem>>
          %dma_wait3A_365 = tpu.memref_squeeze %dma_wait3A_364 : memref<1x1x640xf32, #tpu.memory_space<vmem>> -> memref<640xf32, #tpu.memory_space<vmem>>
          tpu.wait_dma2 semaphore(%run_scoped3A_349 : memref<!tpu.dma_semaphore, #tpu.memory_space<semaphore_mem>>) src(%dma_wait3A_365 : memref<640xf32, #tpu.memory_space<vmem>>) dst(%dma_wait3A_362 : memref<640xf32, #tpu.memory_space<hbm>>)
          tpu.yield
        }) : () -> ()
        %add3A_309 = arith.constant 3 : i32
        %add3A_310 = arith.addi %mul3A_32, %add3A_309 : i32
        %mul3A_311 = arith.constant 1000064 : i32
        %mul3A_312 = arith.muli %add3A_310, %mul3A_311 : i32
        %add3A_313 = arith.constant 999424 : i32
        %add3A_314 = arith.addi %mul3A_312, %add3A_313 : i32
        %run_scoped3A_315 = arith.constant 0 : i32
        %run_scoped3A_316 = arith.constant 3 : i32
        "tpu.region"() ({
          %run_scoped3A_349 = tpu.sem_alloc : memref<!tpu.dma_semaphore, #tpu.memory_space<semaphore_mem>>
          %dma_start3A_350 = arith.constant 0 : i32
          %dma_start3A_351 = tpu.memref_slice %arg10[%run_scoped3A_315, %run_scoped3A_316, %dma_start3A_350] : memref<2x8x7808xf32, #tpu.memory_space<vmem>> -> memref<1x1x640xf32, #tpu.memory_space<vmem>>
          %dma_start3A_352 = tpu.memref_squeeze %dma_start3A_351 : memref<1x1x640xf32, #tpu.memory_space<vmem>> -> memref<640xf32, #tpu.memory_space<vmem>>
          %dma_start3A_353 = tpu.memref_slice %arg9[%add3A_314] : memref<32002048xf32, #tpu.memory_space<hbm>> -> memref<640xf32, #tpu.memory_space<hbm>>
          %dma_start3A_354 = tpu.memref_slice %arg9[%add3A_314] : memref<32002048xf32, #tpu.memory_space<hbm>> -> memref<640xf32, #tpu.memory_space<hbm>>
          %dma_start3A_355 = arith.constant 0 : i32
          %dma_start3A_356 = tpu.memref_slice %arg10[%run_scoped3A_315, %run_scoped3A_316, %dma_start3A_355] : memref<2x8x7808xf32, #tpu.memory_space<vmem>> -> memref<1x1x640xf32, #tpu.memory_space<vmem>>
          %dma_start3A_357 = tpu.memref_squeeze %dma_start3A_356 : memref<1x1x640xf32, #tpu.memory_space<vmem>> -> memref<640xf32, #tpu.memory_space<vmem>>
          tpu.enqueue_dma source(%dma_start3A_357 : memref<640xf32, #tpu.memory_space<vmem>>) target(%dma_start3A_354 : memref<640xf32, #tpu.memory_space<hbm>>) target_semaphore(%run_scoped3A_349 : memref<!tpu.dma_semaphore, #tpu.memory_space<semaphore_mem>>)
          %dma_wait3A_358 = arith.constant 0 : i32
          %dma_wait3A_359 = tpu.memref_slice %arg10[%run_scoped3A_315, %run_scoped3A_316, %dma_wait3A_358] : memref<2x8x7808xf32, #tpu.memory_space<vmem>> -> memref<1x1x640xf32, #tpu.memory_space<vmem>>
          %dma_wait3A_360 = tpu.memref_squeeze %dma_wait3A_359 : memref<1x1x640xf32, #tpu.memory_space<vmem>> -> memref<640xf32, #tpu.memory_space<vmem>>
          %dma_wait3A_361 = tpu.memref_slice %arg9[%add3A_314] : memref<32002048xf32, #tpu.memory_space<hbm>> -> memref<640xf32, #tpu.memory_space<hbm>>
          %dma_wait3A_362 = tpu.memref_slice %arg9[%add3A_314] : memref<32002048xf32, #tpu.memory_space<hbm>> -> memref<640xf32, #tpu.memory_space<hbm>>
          %dma_wait3A_363 = arith.constant 0 : i32
          %dma_wait3A_364 = tpu.memref_slice %arg10[%run_scoped3A_315, %run_scoped3A_316, %dma_wait3A_363] : memref<2x8x7808xf32, #tpu.memory_space<vmem>> -> memref<1x1x640xf32, #tpu.memory_space<vmem>>
          %dma_wait3A_365 = tpu.memref_squeeze %dma_wait3A_364 : memref<1x1x640xf32, #tpu.memory_space<vmem>> -> memref<640xf32, #tpu.memory_space<vmem>>
          tpu.wait_dma2 semaphore(%run_scoped3A_349 : memref<!tpu.dma_semaphore, #tpu.memory_space<semaphore_mem>>) src(%dma_wait3A_365 : memref<640xf32, #tpu.memory_space<vmem>>) dst(%dma_wait3A_362 : memref<640xf32, #tpu.memory_space<hbm>>)
          tpu.yield
        }) : () -> ()
        %add3A_317 = arith.constant 4 : i32
        %add3A_318 = arith.addi %mul3A_32, %add3A_317 : i32
        %mul3A_319 = arith.constant 1000064 : i32
        %mul3A_320 = arith.muli %add3A_318, %mul3A_319 : i32
        %add3A_321 = arith.constant 999424 : i32
        %add3A_322 = arith.addi %mul3A_320, %add3A_321 : i32
        %run_scoped3A_323 = arith.constant 0 : i32
        %run_scoped3A_324 = arith.constant 4 : i32
        "tpu.region"() ({
          %run_scoped3A_349 = tpu.sem_alloc : memref<!tpu.dma_semaphore, #tpu.memory_space<semaphore_mem>>
          %dma_start3A_350 = arith.constant 0 : i32
          %dma_start3A_351 = tpu.memref_slice %arg10[%run_scoped3A_323, %run_scoped3A_324, %dma_start3A_350] : memref<2x8x7808xf32, #tpu.memory_space<vmem>> -> memref<1x1x640xf32, #tpu.memory_space<vmem>>
          %dma_start3A_352 = tpu.memref_squeeze %dma_start3A_351 : memref<1x1x640xf32, #tpu.memory_space<vmem>> -> memref<640xf32, #tpu.memory_space<vmem>>
          %dma_start3A_353 = tpu.memref_slice %arg9[%add3A_322] : memref<32002048xf32, #tpu.memory_space<hbm>> -> memref<640xf32, #tpu.memory_space<hbm>>
          %dma_start3A_354 = tpu.memref_slice %arg9[%add3A_322] : memref<32002048xf32, #tpu.memory_space<hbm>> -> memref<640xf32, #tpu.memory_space<hbm>>
          %dma_start3A_355 = arith.constant 0 : i32
          %dma_start3A_356 = tpu.memref_slice %arg10[%run_scoped3A_323, %run_scoped3A_324, %dma_start3A_355] : memref<2x8x7808xf32, #tpu.memory_space<vmem>> -> memref<1x1x640xf32, #tpu.memory_space<vmem>>
          %dma_start3A_357 = tpu.memref_squeeze %dma_start3A_356 : memref<1x1x640xf32, #tpu.memory_space<vmem>> -> memref<640xf32, #tpu.memory_space<vmem>>
          tpu.enqueue_dma source(%dma_start3A_357 : memref<640xf32, #tpu.memory_space<vmem>>) target(%dma_start3A_354 : memref<640xf32, #tpu.memory_space<hbm>>) target_semaphore(%run_scoped3A_349 : memref<!tpu.dma_semaphore, #tpu.memory_space<semaphore_mem>>)
          %dma_wait3A_358 = arith.constant 0 : i32
          %dma_wait3A_359 = tpu.memref_slice %arg10[%run_scoped3A_323, %run_scoped3A_324, %dma_wait3A_358] : memref<2x8x7808xf32, #tpu.memory_space<vmem>> -> memref<1x1x640xf32, #tpu.memory_space<vmem>>
          %dma_wait3A_360 = tpu.memref_squeeze %dma_wait3A_359 : memref<1x1x640xf32, #tpu.memory_space<vmem>> -> memref<640xf32, #tpu.memory_space<vmem>>
          %dma_wait3A_361 = tpu.memref_slice %arg9[%add3A_322] : memref<32002048xf32, #tpu.memory_space<hbm>> -> memref<640xf32, #tpu.memory_space<hbm>>
          %dma_wait3A_362 = tpu.memref_slice %arg9[%add3A_322] : memref<32002048xf32, #tpu.memory_space<hbm>> -> memref<640xf32, #tpu.memory_space<hbm>>
          %dma_wait3A_363 = arith.constant 0 : i32
          %dma_wait3A_364 = tpu.memref_slice %arg10[%run_scoped3A_323, %run_scoped3A_324, %dma_wait3A_363] : memref<2x8x7808xf32, #tpu.memory_space<vmem>> -> memref<1x1x640xf32, #tpu.memory_space<vmem>>
          %dma_wait3A_365 = tpu.memref_squeeze %dma_wait3A_364 : memref<1x1x640xf32, #tpu.memory_space<vmem>> -> memref<640xf32, #tpu.memory_space<vmem>>
          tpu.wait_dma2 semaphore(%run_scoped3A_349 : memref<!tpu.dma_semaphore, #tpu.memory_space<semaphore_mem>>) src(%dma_wait3A_365 : memref<640xf32, #tpu.memory_space<vmem>>) dst(%dma_wait3A_362 : memref<640xf32, #tpu.memory_space<hbm>>)
          tpu.yield
        }) : () -> ()
        %add3A_325 = arith.constant 5 : i32
        %add3A_326 = arith.addi %mul3A_32, %add3A_325 : i32
        %mul3A_327 = arith.constant 1000064 : i32
        %mul3A_328 = arith.muli %add3A_326, %mul3A_327 : i32
        %add3A_329 = arith.constant 999424 : i32
        %add3A_330 = arith.addi %mul3A_328, %add3A_329 : i32
        %run_scoped3A_331 = arith.constant 0 : i32
        %run_scoped3A_332 = arith.constant 5 : i32
        "tpu.region"() ({
          %run_scoped3A_349 = tpu.sem_alloc : memref<!tpu.dma_semaphore, #tpu.memory_space<semaphore_mem>>
          %dma_start3A_350 = arith.constant 0 : i32
          %dma_start3A_351 = tpu.memref_slice %arg10[%run_scoped3A_331, %run_scoped3A_332, %dma_start3A_350] : memref<2x8x7808xf32, #tpu.memory_space<vmem>> -> memref<1x1x640xf32, #tpu.memory_space<vmem>>
          %dma_start3A_352 = tpu.memref_squeeze %dma_start3A_351 : memref<1x1x640xf32, #tpu.memory_space<vmem>> -> memref<640xf32, #tpu.memory_space<vmem>>
          %dma_start3A_353 = tpu.memref_slice %arg9[%add3A_330] : memref<32002048xf32, #tpu.memory_space<hbm>> -> memref<640xf32, #tpu.memory_space<hbm>>
          %dma_start3A_354 = tpu.memref_slice %arg9[%add3A_330] : memref<32002048xf32, #tpu.memory_space<hbm>> -> memref<640xf32, #tpu.memory_space<hbm>>
          %dma_start3A_355 = arith.constant 0 : i32
          %dma_start3A_356 = tpu.memref_slice %arg10[%run_scoped3A_331, %run_scoped3A_332, %dma_start3A_355] : memref<2x8x7808xf32, #tpu.memory_space<vmem>> -> memref<1x1x640xf32, #tpu.memory_space<vmem>>
          %dma_start3A_357 = tpu.memref_squeeze %dma_start3A_356 : memref<1x1x640xf32, #tpu.memory_space<vmem>> -> memref<640xf32, #tpu.memory_space<vmem>>
          tpu.enqueue_dma source(%dma_start3A_357 : memref<640xf32, #tpu.memory_space<vmem>>) target(%dma_start3A_354 : memref<640xf32, #tpu.memory_space<hbm>>) target_semaphore(%run_scoped3A_349 : memref<!tpu.dma_semaphore, #tpu.memory_space<semaphore_mem>>)
          %dma_wait3A_358 = arith.constant 0 : i32
          %dma_wait3A_359 = tpu.memref_slice %arg10[%run_scoped3A_331, %run_scoped3A_332, %dma_wait3A_358] : memref<2x8x7808xf32, #tpu.memory_space<vmem>> -> memref<1x1x640xf32, #tpu.memory_space<vmem>>
          %dma_wait3A_360 = tpu.memref_squeeze %dma_wait3A_359 : memref<1x1x640xf32, #tpu.memory_space<vmem>> -> memref<640xf32, #tpu.memory_space<vmem>>
          %dma_wait3A_361 = tpu.memref_slice %arg9[%add3A_330] : memref<32002048xf32, #tpu.memory_space<hbm>> -> memref<640xf32, #tpu.memory_space<hbm>>
          %dma_wait3A_362 = tpu.memref_slice %arg9[%add3A_330] : memref<32002048xf32, #tpu.memory_space<hbm>> -> memref<640xf32, #tpu.memory_space<hbm>>
          %dma_wait3A_363 = arith.constant 0 : i32
          %dma_wait3A_364 = tpu.memref_slice %arg10[%run_scoped3A_331, %run_scoped3A_332, %dma_wait3A_363] : memref<2x8x7808xf32, #tpu.memory_space<vmem>> -> memref<1x1x640xf32, #tpu.memory_space<vmem>>
          %dma_wait3A_365 = tpu.memref_squeeze %dma_wait3A_364 : memref<1x1x640xf32, #tpu.memory_space<vmem>> -> memref<640xf32, #tpu.memory_space<vmem>>
          tpu.wait_dma2 semaphore(%run_scoped3A_349 : memref<!tpu.dma_semaphore, #tpu.memory_space<semaphore_mem>>) src(%dma_wait3A_365 : memref<640xf32, #tpu.memory_space<vmem>>) dst(%dma_wait3A_362 : memref<640xf32, #tpu.memory_space<hbm>>)
          tpu.yield
        }) : () -> ()
        %add3A_333 = arith.constant 6 : i32
        %add3A_334 = arith.addi %mul3A_32, %add3A_333 : i32
        %mul3A_335 = arith.constant 1000064 : i32
        %mul3A_336 = arith.muli %add3A_334, %mul3A_335 : i32
        %add3A_337 = arith.constant 999424 : i32
        %add3A_338 = arith.addi %mul3A_336, %add3A_337 : i32
        %run_scoped3A_339 = arith.constant 0 : i32
        %run_scoped3A_340 = arith.constant 6 : i32
        "tpu.region"() ({
          %run_scoped3A_349 = tpu.sem_alloc : memref<!tpu.dma_semaphore, #tpu.memory_space<semaphore_mem>>
          %dma_start3A_350 = arith.constant 0 : i32
          %dma_start3A_351 = tpu.memref_slice %arg10[%run_scoped3A_339, %run_scoped3A_340, %dma_start3A_350] : memref<2x8x7808xf32, #tpu.memory_space<vmem>> -> memref<1x1x640xf32, #tpu.memory_space<vmem>>
          %dma_start3A_352 = tpu.memref_squeeze %dma_start3A_351 : memref<1x1x640xf32, #tpu.memory_space<vmem>> -> memref<640xf32, #tpu.memory_space<vmem>>
          %dma_start3A_353 = tpu.memref_slice %arg9[%add3A_338] : memref<32002048xf32, #tpu.memory_space<hbm>> -> memref<640xf32, #tpu.memory_space<hbm>>
          %dma_start3A_354 = tpu.memref_slice %arg9[%add3A_338] : memref<32002048xf32, #tpu.memory_space<hbm>> -> memref<640xf32, #tpu.memory_space<hbm>>
          %dma_start3A_355 = arith.constant 0 : i32
          %dma_start3A_356 = tpu.memref_slice %arg10[%run_scoped3A_339, %run_scoped3A_340, %dma_start3A_355] : memref<2x8x7808xf32, #tpu.memory_space<vmem>> -> memref<1x1x640xf32, #tpu.memory_space<vmem>>
          %dma_start3A_357 = tpu.memref_squeeze %dma_start3A_356 : memref<1x1x640xf32, #tpu.memory_space<vmem>> -> memref<640xf32, #tpu.memory_space<vmem>>
          tpu.enqueue_dma source(%dma_start3A_357 : memref<640xf32, #tpu.memory_space<vmem>>) target(%dma_start3A_354 : memref<640xf32, #tpu.memory_space<hbm>>) target_semaphore(%run_scoped3A_349 : memref<!tpu.dma_semaphore, #tpu.memory_space<semaphore_mem>>)
          %dma_wait3A_358 = arith.constant 0 : i32
          %dma_wait3A_359 = tpu.memref_slice %arg10[%run_scoped3A_339, %run_scoped3A_340, %dma_wait3A_358] : memref<2x8x7808xf32, #tpu.memory_space<vmem>> -> memref<1x1x640xf32, #tpu.memory_space<vmem>>
          %dma_wait3A_360 = tpu.memref_squeeze %dma_wait3A_359 : memref<1x1x640xf32, #tpu.memory_space<vmem>> -> memref<640xf32, #tpu.memory_space<vmem>>
          %dma_wait3A_361 = tpu.memref_slice %arg9[%add3A_338] : memref<32002048xf32, #tpu.memory_space<hbm>> -> memref<640xf32, #tpu.memory_space<hbm>>
          %dma_wait3A_362 = tpu.memref_slice %arg9[%add3A_338] : memref<32002048xf32, #tpu.memory_space<hbm>> -> memref<640xf32, #tpu.memory_space<hbm>>
          %dma_wait3A_363 = arith.constant 0 : i32
          %dma_wait3A_364 = tpu.memref_slice %arg10[%run_scoped3A_339, %run_scoped3A_340, %dma_wait3A_363] : memref<2x8x7808xf32, #tpu.memory_space<vmem>> -> memref<1x1x640xf32, #tpu.memory_space<vmem>>
          %dma_wait3A_365 = tpu.memref_squeeze %dma_wait3A_364 : memref<1x1x640xf32, #tpu.memory_space<vmem>> -> memref<640xf32, #tpu.memory_space<vmem>>
          tpu.wait_dma2 semaphore(%run_scoped3A_349 : memref<!tpu.dma_semaphore, #tpu.memory_space<semaphore_mem>>) src(%dma_wait3A_365 : memref<640xf32, #tpu.memory_space<vmem>>) dst(%dma_wait3A_362 : memref<640xf32, #tpu.memory_space<hbm>>)
          tpu.yield
        }) : () -> ()
        %add3A_341 = arith.constant 7 : i32
        %add3A_342 = arith.addi %mul3A_32, %add3A_341 : i32
        %mul3A_343 = arith.constant 1000064 : i32
        %mul3A_344 = arith.muli %add3A_342, %mul3A_343 : i32
        %add3A_345 = arith.constant 999424 : i32
        %add3A_346 = arith.addi %mul3A_344, %add3A_345 : i32
        %run_scoped3A_347 = arith.constant 0 : i32
        %run_scoped3A_348 = arith.constant 7 : i32
        "tpu.region"() ({
          %run_scoped3A_349 = tpu.sem_alloc : memref<!tpu.dma_semaphore, #tpu.memory_space<semaphore_mem>>
          %dma_start3A_350 = arith.constant 0 : i32
          %dma_start3A_351 = tpu.memref_slice %arg10[%run_scoped3A_347, %run_scoped3A_348, %dma_start3A_350] : memref<2x8x7808xf32, #tpu.memory_space<vmem>> -> memref<1x1x640xf32, #tpu.memory_space<vmem>>
          %dma_start3A_352 = tpu.memref_squeeze %dma_start3A_351 : memref<1x1x640xf32, #tpu.memory_space<vmem>> -> memref<640xf32, #tpu.memory_space<vmem>>
          %dma_start3A_353 = tpu.memref_slice %arg9[%add3A_346] : memref<32002048xf32, #tpu.memory_space<hbm>> -> memref<640xf32, #tpu.memory_space<hbm>>
          %dma_start3A_354 = tpu.memref_slice %arg9[%add3A_346] : memref<32002048xf32, #tpu.memory_space<hbm>> -> memref<640xf32, #tpu.memory_space<hbm>>
          %dma_start3A_355 = arith.constant 0 : i32
          %dma_start3A_356 = tpu.memref_slice %arg10[%run_scoped3A_347, %run_scoped3A_348, %dma_start3A_355] : memref<2x8x7808xf32, #tpu.memory_space<vmem>> -> memref<1x1x640xf32, #tpu.memory_space<vmem>>
          %dma_start3A_357 = tpu.memref_squeeze %dma_start3A_356 : memref<1x1x640xf32, #tpu.memory_space<vmem>> -> memref<640xf32, #tpu.memory_space<vmem>>
          tpu.enqueue_dma source(%dma_start3A_357 : memref<640xf32, #tpu.memory_space<vmem>>) target(%dma_start3A_354 : memref<640xf32, #tpu.memory_space<hbm>>) target_semaphore(%run_scoped3A_349 : memref<!tpu.dma_semaphore, #tpu.memory_space<semaphore_mem>>)
          %dma_wait3A_358 = arith.constant 0 : i32
          %dma_wait3A_359 = tpu.memref_slice %arg10[%run_scoped3A_347, %run_scoped3A_348, %dma_wait3A_358] : memref<2x8x7808xf32, #tpu.memory_space<vmem>> -> memref<1x1x640xf32, #tpu.memory_space<vmem>>
          %dma_wait3A_360 = tpu.memref_squeeze %dma_wait3A_359 : memref<1x1x640xf32, #tpu.memory_space<vmem>> -> memref<640xf32, #tpu.memory_space<vmem>>
          %dma_wait3A_361 = tpu.memref_slice %arg9[%add3A_346] : memref<32002048xf32, #tpu.memory_space<hbm>> -> memref<640xf32, #tpu.memory_space<hbm>>
          %dma_wait3A_362 = tpu.memref_slice %arg9[%add3A_346] : memref<32002048xf32, #tpu.memory_space<hbm>> -> memref<640xf32, #tpu.memory_space<hbm>>
          %dma_wait3A_363 = arith.constant 0 : i32
          %dma_wait3A_364 = tpu.memref_slice %arg10[%run_scoped3A_347, %run_scoped3A_348, %dma_wait3A_363] : memref<2x8x7808xf32, #tpu.memory_space<vmem>> -> memref<1x1x640xf32, #tpu.memory_space<vmem>>
          %dma_wait3A_365 = tpu.memref_squeeze %dma_wait3A_364 : memref<1x1x640xf32, #tpu.memory_space<vmem>> -> memref<640xf32, #tpu.memory_space<vmem>>
          tpu.wait_dma2 semaphore(%run_scoped3A_349 : memref<!tpu.dma_semaphore, #tpu.memory_space<semaphore_mem>>) src(%dma_wait3A_365 : memref<640xf32, #tpu.memory_space<vmem>>) dst(%dma_wait3A_362 : memref<640xf32, #tpu.memory_space<hbm>>)
          tpu.yield
        }) : () -> ()
      } else {
      }
    } else {
    }
    return
  }
}

#map = affine_map<(d0, d1) -> (0)>
#map1 = affine_map<(d0, d1) -> (0, 0)>
module attributes {stable_mosaic.version = 14 : i64} {
  func.func @k(%arg0: i32, %arg1: i32, %arg2: memref<32002048xf32, #tpu.memory_space<hbm>>, %arg3: memref<32002048xf32, #tpu.memory_space<hbm>>, %arg4: memref<32002048xf32, #tpu.memory_space<hbm>>, %arg5: memref<32002048xf32, #tpu.memory_space<hbm>>, %arg6: memref<16384xi32, #tpu.memory_space<hbm>>, %arg7: memref<16384xi32, #tpu.memory_space<hbm>>, %arg8: memref<32x16384xf32, #tpu.memory_space<hbm>>, %arg9: memref<32x16384xf32, #tpu.memory_space<hbm>>, %arg10: memref<32x16384xf32, #tpu.memory_space<hbm>>, %arg11: memref<32x16384xf32, #tpu.memory_space<hbm>>, %arg12: memref<512xi32, #tpu.memory_space<vmem>>, %arg13: memref<512xi32, #tpu.memory_space<vmem>>, %arg14: memref<2x512xi32, #tpu.memory_space<vmem>>, %arg15: memref<2x512xi32, #tpu.memory_space<vmem>>, %arg16: memref<32x512xf32, #tpu.memory_space<vmem>>, %arg17: memref<32x512xf32, #tpu.memory_space<vmem>>, %arg18: memref<32x512xf32, #tpu.memory_space<vmem>>, %arg19: memref<32x512xf32, #tpu.memory_space<vmem>>, %arg20: memref<!tpu.dma_semaphore, #tpu.memory_space<semaphore_mem>>, %arg21: memref<!tpu.dma_semaphore, #tpu.memory_space<semaphore_mem>>, %arg22: memref<!tpu.dma_semaphore, #tpu.memory_space<semaphore_mem>>, %arg23: memref<!tpu.dma_semaphore, #tpu.memory_space<semaphore_mem>>) attributes {dimension_semantics = [#tpu.dimension_semantics<core_parallel>, #tpu.dimension_semantics<subcore_parallel>], iteration_bounds = array<i64: 2, 16>, scalar_prefetch = 0 : i64, scratch_operands = 12 : i64, tpu.core_type = #tpu.core_type<sc_vector_subcore>, window_params = [{transform_indices = #map}, {transform_indices = #map}, {transform_indices = #map}, {transform_indices = #map}, {transform_indices = #map}, {transform_indices = #map}, {transform_indices = #map1}, {transform_indices = #map1}, {transform_indices = #map1}, {transform_indices = #map1}]} {
    %mul3A = arith.constant 2 : i32
    %mul3A_0 = arith.muli %arg1, %mul3A : i32
    %add3A = arith.addi %mul3A_0, %arg0 : i32
    %mul3A_1 = arith.constant 512 : i32
    %mul3A_2 = arith.muli %add3A, %mul3A_1 : i32
    "tpu.region"() ({
      %run_scoped3A = tpu.sem_alloc : memref<!tpu.dma_semaphore, #tpu.memory_space<semaphore_mem>>
      %dma_start3A_90 = tpu.memref_slice %arg6[%mul3A_2] : memref<16384xi32, #tpu.memory_space<hbm>> -> memref<512xi32, #tpu.memory_space<hbm>>
      %dma_start3A_91 = tpu.memref_slice %arg6[%mul3A_2] : memref<16384xi32, #tpu.memory_space<hbm>> -> memref<512xi32, #tpu.memory_space<hbm>>
      tpu.enqueue_dma source(%dma_start3A_91 : memref<512xi32, #tpu.memory_space<hbm>>) target(%arg12 : memref<512xi32, #tpu.memory_space<vmem>>) target_semaphore(%run_scoped3A : memref<!tpu.dma_semaphore, #tpu.memory_space<semaphore_mem>>)
      %dma_wait3A_92 = tpu.memref_slice %arg6[%mul3A_2] : memref<16384xi32, #tpu.memory_space<hbm>> -> memref<512xi32, #tpu.memory_space<hbm>>
      %dma_wait3A_93 = tpu.memref_slice %arg6[%mul3A_2] : memref<16384xi32, #tpu.memory_space<hbm>> -> memref<512xi32, #tpu.memory_space<hbm>>
      tpu.wait_dma2 semaphore(%run_scoped3A : memref<!tpu.dma_semaphore, #tpu.memory_space<semaphore_mem>>) src(%dma_wait3A_93 : memref<512xi32, #tpu.memory_space<hbm>>) dst(%arg12 : memref<512xi32, #tpu.memory_space<vmem>>)
      tpu.yield
    }) : () -> ()
    "tpu.region"() ({
      %run_scoped3A = tpu.sem_alloc : memref<!tpu.dma_semaphore, #tpu.memory_space<semaphore_mem>>
      %dma_start3A_90 = tpu.memref_slice %arg7[%mul3A_2] : memref<16384xi32, #tpu.memory_space<hbm>> -> memref<512xi32, #tpu.memory_space<hbm>>
      %dma_start3A_91 = tpu.memref_slice %arg7[%mul3A_2] : memref<16384xi32, #tpu.memory_space<hbm>> -> memref<512xi32, #tpu.memory_space<hbm>>
      tpu.enqueue_dma source(%dma_start3A_91 : memref<512xi32, #tpu.memory_space<hbm>>) target(%arg13 : memref<512xi32, #tpu.memory_space<vmem>>) target_semaphore(%run_scoped3A : memref<!tpu.dma_semaphore, #tpu.memory_space<semaphore_mem>>)
      %dma_wait3A_92 = tpu.memref_slice %arg7[%mul3A_2] : memref<16384xi32, #tpu.memory_space<hbm>> -> memref<512xi32, #tpu.memory_space<hbm>>
      %dma_wait3A_93 = tpu.memref_slice %arg7[%mul3A_2] : memref<16384xi32, #tpu.memory_space<hbm>> -> memref<512xi32, #tpu.memory_space<hbm>>
      tpu.wait_dma2 semaphore(%run_scoped3A : memref<!tpu.dma_semaphore, #tpu.memory_space<semaphore_mem>>) src(%dma_wait3A_93 : memref<512xi32, #tpu.memory_space<hbm>>) dst(%arg13 : memref<512xi32, #tpu.memory_space<vmem>>)
      tpu.yield
    }) : () -> ()
    %scan3A = arith.constant 0 : i32
    %scan3A_3 = arith.constant 32 : i32
    %scan3A_4 = arith.addi %scan3A, %scan3A_3 : i32
    %scan3A_5 = arith.constant 1 : i32
    scf.for %scan3A_90 = %scan3A to %scan3A_4 step %scan3A_5  : i32 {
      %mul3A_91 = arith.constant 1 : i32
      %mul3A_92 = arith.muli %scan3A_90, %mul3A_91 : i32
      %add3A_93 = arith.constant 0 : i32
      %add3A_94 = arith.addi %add3A_93, %mul3A_92 : i32
      %mul3A_95 = arith.constant 16 : i32
      %mul3A_96 = arith.muli %add3A_94, %mul3A_95 : i32
      %get3A = arith.index_cast %mul3A_96 : i32 to index
      %get3A_97 = tpu.vector_load %arg12[%get3A] {strides = array<i32>} : memref<512xi32, #tpu.memory_space<vmem>>, vector<16xi32>,
      %add3A_98 = arith.constant 0 : i32
      %add3A_99 = vector.broadcast %add3A_98 : i32 to vector<16xi32>
      %add3A_100 = arith.addi %get3A_97, %add3A_99 : vector<16xi32>
      %swap3A = arith.constant 0 : i32
      %swap3A_101 = arith.index_cast %swap3A : i32 to index
      %swap3A_102 = arith.index_cast %mul3A_96 : i32 to index
      %swap3A_103 = tpu.vector_load %arg14[%swap3A_101, %swap3A_102] {strides = array<i32>} : memref<2x512xi32, #tpu.memory_space<vmem>>, vector<16xi32>,
      tpu.vector_store %arg14[%swap3A_101, %swap3A_102], %add3A_100 {strides = array<i32>} : memref<2x512xi32, #tpu.memory_space<vmem>>, vector<16xi32>,
      %get3A_104 = arith.index_cast %mul3A_96 : i32 to index
      %get3A_105 = tpu.vector_load %arg13[%get3A_104] {strides = array<i32>} : memref<512xi32, #tpu.memory_space<vmem>>, vector<16xi32>,
      %add3A_106 = arith.constant 0 : i32
      %add3A_107 = vector.broadcast %add3A_106 : i32 to vector<16xi32>
      %add3A_108 = arith.addi %get3A_105, %add3A_107 : vector<16xi32>
      %swap3A_109 = arith.constant 0 : i32
      %swap3A_110 = arith.index_cast %swap3A_109 : i32 to index
      %swap3A_111 = arith.index_cast %mul3A_96 : i32 to index
      %swap3A_112 = tpu.vector_load %arg15[%swap3A_110, %swap3A_111] {strides = array<i32>} : memref<2x512xi32, #tpu.memory_space<vmem>>, vector<16xi32>,
      tpu.vector_store %arg15[%swap3A_110, %swap3A_111], %add3A_108 {strides = array<i32>} : memref<2x512xi32, #tpu.memory_space<vmem>>, vector<16xi32>,
    }
    %scan3A_6 = arith.constant 32 : i32
    %dma_start3A = arith.constant 0 : i32
    %dma_start3A_7 = arith.constant 0 : i32
    %dma_start3A_8 = arith.constant 0 : i32
    %dma_start3A_9 = tpu.memref_slice %arg16[%dma_start3A_7, %dma_start3A_8] : memref<32x512xf32, #tpu.memory_space<vmem>> -> memref<1x512xf32, #tpu.memory_space<vmem>>
    %dma_start3A_10 = tpu.memref_squeeze %dma_start3A_9 : memref<1x512xf32, #tpu.memory_space<vmem>> -> memref<512xf32, #tpu.memory_space<vmem>>
    %dma_start3A_11 = arith.constant 0 : i32
    %dma_start3A_12 = tpu.memref_slice %arg14[%dma_start3A, %dma_start3A_11] : memref<2x512xi32, #tpu.memory_space<vmem>> -> memref<1x512xi32, #tpu.memory_space<vmem>>
    %dma_start3A_13 = tpu.memref_squeeze %dma_start3A_12 : memref<1x512xi32, #tpu.memory_space<vmem>> -> memref<512xi32, #tpu.memory_space<vmem>>
    %dma_start3A_14 = arith.constant 0 : i32
    %dma_start3A_15 = tpu.memref_slice %arg2[%dma_start3A_14] : memref<32002048xf32, #tpu.memory_space<hbm>> -> memref<32002048xf32, #tpu.memory_space<hbm>>
    tpu.enqueue_indirect_dma source(%dma_start3A_15 : memref<32002048xf32, #tpu.memory_space<hbm>>) target(%dma_start3A_10 : memref<512xf32, #tpu.memory_space<vmem>>) offsets(%dma_start3A_13 : memref<512xi32, #tpu.memory_space<vmem>>) semaphore(%arg20 : memref<!tpu.dma_semaphore, #tpu.memory_space<semaphore_mem>>)
    %dma_start3A_16 = arith.constant 0 : i32
    %dma_start3A_17 = arith.constant 0 : i32
    %dma_start3A_18 = arith.constant 0 : i32
    %dma_start3A_19 = tpu.memref_slice %arg17[%dma_start3A_17, %dma_start3A_18] : memref<32x512xf32, #tpu.memory_space<vmem>> -> memref<1x512xf32, #tpu.memory_space<vmem>>
    %dma_start3A_20 = tpu.memref_squeeze %dma_start3A_19 : memref<1x512xf32, #tpu.memory_space<vmem>> -> memref<512xf32, #tpu.memory_space<vmem>>
    %dma_start3A_21 = arith.constant 0 : i32
    %dma_start3A_22 = tpu.memref_slice %arg15[%dma_start3A_16, %dma_start3A_21] : memref<2x512xi32, #tpu.memory_space<vmem>> -> memref<1x512xi32, #tpu.memory_space<vmem>>
    %dma_start3A_23 = tpu.memref_squeeze %dma_start3A_22 : memref<1x512xi32, #tpu.memory_space<vmem>> -> memref<512xi32, #tpu.memory_space<vmem>>
    %dma_start3A_24 = arith.constant 0 : i32
    %dma_start3A_25 = tpu.memref_slice %arg3[%dma_start3A_24] : memref<32002048xf32, #tpu.memory_space<hbm>> -> memref<32002048xf32, #tpu.memory_space<hbm>>
    tpu.enqueue_indirect_dma source(%dma_start3A_25 : memref<32002048xf32, #tpu.memory_space<hbm>>) target(%dma_start3A_20 : memref<512xf32, #tpu.memory_space<vmem>>) offsets(%dma_start3A_23 : memref<512xi32, #tpu.memory_space<vmem>>) semaphore(%arg21 : memref<!tpu.dma_semaphore, #tpu.memory_space<semaphore_mem>>)
    %dma_start3A_26 = arith.constant 0 : i32
    %dma_start3A_27 = arith.constant 0 : i32
    %dma_start3A_28 = arith.constant 0 : i32
    %dma_start3A_29 = tpu.memref_slice %arg18[%dma_start3A_27, %dma_start3A_28] : memref<32x512xf32, #tpu.memory_space<vmem>> -> memref<1x512xf32, #tpu.memory_space<vmem>>
    %dma_start3A_30 = tpu.memref_squeeze %dma_start3A_29 : memref<1x512xf32, #tpu.memory_space<vmem>> -> memref<512xf32, #tpu.memory_space<vmem>>
    %dma_start3A_31 = arith.constant 0 : i32
    %dma_start3A_32 = tpu.memref_slice %arg14[%dma_start3A_26, %dma_start3A_31] : memref<2x512xi32, #tpu.memory_space<vmem>> -> memref<1x512xi32, #tpu.memory_space<vmem>>
    %dma_start3A_33 = tpu.memref_squeeze %dma_start3A_32 : memref<1x512xi32, #tpu.memory_space<vmem>> -> memref<512xi32, #tpu.memory_space<vmem>>
    %dma_start3A_34 = arith.constant 0 : i32
    %dma_start3A_35 = tpu.memref_slice %arg4[%dma_start3A_34] : memref<32002048xf32, #tpu.memory_space<hbm>> -> memref<32002048xf32, #tpu.memory_space<hbm>>
    tpu.enqueue_indirect_dma source(%dma_start3A_35 : memref<32002048xf32, #tpu.memory_space<hbm>>) target(%dma_start3A_30 : memref<512xf32, #tpu.memory_space<vmem>>) offsets(%dma_start3A_33 : memref<512xi32, #tpu.memory_space<vmem>>) semaphore(%arg22 : memref<!tpu.dma_semaphore, #tpu.memory_space<semaphore_mem>>)
    %dma_start3A_36 = arith.constant 0 : i32
    %dma_start3A_37 = arith.constant 0 : i32
    %dma_start3A_38 = arith.constant 0 : i32
    %dma_start3A_39 = tpu.memref_slice %arg19[%dma_start3A_37, %dma_start3A_38] : memref<32x512xf32, #tpu.memory_space<vmem>> -> memref<1x512xf32, #tpu.memory_space<vmem>>
    %dma_start3A_40 = tpu.memref_squeeze %dma_start3A_39 : memref<1x512xf32, #tpu.memory_space<vmem>> -> memref<512xf32, #tpu.memory_space<vmem>>
    %dma_start3A_41 = arith.constant 0 : i32
    %dma_start3A_42 = tpu.memref_slice %arg15[%dma_start3A_36, %dma_start3A_41] : memref<2x512xi32, #tpu.memory_space<vmem>> -> memref<1x512xi32, #tpu.memory_space<vmem>>
    %dma_start3A_43 = tpu.memref_squeeze %dma_start3A_42 : memref<1x512xi32, #tpu.memory_space<vmem>> -> memref<512xi32, #tpu.memory_space<vmem>>
    %dma_start3A_44 = arith.constant 0 : i32
    %dma_start3A_45 = tpu.memref_slice %arg5[%dma_start3A_44] : memref<32002048xf32, #tpu.memory_space<hbm>> -> memref<32002048xf32, #tpu.memory_space<hbm>>
    tpu.enqueue_indirect_dma source(%dma_start3A_45 : memref<32002048xf32, #tpu.memory_space<hbm>>) target(%dma_start3A_40 : memref<512xf32, #tpu.memory_space<vmem>>) offsets(%dma_start3A_43 : memref<512xi32, #tpu.memory_space<vmem>>) semaphore(%arg23 : memref<!tpu.dma_semaphore, #tpu.memory_space<semaphore_mem>>)
    %scan3A_46 = arith.constant 0 : i32
    %scan3A_47 = arith.constant 31 : i32
    %scan3A_48 = arith.addi %scan3A_46, %scan3A_47 : i32
    %scan3A_49 = arith.constant 1 : i32
    scf.for %scan3A_90 = %scan3A_46 to %scan3A_48 step %scan3A_49  : i32 {
      %mul3A_91 = arith.constant 1 : i32
      %mul3A_92 = arith.muli %scan3A_90, %mul3A_91 : i32
      %add3A_93 = arith.constant 1 : i32
      %add3A_94 = arith.addi %add3A_93, %mul3A_92 : i32
      %mul3A_95 = arith.constant 1000064 : i32
      %mul3A_96 = arith.muli %add3A_94, %mul3A_95 : i32
      %jit3A = arith.constant 2 : i32
      %eq3A = arith.constant 0 : i32
      %eq3A_97 = arith.cmpi eq, %jit3A, %eq3A : i32
      %jit3A_98 = arith.constant 1 : i32
      %select_n3A = arith.select %eq3A_97, %jit3A_98, %jit3A : i32
      %rem3A = arith.remsi %add3A_94, %select_n3A : i32
      %ne3A = arith.constant 0 : i32
      %ne3A_99 = arith.cmpi ne, %rem3A, %ne3A : i32
      %lt3A = arith.constant 0 : i32
      %lt3A_100 = arith.cmpi slt, %rem3A, %lt3A : i32
      %lt3A_101 = arith.constant 0 : i32
      %lt3A_102 = arith.cmpi slt, %select_n3A, %lt3A_101 : i32
      %ne3A_103 = arith.xori %lt3A_100, %lt3A_102 : i1
      %and3A = arith.andi %ne3A_103, %ne3A_99 : i1
      %add3A_104 = arith.addi %rem3A, %select_n3A : i32
      %select_n3A_105 = arith.select %and3A, %add3A_104, %rem3A : i32
      %scan3A_106 = arith.constant 0 : i32
      %scan3A_107 = arith.constant 32 : i32
      %scan3A_108 = arith.addi %scan3A_106, %scan3A_107 : i32
      %scan3A_109 = arith.constant 1 : i32
      scf.for %scan3A_208 = %scan3A_106 to %scan3A_108 step %scan3A_109  : i32 {
        %mul3A_209 = arith.constant 1 : i32
        %mul3A_210 = arith.muli %scan3A_208, %mul3A_209 : i32
        %add3A_211 = arith.constant 0 : i32
        %add3A_212 = arith.addi %add3A_211, %mul3A_210 : i32
        %mul3A_213 = arith.constant 16 : i32
        %mul3A_214 = arith.muli %add3A_212, %mul3A_213 : i32
        %get3A = arith.index_cast %mul3A_214 : i32 to index
        %get3A_215 = tpu.vector_load %arg12[%get3A] {strides = array<i32>} : memref<512xi32, #tpu.memory_space<vmem>>, vector<16xi32>,
        %add3A_216 = vector.broadcast %mul3A_96 : i32 to vector<16xi32>
        %add3A_217 = arith.addi %get3A_215, %add3A_216 : vector<16xi32>
        %swap3A = arith.index_cast %select_n3A_105 : i32 to index
        %swap3A_218 = arith.index_cast %mul3A_214 : i32 to index
        %swap3A_219 = tpu.vector_load %arg14[%swap3A, %swap3A_218] {strides = array<i32>} : memref<2x512xi32, #tpu.memory_space<vmem>>, vector<16xi32>,
        tpu.vector_store %arg14[%swap3A, %swap3A_218], %add3A_217 {strides = array<i32>} : memref<2x512xi32, #tpu.memory_space<vmem>>, vector<16xi32>,
        %get3A_220 = arith.index_cast %mul3A_214 : i32 to index
        %get3A_221 = tpu.vector_load %arg13[%get3A_220] {strides = array<i32>} : memref<512xi32, #tpu.memory_space<vmem>>, vector<16xi32>,
        %add3A_222 = vector.broadcast %mul3A_96 : i32 to vector<16xi32>
        %add3A_223 = arith.addi %get3A_221, %add3A_222 : vector<16xi32>
        %swap3A_224 = arith.index_cast %select_n3A_105 : i32 to index
        %swap3A_225 = arith.index_cast %mul3A_214 : i32 to index
        %swap3A_226 = tpu.vector_load %arg15[%swap3A_224, %swap3A_225] {strides = array<i32>} : memref<2x512xi32, #tpu.memory_space<vmem>>, vector<16xi32>,
        tpu.vector_store %arg15[%swap3A_224, %swap3A_225], %add3A_223 {strides = array<i32>} : memref<2x512xi32, #tpu.memory_space<vmem>>, vector<16xi32>,
      }
      %scan3A_110 = arith.constant 32 : i32
      %dma_start3A_111 = arith.constant 0 : i32
      %dma_start3A_112 = tpu.memref_slice %arg16[%add3A_94, %dma_start3A_111] : memref<32x512xf32, #tpu.memory_space<vmem>> -> memref<1x512xf32, #tpu.memory_space<vmem>>
      %dma_start3A_113 = tpu.memref_squeeze %dma_start3A_112 : memref<1x512xf32, #tpu.memory_space<vmem>> -> memref<512xf32, #tpu.memory_space<vmem>>
      %dma_start3A_114 = arith.constant 0 : i32
      %dma_start3A_115 = tpu.memref_slice %arg14[%select_n3A_105, %dma_start3A_114] : memref<2x512xi32, #tpu.memory_space<vmem>> -> memref<1x512xi32, #tpu.memory_space<vmem>>
      %dma_start3A_116 = tpu.memref_squeeze %dma_start3A_115 : memref<1x512xi32, #tpu.memory_space<vmem>> -> memref<512xi32, #tpu.memory_space<vmem>>
      %dma_start3A_117 = arith.constant 0 : i32
      %dma_start3A_118 = tpu.memref_slice %arg2[%dma_start3A_117] : memref<32002048xf32, #tpu.memory_space<hbm>> -> memref<32002048xf32, #tpu.memory_space<hbm>>
      tpu.enqueue_indirect_dma source(%dma_start3A_118 : memref<32002048xf32, #tpu.memory_space<hbm>>) target(%dma_start3A_113 : memref<512xf32, #tpu.memory_space<vmem>>) offsets(%dma_start3A_116 : memref<512xi32, #tpu.memory_space<vmem>>) semaphore(%arg20 : memref<!tpu.dma_semaphore, #tpu.memory_space<semaphore_mem>>)
      %dma_start3A_119 = arith.constant 0 : i32
      %dma_start3A_120 = tpu.memref_slice %arg17[%add3A_94, %dma_start3A_119] : memref<32x512xf32, #tpu.memory_space<vmem>> -> memref<1x512xf32, #tpu.memory_space<vmem>>
      %dma_start3A_121 = tpu.memref_squeeze %dma_start3A_120 : memref<1x512xf32, #tpu.memory_space<vmem>> -> memref<512xf32, #tpu.memory_space<vmem>>
      %dma_start3A_122 = arith.constant 0 : i32
      %dma_start3A_123 = tpu.memref_slice %arg15[%select_n3A_105, %dma_start3A_122] : memref<2x512xi32, #tpu.memory_space<vmem>> -> memref<1x512xi32, #tpu.memory_space<vmem>>
      %dma_start3A_124 = tpu.memref_squeeze %dma_start3A_123 : memref<1x512xi32, #tpu.memory_space<vmem>> -> memref<512xi32, #tpu.memory_space<vmem>>
      %dma_start3A_125 = arith.constant 0 : i32
      %dma_start3A_126 = tpu.memref_slice %arg3[%dma_start3A_125] : memref<32002048xf32, #tpu.memory_space<hbm>> -> memref<32002048xf32, #tpu.memory_space<hbm>>
      tpu.enqueue_indirect_dma source(%dma_start3A_126 : memref<32002048xf32, #tpu.memory_space<hbm>>) target(%dma_start3A_121 : memref<512xf32, #tpu.memory_space<vmem>>) offsets(%dma_start3A_124 : memref<512xi32, #tpu.memory_space<vmem>>) semaphore(%arg21 : memref<!tpu.dma_semaphore, #tpu.memory_space<semaphore_mem>>)
      %dma_start3A_127 = arith.constant 0 : i32
      %dma_start3A_128 = tpu.memref_slice %arg18[%add3A_94, %dma_start3A_127] : memref<32x512xf32, #tpu.memory_space<vmem>> -> memref<1x512xf32, #tpu.memory_space<vmem>>
      %dma_start3A_129 = tpu.memref_squeeze %dma_start3A_128 : memref<1x512xf32, #tpu.memory_space<vmem>> -> memref<512xf32, #tpu.memory_space<vmem>>
      %dma_start3A_130 = arith.constant 0 : i32
      %dma_start3A_131 = tpu.memref_slice %arg14[%select_n3A_105, %dma_start3A_130] : memref<2x512xi32, #tpu.memory_space<vmem>> -> memref<1x512xi32, #tpu.memory_space<vmem>>
      %dma_start3A_132 = tpu.memref_squeeze %dma_start3A_131 : memref<1x512xi32, #tpu.memory_space<vmem>> -> memref<512xi32, #tpu.memory_space<vmem>>
      %dma_start3A_133 = arith.constant 0 : i32
      %dma_start3A_134 = tpu.memref_slice %arg4[%dma_start3A_133] : memref<32002048xf32, #tpu.memory_space<hbm>> -> memref<32002048xf32, #tpu.memory_space<hbm>>
      tpu.enqueue_indirect_dma source(%dma_start3A_134 : memref<32002048xf32, #tpu.memory_space<hbm>>) target(%dma_start3A_129 : memref<512xf32, #tpu.memory_space<vmem>>) offsets(%dma_start3A_132 : memref<512xi32, #tpu.memory_space<vmem>>) semaphore(%arg22 : memref<!tpu.dma_semaphore, #tpu.memory_space<semaphore_mem>>)
      %dma_start3A_135 = arith.constant 0 : i32
      %dma_start3A_136 = tpu.memref_slice %arg19[%add3A_94, %dma_start3A_135] : memref<32x512xf32, #tpu.memory_space<vmem>> -> memref<1x512xf32, #tpu.memory_space<vmem>>
      %dma_start3A_137 = tpu.memref_squeeze %dma_start3A_136 : memref<1x512xf32, #tpu.memory_space<vmem>> -> memref<512xf32, #tpu.memory_space<vmem>>
      %dma_start3A_138 = arith.constant 0 : i32
      %dma_start3A_139 = tpu.memref_slice %arg15[%select_n3A_105, %dma_start3A_138] : memref<2x512xi32, #tpu.memory_space<vmem>> -> memref<1x512xi32, #tpu.memory_space<vmem>>
      %dma_start3A_140 = tpu.memref_squeeze %dma_start3A_139 : memref<1x512xi32, #tpu.memory_space<vmem>> -> memref<512xi32, #tpu.memory_space<vmem>>
      %dma_start3A_141 = arith.constant 0 : i32
      %dma_start3A_142 = tpu.memref_slice %arg5[%dma_start3A_141] : memref<32002048xf32, #tpu.memory_space<hbm>> -> memref<32002048xf32, #tpu.memory_space<hbm>>
      tpu.enqueue_indirect_dma source(%dma_start3A_142 : memref<32002048xf32, #tpu.memory_space<hbm>>) target(%dma_start3A_137 : memref<512xf32, #tpu.memory_space<vmem>>) offsets(%dma_start3A_140 : memref<512xi32, #tpu.memory_space<vmem>>) semaphore(%arg23 : memref<!tpu.dma_semaphore, #tpu.memory_space<semaphore_mem>>)
      %sub3A = arith.constant 1 : i32
      %sub3A_143 = arith.subi %add3A_94, %sub3A : i32
      %jit3A_144 = arith.constant 2 : i32
      %eq3A_145 = arith.constant 0 : i32
      %eq3A_146 = arith.cmpi eq, %jit3A_144, %eq3A_145 : i32
      %jit3A_147 = arith.constant 1 : i32
      %select_n3A_148 = arith.select %eq3A_146, %jit3A_147, %jit3A_144 : i32
      %rem3A_149 = arith.remsi %sub3A_143, %select_n3A_148 : i32
      %ne3A_150 = arith.constant 0 : i32
      %ne3A_151 = arith.cmpi ne, %rem3A_149, %ne3A_150 : i32
      %lt3A_152 = arith.constant 0 : i32
      %lt3A_153 = arith.cmpi slt, %rem3A_149, %lt3A_152 : i32
      %lt3A_154 = arith.constant 0 : i32
      %lt3A_155 = arith.cmpi slt, %select_n3A_148, %lt3A_154 : i32
      %ne3A_156 = arith.xori %lt3A_153, %lt3A_155 : i1
      %and3A_157 = arith.andi %ne3A_156, %ne3A_151 : i1
      %add3A_158 = arith.addi %rem3A_149, %select_n3A_148 : i32
      %select_n3A_159 = arith.select %and3A_157, %add3A_158, %rem3A_149 : i32
      %jit3A_160 = arith.constant 2 : i32
      %eq3A_161 = arith.constant 0 : i32
      %eq3A_162 = arith.cmpi eq, %jit3A_160, %eq3A_161 : i32
      %jit3A_163 = arith.constant 1 : i32
      %select_n3A_164 = arith.select %eq3A_162, %jit3A_163, %jit3A_160 : i32
      %rem3A_165 = arith.remsi %sub3A_143, %select_n3A_164 : i32
      %ne3A_166 = arith.constant 0 : i32
      %ne3A_167 = arith.cmpi ne, %rem3A_165, %ne3A_166 : i32
      %lt3A_168 = arith.constant 0 : i32
      %lt3A_169 = arith.cmpi slt, %rem3A_165, %lt3A_168 : i32
      %lt3A_170 = arith.constant 0 : i32
      %lt3A_171 = arith.cmpi slt, %select_n3A_164, %lt3A_170 : i32
      %ne3A_172 = arith.xori %lt3A_169, %lt3A_171 : i1
      %and3A_173 = arith.andi %ne3A_172, %ne3A_167 : i1
      %add3A_174 = arith.addi %rem3A_165, %select_n3A_164 : i32
      %select_n3A_175 = arith.select %and3A_173, %add3A_174, %rem3A_165 : i32
      %dma_wait3A_176 = arith.constant 0 : i32
      %dma_wait3A_177 = tpu.memref_slice %arg16[%sub3A_143, %dma_wait3A_176] : memref<32x512xf32, #tpu.memory_space<vmem>> -> memref<1x512xf32, #tpu.memory_space<vmem>>
      %dma_wait3A_178 = tpu.memref_squeeze %dma_wait3A_177 : memref<1x512xf32, #tpu.memory_space<vmem>> -> memref<512xf32, #tpu.memory_space<vmem>>
      %dma_wait3A_179 = arith.constant 0 : i32
      %dma_wait3A_180 = tpu.memref_slice %arg14[%select_n3A_159, %dma_wait3A_179] : memref<2x512xi32, #tpu.memory_space<vmem>> -> memref<1x512xi32, #tpu.memory_space<vmem>>
      %dma_wait3A_181 = tpu.memref_squeeze %dma_wait3A_180 : memref<1x512xi32, #tpu.memory_space<vmem>> -> memref<512xi32, #tpu.memory_space<vmem>>
      %dma_wait3A_182 = arith.constant 0 : i32
      %dma_wait3A_183 = tpu.memref_slice %arg2[%dma_wait3A_182] : memref<32002048xf32, #tpu.memory_space<hbm>> -> memref<32002048xf32, #tpu.memory_space<hbm>>
      tpu.wait_indirect_dma semaphore(%arg20 : memref<!tpu.dma_semaphore, #tpu.memory_space<semaphore_mem>>) src(%dma_wait3A_183 : memref<32002048xf32, #tpu.memory_space<hbm>>) dst(%dma_wait3A_178 : memref<512xf32, #tpu.memory_space<vmem>>)
      %dma_wait3A_184 = arith.constant 0 : i32
      %dma_wait3A_185 = tpu.memref_slice %arg17[%sub3A_143, %dma_wait3A_184] : memref<32x512xf32, #tpu.memory_space<vmem>> -> memref<1x512xf32, #tpu.memory_space<vmem>>
      %dma_wait3A_186 = tpu.memref_squeeze %dma_wait3A_185 : memref<1x512xf32, #tpu.memory_space<vmem>> -> memref<512xf32, #tpu.memory_space<vmem>>
      %dma_wait3A_187 = arith.constant 0 : i32
      %dma_wait3A_188 = tpu.memref_slice %arg15[%select_n3A_175, %dma_wait3A_187] : memref<2x512xi32, #tpu.memory_space<vmem>> -> memref<1x512xi32, #tpu.memory_space<vmem>>
      %dma_wait3A_189 = tpu.memref_squeeze %dma_wait3A_188 : memref<1x512xi32, #tpu.memory_space<vmem>> -> memref<512xi32, #tpu.memory_space<vmem>>
      %dma_wait3A_190 = arith.constant 0 : i32
      %dma_wait3A_191 = tpu.memref_slice %arg3[%dma_wait3A_190] : memref<32002048xf32, #tpu.memory_space<hbm>> -> memref<32002048xf32, #tpu.memory_space<hbm>>
      tpu.wait_indirect_dma semaphore(%arg21 : memref<!tpu.dma_semaphore, #tpu.memory_space<semaphore_mem>>) src(%dma_wait3A_191 : memref<32002048xf32, #tpu.memory_space<hbm>>) dst(%dma_wait3A_186 : memref<512xf32, #tpu.memory_space<vmem>>)
      %dma_wait3A_192 = arith.constant 0 : i32
      %dma_wait3A_193 = tpu.memref_slice %arg18[%sub3A_143, %dma_wait3A_192] : memref<32x512xf32, #tpu.memory_space<vmem>> -> memref<1x512xf32, #tpu.memory_space<vmem>>
      %dma_wait3A_194 = tpu.memref_squeeze %dma_wait3A_193 : memref<1x512xf32, #tpu.memory_space<vmem>> -> memref<512xf32, #tpu.memory_space<vmem>>
      %dma_wait3A_195 = arith.constant 0 : i32
      %dma_wait3A_196 = tpu.memref_slice %arg14[%select_n3A_159, %dma_wait3A_195] : memref<2x512xi32, #tpu.memory_space<vmem>> -> memref<1x512xi32, #tpu.memory_space<vmem>>
      %dma_wait3A_197 = tpu.memref_squeeze %dma_wait3A_196 : memref<1x512xi32, #tpu.memory_space<vmem>> -> memref<512xi32, #tpu.memory_space<vmem>>
      %dma_wait3A_198 = arith.constant 0 : i32
      %dma_wait3A_199 = tpu.memref_slice %arg4[%dma_wait3A_198] : memref<32002048xf32, #tpu.memory_space<hbm>> -> memref<32002048xf32, #tpu.memory_space<hbm>>
      tpu.wait_indirect_dma semaphore(%arg22 : memref<!tpu.dma_semaphore, #tpu.memory_space<semaphore_mem>>) src(%dma_wait3A_199 : memref<32002048xf32, #tpu.memory_space<hbm>>) dst(%dma_wait3A_194 : memref<512xf32, #tpu.memory_space<vmem>>)
      %dma_wait3A_200 = arith.constant 0 : i32
      %dma_wait3A_201 = tpu.memref_slice %arg19[%sub3A_143, %dma_wait3A_200] : memref<32x512xf32, #tpu.memory_space<vmem>> -> memref<1x512xf32, #tpu.memory_space<vmem>>
      %dma_wait3A_202 = tpu.memref_squeeze %dma_wait3A_201 : memref<1x512xf32, #tpu.memory_space<vmem>> -> memref<512xf32, #tpu.memory_space<vmem>>
      %dma_wait3A_203 = arith.constant 0 : i32
      %dma_wait3A_204 = tpu.memref_slice %arg15[%select_n3A_175, %dma_wait3A_203] : memref<2x512xi32, #tpu.memory_space<vmem>> -> memref<1x512xi32, #tpu.memory_space<vmem>>
      %dma_wait3A_205 = tpu.memref_squeeze %dma_wait3A_204 : memref<1x512xi32, #tpu.memory_space<vmem>> -> memref<512xi32, #tpu.memory_space<vmem>>
      %dma_wait3A_206 = arith.constant 0 : i32
      %dma_wait3A_207 = tpu.memref_slice %arg5[%dma_wait3A_206] : memref<32002048xf32, #tpu.memory_space<hbm>> -> memref<32002048xf32, #tpu.memory_space<hbm>>
      tpu.wait_indirect_dma semaphore(%arg23 : memref<!tpu.dma_semaphore, #tpu.memory_space<semaphore_mem>>) src(%dma_wait3A_207 : memref<32002048xf32, #tpu.memory_space<hbm>>) dst(%dma_wait3A_202 : memref<512xf32, #tpu.memory_space<vmem>>)
    }
    %scan3A_50 = arith.constant 31 : i32
    %dma_wait3A = arith.constant 1 : i32
    %dma_wait3A_51 = arith.constant 31 : i32
    %dma_wait3A_52 = arith.constant 0 : i32
    %dma_wait3A_53 = tpu.memref_slice %arg16[%dma_wait3A_51, %dma_wait3A_52] : memref<32x512xf32, #tpu.memory_space<vmem>> -> memref<1x512xf32, #tpu.memory_space<vmem>>
    %dma_wait3A_54 = tpu.memref_squeeze %dma_wait3A_53 : memref<1x512xf32, #tpu.memory_space<vmem>> -> memref<512xf32, #tpu.memory_space<vmem>>
    %dma_wait3A_55 = arith.constant 0 : i32
    %dma_wait3A_56 = tpu.memref_slice %arg14[%dma_wait3A, %dma_wait3A_55] : memref<2x512xi32, #tpu.memory_space<vmem>> -> memref<1x512xi32, #tpu.memory_space<vmem>>
    %dma_wait3A_57 = tpu.memref_squeeze %dma_wait3A_56 : memref<1x512xi32, #tpu.memory_space<vmem>> -> memref<512xi32, #tpu.memory_space<vmem>>
    %dma_wait3A_58 = arith.constant 0 : i32
    %dma_wait3A_59 = tpu.memref_slice %arg2[%dma_wait3A_58] : memref<32002048xf32, #tpu.memory_space<hbm>> -> memref<32002048xf32, #tpu.memory_space<hbm>>
    tpu.wait_indirect_dma semaphore(%arg20 : memref<!tpu.dma_semaphore, #tpu.memory_space<semaphore_mem>>) src(%dma_wait3A_59 : memref<32002048xf32, #tpu.memory_space<hbm>>) dst(%dma_wait3A_54 : memref<512xf32, #tpu.memory_space<vmem>>)
    %dma_wait3A_60 = arith.constant 1 : i32
    %dma_wait3A_61 = arith.constant 31 : i32
    %dma_wait3A_62 = arith.constant 0 : i32
    %dma_wait3A_63 = tpu.memref_slice %arg17[%dma_wait3A_61, %dma_wait3A_62] : memref<32x512xf32, #tpu.memory_space<vmem>> -> memref<1x512xf32, #tpu.memory_space<vmem>>
    %dma_wait3A_64 = tpu.memref_squeeze %dma_wait3A_63 : memref<1x512xf32, #tpu.memory_space<vmem>> -> memref<512xf32, #tpu.memory_space<vmem>>
    %dma_wait3A_65 = arith.constant 0 : i32
    %dma_wait3A_66 = tpu.memref_slice %arg15[%dma_wait3A_60, %dma_wait3A_65] : memref<2x512xi32, #tpu.memory_space<vmem>> -> memref<1x512xi32, #tpu.memory_space<vmem>>
    %dma_wait3A_67 = tpu.memref_squeeze %dma_wait3A_66 : memref<1x512xi32, #tpu.memory_space<vmem>> -> memref<512xi32, #tpu.memory_space<vmem>>
    %dma_wait3A_68 = arith.constant 0 : i32
    %dma_wait3A_69 = tpu.memref_slice %arg3[%dma_wait3A_68] : memref<32002048xf32, #tpu.memory_space<hbm>> -> memref<32002048xf32, #tpu.memory_space<hbm>>
    tpu.wait_indirect_dma semaphore(%arg21 : memref<!tpu.dma_semaphore, #tpu.memory_space<semaphore_mem>>) src(%dma_wait3A_69 : memref<32002048xf32, #tpu.memory_space<hbm>>) dst(%dma_wait3A_64 : memref<512xf32, #tpu.memory_space<vmem>>)
    %dma_wait3A_70 = arith.constant 1 : i32
    %dma_wait3A_71 = arith.constant 31 : i32
    %dma_wait3A_72 = arith.constant 0 : i32
    %dma_wait3A_73 = tpu.memref_slice %arg18[%dma_wait3A_71, %dma_wait3A_72] : memref<32x512xf32, #tpu.memory_space<vmem>> -> memref<1x512xf32, #tpu.memory_space<vmem>>
    %dma_wait3A_74 = tpu.memref_squeeze %dma_wait3A_73 : memref<1x512xf32, #tpu.memory_space<vmem>> -> memref<512xf32, #tpu.memory_space<vmem>>
    %dma_wait3A_75 = arith.constant 0 : i32
    %dma_wait3A_76 = tpu.memref_slice %arg14[%dma_wait3A_70, %dma_wait3A_75] : memref<2x512xi32, #tpu.memory_space<vmem>> -> memref<1x512xi32, #tpu.memory_space<vmem>>
    %dma_wait3A_77 = tpu.memref_squeeze %dma_wait3A_76 : memref<1x512xi32, #tpu.memory_space<vmem>> -> memref<512xi32, #tpu.memory_space<vmem>>
    %dma_wait3A_78 = arith.constant 0 : i32
    %dma_wait3A_79 = tpu.memref_slice %arg4[%dma_wait3A_78] : memref<32002048xf32, #tpu.memory_space<hbm>> -> memref<32002048xf32, #tpu.memory_space<hbm>>
    tpu.wait_indirect_dma semaphore(%arg22 : memref<!tpu.dma_semaphore, #tpu.memory_space<semaphore_mem>>) src(%dma_wait3A_79 : memref<32002048xf32, #tpu.memory_space<hbm>>) dst(%dma_wait3A_74 : memref<512xf32, #tpu.memory_space<vmem>>)
    %dma_wait3A_80 = arith.constant 1 : i32
    %dma_wait3A_81 = arith.constant 31 : i32
    %dma_wait3A_82 = arith.constant 0 : i32
    %dma_wait3A_83 = tpu.memref_slice %arg19[%dma_wait3A_81, %dma_wait3A_82] : memref<32x512xf32, #tpu.memory_space<vmem>> -> memref<1x512xf32, #tpu.memory_space<vmem>>
    %dma_wait3A_84 = tpu.memref_squeeze %dma_wait3A_83 : memref<1x512xf32, #tpu.memory_space<vmem>> -> memref<512xf32, #tpu.memory_space<vmem>>
    %dma_wait3A_85 = arith.constant 0 : i32
    %dma_wait3A_86 = tpu.memref_slice %arg15[%dma_wait3A_80, %dma_wait3A_85] : memref<2x512xi32, #tpu.memory_space<vmem>> -> memref<1x512xi32, #tpu.memory_space<vmem>>
    %dma_wait3A_87 = tpu.memref_squeeze %dma_wait3A_86 : memref<1x512xi32, #tpu.memory_space<vmem>> -> memref<512xi32, #tpu.memory_space<vmem>>
    %dma_wait3A_88 = arith.constant 0 : i32
    %dma_wait3A_89 = tpu.memref_slice %arg5[%dma_wait3A_88] : memref<32002048xf32, #tpu.memory_space<hbm>> -> memref<32002048xf32, #tpu.memory_space<hbm>>
    tpu.wait_indirect_dma semaphore(%arg23 : memref<!tpu.dma_semaphore, #tpu.memory_space<semaphore_mem>>) src(%dma_wait3A_89 : memref<32002048xf32, #tpu.memory_space<hbm>>) dst(%dma_wait3A_84 : memref<512xf32, #tpu.memory_space<vmem>>)
    "tpu.region"() ({
      %run_scoped3A = tpu.sem_alloc : memref<!tpu.dma_semaphore, #tpu.memory_space<semaphore_mem>>
      %dma_start3A_90 = arith.constant 0 : i32
      %dma_start3A_91 = tpu.memref_slice %arg8[%dma_start3A_90, %mul3A_2] : memref<32x16384xf32, #tpu.memory_space<hbm>> -> memref<32x512xf32, #tpu.memory_space<hbm>>
      %dma_start3A_92 = arith.constant 0 : i32
      %dma_start3A_93 = tpu.memref_slice %arg8[%dma_start3A_92, %mul3A_2] : memref<32x16384xf32, #tpu.memory_space<hbm>> -> memref<32x512xf32, #tpu.memory_space<hbm>>
      tpu.enqueue_dma source(%arg16 : memref<32x512xf32, #tpu.memory_space<vmem>>) target(%dma_start3A_93 : memref<32x512xf32, #tpu.memory_space<hbm>>) target_semaphore(%run_scoped3A : memref<!tpu.dma_semaphore, #tpu.memory_space<semaphore_mem>>)
      %dma_wait3A_94 = arith.constant 0 : i32
      %dma_wait3A_95 = tpu.memref_slice %arg8[%dma_wait3A_94, %mul3A_2] : memref<32x16384xf32, #tpu.memory_space<hbm>> -> memref<32x512xf32, #tpu.memory_space<hbm>>
      %dma_wait3A_96 = arith.constant 0 : i32
      %dma_wait3A_97 = tpu.memref_slice %arg8[%dma_wait3A_96, %mul3A_2] : memref<32x16384xf32, #tpu.memory_space<hbm>> -> memref<32x512xf32, #tpu.memory_space<hbm>>
      tpu.wait_dma2 semaphore(%run_scoped3A : memref<!tpu.dma_semaphore, #tpu.memory_space<semaphore_mem>>) src(%arg16 : memref<32x512xf32, #tpu.memory_space<vmem>>) dst(%dma_wait3A_97 : memref<32x512xf32, #tpu.memory_space<hbm>>)
      tpu.yield
    }) : () -> ()
    "tpu.region"() ({
      %run_scoped3A = tpu.sem_alloc : memref<!tpu.dma_semaphore, #tpu.memory_space<semaphore_mem>>
      %dma_start3A_90 = arith.constant 0 : i32
      %dma_start3A_91 = tpu.memref_slice %arg9[%dma_start3A_90, %mul3A_2] : memref<32x16384xf32, #tpu.memory_space<hbm>> -> memref<32x512xf32, #tpu.memory_space<hbm>>
      %dma_start3A_92 = arith.constant 0 : i32
      %dma_start3A_93 = tpu.memref_slice %arg9[%dma_start3A_92, %mul3A_2] : memref<32x16384xf32, #tpu.memory_space<hbm>> -> memref<32x512xf32, #tpu.memory_space<hbm>>
      tpu.enqueue_dma source(%arg17 : memref<32x512xf32, #tpu.memory_space<vmem>>) target(%dma_start3A_93 : memref<32x512xf32, #tpu.memory_space<hbm>>) target_semaphore(%run_scoped3A : memref<!tpu.dma_semaphore, #tpu.memory_space<semaphore_mem>>)
      %dma_wait3A_94 = arith.constant 0 : i32
      %dma_wait3A_95 = tpu.memref_slice %arg9[%dma_wait3A_94, %mul3A_2] : memref<32x16384xf32, #tpu.memory_space<hbm>> -> memref<32x512xf32, #tpu.memory_space<hbm>>
      %dma_wait3A_96 = arith.constant 0 : i32
      %dma_wait3A_97 = tpu.memref_slice %arg9[%dma_wait3A_96, %mul3A_2] : memref<32x16384xf32, #tpu.memory_space<hbm>> -> memref<32x512xf32, #tpu.memory_space<hbm>>
      tpu.wait_dma2 semaphore(%run_scoped3A : memref<!tpu.dma_semaphore, #tpu.memory_space<semaphore_mem>>) src(%arg17 : memref<32x512xf32, #tpu.memory_space<vmem>>) dst(%dma_wait3A_97 : memref<32x512xf32, #tpu.memory_space<hbm>>)
      tpu.yield
    }) : () -> ()
    "tpu.region"() ({
      %run_scoped3A = tpu.sem_alloc : memref<!tpu.dma_semaphore, #tpu.memory_space<semaphore_mem>>
      %dma_start3A_90 = arith.constant 0 : i32
      %dma_start3A_91 = tpu.memref_slice %arg10[%dma_start3A_90, %mul3A_2] : memref<32x16384xf32, #tpu.memory_space<hbm>> -> memref<32x512xf32, #tpu.memory_space<hbm>>
      %dma_start3A_92 = arith.constant 0 : i32
      %dma_start3A_93 = tpu.memref_slice %arg10[%dma_start3A_92, %mul3A_2] : memref<32x16384xf32, #tpu.memory_space<hbm>> -> memref<32x512xf32, #tpu.memory_space<hbm>>
      tpu.enqueue_dma source(%arg18 : memref<32x512xf32, #tpu.memory_space<vmem>>) target(%dma_start3A_93 : memref<32x512xf32, #tpu.memory_space<hbm>>) target_semaphore(%run_scoped3A : memref<!tpu.dma_semaphore, #tpu.memory_space<semaphore_mem>>)
      %dma_wait3A_94 = arith.constant 0 : i32
      %dma_wait3A_95 = tpu.memref_slice %arg10[%dma_wait3A_94, %mul3A_2] : memref<32x16384xf32, #tpu.memory_space<hbm>> -> memref<32x512xf32, #tpu.memory_space<hbm>>
      %dma_wait3A_96 = arith.constant 0 : i32
      %dma_wait3A_97 = tpu.memref_slice %arg10[%dma_wait3A_96, %mul3A_2] : memref<32x16384xf32, #tpu.memory_space<hbm>> -> memref<32x512xf32, #tpu.memory_space<hbm>>
      tpu.wait_dma2 semaphore(%run_scoped3A : memref<!tpu.dma_semaphore, #tpu.memory_space<semaphore_mem>>) src(%arg18 : memref<32x512xf32, #tpu.memory_space<vmem>>) dst(%dma_wait3A_97 : memref<32x512xf32, #tpu.memory_space<hbm>>)
      tpu.yield
    }) : () -> ()
    "tpu.region"() ({
      %run_scoped3A = tpu.sem_alloc : memref<!tpu.dma_semaphore, #tpu.memory_space<semaphore_mem>>
      %dma_start3A_90 = arith.constant 0 : i32
      %dma_start3A_91 = tpu.memref_slice %arg11[%dma_start3A_90, %mul3A_2] : memref<32x16384xf32, #tpu.memory_space<hbm>> -> memref<32x512xf32, #tpu.memory_space<hbm>>
      %dma_start3A_92 = arith.constant 0 : i32
      %dma_start3A_93 = tpu.memref_slice %arg11[%dma_start3A_92, %mul3A_2] : memref<32x16384xf32, #tpu.memory_space<hbm>> -> memref<32x512xf32, #tpu.memory_space<hbm>>
      tpu.enqueue_dma source(%arg19 : memref<32x512xf32, #tpu.memory_space<vmem>>) target(%dma_start3A_93 : memref<32x512xf32, #tpu.memory_space<hbm>>) target_semaphore(%run_scoped3A : memref<!tpu.dma_semaphore, #tpu.memory_space<semaphore_mem>>)
      %dma_wait3A_94 = arith.constant 0 : i32
      %dma_wait3A_95 = tpu.memref_slice %arg11[%dma_wait3A_94, %mul3A_2] : memref<32x16384xf32, #tpu.memory_space<hbm>> -> memref<32x512xf32, #tpu.memory_space<hbm>>
      %dma_wait3A_96 = arith.constant 0 : i32
      %dma_wait3A_97 = tpu.memref_slice %arg11[%dma_wait3A_96, %mul3A_2] : memref<32x16384xf32, #tpu.memory_space<hbm>> -> memref<32x512xf32, #tpu.memory_space<hbm>>
      tpu.wait_dma2 semaphore(%run_scoped3A : memref<!tpu.dma_semaphore, #tpu.memory_space<semaphore_mem>>) src(%arg19 : memref<32x512xf32, #tpu.memory_space<vmem>>) dst(%dma_wait3A_97 : memref<32x512xf32, #tpu.memory_space<hbm>>)
      tpu.yield
    }) : () -> ()
    return
  }
}

module attributes {stable_mosaic.version = 14 : i64} {
  func.func @_tc_mlp_body(%arg0: i32, %arg1: memref<32x4096xf32, #tpu.memory_space<vmem>>, %arg2: memref<32x4096xf32, #tpu.memory_space<vmem>>, %arg3: memref<32x4096xf32, #tpu.memory_space<vmem>>, %arg4: memref<32x4096xf32, #tpu.memory_space<vmem>>, %arg5: memref<64x64xf32, #tpu.memory_space<vmem>>, %arg6: memref<1x64xf32, #tpu.memory_space<vmem>>, %arg7: memref<64x32xf32, #tpu.memory_space<vmem>>, %arg8: memref<1x32xf32, #tpu.memory_space<vmem>>, %arg9: memref<32x16xf32, #tpu.memory_space<vmem>>, %arg10: memref<1x16xf32, #tpu.memory_space<vmem>>, %arg11: memref<48x1xf32, #tpu.memory_space<vmem>>, %arg12: memref<1x1xf32, #tpu.memory_space<vmem>>, %arg13: memref<1x4096xf32, #tpu.memory_space<vmem>>) attributes {dimension_semantics = [#tpu.dimension_semantics<arbitrary>], iteration_bounds = array<i64: 4>, scalar_prefetch = 0 : i64, scratch_operands = 0 : i64, tpu.core_type = #tpu.core_type<tc>, window_params = [{transform_indices = @transform_0, window_bounds = array<i64: 32, 4096>}, {transform_indices = @transform_1, window_bounds = array<i64: 32, 4096>}, {transform_indices = @transform_2, window_bounds = array<i64: 32, 4096>}, {transform_indices = @transform_3, window_bounds = array<i64: 32, 4096>}, {pipeline_mode = #tpu.pipeline_mode<synchronous>, transform_indices = @transform_4, window_bounds = array<i64: 64, 64>}, {pipeline_mode = #tpu.pipeline_mode<synchronous>, transform_indices = @transform_5, window_bounds = array<i64: 1, 64>}, {pipeline_mode = #tpu.pipeline_mode<synchronous>, transform_indices = @transform_6, window_bounds = array<i64: 64, 32>}, {pipeline_mode = #tpu.pipeline_mode<synchronous>, transform_indices = @transform_7, window_bounds = array<i64: 1, 32>}, {pipeline_mode = #tpu.pipeline_mode<synchronous>, transform_indices = @transform_8, window_bounds = array<i64: 32, 16>}, {pipeline_mode = #tpu.pipeline_mode<synchronous>, transform_indices = @transform_9, window_bounds = array<i64: 1, 16>}, {pipeline_mode = #tpu.pipeline_mode<synchronous>, transform_indices = @transform_10, window_bounds = array<i64: 48, 1>}, {pipeline_mode = #tpu.pipeline_mode<synchronous>, transform_indices = @transform_11, window_bounds = array<i64: 1, 1>}, {transform_indices = @transform_12, window_bounds = array<i64: 1, 4096>}]} {
    %get3A = arith.constant 0 : index
    %get3A_0 = arith.constant 0 : index
    %get3A_1 = vector.load %arg5[%get3A, %get3A_0] : memref<64x64xf32, #tpu.memory_space<vmem>>, vector<32x64xf32>
    %get3A_2 = arith.constant 0 : index
    %get3A_3 = arith.constant 0 : index
    %get3A_4 = vector.load %arg3[%get3A_2, %get3A_3] : memref<32x4096xf32, #tpu.memory_space<vmem>>, vector<32x4096xf32>
    %dot_general3A = arith.constant dense<0.000000e+00> : vector<64x4096xf32>
    %dot_general3A_5 = tpu.matmul %get3A_1, %get3A_4, %dot_general3A {dimension_numbers = #tpu.dot_dimension_numbers<[0], [0], [1], [1], [0, 1, 1, 1], [], []>, transpose_lhs_hint = false} : vector<32x64xf32>, vector<32x4096xf32>, vector<64x4096xf32> -> vector<64x4096xf32>
    %get3A_6 = arith.constant 32 : index
    %get3A_7 = arith.constant 0 : index
    %get3A_8 = vector.load %arg5[%get3A_6, %get3A_7] : memref<64x64xf32, #tpu.memory_space<vmem>>, vector<32x64xf32>
    %get3A_9 = arith.constant 0 : index
    %get3A_10 = arith.constant 0 : index
    %get3A_11 = vector.load %arg4[%get3A_9, %get3A_10] : memref<32x4096xf32, #tpu.memory_space<vmem>>, vector<32x4096xf32>
    %dot_general3A_12 = arith.constant dense<0.000000e+00> : vector<64x4096xf32>
    %dot_general3A_13 = tpu.matmul %get3A_8, %get3A_11, %dot_general3A_12 {dimension_numbers = #tpu.dot_dimension_numbers<[0], [0], [1], [1], [0, 1, 1, 1], [], []>, transpose_lhs_hint = false} : vector<32x64xf32>, vector<32x4096xf32>, vector<64x4096xf32> -> vector<64x4096xf32>
    %add3A = arith.addf %dot_general3A_5, %dot_general3A_13 : vector<64x4096xf32>
    %get3A_14 = arith.constant 0 : index
    %get3A_15 = arith.constant 0 : index
    %get3A_16 = vector.load %arg6[%get3A_14, %get3A_15] : memref<1x64xf32, #tpu.memory_space<vmem>>, vector<1x64xf32>
    %transpose3A = tpu.transpose %get3A_16, [1, 0] : vector<1x64xf32> -> vector<64x1xf32>
    %add3A_17 = vector.broadcast %transpose3A : vector<64x1xf32> to vector<64x4096xf32>
    %add3A_18 = arith.addf %add3A, %add3A_17 : vector<64x4096xf32>
    %max3A = arith.constant 0.000000e+00 : f32
    %max3A_19 = vector.broadcast %max3A : f32 to vector<64x4096xf32>
    %max3A_20 = arith.maximumf %add3A_18, %max3A_19 : vector<64x4096xf32>
    %get3A_21 = arith.constant 0 : index
    %get3A_22 = arith.constant 0 : index
    %get3A_23 = vector.load %arg7[%get3A_21, %get3A_22] : memref<64x32xf32, #tpu.memory_space<vmem>>, vector<64x32xf32>
    %dot_general3A_24 = arith.constant dense<0.000000e+00> : vector<32x4096xf32>
    %dot_general3A_25 = tpu.matmul %get3A_23, %max3A_20, %dot_general3A_24 {dimension_numbers = #tpu.dot_dimension_numbers<[0], [0], [1], [1], [0, 1, 1, 1], [], []>, transpose_lhs_hint = false} : vector<64x32xf32>, vector<64x4096xf32>, vector<32x4096xf32> -> vector<32x4096xf32>
    %get3A_26 = arith.constant 0 : index
    %get3A_27 = arith.constant 0 : index
    %get3A_28 = vector.load %arg8[%get3A_26, %get3A_27] : memref<1x32xf32, #tpu.memory_space<vmem>>, vector<1x32xf32>
    %transpose3A_29 = tpu.transpose %get3A_28, [1, 0] : vector<1x32xf32> -> vector<32x1xf32>
    %add3A_30 = vector.broadcast %transpose3A_29 : vector<32x1xf32> to vector<32x4096xf32>
    %add3A_31 = arith.addf %dot_general3A_25, %add3A_30 : vector<32x4096xf32>
    %max3A_32 = arith.constant 0.000000e+00 : f32
    %max3A_33 = vector.broadcast %max3A_32 : f32 to vector<32x4096xf32>
    %max3A_34 = arith.maximumf %add3A_31, %max3A_33 : vector<32x4096xf32>
    %get3A_35 = arith.constant 0 : index
    %get3A_36 = arith.constant 0 : index
    %get3A_37 = vector.load %arg9[%get3A_35, %get3A_36] : memref<32x16xf32, #tpu.memory_space<vmem>>, vector<32x16xf32>
    %dot_general3A_38 = arith.constant dense<0.000000e+00> : vector<16x4096xf32>
    %dot_general3A_39 = tpu.matmul %get3A_37, %max3A_34, %dot_general3A_38 {dimension_numbers = #tpu.dot_dimension_numbers<[0], [0], [1], [1], [0, 1, 1, 1], [], []>, transpose_lhs_hint = false} : vector<32x16xf32>, vector<32x4096xf32>, vector<16x4096xf32> -> vector<16x4096xf32>
    %get3A_40 = arith.constant 0 : index
    %get3A_41 = arith.constant 0 : index
    %get3A_42 = vector.load %arg10[%get3A_40, %get3A_41] : memref<1x16xf32, #tpu.memory_space<vmem>>, vector<1x16xf32>
    %transpose3A_43 = tpu.transpose %get3A_42, [1, 0] : vector<1x16xf32> -> vector<16x1xf32>
    %add3A_44 = vector.broadcast %transpose3A_43 : vector<16x1xf32> to vector<16x4096xf32>
    %add3A_45 = arith.addf %dot_general3A_39, %add3A_44 : vector<16x4096xf32>
    %max3A_46 = arith.constant 0.000000e+00 : f32
    %max3A_47 = vector.broadcast %max3A_46 : f32 to vector<16x4096xf32>
    %max3A_48 = arith.maximumf %add3A_45, %max3A_47 : vector<16x4096xf32>
    %get3A_49 = arith.constant 0 : index
    %get3A_50 = arith.constant 0 : index
    %get3A_51 = vector.load %arg1[%get3A_49, %get3A_50] : memref<32x4096xf32, #tpu.memory_space<vmem>>, vector<32x4096xf32>
    %get3A_52 = arith.constant 0 : index
    %get3A_53 = arith.constant 0 : index
    %get3A_54 = vector.load %arg2[%get3A_52, %get3A_53] : memref<32x4096xf32, #tpu.memory_space<vmem>>, vector<32x4096xf32>
    %mul3A = arith.mulf %get3A_51, %get3A_54 : vector<32x4096xf32>
    %get3A_55 = arith.constant 0 : index
    %get3A_56 = arith.constant 0 : index
    %get3A_57 = vector.load %arg11[%get3A_55, %get3A_56] : memref<48x1xf32, #tpu.memory_space<vmem>>, vector<32x1xf32>
    %dot_general3A_58 = arith.constant dense<0.000000e+00> : vector<1x4096xf32>
    %dot_general3A_59 = tpu.matmul %get3A_57, %mul3A, %dot_general3A_58 {dimension_numbers = #tpu.dot_dimension_numbers<[0], [0], [1], [1], [0, 1, 1, 1], [], []>, transpose_lhs_hint = false} : vector<32x1xf32>, vector<32x4096xf32>, vector<1x4096xf32> -> vector<1x4096xf32>
    %get3A_60 = arith.constant 32 : index
    %get3A_61 = arith.constant 0 : index
    %get3A_62 = vector.load %arg11[%get3A_60, %get3A_61] : memref<48x1xf32, #tpu.memory_space<vmem>>, vector<16x1xf32>
    %dot_general3A_63 = arith.constant dense<0.000000e+00> : vector<1x4096xf32>
    %dot_general3A_64 = tpu.matmul %get3A_62, %max3A_48, %dot_general3A_63 {dimension_numbers = #tpu.dot_dimension_numbers<[0], [0], [1], [1], [0, 1, 1, 1], [], []>, transpose_lhs_hint = false} : vector<16x1xf32>, vector<16x4096xf32>, vector<1x4096xf32> -> vector<1x4096xf32>
    %add3A_65 = arith.addf %dot_general3A_59, %dot_general3A_64 : vector<1x4096xf32>
    %get3A_66 = arith.constant 0 : index
    %get3A_67 = arith.constant 0 : index
    %get3A_68 = vector.load %arg12[%get3A_66, %get3A_67] : memref<1x1xf32, #tpu.memory_space<vmem>>, vector<1x1xf32>
    %transpose3A_69 = tpu.transpose %get3A_68, [1, 0] : vector<1x1xf32> -> vector<1x1xf32>
    %add3A_70 = vector.broadcast %transpose3A_69 : vector<1x1xf32> to vector<1x4096xf32>
    %add3A_71 = arith.addf %add3A_65, %add3A_70 : vector<1x4096xf32>
    %swap3A = arith.constant 0 : index
    %swap3A_72 = arith.constant 0 : index
    %swap3A_73 = vector.load %arg13[%swap3A, %swap3A_72] : memref<1x4096xf32, #tpu.memory_space<vmem>>, vector<1x4096xf32>
    tpu.vector_store %arg13[%swap3A, %swap3A_72], %add3A_71 {strides = array<i32>} : memref<1x4096xf32, #tpu.memory_space<vmem>>, vector<1x4096xf32>,
    return
  }
  func.func @transform_0(%arg0: i32) -> (i32, i32) {
    %c0_i32 = arith.constant 0 : i32
    %c0_i32_0 = arith.constant 0 : i32
    return %c0_i32, %arg0 : i32, i32
  }
  func.func @transform_1(%arg0: i32) -> (i32, i32) {
    %c0_i32 = arith.constant 0 : i32
    %c0_i32_0 = arith.constant 0 : i32
    return %c0_i32, %arg0 : i32, i32
  }
  func.func @transform_2(%arg0: i32) -> (i32, i32) {
    %c0_i32 = arith.constant 0 : i32
    %c0_i32_0 = arith.constant 0 : i32
    return %c0_i32, %arg0 : i32, i32
  }
  func.func @transform_3(%arg0: i32) -> (i32, i32) {
    %c0_i32 = arith.constant 0 : i32
    %c0_i32_0 = arith.constant 0 : i32
    return %c0_i32, %arg0 : i32, i32
  }
  func.func @transform_4(%arg0: i32) -> (i32, i32) {
    %c0_i32 = arith.constant 0 : i32
    %c0_i32_0 = arith.constant 0 : i32
    %c0_i32_1 = arith.constant 0 : i32
    return %c0_i32, %c0_i32_0 : i32, i32
  }
  func.func @transform_5(%arg0: i32) -> (i32, i32) {
    %c0_i32 = arith.constant 0 : i32
    %c0_i32_0 = arith.constant 0 : i32
    %c0_i32_1 = arith.constant 0 : i32
    return %c0_i32, %c0_i32_0 : i32, i32
  }
  func.func @transform_6(%arg0: i32) -> (i32, i32) {
    %c0_i32 = arith.constant 0 : i32
    %c0_i32_0 = arith.constant 0 : i32
    %c0_i32_1 = arith.constant 0 : i32
    return %c0_i32, %c0_i32_0 : i32, i32
  }
  func.func @transform_7(%arg0: i32) -> (i32, i32) {
    %c0_i32 = arith.constant 0 : i32
    %c0_i32_0 = arith.constant 0 : i32
    %c0_i32_1 = arith.constant 0 : i32
    return %c0_i32, %c0_i32_0 : i32, i32
  }
  func.func @transform_8(%arg0: i32) -> (i32, i32) {
    %c0_i32 = arith.constant 0 : i32
    %c0_i32_0 = arith.constant 0 : i32
    %c0_i32_1 = arith.constant 0 : i32
    return %c0_i32, %c0_i32_0 : i32, i32
  }
  func.func @transform_9(%arg0: i32) -> (i32, i32) {
    %c0_i32 = arith.constant 0 : i32
    %c0_i32_0 = arith.constant 0 : i32
    %c0_i32_1 = arith.constant 0 : i32
    return %c0_i32, %c0_i32_0 : i32, i32
  }
  func.func @transform_10(%arg0: i32) -> (i32, i32) {
    %c0_i32 = arith.constant 0 : i32
    %c0_i32_0 = arith.constant 0 : i32
    %c0_i32_1 = arith.constant 0 : i32
    return %c0_i32, %c0_i32_0 : i32, i32
  }
  func.func @transform_11(%arg0: i32) -> (i32, i32) {
    %c0_i32 = arith.constant 0 : i32
    %c0_i32_0 = arith.constant 0 : i32
    %c0_i32_1 = arith.constant 0 : i32
    return %c0_i32, %c0_i32_0 : i32, i32
  }
  func.func @transform_12(%arg0: i32) -> (i32, i32) {
    %c0_i32 = arith.constant 0 : i32
    %c0_i32_0 = arith.constant 0 : i32
    return %c0_i32, %arg0 : i32, i32
  }
}

</mosaic_0001>

<sc_bundles>
// kernel: kernel.5.cloned.1.call-start
scs
__scs_entry_jumppad:
0x0: {  	(pc) =	sbr.rel $0x88, $3  }
0x1: {  	(tag) =	ssettag $0x0;
	lr =	simm.s32 $0x1  }
0x2: {  	[smem:$0x3F93] =	sst lr;
	_ =	strace $0xD0000000  }
0x3: {  	_ = 	snop  }
0x4: {  	_ = 	snop  }
0x5: {  	_ = 	snop  }
0x6: {  	_ = 	snop  }
0x7: {  	_ = 	snop  }
__scs_overlays_trampoline_lowered:
0x8: {  	[smem:$0x3FA2] =	sst s0  }
0x9: {  	[smem:$0x3FA3] =	sst s1  }
0xa: {  	[smem:$0x3FA4] =	sst s2  }
0xb: {  	[smem:$0x3FA5] =	sst s3  }
0xc: {  	[smem:$0x3FA6] =	sst s4  }
0xd: {  	[smem:$0x3FA7] =	sst s5  }
0xe: {  	[smem:$0x3FA8] =	sst s6  }
0xf: {  	[smem:$0x3FA9] =	sst s7  }
0x10: {  	[smem:$0x3FAA] =	sst s8  }
0x11: {  	[smem:$0x3FAB] =	sst s9;
	s0 =	simm.s32 @!p0 $0x0  }
0x12: {  	s1 =	sld [smem:$0x3F91];
	s0 =	simm.s32 @p0 $0x1  }
0x13: {  	[smem:$0x3FAC] =	sst s0;
	s0 =	simm.s32 @!p1 $0x0  }
0x14: {  	s2 =	sld [smem:$0x3F90];
	s0 =	simm.s32 @p1 $0x1  }
0x15: {  	[smem:$0x3FAD] =	sst s0;
	s0 =	simm.s32 @!p2 $0x0  }
0x16: {  	s3 =	sld [smem:$0x3FDB];
	s0 =	simm.s32 @p2 $0x1  }
0x17: {  	s4 =	simm.s32 $0x1BF5;
	[smem:$0x3FAF] =	sst s0  }
0x18: {  	s0 =	sld [smem:$0x3F92];
	_ =	swait.ge [sflag:s4], $0x0  }
0x19: {  	s7 =	sld [smem:$0x3F93]  }
0x1a: {  	s8 =	sadd.s32 $0xFFFFE003, lr  }
0x1b: {  	s9 =	sadd.s32 $0xFFFFFEF7, lr;
	s5 =	simm.s32 $0xFFFFFFFF;
	p2 =	slt.u32 s8, $0xFFFFF086  }
0x1c: {  	p1 =	slt.u32 s9, $0xF7A;
	s5 =	simm.s32 @!p2 $0x0  }
0x1d: {  	s5 =	simm.s32 @p1 $0x1;
	p0 =	seq.s32 s7, s2  }
0x1e: {  	s7 =	smul.u32 @!p0 $0xF7A, s2;
	p2 =	seq.s32 @!p0 s5, $0x0  }
0x1f: {  	s9 =	smul.u32 $0xF7A, s1;
	s8 =	simm.s32 @!p0 $0x1BF5;
	p2 =	por !p2, p0  }
0x20: {  	[sflag:s8] =	ssyncset.s32 @!p0 $0xFFFFF086;
	s6 =	sadd.s32 @!p0 s3, s7;
	s7 =	simm.s32 @!p0 $0x108  }
0x21: {  	s3 =	sadd.s32 s3, s9;
	s6 =	sadd.s32 @!p0 $0x88, s6;
	s7 =	simm.s32 @p2 $0x1082  }
0x22: {  	[simem:s7], [sflag:s8] =	dma.local @!p0 [hbm:s6], $0xF7A  }
0x23: {  	s9 =	sor.u32 $0xD0000000, s2;
	s6 =	simm.s32 $0x108;
	_ =	swait.ge @!p0 [sflag:s8], $0x0  }
0x24: {  	s3 =	sadd.s32 $0x88, s3;
	s6 =	simm.s32 @!p1 $0x1082;
	[sflag:s4] =	ssyncset.s32 $0xFFFFF086  }
0x25: {  	[simem:s6], [sflag:s4] =	dma.local [hbm:s3], $0xF7A  }
0x26: {  	[smem:$0x3F93] =	sst s1;
	(tag) =	ssettag s2;
	_ =	strace s9  }
0x27: {  	s1 =	sld [smem:$0x3FA3]  }
0x28: {  	s2 =	sld [smem:$0x3FA4]  }
0x29: {  	s4 =	sld [smem:$0x3FA6]  }
0x2a: {  	p0 =	seq.s32 s5, $0x0;
	s5 =	sld [smem:$0x3FA7]  }
0x2b: {  	s6 =	sld [smem:$0x3FA8]  }
0x2c: {  	s7 =	sld [smem:$0x3FA9]  }
0x2d: {  	s3 =	simm.s32 $0x108;
	s8 =	sld [smem:$0x3FAA]  }
0x2e: {  	s3 =	simm.s32 @!p0 $0x1082;
	s9 =	sld [smem:$0x3FAB]  }
0x2f: {  	lr =	sadd.s32 s0, s3;
	s0 =	sld [smem:$0x3FA2]  }
0x30: {  	s3 =	sld [smem:$0x3FA5]  }
0x31: {  	[smem:$0x3FAE] =	sst s10  }
0x32: {  	s10 =	sld [smem:$0x3FAC];
	_ =	sdelay $0x3  }
0x33: {  	p0 =	seq.s32 s10, $0x1;
	s10 =	sld [smem:$0x3FAE];
	_ =	sdelay $0x3  }
0x34: {  	[smem:$0x3FAE] =	sst s10  }
0x35: {  	s10 =	sld [smem:$0x3FAD];
	_ =	sdelay $0x3  }
0x36: {  	p1 =	seq.s32 s10, $0x1;
	s10 =	sld [smem:$0x3FAE];
	_ =	sdelay $0x3  }
0x37: {  	[smem:$0x3FAE] =	sst s10  }
0x38: {  	s10 =	sld [smem:$0x3FAF]  }
0x39: {  	_ = 	snop;
	(pc) =	sbr.ind lr, $3  }
0x3a: {  	_ = 	snop  }
0x3b: {  	_ = 	snop  }
0x3c: {  	p2 =	seq.s32 s10, $0x1;
	s10 =	sld [smem:$0x3FAE]  }
0x3d: {  	_ =	shalt  }
0x3e: {  	_ =	shalt  }
0x3f: {  	_ =	shalt  }
0x40: {  	_ =	shalt  }
0x41: {  	_ =	shalt  }
0x42: {  	_ =	shalt  }
0x43: {  	_ =	shalt  }
0x44: {  	_ =	shalt  }
0x45: {  	_ =	shalt  }
0x46: {  	_ =	shalt  }
0x47: {  	_ =	shalt  }
0x48: {  	_ =	shalt  }
0x49: {  	_ =	shalt  }
0x4a: {  	_ =	shalt  }
0x4b: {  	_ =	shalt  }
0x4c: {  	_ =	shalt  }
0x4d: {  	_ =	shalt  }
0x4e: {  	_ =	shalt  }
0x4f: {  	_ =	shalt  }
0x50: {  	_ =	shalt  }
0x51: {  	_ =	shalt  }
0x52: {  	_ =	shalt  }
0x53: {  	_ =	shalt  }
0x54: {  	_ =	shalt  }
0x55: {  	_ =	shalt  }
0x56: {  	_ =	shalt  }
0x57: {  	_ =	shalt  }
0x58: {  	_ =	shalt  }
0x59: {  	_ =	shalt  }
0x5a: {  	_ =	shalt  }
0x5b: {  	_ =	shalt  }
0x5c: {  	_ =	shalt  }
0x5d: {  	_ =	shalt  }
0x5e: {  	_ =	shalt  }
0x5f: {  	_ =	shalt  }
0x60: {  	_ =	shalt  }
0x61: {  	_ =	shalt  }
0x62: {  	_ =	shalt  }
0x63: {  	_ =	shalt  }
0x64: {  	_ =	shalt  }
0x65: {  	_ =	shalt  }
0x66: {  	_ =	shalt  }
0x67: {  	_ =	shalt  }
0x68: {  	_ =	shalt  }
0x69: {  	_ =	shalt  }
0x6a: {  	_ =	shalt  }
0x6b: {  	_ =	shalt  }
0x6c: {  	_ =	shalt  }
0x6d: {  	_ =	shalt  }
0x6e: {  	_ =	shalt  }
0x6f: {  	_ =	shalt  }
0x70: {  	_ =	shalt  }
0x71: {  	_ =	shalt  }
0x72: {  	_ =	shalt  }
0x73: {  	_ =	shalt  }
0x74: {  	_ =	shalt  }
0x75: {  	_ =	shalt  }
0x76: {  	_ =	shalt  }
0x77: {  	_ =	shalt  }
0x78: {  	_ =	shalt  }
0x79: {  	_ =	shalt  }
0x7a: {  	_ =	shalt  }
0x7b: {  	_ =	shalt  }
0x7c: {  	_ =	shalt  }
0x7d: {  	_ =	shalt  }
0x7e: {  	_ =	shalt  }
0x7f: {  	_ =	shalt  }
0x80: {  	_ =	shalt  }
0x81: {  	_ =	shalt  }
0x82: {  	_ =	shalt  }
0x83: {  	_ =	shalt  }
0x84: {  	_ =	shalt  }
0x85: {  	_ =	shalt  }
0x86: {  	_ =	shalt  }
0x87: {  	_ =	shalt  }
.Lfunc_end0:
.L_simem_size_0:
called_computation_lowered:
.L_overlay_start_0:
0x88: {  	s2 =	sld [smem:$0x3FD9]  }
0x89: {  	s3 =	sld [smem:$0x3FFE];
	_ =	sdelay $0x1  }
0x8a: {  	s1 =	srdreg.scid  }
0x8b: {  	s0 =	sand.u32 $0x1, s1  }
0x8c: {  	s17 =	sshll.u32 s0, $0xA;
	s2 =	sadd.s32 s3, s2  }
0x8d: {  	s2 =	sadd.s32 s2, s17  }
0x8e: {  	[smem:$0x3FBA] =	sst s2  }
0x8f: {  	_ = 	snop  }
0x90: {  	s2 =	sld [smem:$0x3FC7]  }
0x91: {  	s18 =	sld [smem:$0x3FC6]  }
0x92: {  	s4 =	sld [smem:$0x3FC5]  }
0x93: {  	s5 =	sld [smem:$0x3FC4];
	(tm) =	ssettm $0x1  }
0x94: {  	s6 =	sld [smem:$0x3FFB];
	_ =	sdelay $0x3  }
0x95: {  	_ =	strace s6  }
0x96: {  	s6 =	sld [smem:$0x3FFC];
	_ =	sdelay $0x3  }
0x97: {  	_ =	strace s6  }
0x98: {  	s6 =	sld [smem:$0x3FFD];
	_ =	sdelay $0x3  }
0x99: {  	_ =	strace s6  }
0x9a: {  	_ =	strace $0x8FFFFFFF  }
0x9b: {  	s19 =	sld [smem:$0x3FDB];
	_ =	sdelay $0x1  }
0x9c: {  	s7 =	simm.s32 $_scs_section_size  }
0x9d: {  	s8 =	simm.s32 $_size__tile_overlayer_lowered;
	s9 =	simm.s32 $_tile_overlayer_lowered  }
0x9e: {  	s22 =	simm.s32 $0x1BFF;
	s21 =	sshll.u32 s9, $0x1;
	s6 =	sadd.s32 s7, s19  }
0x9f: {  	s10 =	simm.s32 $0x0;
	s20 =	sshll.u32 s8, $0x1;
	s8 =	sadd.s32 s21, s6  }
0xa0: {  	[timem:s10], [sflag:s22] =	dma.local [hbm:s8], s20  }
0xa1: {  	_ =	swait.ge [sflag:s22], s20  }
0xa2: {  	s7 =	ssub.s32 $0x0, s20;
	[sflag:s22] =	ssyncset.done $0x0  }
0xa3: {  	[sflag:s22] =	ssyncadd.s32 s7;
	_ =	sdelay $0x1  }
0xa4: {  	s23 =	simm.s32 $0x1B8B  }
0xa5: {  	_ =	swait.ge [sflag:s23], $0x1  }
0xa6: {  	[sflag:s23] =	ssyncset.done $0x0  }
0xa7: {  	s25 =	simm.s32 $0x1B8E;
	s24 =	sld [smem:$0x3FFE];
	[sflag:s23] =	ssyncadd.s32 $0xFFFFFFFF  }
0xa8: {  	s26 =	simm.s32 $execute0_lowered;
	[smem:$0x3FD2] =	sst s25  }
0xa9: {  	s8 =	sshll.u32 s26, $0x1;
	_ =	strace $0x80000046;
	[dreg:$0x1] =	wrdreg $0xFFFFFFFF  }
0xaa: {  	s28 =	simm.s32 $_size_execute0_lowered;
	s6 =	sadd.s32 s6, s8;
	[dreg:$0x0] =	wrdreg $0x0  }
0xab: {  	s8 =	sshll.u32 s28, $0x1;
	[dreg:$0x2] =	wrdreg s6  }
0xac: {  	[dreg:$0x3] =	wrdreg s8  }
0xad: {  	[dreg:$0x4] =	wrdreg $0xC0  }
0xae: {  	_ =	task [dreg:s10], $0x5FFFF  }
0xaf: {  	[dreg:$0x1] =	wrdreg $0xFFFFFFFF  }
0xb0: {  	[dreg:$0x0] =	wrdreg $0x60  }
0xb1: {  	[dreg:$0x2] =	wrdreg s2  }
0xb2: {  	[dreg:$0x3] =	wrdreg s18  }
0xb3: {  	[dreg:$0x4] =	wrdreg s4  }
0xb4: {  	[dreg:$0x5] =	wrdreg s5  }
0xb5: {  	[dreg:$0x6] =	wrdreg s24  }
0xb6: {  	[dreg:$0x7] =	wrdreg $0x9  }
0xb7: {  	_ =	task.clear_ibuf [dreg:s10], $0x8FFFF;
	_ =	strace $0x90000046  }
0xb8: {  	s29 =	simm.s32 $0x9;
	_ =	strace $0x80000048  }
0xb9: {  	_ =	swait.ge [sflag:s29], $0x1  }
0xba: {  	[sflag:s29] =	ssyncadd.s32 $0xFFFFFFFF  }
0xbb: {  	_ =	strace $0x90000048  }
0xbc: {  	_ =	sfence  }
0xbd: {  	s30 =	sld [smem:$0x0];
	_ =	sdelay $0x2  }
0xbe: {  	s31 =	sshll.u32 s1, $0xD;
	s1 =	sshrl.u32 s1, $0x2  }
0xbf: {  	s3 =	sand.u32 $0x4000, s31;
	s1 =	sadd.s32 s1, s30  }
0xc0: {  	s0 =	sor.u32 s3, s0;
	s1 =	sshll.u32 s1, $0x11  }
0xc1: {  	s0 =	sor.u32 s1, s0  }
0xc2: {  	s0 =	sadd.s32 $0x8F2B, s0  }
0xc3: {  	[sflag:s0] =	ssyncadd.remote.s32 $0x1  }
0xc4: {  	_ =	sfence.sel $0xFFFF  }
0xc5: {  	[dreg:$0x0] =	wrdreg $0xFFFFFFFF;
	(pc) =	sbr.abs _section_cstart, $3  }
0xc6: {  	[dreg:$0x1] =	wrdreg $0xFFFFFFFF  }
0xc7: {  	_ =	task.clear_ibuf [dreg:s10], $0x2FFFF;
	_ =	strace $0x9FFFFFFF  }
0xc8: {  	(tm) =	ssettm $0x7FFFFFFF  }
0xc9: {  	_ =	shalt  }
tec
execute0_lowered:
.L_overlay_start_1:
0x0: {  	(tag) =	ssettag $0x1  }
0x1: {  	s1 =	rddreg [dreg:$0x0]  }
0x2: {  	s2 =	rddreg [dreg:$0x1]  }
0x3: {  	s4 =	rddreg [dreg:$0x2]  }
0x4: {  	s5 =	rddreg [dreg:$0x3]  }
0x5: {  	s0 =	rddreg [dreg:$0x4];
	s3 =	srdreg.scid  }
0x6: {  	s15 =	stileid.u32;
	s6 =	simm.s32 $0x0;
	s3 =	sand.u32 $0x1, s3  }
0x7: {  	s7 =	sand.u32 $0x3, s15;
	s8 =	sadd.s32 $0x1E00, s0;
	s13 =	ssub.s32 $0x2, s3  }
0x8: {  	s9 =	sadd.s32 $0x3D2800, s0;
	s7 =	smul.u32 $0x7A1400, s7;
	s24 =	sshrl.u32 s13, $0x1  }
0x9: {  	s10 =	sadd.s32 $0x7A3200, s0;
	s11 =	sadd.s32 $0xB73C00, s0;
	s0 =	ssub.s32 s13, s24  }
0xa: {  	[smem:$0x7FF] =	sst s6;
	s16 =	sshrl.u32 s7, $0x3;
	s0 =	smax.u32 s0, $0x1  }
0xb: {  	_ =	strace $0x80000047;
	s17 =	sadd.s32 $0xF4000, s16;
	[dreg:$0x13] =	wrdreg s0  }
0xc: {  	s15 =	sshrl.u32 s15, $0x2;
	s18 =	sadd.s32 $0x1E800, s16;
	[dreg:$0x7] =	wrdreg s17  }
0xd: {  	s12 =	smul.u32 $0x3D0000, s3;
	s19 =	sadd.s32 $0x3D050, s16;
	[dreg:$0x8] =	wrdreg s18  }
0xe: {  	p1 =	sgt.s32 s15, $0x1;
	s20 =	sadd.s32 $0x5B8A0, s16;
	[dreg:$0x9] =	wrdreg s19  }
0xf: {  	p2 =	seq.s32 s15, $0x0;
	s21 =	sadd.s32 $0x7A0F0, s16;
	[dreg:$0xa] =	wrdreg s20  }
0x10: {  	p3 =	seq.s32 s15, $0x2;
	s22 =	sadd.s32 $0x98940, s16;
	[dreg:$0xb] =	wrdreg s21  }
0x11: {  	p4 =	sne.s32 s15, $0x3;
	s23 =	sadd.s32 $0xB7190, s16;
	[dreg:$0xc] =	wrdreg s22  }
0x12: {  	s14 =	sadd.s32 s12, s7;
	s15 =	sadd.s32 $0xD59E0, s16;
	[dreg:$0xd] =	wrdreg s23  }
0x13: {  	s25 =	sshrl.u32 s14, $0x3;
	s16 =	sadd.s32 $0xF4230, s16;
	[dreg:$0xe] =	wrdreg s15  }
0x14: {  	s28 =	simm.s32 $0x0;
	s14 =	sadd.s32 s2, s25;
	[dreg:$0xf] =	wrdreg s16  }
0x15: {  	p0 =	seq.s32 s3, $0x0;
	s26 =	sadd.s32 s4, s25;
	[dreg:$0x6] =	wrdreg s14  }
0x16: {  	s12 =	sshll.u32 s3, $0x6;
	s31 =	sadd.s32 s5, s25;
	[dreg:$0x10] =	wrdreg s26  }
0x17: {  	s24 =	sadd.s32 $0xF4280, s7;
	s13 =	sadd.s32 s1, s25;
	[dreg:$0x11] =	wrdreg s31  }
0x18: {  	s29 =	sadd.s32 $0x1E8500, s7;
	s17 =	sadd.s32 s4, s17;
	[dreg:$0x12] =	wrdreg s13  }
0x19: {  	s30 =	sadd.s32 $0x2DC780, s7;
	s18 =	sadd.s32 s10, s18;
	[dreg:$0x14] =	wrdreg s17  }
0x1a: {  	s3 =	sadd.s32 $0x4C4C80, s7;
	s19 =	sadd.s32 s10, s19;
	[dreg:$0x15] =	wrdreg s18  }
0x1b: {  	s0 =	sadd.s32 $0x3D0A00, s7;
	s20 =	sadd.s32 s10, s20;
	[dreg:$0x16] =	wrdreg s19  }
0x1c: {  	s25 =	sadd.s32 $0x6AD180, s7;
	s21 =	sadd.s32 s10, s21;
	[dreg:$0x17] =	wrdreg s20  }
.Ltmp0:
0x1d: {  	s22 =	sadd.s32 s10, s22;
	[dreg:$0x18] =	wrdreg s21;
	(pc) =	sbr.rel .LBB2_1-.Ltmp0, $4  }
0x1e: {  	s15 =	sadd.s32 s10, s15;
	s14 =	sadd.s32 $0xF400, s7;
	[dreg:$0x19] =	wrdreg s22  }
0x1f: {  	s13 =	sadd.s32 $0x5B8F00, s7;
	s26 =	sadd.s32 s10, s23;
	[dreg:$0x1b] =	wrdreg s15  }
0x20: {  	s31 =	sadd.s32 s10, s16;
	s21 =	simm.s32 $0x1;
	[dreg:$0x1a] =	wrdreg s26  }
0x21: {  	s22 =	simm.s32 $0x2;
	s23 =	simm.s32 $0x3;
	[dreg:$0x1c] =	wrdreg s31  }
.LBB2_82:
0x22: {  	s17 =	rddreg [dreg:$0x7]  }
0x23: {  	s16 =	sadd.s32 s16, s17  }
0x24: {  	[tilespmem:s6], [sflag:$0x3] =	stream.linear.gather [hbm4b:s16+s6], $0x1400, $0x38;
	[tilespmem:$0x1E800] =	vst v63  }
0x25: {  	_ =	swait.ge [sflag:s23], $0x1400  }
0x26: {  	[sflag:s23] =	ssyncset.done $0x0;
	s26 =	rddreg [dreg:$0x8]  }
0x27: {  	s16 =	sadd.s32 s15, s26;
	[sflag:s23] =	ssyncadd.s32 $0xFFFFEC00  }
0x28: {  	[hbm4b:s16+s6] =	stream.linear.scatter [tilespmem:s6], [sflag:$0x3], $0x80, $0x38;
	[tilespmem:$0x1E800] =	vst v63  }
0x29: {  	s18 =	simm.s32 $0x400;
	s31 =	sadd.s32 $0x10, s16  }
0x2a: {  	[hbm4b:s31+s6] =	stream.linear.scatter [tilespmem:s18], [sflag:$0x3], $0x80, $0x38;
	[tilespmem:$0x1E800] =	vst v63  }
0x2b: {  	s20 =	simm.s32 $0x800;
	s19 =	sadd.s32 $0x20, s16  }
0x2c: {  	[hbm4b:s19+s6] =	stream.linear.scatter [tilespmem:s20], [sflag:$0x3], $0x80, $0x38;
	[tilespmem:$0x1E800] =	vst v63  }
0x2d: {  	s26 =	sadd.s32 $0x30, s16;
	s31 =	simm.s32 $0xC00  }
0x2e: {  	[hbm4b:s26+s6] =	stream.linear.scatter [tilespmem:s31], [sflag:$0x3], $0x80, $0x38;
	[tilespmem:$0x1E800] =	vst v63  }
0x2f: {  	s16 =	sadd.s32 $0x40, s16;
	s18 =	simm.s32 $0x1000  }
0x30: {  	[hbm4b:s16+s6] =	stream.linear.scatter [tilespmem:s18], [sflag:$0x3], $0x80, $0x38;
	[tilespmem:$0x1E800] =	vst v63  }
0x31: {  	_ =	swait.ge [sflag:s23], $0x280  }
0x32: {  	[sflag:s23] =	ssyncset.done $0x0;
	s19 =	rddreg [dreg:$0x9]  }
0x33: {  	s20 =	simm.s32 $0x80;
	s16 =	sadd.s32 s15, s19;
	[sflag:s23] =	ssyncadd.s32 $0xFFFFFD80  }
0x34: {  	[hbm4b:s16+s6] =	stream.linear.scatter [tilespmem:s20], [sflag:$0x3], $0x80, $0x38;
	[tilespmem:$0x1E800] =	vst v63  }
0x35: {  	s31 =	simm.s32 $0x480;
	s26 =	sadd.s32 $0x10, s16  }
0x36: {  	[hbm4b:s26+s6] =	stream.linear.scatter [tilespmem:s31], [sflag:$0x3], $0x80, $0x38;
	[tilespmem:$0x1E800] =	vst v63  }
0x37: {  	s19 =	sadd.s32 $0x20, s16;
	s20 =	simm.s32 $0x880  }
0x38: {  	[hbm4b:s19+s6] =	stream.linear.scatter [tilespmem:s20], [sflag:$0x3], $0x80, $0x38;
	[tilespmem:$0x1E800] =	vst v63  }
0x39: {  	s26 =	sadd.s32 $0x30, s16;
	s31 =	simm.s32 $0xC80  }
0x3a: {  	[hbm4b:s26+s6] =	stream.linear.scatter [tilespmem:s31], [sflag:$0x3], $0x80, $0x38;
	[tilespmem:$0x1E800] =	vst v63  }
0x3b: {  	s18 =	simm.s32 $0x1080;
	s16 =	sadd.s32 $0x40, s16  }
0x3c: {  	[hbm4b:s16+s6] =	stream.linear.scatter [tilespmem:s18], [sflag:$0x3], $0x80, $0x38;
	[tilespmem:$0x1E800] =	vst v63  }
0x3d: {  	_ =	swait.ge [sflag:s23], $0x280  }
0x3e: {  	[sflag:s23] =	ssyncset.done $0x0;
	s19 =	rddreg [dreg:$0xa]  }
0x3f: {  	s20 =	simm.s32 $0x100;
	s16 =	sadd.s32 s15, s19;
	[sflag:s23] =	ssyncadd.s32 $0xFFFFFD80  }
0x40: {  	[hbm4b:s16+s6] =	stream.linear.scatter [tilespmem:s20], [sflag:$0x3], $0x80, $0x38;
	[tilespmem:$0x1E800] =	vst v63  }
0x41: {  	s31 =	simm.s32 $0x500;
	s26 =	sadd.s32 $0x10, s16  }
0x42: {  	[hbm4b:s26+s6] =	stream.linear.scatter [tilespmem:s31], [sflag:$0x3], $0x80, $0x38;
	[tilespmem:$0x1E800] =	vst v63  }
0x43: {  	s19 =	sadd.s32 $0x20, s16;
	s20 =	simm.s32 $0x900  }
0x44: {  	[hbm4b:s19+s6] =	stream.linear.scatter [tilespmem:s20], [sflag:$0x3], $0x80, $0x38;
	[tilespmem:$0x1E800] =	vst v63  }
0x45: {  	s26 =	sadd.s32 $0x30, s16;
	s31 =	simm.s32 $0xD00  }
0x46: {  	[hbm4b:s26+s6] =	stream.linear.scatter [tilespmem:s31], [sflag:$0x3], $0x80, $0x38;
	[tilespmem:$0x1E800] =	vst v63  }
0x47: {  	s18 =	simm.s32 $0x1100;
	s16 =	sadd.s32 $0x40, s16  }
0x48: {  	[hbm4b:s16+s6] =	stream.linear.scatter [tilespmem:s18], [sflag:$0x3], $0x80, $0x38;
	[tilespmem:$0x1E800] =	vst v63  }
0x49: {  	_ =	swait.ge [sflag:s23], $0x280  }
0x4a: {  	[sflag:s23] =	ssyncset.done $0x0;
	s19 =	rddreg [dreg:$0xb]  }
0x4b: {  	s20 =	simm.s32 $0x180;
	s16 =	sadd.s32 s15, s19;
	[sflag:s23] =	ssyncadd.s32 $0xFFFFFD80  }
0x4c: {  	[hbm4b:s16+s6] =	stream.linear.scatter [tilespmem:s20], [sflag:$0x3], $0x80, $0x38;
	[tilespmem:$0x1E800] =	vst v63  }
0x4d: {  	s31 =	simm.s32 $0x580;
	s26 =	sadd.s32 $0x10, s16  }
0x4e: {  	[hbm4b:s26+s6] =	stream.linear.scatter [tilespmem:s31], [sflag:$0x3], $0x80, $0x38;
	[tilespmem:$0x1E800] =	vst v63  }
0x4f: {  	s19 =	sadd.s32 $0x20, s16;
	s20 =	simm.s32 $0x980  }
0x50: {  	[hbm4b:s19+s6] =	stream.linear.scatter [tilespmem:s20], [sflag:$0x3], $0x80, $0x38;
	[tilespmem:$0x1E800] =	vst v63  }
0x51: {  	s26 =	sadd.s32 $0x30, s16;
	s31 =	simm.s32 $0xD80  }
0x52: {  	[hbm4b:s26+s6] =	stream.linear.scatter [tilespmem:s31], [sflag:$0x3], $0x80, $0x38;
	[tilespmem:$0x1E800] =	vst v63  }
0x53: {  	s18 =	simm.s32 $0x1180;
	s16 =	sadd.s32 $0x40, s16  }
0x54: {  	[hbm4b:s16+s6] =	stream.linear.scatter [tilespmem:s18], [sflag:$0x3], $0x80, $0x38;
	[tilespmem:$0x1E800] =	vst v63  }
0x55: {  	_ =	swait.ge [sflag:s23], $0x280  }
0x56: {  	[sflag:s23] =	ssyncset.done $0x0;
	s19 =	rddreg [dreg:$0xc]  }
0x57: {  	s20 =	simm.s32 $0x200;
	s16 =	sadd.s32 s15, s19;
	[sflag:s23] =	ssyncadd.s32 $0xFFFFFD80  }
0x58: {  	[hbm4b:s16+s6] =	stream.linear.scatter [tilespmem:s20], [sflag:$0x3], $0x80, $0x38;
	[tilespmem:$0x1E800] =	vst v63  }
0x59: {  	s31 =	simm.s32 $0x600;
	s26 =	sadd.s32 $0x10, s16  }
0x5a: {  	[hbm4b:s26+s6] =	stream.linear.scatter [tilespmem:s31], [sflag:$0x3], $0x80, $0x38;
	[tilespmem:$0x1E800] =	vst v63  }
0x5b: {  	s19 =	sadd.s32 $0x20, s16;
	s20 =	simm.s32 $0xA00  }
0x5c: {  	[hbm4b:s19+s6] =	stream.linear.scatter [tilespmem:s20], [sflag:$0x3], $0x80, $0x38;
	[tilespmem:$0x1E800] =	vst v63  }
0x5d: {  	s26 =	sadd.s32 $0x30, s16;
	s31 =	simm.s32 $0xE00  }
0x5e: {  	[hbm4b:s26+s6] =	stream.linear.scatter [tilespmem:s31], [sflag:$0x3], $0x80, $0x38;
	[tilespmem:$0x1E800] =	vst v63  }
0x5f: {  	s18 =	simm.s32 $0x1200;
	s16 =	sadd.s32 $0x40, s16  }
0x60: {  	[hbm4b:s16+s6] =	stream.linear.scatter [tilespmem:s18], [sflag:$0x3], $0x80, $0x38;
	[tilespmem:$0x1E800] =	vst v63  }
0x61: {  	_ =	swait.ge [sflag:s23], $0x280  }
0x62: {  	[sflag:s23] =	ssyncset.done $0x0;
	s19 =	rddreg [dreg:$0xd]  }
0x63: {  	s20 =	simm.s32 $0x280;
	s16 =	sadd.s32 s15, s19;
	[sflag:s23] =	ssyncadd.s32 $0xFFFFFD80  }
0x64: {  	[hbm4b:s16+s6] =	stream.linear.scatter [tilespmem:s20], [sflag:$0x3], $0x80, $0x38;
	[tilespmem:$0x1E800] =	vst v63  }
0x65: {  	s31 =	simm.s32 $0x680;
	s26 =	sadd.s32 $0x10, s16  }
0x66: {  	[hbm4b:s26+s6] =	stream.linear.scatter [tilespmem:s31], [sflag:$0x3], $0x80, $0x38;
	[tilespmem:$0x1E800] =	vst v63  }
0x67: {  	s19 =	sadd.s32 $0x20, s16;
	s20 =	simm.s32 $0xA80  }
0x68: {  	[hbm4b:s19+s6] =	stream.linear.scatter [tilespmem:s20], [sflag:$0x3], $0x80, $0x38;
	[tilespmem:$0x1E800] =	vst v63  }
0x69: {  	s26 =	sadd.s32 $0x30, s16;
	s31 =	simm.s32 $0xE80  }
0x6a: {  	[hbm4b:s26+s6] =	stream.linear.scatter [tilespmem:s31], [sflag:$0x3], $0x80, $0x38;
	[tilespmem:$0x1E800] =	vst v63  }
0x6b: {  	s18 =	simm.s32 $0x1280;
	s16 =	sadd.s32 $0x40, s16  }
0x6c: {  	[hbm4b:s16+s6] =	stream.linear.scatter [tilespmem:s18], [sflag:$0x3], $0x80, $0x38;
	[tilespmem:$0x1E800] =	vst v63  }
0x6d: {  	_ =	swait.ge [sflag:s23], $0x280  }
0x6e: {  	[sflag:s23] =	ssyncset.done $0x0;
	s19 =	rddreg [dreg:$0xe]  }
0x6f: {  	s20 =	simm.s32 $0x300;
	s16 =	sadd.s32 s15, s19;
	[sflag:s23] =	ssyncadd.s32 $0xFFFFFD80  }
0x70: {  	[hbm4b:s16+s6] =	stream.linear.scatter [tilespmem:s20], [sflag:$0x3], $0x80, $0x38;
	[tilespmem:$0x1E800] =	vst v63  }
0x71: {  	s31 =	simm.s32 $0x700;
	s26 =	sadd.s32 $0x10, s16  }
0x72: {  	[hbm4b:s26+s6] =	stream.linear.scatter [tilespmem:s31], [sflag:$0x3], $0x80, $0x38;
	[tilespmem:$0x1E800] =	vst v63  }
0x73: {  	s19 =	sadd.s32 $0x20, s16;
	s20 =	simm.s32 $0xB00  }
0x74: {  	[hbm4b:s19+s6] =	stream.linear.scatter [tilespmem:s20], [sflag:$0x3], $0x80, $0x38;
	[tilespmem:$0x1E800] =	vst v63  }
0x75: {  	s26 =	sadd.s32 $0x30, s16;
	s31 =	simm.s32 $0xF00  }
0x76: {  	[hbm4b:s26+s6] =	stream.linear.scatter [tilespmem:s31], [sflag:$0x3], $0x80, $0x38;
	[tilespmem:$0x1E800] =	vst v63  }
0x77: {  	s18 =	simm.s32 $0x1300;
	s16 =	sadd.s32 $0x40, s16  }
0x78: {  	[hbm4b:s16+s6] =	stream.linear.scatter [tilespmem:s18], [sflag:$0x3], $0x80, $0x38;
	[tilespmem:$0x1E800] =	vst v63  }
0x79: {  	_ =	swait.ge [sflag:s23], $0x280  }
0x7a: {  	[sflag:s23] =	ssyncset.done $0x0;
	s19 =	rddreg [dreg:$0xf]  }
0x7b: {  	s20 =	simm.s32 $0x380;
	s15 =	sadd.s32 s15, s19;
	[sflag:s23] =	ssyncadd.s32 $0xFFFFFD80  }
0x7c: {  	[hbm4b:s15+s6] =	stream.linear.scatter [tilespmem:s20], [sflag:$0x3], $0x80, $0x38;
	[tilespmem:$0x1E800] =	vst v63  }
0x7d: {  	s31 =	simm.s32 $0x780;
	s26 =	sadd.s32 $0x10, s15  }
0x7e: {  	[hbm4b:s26+s6] =	stream.linear.scatter [tilespmem:s31], [sflag:$0x3], $0x80, $0x38;
	[tilespmem:$0x1E800] =	vst v63  }
0x7f: {  	s19 =	simm.s32 $0xB80;
	s18 =	sadd.s32 $0x20, s15  }
0x80: {  	[hbm4b:s18+s6] =	stream.linear.scatter [tilespmem:s19], [sflag:$0x3], $0x80, $0x38;
	[tilespmem:$0x1E800] =	vst v63  }
0x81: {  	s20 =	sadd.s32 $0x30, s15;
	s26 =	simm.s32 $0xF80  }
0x82: {  	[hbm4b:s20+s6] =	stream.linear.scatter [tilespmem:s26], [sflag:$0x3], $0x80, $0x38;
	[tilespmem:$0x1E800] =	vst v63  }
0x83: {  	s15 =	sadd.s32 $0x40, s15;
	s31 =	simm.s32 $0x1380  }
0x84: {  	[hbm4b:s15+s6] =	stream.linear.scatter [tilespmem:s31], [sflag:$0x3], $0x80, $0x38;
	[tilespmem:$0x1E800] =	vst v63  }
0x85: {  	_ =	swait.ge [sflag:s23], $0x280  }
0x86: {  	[sflag:s23] =	ssyncset.done $0x0  }
0x87: {  	[sflag:s23] =	ssyncadd.s32 $0xFFFFFD80  }
.LBB2_83:
0x88: {  	s28 =	sadd.s32 $0x1, s28;
	s15 =	rddreg [dreg:$0x13]  }
0x89: {  	p5 =	sne.s32 s28, s15  }
.Ltmp1:
0x8a: {  	_ = 	snop;
	(pc) =	sbr.rel @!p5 .LBB2_84-.Ltmp1, $1  }
0x8b: {  	_ =	sdelay $0x3  }
.LBB2_1:
.Ltmp2:
0x8c: {  	(pc) =	sbr.rel @p1 .LBB2_41-.Ltmp2, $1  }
0x8d: {  	_ =	sdelay $0x3  }
.Ltmp3:
0x8e: {  	(pc) =	sbr.rel @!p2 .LBB2_22-.Ltmp3, $2  }
0x8f: {  	_ =	sdelay $0x2  }
0x90: {  	s26 =	simm.s32 $0x0  }
0x91: {  	s15 =	rddreg [dreg:$0x12]  }
0x92: {  	[tilespmem:s26], [sflag:$0x1] =	stream.linear.gather [hbm4b:s15+s26], $0xF400, $0x38;
	[tilespmem:$0x1E800] =	vst v63  }
.LBB2_4:
0x93: {  	p5 =	seq.s32 s26, $0x0  }
0x94: {  	s16 =	simm.s32 @!p5 $0x2  }
0x95: {  	_ =	swait.ge @!p5 [sflag:s16], $0x1E80  }
0x96: {  	[sflag:s16] =	ssyncset.done @!p5 $0x0  }
0x97: {  	[sflag:s16] =	ssyncadd.s32 @!p5 $0xFFFFE180  }
0x98: {  	_ =	swait.ge @!p5 [sflag:s16], $0x1E80  }
0x99: {  	[sflag:s16] =	ssyncset.done @!p5 $0x0  }
0x9a: {  	[sflag:s16] =	ssyncadd.s32 @!p5 $0xFFFFE180  }
0x9b: {  	_ =	swait.ge @!p5 [sflag:s16], $0x1E80  }
0x9c: {  	[sflag:s16] =	ssyncset.done @!p5 $0x0  }
0x9d: {  	[sflag:s16] =	ssyncadd.s32 @!p5 $0xFFFFE180  }
0x9e: {  	_ =	swait.ge @!p5 [sflag:s16], $0x1E80  }
0x9f: {  	[sflag:s16] =	ssyncset.done @!p5 $0x0  }
0xa0: {  	[sflag:s16] =	ssyncadd.s32 @!p5 $0xFFFFE180  }
0xa1: {  	_ =	swait.ge @!p5 [sflag:s16], $0x1E80  }
0xa2: {  	[sflag:s16] =	ssyncset.done @!p5 $0x0  }
0xa3: {  	[sflag:s16] =	ssyncadd.s32 @!p5 $0xFFFFE180  }
0xa4: {  	_ =	swait.ge @!p5 [sflag:s16], $0x1E80  }
0xa5: {  	[sflag:s16] =	ssyncset.done @!p5 $0x0  }
0xa6: {  	[sflag:s16] =	ssyncadd.s32 @!p5 $0xFFFFE180  }
0xa7: {  	_ =	swait.ge @!p5 [sflag:s16], $0x1E80  }
0xa8: {  	[sflag:s16] =	ssyncset.done @!p5 $0x0  }
0xa9: {  	p6 =	seq.s32 @!p5 s26, $0x3F;
	[sflag:s16] =	ssyncadd.s32 @!p5 $0xFFFFE180  }
0xaa: {  	p6 =	por p5, !p6;
	_ =	swait.ge @!p5 [sflag:s16], $0x1E80  }
0xab: {  	s15 =	sor.u32 s12, s26;
	s17 =	sxor.u32 @p6 $0xFFFFFFFF, s26;
	[sflag:s16] =	ssyncset.done @!p5 $0x0  }
0xac: {  	s17 =	sand.u32 @p6 $0x1, s17;
	[sflag:s16] =	ssyncadd.s32 @!p5 $0xFFFFE180;
	s16 =	smul.u32 @p6 $0xF400, s15  }
0xad: {  	s17 =	smul.u32 @p6 $0x3D000, s17  }
0xae: {  	s15 =	smul.u32 $0x1E80, s15;
	s16 =	sadd.s32 @p6 s16, s14  }
0xaf: {  	s20 =	sand.u32 $0x1, s26;
	s16 =	sshrl.u32 @p6 s16, $0x3  }
0xb0: {  	s17 =	sshrl.u32 @p6 s17, $0x2;
	s19 =	sadd.s32 s7, s15;
	s16 =	sadd.s32 @p6 s1, s16  }
0xb1: {  	[tilespmem:s17], [sflag:$0x1] =	stream.linear.gather @p6 [hbm4b:s16+s6], $0xF400, $0x38;
	[tilespmem:$0x1E800] =	vst v63  }
0xb2: {  	p5 =	seq.s32 s20, $0x1;
	s18 =	sshrl.u32 s19, $0x3;
	s16 =	simm.s32 $0xF400  }
0xb3: {  	s17 =	sadd.s32 s8, s18;
	s18 =	simm.s32 $0x10;
	_ =	swait.ge [sflag:s21], $0xF400  }
0xb4: {  	s16 =	simm.s32 @!p5 $0x0;
	s31 =	sadd.s32 $0x0, s17;
	[sflag:s21] =	ssyncset.done $0x0  }
0xb5: {  	s19 =	sadd.s32 $0x400, s16;
	s20 =	smov.u32 s16;
	[sflag:s21] =	ssyncadd.s32 $0xFFFF0C00  }
.LBB2_5:
0xb6: {  	[hbm4b:s31+s6] =	stream.linear.scatter [tilespmem:s20], [sflag:$0x2], $0x80, $0x38;
	[tilespmem:$0x1E800] =	vst v63  }
0xb7: {  	s31 =	smov.u32 s18;
	s20 =	smov.u32 s19;
	p5 =	sne.s32 s18, $0x3C0  }
.Ltmp4:
0xb8: {  	s18 =	sadd.s32 $0x10, s18;
	(pc) =	sbr.rel @p5 .LBB2_5-.Ltmp4, $2  }
0xb9: {  	_ =	sdelay $0x2  }
0xba: {  	s19 =	sadd.s32 $0x400, s19;
	s31 =	sadd.s32 s31, s17  }
0xbb: {  	[hbm4b:s31+s6] =	stream.linear.scatter [tilespmem:s20], [sflag:$0x2], $0x80, $0x38;
	[tilespmem:$0x1E800] =	vst v63  }
0xbc: {  	s17 =	sadd.s32 s15, s24  }
0xbd: {  	s17 =	sshrl.u32 s17, $0x3  }
0xbe: {  	s18 =	sadd.s32 $0x80, s16;
	s17 =	sadd.s32 s8, s17  }
0xbf: {  	s19 =	simm.s32 $0x10;
	s20 =	sadd.s32 $0x400, s18;
	s31 =	sadd.s32 $0x0, s17  }
.LBB2_7:
0xc0: {  	[hbm4b:s31+s6] =	stream.linear.scatter [tilespmem:s18], [sflag:$0x2], $0x80, $0x38;
	[tilespmem:$0x1E800] =	vst v63  }
0xc1: {  	s31 =	smov.u32 s19;
	s18 =	smov.u32 s20;
	p5 =	sne.s32 s19, $0x3C0  }
.Ltmp5:
0xc2: {  	s19 =	sadd.s32 $0x10, s19;
	(pc) =	sbr.rel @p5 .LBB2_7-.Ltmp5, $2  }
0xc3: {  	_ =	sdelay $0x2  }
0xc4: {  	s20 =	sadd.s32 $0x400, s20;
	s31 =	sadd.s32 s31, s17  }
0xc5: {  	[hbm4b:s31+s6] =	stream.linear.scatter [tilespmem:s18], [sflag:$0x2], $0x80, $0x38;
	[tilespmem:$0x1E800] =	vst v63  }
0xc6: {  	s17 =	sadd.s32 s15, s29  }
0xc7: {  	s17 =	sshrl.u32 s17, $0x3  }
0xc8: {  	s18 =	sadd.s32 $0x100, s16;
	s17 =	sadd.s32 s8, s17  }
0xc9: {  	s19 =	simm.s32 $0x10;
	s20 =	sadd.s32 $0x400, s18;
	s31 =	sadd.s32 $0x0, s17  }
.LBB2_9:
0xca: {  	[hbm4b:s31+s6] =	stream.linear.scatter [tilespmem:s18], [sflag:$0x2], $0x80, $0x38;
	[tilespmem:$0x1E800] =	vst v63  }
0xcb: {  	s31 =	smov.u32 s19;
	s18 =	smov.u32 s20;
	p5 =	sne.s32 s19, $0x3C0  }
.Ltmp6:
0xcc: {  	s19 =	sadd.s32 $0x10, s19;
	(pc) =	sbr.rel @p5 .LBB2_9-.Ltmp6, $2  }
0xcd: {  	_ =	sdelay $0x2  }
0xce: {  	s20 =	sadd.s32 $0x400, s20;
	s31 =	sadd.s32 s31, s17  }
0xcf: {  	[hbm4b:s31+s6] =	stream.linear.scatter [tilespmem:s18], [sflag:$0x2], $0x80, $0x38;
	[tilespmem:$0x1E800] =	vst v63  }
0xd0: {  	s17 =	sadd.s32 s15, s30  }
0xd1: {  	s17 =	sshrl.u32 s17, $0x3  }
0xd2: {  	s18 =	sadd.s32 $0x180, s16;
	s17 =	sadd.s32 s8, s17  }
0xd3: {  	s19 =	simm.s32 $0x10;
	s20 =	sadd.s32 $0x400, s18;
	s31 =	sadd.s32 $0x0, s17  }
.LBB2_11:
0xd4: {  	[hbm4b:s31+s6] =	stream.linear.scatter [tilespmem:s18], [sflag:$0x2], $0x80, $0x38;
	[tilespmem:$0x1E800] =	vst v63  }
0xd5: {  	s31 =	smov.u32 s19;
	s18 =	smov.u32 s20;
	p5 =	sne.s32 s19, $0x3C0  }
.Ltmp7:
0xd6: {  	s19 =	sadd.s32 $0x10, s19;
	(pc) =	sbr.rel @p5 .LBB2_11-.Ltmp7, $2  }
0xd7: {  	_ =	sdelay $0x2  }
0xd8: {  	s20 =	sadd.s32 $0x400, s20;
	s31 =	sadd.s32 s31, s17  }
0xd9: {  	[hbm4b:s31+s6] =	stream.linear.scatter [tilespmem:s18], [sflag:$0x2], $0x80, $0x38;
	[tilespmem:$0x1E800] =	vst v63  }
0xda: {  	s17 =	sadd.s32 s15, s0  }
0xdb: {  	s17 =	sshrl.u32 s17, $0x3  }
0xdc: {  	s18 =	sadd.s32 $0x200, s16;
	s17 =	sadd.s32 s8, s17  }
0xdd: {  	s19 =	simm.s32 $0x10;
	s20 =	sadd.s32 $0x400, s18;
	s31 =	sadd.s32 $0x0, s17  }
.LBB2_13:
0xde: {  	[hbm4b:s31+s6] =	stream.linear.scatter [tilespmem:s18], [sflag:$0x2], $0x80, $0x38;
	[tilespmem:$0x1E800] =	vst v63  }
0xdf: {  	s31 =	smov.u32 s19;
	s18 =	smov.u32 s20;
	p5 =	sne.s32 s19, $0x3C0  }
.Ltmp8:
0xe0: {  	s19 =	sadd.s32 $0x10, s19;
	(pc) =	sbr.rel @p5 .LBB2_13-.Ltmp8, $2  }
0xe1: {  	_ =	sdelay $0x2  }
0xe2: {  	s20 =	sadd.s32 $0x400, s20;
	s31 =	sadd.s32 s31, s17  }
0xe3: {  	[hbm4b:s31+s6] =	stream.linear.scatter [tilespmem:s18], [sflag:$0x2], $0x80, $0x38;
	[tilespmem:$0x1E800] =	vst v63  }
0xe4: {  	s17 =	sadd.s32 s15, s3  }
0xe5: {  	s17 =	sshrl.u32 s17, $0x3  }
0xe6: {  	s18 =	sadd.s32 $0x280, s16;
	s17 =	sadd.s32 s8, s17  }
0xe7: {  	s19 =	simm.s32 $0x10;
	s20 =	sadd.s32 $0x400, s18;
	s31 =	sadd.s32 $0x0, s17  }
.LBB2_15:
0xe8: {  	[hbm4b:s31+s6] =	stream.linear.scatter [tilespmem:s18], [sflag:$0x2], $0x80, $0x38;
	[tilespmem:$0x1E800] =	vst v63  }
0xe9: {  	s31 =	smov.u32 s19;
	s18 =	smov.u32 s20;
	p5 =	sne.s32 s19, $0x3C0  }
.Ltmp9:
0xea: {  	s19 =	sadd.s32 $0x10, s19;
	(pc) =	sbr.rel @p5 .LBB2_15-.Ltmp9, $2  }
0xeb: {  	_ =	sdelay $0x2  }
0xec: {  	s20 =	sadd.s32 $0x400, s20;
	s31 =	sadd.s32 s31, s17  }
0xed: {  	[hbm4b:s31+s6] =	stream.linear.scatter [tilespmem:s18], [sflag:$0x2], $0x80, $0x38;
	[tilespmem:$0x1E800] =	vst v63  }
0xee: {  	s17 =	sadd.s32 s15, s13  }
0xef: {  	s17 =	sshrl.u32 s17, $0x3  }
0xf0: {  	s18 =	sadd.s32 $0x300, s16;
	s17 =	sadd.s32 s8, s17  }
0xf1: {  	s19 =	simm.s32 $0x10;
	s20 =	sadd.s32 $0x400, s18;
	s31 =	sadd.s32 $0x0, s17  }
.LBB2_17:
0xf2: {  	[hbm4b:s31+s6] =	stream.linear.scatter [tilespmem:s18], [sflag:$0x2], $0x80, $0x38;
	[tilespmem:$0x1E800] =	vst v63  }
0xf3: {  	s31 =	smov.u32 s19;
	s18 =	smov.u32 s20;
	p5 =	sne.s32 s19, $0x3C0  }
.Ltmp10:
0xf4: {  	s19 =	sadd.s32 $0x10, s19;
	(pc) =	sbr.rel @p5 .LBB2_17-.Ltmp10, $2  }
0xf5: {  	_ =	sdelay $0x2  }
0xf6: {  	s20 =	sadd.s32 $0x400, s20;
	s31 =	sadd.s32 s31, s17  }
0xf7: {  	[hbm4b:s31+s6] =	stream.linear.scatter [tilespmem:s18], [sflag:$0x2], $0x80, $0x38;
	[tilespmem:$0x1E800] =	vst v63  }
0xf8: {  	s15 =	sadd.s32 s15, s25  }
0xf9: {  	s15 =	sshrl.u32 s15, $0x3  }
0xfa: {  	s16 =	sadd.s32 $0x380, s16;
	s15 =	sadd.s32 s8, s15  }
0xfb: {  	s17 =	simm.s32 $0x10;
	s18 =	sadd.s32 $0x400, s16;
	s19 =	sadd.s32 $0x0, s15  }
.LBB2_19:
0xfc: {  	[hbm4b:s19+s6] =	stream.linear.scatter [tilespmem:s16], [sflag:$0x2], $0x80, $0x38;
	[tilespmem:$0x1E800] =	vst v63  }
0xfd: {  	s19 =	smov.u32 s17;
	s16 =	smov.u32 s18;
	p5 =	sne.s32 s17, $0x3C0  }
.Ltmp11:
0xfe: {  	s17 =	sadd.s32 $0x10, s17;
	(pc) =	sbr.rel @p5 .LBB2_19-.Ltmp11, $2  }
0xff: {  	_ =	sdelay $0x2  }
0x100: {  	s18 =	sadd.s32 $0x400, s18;
	s19 =	sadd.s32 s19, s15  }
0x101: {  	s26 =	sadd.s32 $0x1, s26  }
0x102: {  	p5 =	sne.s32 s26, $0x40  }
.Ltmp12:
0x103: {  	_ = 	snop;
	(pc) =	sbr.rel @p5 .LBB2_4-.Ltmp12, $2  }
0x104: {  	_ =	sdelay $0x2  }
0x105: {  	[hbm4b:s19+s6] =	stream.linear.scatter [tilespmem:s16], [sflag:$0x2], $0x80, $0x38;
	[tilespmem:$0x1E800] =	vst v63  }
0x106: {  	_ =	swait.ge [sflag:s22], $0x1E80  }
0x107: {  	[sflag:s22] =	ssyncset.done $0x0  }
0x108: {  	[sflag:s22] =	ssyncadd.s32 $0xFFFFE180  }
0x109: {  	_ =	swait.ge [sflag:s22], $0x1E80  }
0x10a: {  	[sflag:s22] =	ssyncset.done $0x0  }
0x10b: {  	[sflag:s22] =	ssyncadd.s32 $0xFFFFE180  }
0x10c: {  	_ =	swait.ge [sflag:s22], $0x1E80  }
0x10d: {  	[sflag:s22] =	ssyncset.done $0x0  }
0x10e: {  	[sflag:s22] =	ssyncadd.s32 $0xFFFFE180  }
0x10f: {  	_ =	swait.ge [sflag:s22], $0x1E80  }
0x110: {  	[sflag:s22] =	ssyncset.done $0x0  }
0x111: {  	[sflag:s22] =	ssyncadd.s32 $0xFFFFE180  }
0x112: {  	_ =	swait.ge [sflag:s22], $0x1E80  }
0x113: {  	[sflag:s22] =	ssyncset.done $0x0  }
0x114: {  	[sflag:s22] =	ssyncadd.s32 $0xFFFFE180  }
0x115: {  	_ =	swait.ge [sflag:s22], $0x1E80  }
0x116: {  	[sflag:s22] =	ssyncset.done $0x0  }
0x117: {  	[sflag:s22] =	ssyncadd.s32 $0xFFFFE180  }
0x118: {  	_ =	swait.ge [sflag:s22], $0x1E80  }
.Ltmp13:
0x119: {  	[sflag:s22] =	ssyncset.done $0x0;
	(pc) =	sbr.rel @p0 .LBB2_83-.Ltmp13, $4  }
.Ltmp14:
0x11a: {  	[sflag:s22] =	ssyncadd.s32 $0xFFFFE180;
	(pc) =	sbr.rel @!p0 .LBB2_82-.Ltmp14, $4  }
0x11b: {  	_ =	swait.ge [sflag:s22], $0x1E80  }
0x11c: {  	[sflag:s22] =	ssyncset.done $0x0  }
0x11d: {  	s16 =	smov.u32 s1;
	s15 =	smov.u32 s8;
	[sflag:s22] =	ssyncadd.s32 $0xFFFFE180  }
0x11e: {  	_ = 	snop  }
.LBB2_41:
.Ltmp15:
0x11f: {  	(pc) =	sbr.rel @!p3 .LBB2_63-.Ltmp15, $1  }
0x120: {  	_ =	sdelay $0x3  }
0x121: {  	s26 =	simm.s32 $0x0;
	s15 =	rddreg [dreg:$0x10]  }
0x122: {  	[tilespmem:s26], [sflag:$0x1] =	stream.linear.gather [hbm4b:s15+s26], $0xF400, $0x38;
	[tilespmem:$0x1E800] =	vst v63  }
.LBB2_43:
0x123: {  	p5 =	seq.s32 s26, $0x0  }
0x124: {  	s16 =	simm.s32 @!p5 $0x2  }
0x125: {  	_ =	swait.ge @!p5 [sflag:s16], $0x1E80  }
0x126: {  	[sflag:s16] =	ssyncset.done @!p5 $0x0  }
0x127: {  	[sflag:s16] =	ssyncadd.s32 @!p5 $0xFFFFE180  }
0x128: {  	_ =	swait.ge @!p5 [sflag:s16], $0x1E80  }
0x129: {  	[sflag:s16] =	ssyncset.done @!p5 $0x0  }
0x12a: {  	[sflag:s16] =	ssyncadd.s32 @!p5 $0xFFFFE180  }
0x12b: {  	_ =	swait.ge @!p5 [sflag:s16], $0x1E80  }
0x12c: {  	[sflag:s16] =	ssyncset.done @!p5 $0x0  }
0x12d: {  	[sflag:s16] =	ssyncadd.s32 @!p5 $0xFFFFE180  }
0x12e: {  	_ =	swait.ge @!p5 [sflag:s16], $0x1E80  }
0x12f: {  	[sflag:s16] =	ssyncset.done @!p5 $0x0  }
0x130: {  	[sflag:s16] =	ssyncadd.s32 @!p5 $0xFFFFE180  }
0x131: {  	_ =	swait.ge @!p5 [sflag:s16], $0x1E80  }
0x132: {  	[sflag:s16] =	ssyncset.done @!p5 $0x0  }
0x133: {  	[sflag:s16] =	ssyncadd.s32 @!p5 $0xFFFFE180  }
0x134: {  	_ =	swait.ge @!p5 [sflag:s16], $0x1E80  }
0x135: {  	[sflag:s16] =	ssyncset.done @!p5 $0x0  }
0x136: {  	[sflag:s16] =	ssyncadd.s32 @!p5 $0xFFFFE180  }
0x137: {  	_ =	swait.ge @!p5 [sflag:s16], $0x1E80  }
0x138: {  	[sflag:s16] =	ssyncset.done @!p5 $0x0  }
0x139: {  	p6 =	seq.s32 @!p5 s26, $0x3F;
	[sflag:s16] =	ssyncadd.s32 @!p5 $0xFFFFE180  }
0x13a: {  	p6 =	por p5, !p6;
	_ =	swait.ge @!p5 [sflag:s16], $0x1E80  }
0x13b: {  	s15 =	sor.u32 s12, s26;
	s17 =	sxor.u32 @p6 $0xFFFFFFFF, s26;
	[sflag:s16] =	ssyncset.done @!p5 $0x0  }
0x13c: {  	s17 =	sand.u32 @p6 $0x1, s17;
	[sflag:s16] =	ssyncadd.s32 @!p5 $0xFFFFE180;
	s16 =	smul.u32 @p6 $0xF400, s15  }
0x13d: {  	s17 =	smul.u32 @p6 $0x3D000, s17  }
0x13e: {  	s15 =	smul.u32 $0x1E80, s15;
	s16 =	sadd.s32 @p6 s16, s14  }
0x13f: {  	s20 =	sand.u32 $0x1, s26;
	s16 =	sshrl.u32 @p6 s16, $0x3  }
0x140: {  	s17 =	sshrl.u32 @p6 s17, $0x2;
	s19 =	sadd.s32 s7, s15;
	s16 =	sadd.s32 @p6 s4, s16  }
0x141: {  	[tilespmem:s17], [sflag:$0x1] =	stream.linear.gather @p6 [hbm4b:s16+s6], $0xF400, $0x38;
	[tilespmem:$0x1E800] =	vst v63  }
0x142: {  	p5 =	seq.s32 s20, $0x1;
	s18 =	sshrl.u32 s19, $0x3;
	s16 =	simm.s32 $0xF400  }
0x143: {  	s17 =	sadd.s32 s10, s18;
	s18 =	simm.s32 $0x10;
	_ =	swait.ge [sflag:s21], $0xF400  }
0x144: {  	s16 =	simm.s32 @!p5 $0x0;
	s31 =	sadd.s32 $0x0, s17;
	[sflag:s21] =	ssyncset.done $0x0  }
0x145: {  	s19 =	sadd.s32 $0x400, s16;
	s20 =	smov.u32 s16;
	[sflag:s21] =	ssyncadd.s32 $0xFFFF0C00  }
.LBB2_44:
0x146: {  	[hbm4b:s31+s6] =	stream.linear.scatter [tilespmem:s20], [sflag:$0x2], $0x80, $0x38;
	[tilespmem:$0x1E800] =	vst v63  }
0x147: {  	s31 =	smov.u32 s18;
	s20 =	smov.u32 s19;
	p5 =	sne.s32 s18, $0x3C0  }
.Ltmp16:
0x148: {  	s18 =	sadd.s32 $0x10, s18;
	(pc) =	sbr.rel @p5 .LBB2_44-.Ltmp16, $2  }
0x149: {  	_ =	sdelay $0x2  }
0x14a: {  	s19 =	sadd.s32 $0x400, s19;
	s31 =	sadd.s32 s31, s17  }
0x14b: {  	[hbm4b:s31+s6] =	stream.linear.scatter [tilespmem:s20], [sflag:$0x2], $0x80, $0x38;
	[tilespmem:$0x1E800] =	vst v63  }
0x14c: {  	s17 =	sadd.s32 s15, s24  }
0x14d: {  	s17 =	sshrl.u32 s17, $0x3  }
0x14e: {  	s18 =	sadd.s32 $0x80, s16;
	s17 =	sadd.s32 s10, s17  }
0x14f: {  	s19 =	simm.s32 $0x10;
	s20 =	sadd.s32 $0x400, s18;
	s31 =	sadd.s32 $0x0, s17  }
.LBB2_46:
0x150: {  	[hbm4b:s31+s6] =	stream.linear.scatter [tilespmem:s18], [sflag:$0x2], $0x80, $0x38;
	[tilespmem:$0x1E800] =	vst v63  }
0x151: {  	s31 =	smov.u32 s19;
	s18 =	smov.u32 s20;
	p5 =	sne.s32 s19, $0x3C0  }
.Ltmp17:
0x152: {  	s19 =	sadd.s32 $0x10, s19;
	(pc) =	sbr.rel @p5 .LBB2_46-.Ltmp17, $2  }
0x153: {  	_ =	sdelay $0x2  }
0x154: {  	s20 =	sadd.s32 $0x400, s20;
	s31 =	sadd.s32 s31, s17  }
0x155: {  	[hbm4b:s31+s6] =	stream.linear.scatter [tilespmem:s18], [sflag:$0x2], $0x80, $0x38;
	[tilespmem:$0x1E800] =	vst v63  }
0x156: {  	s17 =	sadd.s32 s15, s29  }
0x157: {  	s17 =	sshrl.u32 s17, $0x3  }
0x158: {  	s18 =	sadd.s32 $0x100, s16;
	s17 =	sadd.s32 s10, s17  }
0x159: {  	s19 =	simm.s32 $0x10;
	s20 =	sadd.s32 $0x400, s18;
	s31 =	sadd.s32 $0x0, s17  }
.LBB2_48:
0x15a: {  	[hbm4b:s31+s6] =	stream.linear.scatter [tilespmem:s18], [sflag:$0x2], $0x80, $0x38;
	[tilespmem:$0x1E800] =	vst v63  }
0x15b: {  	s31 =	smov.u32 s19;
	s18 =	smov.u32 s20;
	p5 =	sne.s32 s19, $0x3C0  }
.Ltmp18:
0x15c: {  	s19 =	sadd.s32 $0x10, s19;
	(pc) =	sbr.rel @p5 .LBB2_48-.Ltmp18, $2  }
0x15d: {  	_ =	sdelay $0x2  }
0x15e: {  	s20 =	sadd.s32 $0x400, s20;
	s31 =	sadd.s32 s31, s17  }
0x15f: {  	[hbm4b:s31+s6] =	stream.linear.scatter [tilespmem:s18], [sflag:$0x2], $0x80, $0x38;
	[tilespmem:$0x1E800] =	vst v63  }
0x160: {  	s17 =	sadd.s32 s15, s30  }
0x161: {  	s17 =	sshrl.u32 s17, $0x3  }
0x162: {  	s18 =	sadd.s32 $0x180, s16;
	s17 =	sadd.s32 s10, s17  }
0x163: {  	s19 =	simm.s32 $0x10;
	s20 =	sadd.s32 $0x400, s18;
	s31 =	sadd.s32 $0x0, s17  }
.LBB2_50:
0x164: {  	[hbm4b:s31+s6] =	stream.linear.scatter [tilespmem:s18], [sflag:$0x2], $0x80, $0x38;
	[tilespmem:$0x1E800] =	vst v63  }
0x165: {  	s31 =	smov.u32 s19;
	s18 =	smov.u32 s20;
	p5 =	sne.s32 s19, $0x3C0  }
.Ltmp19:
0x166: {  	s19 =	sadd.s32 $0x10, s19;
	(pc) =	sbr.rel @p5 .LBB2_50-.Ltmp19, $2  }
0x167: {  	_ =	sdelay $0x2  }
0x168: {  	s20 =	sadd.s32 $0x400, s20;
	s31 =	sadd.s32 s31, s17  }
0x169: {  	[hbm4b:s31+s6] =	stream.linear.scatter [tilespmem:s18], [sflag:$0x2], $0x80, $0x38;
	[tilespmem:$0x1E800] =	vst v63  }
0x16a: {  	s17 =	sadd.s32 s15, s0  }
0x16b: {  	s17 =	sshrl.u32 s17, $0x3  }
0x16c: {  	s18 =	sadd.s32 $0x200, s16;
	s17 =	sadd.s32 s10, s17  }
0x16d: {  	s19 =	simm.s32 $0x10;
	s20 =	sadd.s32 $0x400, s18;
	s31 =	sadd.s32 $0x0, s17  }
.LBB2_52:
0x16e: {  	[hbm4b:s31+s6] =	stream.linear.scatter [tilespmem:s18], [sflag:$0x2], $0x80, $0x38;
	[tilespmem:$0x1E800] =	vst v63  }
0x16f: {  	s31 =	smov.u32 s19;
	s18 =	smov.u32 s20;
	p5 =	sne.s32 s19, $0x3C0  }
.Ltmp20:
0x170: {  	s19 =	sadd.s32 $0x10, s19;
	(pc) =	sbr.rel @p5 .LBB2_52-.Ltmp20, $2  }
0x171: {  	_ =	sdelay $0x2  }
0x172: {  	s20 =	sadd.s32 $0x400, s20;
	s31 =	sadd.s32 s31, s17  }
0x173: {  	[hbm4b:s31+s6] =	stream.linear.scatter [tilespmem:s18], [sflag:$0x2], $0x80, $0x38;
	[tilespmem:$0x1E800] =	vst v63  }
0x174: {  	s17 =	sadd.s32 s15, s3  }
0x175: {  	s17 =	sshrl.u32 s17, $0x3  }
0x176: {  	s18 =	sadd.s32 $0x280, s16;
	s17 =	sadd.s32 s10, s17  }
0x177: {  	s19 =	simm.s32 $0x10;
	s20 =	sadd.s32 $0x400, s18;
	s31 =	sadd.s32 $0x0, s17  }
.LBB2_54:
0x178: {  	[hbm4b:s31+s6] =	stream.linear.scatter [tilespmem:s18], [sflag:$0x2], $0x80, $0x38;
	[tilespmem:$0x1E800] =	vst v63  }
0x179: {  	s31 =	smov.u32 s19;
	s18 =	smov.u32 s20;
	p5 =	sne.s32 s19, $0x3C0  }
.Ltmp21:
0x17a: {  	s19 =	sadd.s32 $0x10, s19;
	(pc) =	sbr.rel @p5 .LBB2_54-.Ltmp21, $2  }
0x17b: {  	_ =	sdelay $0x2  }
0x17c: {  	s20 =	sadd.s32 $0x400, s20;
	s31 =	sadd.s32 s31, s17  }
0x17d: {  	[hbm4b:s31+s6] =	stream.linear.scatter [tilespmem:s18], [sflag:$0x2], $0x80, $0x38;
	[tilespmem:$0x1E800] =	vst v63  }
0x17e: {  	s17 =	sadd.s32 s15, s13  }
0x17f: {  	s17 =	sshrl.u32 s17, $0x3  }
0x180: {  	s18 =	sadd.s32 $0x300, s16;
	s17 =	sadd.s32 s10, s17  }
0x181: {  	s19 =	simm.s32 $0x10;
	s20 =	sadd.s32 $0x400, s18;
	s31 =	sadd.s32 $0x0, s17  }
.LBB2_56:
0x182: {  	[hbm4b:s31+s6] =	stream.linear.scatter [tilespmem:s18], [sflag:$0x2], $0x80, $0x38;
	[tilespmem:$0x1E800] =	vst v63  }
0x183: {  	s31 =	smov.u32 s19;
	s18 =	smov.u32 s20;
	p5 =	sne.s32 s19, $0x3C0  }
.Ltmp22:
0x184: {  	s19 =	sadd.s32 $0x10, s19;
	(pc) =	sbr.rel @p5 .LBB2_56-.Ltmp22, $2  }
0x185: {  	_ =	sdelay $0x2  }
0x186: {  	s20 =	sadd.s32 $0x400, s20;
	s31 =	sadd.s32 s31, s17  }
0x187: {  	[hbm4b:s31+s6] =	stream.linear.scatter [tilespmem:s18], [sflag:$0x2], $0x80, $0x38;
	[tilespmem:$0x1E800] =	vst v63  }
0x188: {  	s15 =	sadd.s32 s15, s25  }
0x189: {  	s15 =	sshrl.u32 s15, $0x3  }
0x18a: {  	s16 =	sadd.s32 $0x380, s16;
	s15 =	sadd.s32 s10, s15  }
0x18b: {  	s17 =	simm.s32 $0x10;
	s18 =	sadd.s32 $0x400, s16;
	s19 =	sadd.s32 $0x0, s15  }
.LBB2_58:
0x18c: {  	[hbm4b:s19+s6] =	stream.linear.scatter [tilespmem:s16], [sflag:$0x2], $0x80, $0x38;
	[tilespmem:$0x1E800] =	vst v63  }
0x18d: {  	s19 =	smov.u32 s17;
	s16 =	smov.u32 s18;
	p5 =	sne.s32 s17, $0x3C0  }
.Ltmp23:
0x18e: {  	s17 =	sadd.s32 $0x10, s17;
	(pc) =	sbr.rel @p5 .LBB2_58-.Ltmp23, $2  }
0x18f: {  	_ =	sdelay $0x2  }
0x190: {  	s18 =	sadd.s32 $0x400, s18;
	s19 =	sadd.s32 s19, s15  }
0x191: {  	s26 =	sadd.s32 $0x1, s26  }
0x192: {  	p5 =	sne.s32 s26, $0x40  }
.Ltmp24:
0x193: {  	_ = 	snop;
	(pc) =	sbr.rel @p5 .LBB2_43-.Ltmp24, $2  }
0x194: {  	_ =	sdelay $0x2  }
0x195: {  	[hbm4b:s19+s6] =	stream.linear.scatter [tilespmem:s16], [sflag:$0x2], $0x80, $0x38;
	[tilespmem:$0x1E800] =	vst v63  }
0x196: {  	_ =	swait.ge [sflag:s22], $0x1E80  }
0x197: {  	[sflag:s22] =	ssyncset.done $0x0  }
0x198: {  	[sflag:s22] =	ssyncadd.s32 $0xFFFFE180  }
0x199: {  	_ =	swait.ge [sflag:s22], $0x1E80  }
0x19a: {  	[sflag:s22] =	ssyncset.done $0x0  }
0x19b: {  	[sflag:s22] =	ssyncadd.s32 $0xFFFFE180  }
0x19c: {  	_ =	swait.ge [sflag:s22], $0x1E80  }
0x19d: {  	[sflag:s22] =	ssyncset.done $0x0  }
0x19e: {  	[sflag:s22] =	ssyncadd.s32 $0xFFFFE180  }
0x19f: {  	_ =	swait.ge [sflag:s22], $0x1E80  }
0x1a0: {  	[sflag:s22] =	ssyncset.done $0x0  }
0x1a1: {  	[sflag:s22] =	ssyncadd.s32 $0xFFFFE180  }
0x1a2: {  	_ =	swait.ge [sflag:s22], $0x1E80  }
0x1a3: {  	[sflag:s22] =	ssyncset.done $0x0  }
0x1a4: {  	[sflag:s22] =	ssyncadd.s32 $0xFFFFE180  }
0x1a5: {  	_ =	swait.ge [sflag:s22], $0x1E80  }
0x1a6: {  	[sflag:s22] =	ssyncset.done $0x0  }
0x1a7: {  	[sflag:s22] =	ssyncadd.s32 $0xFFFFE180  }
0x1a8: {  	_ =	swait.ge [sflag:s22], $0x1E80  }
.Ltmp25:
0x1a9: {  	[sflag:s22] =	ssyncset.done $0x0;
	(pc) =	sbr.rel @p0 .LBB2_62-.Ltmp25, $4  }
0x1aa: {  	[sflag:s22] =	ssyncadd.s32 $0xFFFFE180  }
0x1ab: {  	_ =	swait.ge [sflag:s22], $0x1E80  }
0x1ac: {  	[sflag:s22] =	ssyncset.done $0x0  }
0x1ad: {  	[sflag:s22] =	ssyncadd.s32 $0xFFFFE180  }
0x1ae: {  	s15 =	rddreg [dreg:$0x14]  }
0x1af: {  	[tilespmem:s6], [sflag:$0x3] =	stream.linear.gather [hbm4b:s15+s6], $0x1400, $0x38;
	[tilespmem:$0x1E800] =	vst v63  }
0x1b0: {  	_ =	swait.ge [sflag:s23], $0x1400  }
0x1b1: {  	[sflag:s23] =	ssyncset.done $0x0  }
0x1b2: {  	s16 =	rddreg [dreg:$0x15];
	[sflag:s23] =	ssyncadd.s32 $0xFFFFEC00  }
0x1b3: {  	[hbm4b:s16+s6] =	stream.linear.scatter [tilespmem:s6], [sflag:$0x3], $0x80, $0x38;
	[tilespmem:$0x1E800] =	vst v63  }
0x1b4: {  	s17 =	simm.s32 $0x400;
	s18 =	sadd.s32 $0x10, s16  }
0x1b5: {  	[hbm4b:s18+s6] =	stream.linear.scatter [tilespmem:s17], [sflag:$0x3], $0x80, $0x38;
	[tilespmem:$0x1E800] =	vst v63  }
0x1b6: {  	s20 =	simm.s32 $0x800;
	s19 =	sadd.s32 $0x20, s16  }
0x1b7: {  	[hbm4b:s19+s6] =	stream.linear.scatter [tilespmem:s20], [sflag:$0x3], $0x80, $0x38;
	[tilespmem:$0x1E800] =	vst v63  }
0x1b8: {  	s31 =	simm.s32 $0xC00;
	s26 =	sadd.s32 $0x30, s16  }
0x1b9: {  	[hbm4b:s26+s6] =	stream.linear.scatter [tilespmem:s31], [sflag:$0x3], $0x80, $0x38;
	[tilespmem:$0x1E800] =	vst v63  }
0x1ba: {  	s16 =	sadd.s32 $0x40, s16;
	s17 =	simm.s32 $0x1000  }
0x1bb: {  	[hbm4b:s16+s6] =	stream.linear.scatter [tilespmem:s17], [sflag:$0x3], $0x80, $0x38;
	[tilespmem:$0x1E800] =	vst v63  }
0x1bc: {  	_ =	swait.ge [sflag:s23], $0x280  }
0x1bd: {  	[sflag:s23] =	ssyncset.done $0x0  }
0x1be: {  	s18 =	simm.s32 $0x80;
	s16 =	rddreg [dreg:$0x16];
	[sflag:s23] =	ssyncadd.s32 $0xFFFFFD80  }
0x1bf: {  	[hbm4b:s16+s6] =	stream.linear.scatter [tilespmem:s18], [sflag:$0x3], $0x80, $0x38;
	[tilespmem:$0x1E800] =	vst v63  }
0x1c0: {  	s20 =	simm.s32 $0x480;
	s19 =	sadd.s32 $0x10, s16  }
0x1c1: {  	[hbm4b:s19+s6] =	stream.linear.scatter [tilespmem:s20], [sflag:$0x3], $0x80, $0x38;
	[tilespmem:$0x1E800] =	vst v63  }
0x1c2: {  	s31 =	simm.s32 $0x880;
	s26 =	sadd.s32 $0x20, s16  }
0x1c3: {  	[hbm4b:s26+s6] =	stream.linear.scatter [tilespmem:s31], [sflag:$0x3], $0x80, $0x38;
	[tilespmem:$0x1E800] =	vst v63  }
0x1c4: {  	s18 =	sadd.s32 $0x30, s16;
	s19 =	simm.s32 $0xC80  }
0x1c5: {  	[hbm4b:s18+s6] =	stream.linear.scatter [tilespmem:s19], [sflag:$0x3], $0x80, $0x38;
	[tilespmem:$0x1E800] =	vst v63  }
0x1c6: {  	s20 =	sadd.s32 $0x40, s16;
	s26 =	simm.s32 $0x1080  }
0x1c7: {  	[hbm4b:s20+s6] =	stream.linear.scatter [tilespmem:s26], [sflag:$0x3], $0x80, $0x38;
	[tilespmem:$0x1E800] =	vst v63  }
0x1c8: {  	_ =	swait.ge [sflag:s23], $0x280  }
0x1c9: {  	[sflag:s23] =	ssyncset.done $0x0  }
0x1ca: {  	s31 =	simm.s32 $0x100;
	s16 =	rddreg [dreg:$0x17];
	[sflag:s23] =	ssyncadd.s32 $0xFFFFFD80  }
0x1cb: {  	[hbm4b:s16+s6] =	stream.linear.scatter [tilespmem:s31], [sflag:$0x3], $0x80, $0x38;
	[tilespmem:$0x1E800] =	vst v63  }
0x1cc: {  	s18 =	simm.s32 $0x500;
	s17 =	sadd.s32 $0x10, s16  }
0x1cd: {  	[hbm4b:s17+s6] =	stream.linear.scatter [tilespmem:s18], [sflag:$0x3], $0x80, $0x38;
	[tilespmem:$0x1E800] =	vst v63  }
0x1ce: {  	s20 =	simm.s32 $0x900;
	s19 =	sadd.s32 $0x20, s16  }
0x1cf: {  	[hbm4b:s19+s6] =	stream.linear.scatter [tilespmem:s20], [sflag:$0x3], $0x80, $0x38;
	[tilespmem:$0x1E800] =	vst v63  }
0x1d0: {  	s26 =	sadd.s32 $0x30, s16;
	s31 =	simm.s32 $0xD00  }
0x1d1: {  	[hbm4b:s26+s6] =	stream.linear.scatter [tilespmem:s31], [sflag:$0x3], $0x80, $0x38;
	[tilespmem:$0x1E800] =	vst v63  }
0x1d2: {  	s16 =	sadd.s32 $0x40, s16;
	s17 =	simm.s32 $0x1100  }
0x1d3: {  	[hbm4b:s16+s6] =	stream.linear.scatter [tilespmem:s17], [sflag:$0x3], $0x80, $0x38;
	[tilespmem:$0x1E800] =	vst v63  }
0x1d4: {  	_ =	swait.ge [sflag:s23], $0x280  }
0x1d5: {  	[sflag:s23] =	ssyncset.done $0x0  }
0x1d6: {  	s18 =	simm.s32 $0x180;
	s16 =	rddreg [dreg:$0x18];
	[sflag:s23] =	ssyncadd.s32 $0xFFFFFD80  }
0x1d7: {  	[hbm4b:s16+s6] =	stream.linear.scatter [tilespmem:s18], [sflag:$0x3], $0x80, $0x38;
	[tilespmem:$0x1E800] =	vst v63  }
0x1d8: {  	s20 =	simm.s32 $0x580;
	s19 =	sadd.s32 $0x10, s16  }
0x1d9: {  	[hbm4b:s19+s6] =	stream.linear.scatter [tilespmem:s20], [sflag:$0x3], $0x80, $0x38;
	[tilespmem:$0x1E800] =	vst v63  }
0x1da: {  	s31 =	simm.s32 $0x980;
	s26 =	sadd.s32 $0x20, s16  }
0x1db: {  	[hbm4b:s26+s6] =	stream.linear.scatter [tilespmem:s31], [sflag:$0x3], $0x80, $0x38;
	[tilespmem:$0x1E800] =	vst v63  }
0x1dc: {  	s18 =	sadd.s32 $0x30, s16;
	s19 =	simm.s32 $0xD80  }
0x1dd: {  	[hbm4b:s18+s6] =	stream.linear.scatter [tilespmem:s19], [sflag:$0x3], $0x80, $0x38;
	[tilespmem:$0x1E800] =	vst v63  }
0x1de: {  	s20 =	sadd.s32 $0x40, s16;
	s26 =	simm.s32 $0x1180  }
0x1df: {  	[hbm4b:s20+s6] =	stream.linear.scatter [tilespmem:s26], [sflag:$0x3], $0x80, $0x38;
	[tilespmem:$0x1E800] =	vst v63  }
0x1e0: {  	_ =	swait.ge [sflag:s23], $0x280  }
0x1e1: {  	[sflag:s23] =	ssyncset.done $0x0  }
0x1e2: {  	s31 =	simm.s32 $0x200;
	s16 =	rddreg [dreg:$0x19];
	[sflag:s23] =	ssyncadd.s32 $0xFFFFFD80  }
0x1e3: {  	[hbm4b:s16+s6] =	stream.linear.scatter [tilespmem:s31], [sflag:$0x3], $0x80, $0x38;
	[tilespmem:$0x1E800] =	vst v63  }
0x1e4: {  	s18 =	simm.s32 $0x600;
	s17 =	sadd.s32 $0x10, s16  }
0x1e5: {  	[hbm4b:s17+s6] =	stream.linear.scatter [tilespmem:s18], [sflag:$0x3], $0x80, $0x38;
	[tilespmem:$0x1E800] =	vst v63  }
0x1e6: {  	s20 =	simm.s32 $0xA00;
	s19 =	sadd.s32 $0x20, s16  }
0x1e7: {  	[hbm4b:s19+s6] =	stream.linear.scatter [tilespmem:s20], [sflag:$0x3], $0x80, $0x38;
	[tilespmem:$0x1E800] =	vst v63  }
0x1e8: {  	s26 =	sadd.s32 $0x30, s16;
	s31 =	simm.s32 $0xE00  }
0x1e9: {  	[hbm4b:s26+s6] =	stream.linear.scatter [tilespmem:s31], [sflag:$0x3], $0x80, $0x38;
	[tilespmem:$0x1E800] =	vst v63  }
0x1ea: {  	s16 =	sadd.s32 $0x40, s16;
	s17 =	simm.s32 $0x1200  }
0x1eb: {  	[hbm4b:s16+s6] =	stream.linear.scatter [tilespmem:s17], [sflag:$0x3], $0x80, $0x38;
	[tilespmem:$0x1E800] =	vst v63  }
0x1ec: {  	_ =	swait.ge [sflag:s23], $0x280  }
0x1ed: {  	[sflag:s23] =	ssyncset.done $0x0  }
0x1ee: {  	s18 =	simm.s32 $0x280;
	s16 =	rddreg [dreg:$0x1a];
	[sflag:s23] =	ssyncadd.s32 $0xFFFFFD80  }
0x1ef: {  	[hbm4b:s16+s6] =	stream.linear.scatter [tilespmem:s18], [sflag:$0x3], $0x80, $0x38;
	[tilespmem:$0x1E800] =	vst v63  }
0x1f0: {  	s20 =	simm.s32 $0x680;
	s19 =	sadd.s32 $0x10, s16  }
0x1f1: {  	[hbm4b:s19+s6] =	stream.linear.scatter [tilespmem:s20], [sflag:$0x3], $0x80, $0x38;
	[tilespmem:$0x1E800] =	vst v63  }
0x1f2: {  	s31 =	simm.s32 $0xA80;
	s26 =	sadd.s32 $0x20, s16  }
0x1f3: {  	[hbm4b:s26+s6] =	stream.linear.scatter [tilespmem:s31], [sflag:$0x3], $0x80, $0x38;
	[tilespmem:$0x1E800] =	vst v63  }
0x1f4: {  	s18 =	sadd.s32 $0x30, s16;
	s19 =	simm.s32 $0xE80  }
0x1f5: {  	[hbm4b:s18+s6] =	stream.linear.scatter [tilespmem:s19], [sflag:$0x3], $0x80, $0x38;
	[tilespmem:$0x1E800] =	vst v63  }
0x1f6: {  	s20 =	sadd.s32 $0x40, s16;
	s26 =	simm.s32 $0x1280  }
0x1f7: {  	[hbm4b:s20+s6] =	stream.linear.scatter [tilespmem:s26], [sflag:$0x3], $0x80, $0x38;
	[tilespmem:$0x1E800] =	vst v63  }
0x1f8: {  	_ =	swait.ge [sflag:s23], $0x280  }
0x1f9: {  	[sflag:s23] =	ssyncset.done $0x0  }
0x1fa: {  	s31 =	simm.s32 $0x300;
	s16 =	rddreg [dreg:$0x1b];
	[sflag:s23] =	ssyncadd.s32 $0xFFFFFD80  }
0x1fb: {  	[hbm4b:s16+s6] =	stream.linear.scatter [tilespmem:s31], [sflag:$0x3], $0x80, $0x38;
	[tilespmem:$0x1E800] =	vst v63  }
0x1fc: {  	s18 =	simm.s32 $0x700;
	s17 =	sadd.s32 $0x10, s16  }
0x1fd: {  	[hbm4b:s17+s6] =	stream.linear.scatter [tilespmem:s18], [sflag:$0x3], $0x80, $0x38;
	[tilespmem:$0x1E800] =	vst v63  }
0x1fe: {  	s20 =	simm.s32 $0xB00;
	s19 =	sadd.s32 $0x20, s16  }
0x1ff: {  	[hbm4b:s19+s6] =	stream.linear.scatter [tilespmem:s20], [sflag:$0x3], $0x80, $0x38;
	[tilespmem:$0x1E800] =	vst v63  }
0x200: {  	s26 =	sadd.s32 $0x30, s16;
	s31 =	simm.s32 $0xF00  }
0x201: {  	[hbm4b:s26+s6] =	stream.linear.scatter [tilespmem:s31], [sflag:$0x3], $0x80, $0x38;
	[tilespmem:$0x1E800] =	vst v63  }
0x202: {  	s18 =	sadd.s32 $0x40, s16;
	s19 =	simm.s32 $0x1300  }
0x203: {  	[hbm4b:s18+s6] =	stream.linear.scatter [tilespmem:s19], [sflag:$0x3], $0x80, $0x38;
	[tilespmem:$0x1E800] =	vst v63  }
0x204: {  	_ =	swait.ge [sflag:s23], $0x280  }
0x205: {  	[sflag:s23] =	ssyncset.done $0x0  }
0x206: {  	s20 =	simm.s32 $0x380;
	s16 =	rddreg [dreg:$0x1c];
	[sflag:s23] =	ssyncadd.s32 $0xFFFFFD80  }
0x207: {  	[hbm4b:s16+s6] =	stream.linear.scatter [tilespmem:s20], [sflag:$0x3], $0x80, $0x38;
	[tilespmem:$0x1E800] =	vst v63  }
0x208: {  	s31 =	simm.s32 $0x780;
	s26 =	sadd.s32 $0x10, s16  }
0x209: {  	[hbm4b:s26+s6] =	stream.linear.scatter [tilespmem:s31], [sflag:$0x3], $0x80, $0x38;
	[tilespmem:$0x1E800] =	vst v63  }
0x20a: {  	s18 =	simm.s32 $0xB80;
	s17 =	sadd.s32 $0x20, s16  }
0x20b: {  	[hbm4b:s17+s6] =	stream.linear.scatter [tilespmem:s18], [sflag:$0x3], $0x80, $0x38;
	[tilespmem:$0x1E800] =	vst v63  }
0x20c: {  	s19 =	sadd.s32 $0x30, s16;
	s20 =	simm.s32 $0xF80  }
0x20d: {  	[hbm4b:s19+s6] =	stream.linear.scatter [tilespmem:s20], [sflag:$0x3], $0x80, $0x38;
	[tilespmem:$0x1E800] =	vst v63  }
0x20e: {  	s26 =	sadd.s32 $0x40, s16;
	s31 =	simm.s32 $0x1380  }
0x20f: {  	[hbm4b:s26+s6] =	stream.linear.scatter [tilespmem:s31], [sflag:$0x3], $0x80, $0x38;
	[tilespmem:$0x1E800] =	vst v63  }
0x210: {  	_ =	swait.ge [sflag:s23], $0x280  }
0x211: {  	[sflag:s23] =	ssyncset.done $0x0  }
0x212: {  	[sflag:s23] =	ssyncadd.s32 $0xFFFFFD80  }
.LBB2_62:
.Ltmp26:
0x213: {  	(pc) =	sbr.rel @p4 .LBB2_83-.Ltmp26, $1  }
0x214: {  	_ =	sdelay $0x3  }
.LBB2_63:
0x215: {  	s26 =	simm.s32 $0x0;
	s15 =	rddreg [dreg:$0x11]  }
0x216: {  	[tilespmem:s26], [sflag:$0x1] =	stream.linear.gather [hbm4b:s15+s26], $0xF400, $0x38;
	[tilespmem:$0x1E800] =	vst v63  }
.LBB2_64:
0x217: {  	p5 =	seq.s32 s26, $0x0  }
0x218: {  	s16 =	simm.s32 @!p5 $0x2  }
0x219: {  	_ =	swait.ge @!p5 [sflag:s16], $0x1E80  }
0x21a: {  	[sflag:s16] =	ssyncset.done @!p5 $0x0  }
0x21b: {  	[sflag:s16] =	ssyncadd.s32 @!p5 $0xFFFFE180  }
0x21c: {  	_ =	swait.ge @!p5 [sflag:s16], $0x1E80  }
0x21d: {  	[sflag:s16] =	ssyncset.done @!p5 $0x0  }
0x21e: {  	[sflag:s16] =	ssyncadd.s32 @!p5 $0xFFFFE180  }
0x21f: {  	_ =	swait.ge @!p5 [sflag:s16], $0x1E80  }
0x220: {  	[sflag:s16] =	ssyncset.done @!p5 $0x0  }
0x221: {  	[sflag:s16] =	ssyncadd.s32 @!p5 $0xFFFFE180  }
0x222: {  	_ =	swait.ge @!p5 [sflag:s16], $0x1E80  }
0x223: {  	[sflag:s16] =	ssyncset.done @!p5 $0x0  }
0x224: {  	[sflag:s16] =	ssyncadd.s32 @!p5 $0xFFFFE180  }
0x225: {  	_ =	swait.ge @!p5 [sflag:s16], $0x1E80  }
0x226: {  	[sflag:s16] =	ssyncset.done @!p5 $0x0  }
0x227: {  	[sflag:s16] =	ssyncadd.s32 @!p5 $0xFFFFE180  }
0x228: {  	_ =	swait.ge @!p5 [sflag:s16], $0x1E80  }
0x229: {  	[sflag:s16] =	ssyncset.done @!p5 $0x0  }
0x22a: {  	[sflag:s16] =	ssyncadd.s32 @!p5 $0xFFFFE180  }
0x22b: {  	_ =	swait.ge @!p5 [sflag:s16], $0x1E80  }
0x22c: {  	[sflag:s16] =	ssyncset.done @!p5 $0x0  }
0x22d: {  	p6 =	seq.s32 @!p5 s26, $0x3F;
	[sflag:s16] =	ssyncadd.s32 @!p5 $0xFFFFE180  }
0x22e: {  	p6 =	por p5, !p6;
	_ =	swait.ge @!p5 [sflag:s16], $0x1E80  }
0x22f: {  	s15 =	sor.u32 s12, s26;
	s17 =	sxor.u32 @p6 $0xFFFFFFFF, s26;
	[sflag:s16] =	ssyncset.done @!p5 $0x0  }
0x230: {  	s17 =	sand.u32 @p6 $0x1, s17;
	[sflag:s16] =	ssyncadd.s32 @!p5 $0xFFFFE180;
	s16 =	smul.u32 @p6 $0xF400, s15  }
0x231: {  	s17 =	smul.u32 @p6 $0x3D000, s17  }
0x232: {  	s15 =	smul.u32 $0x1E80, s15;
	s16 =	sadd.s32 @p6 s16, s14  }
0x233: {  	s20 =	sand.u32 $0x1, s26;
	s16 =	sshrl.u32 @p6 s16, $0x3  }
0x234: {  	s17 =	sshrl.u32 @p6 s17, $0x2;
	s19 =	sadd.s32 s7, s15;
	s16 =	sadd.s32 @p6 s5, s16  }
0x235: {  	[tilespmem:s17], [sflag:$0x1] =	stream.linear.gather @p6 [hbm4b:s16+s6], $0xF400, $0x38;
	[tilespmem:$0x1E800] =	vst v63  }
0x236: {  	p5 =	seq.s32 s20, $0x1;
	s18 =	sshrl.u32 s19, $0x3;
	s16 =	simm.s32 $0xF400  }
0x237: {  	s17 =	sadd.s32 s11, s18;
	s18 =	simm.s32 $0x10;
	_ =	swait.ge [sflag:s21], $0xF400  }
0x238: {  	s16 =	simm.s32 @!p5 $0x0;
	s31 =	sadd.s32 $0x0, s17;
	[sflag:s21] =	ssyncset.done $0x0  }
0x239: {  	s19 =	sadd.s32 $0x400, s16;
	s20 =	smov.u32 s16;
	[sflag:s21] =	ssyncadd.s32 $0xFFFF0C00  }
.LBB2_65:
0x23a: {  	[hbm4b:s31+s6] =	stream.linear.scatter [tilespmem:s20], [sflag:$0x2], $0x80, $0x38;
	[tilespmem:$0x1E800] =	vst v63  }
0x23b: {  	s31 =	smov.u32 s18;
	s20 =	smov.u32 s19;
	p5 =	sne.s32 s18, $0x3C0  }
.Ltmp27:
0x23c: {  	s18 =	sadd.s32 $0x10, s18;
	(pc) =	sbr.rel @p5 .LBB2_65-.Ltmp27, $2  }
0x23d: {  	_ =	sdelay $0x2  }
0x23e: {  	s19 =	sadd.s32 $0x400, s19;
	s31 =	sadd.s32 s31, s17  }
0x23f: {  	[hbm4b:s31+s6] =	stream.linear.scatter [tilespmem:s20], [sflag:$0x2], $0x80, $0x38;
	[tilespmem:$0x1E800] =	vst v63  }
0x240: {  	s17 =	sadd.s32 s15, s24  }
0x241: {  	s17 =	sshrl.u32 s17, $0x3  }
0x242: {  	s18 =	sadd.s32 $0x80, s16;
	s17 =	sadd.s32 s11, s17  }
0x243: {  	s19 =	simm.s32 $0x10;
	s20 =	sadd.s32 $0x400, s18;
	s31 =	sadd.s32 $0x0, s17  }
.LBB2_67:
0x244: {  	[hbm4b:s31+s6] =	stream.linear.scatter [tilespmem:s18], [sflag:$0x2], $0x80, $0x38;
	[tilespmem:$0x1E800] =	vst v63  }
0x245: {  	s31 =	smov.u32 s19;
	s18 =	smov.u32 s20;
	p5 =	sne.s32 s19, $0x3C0  }
.Ltmp28:
0x246: {  	s19 =	sadd.s32 $0x10, s19;
	(pc) =	sbr.rel @p5 .LBB2_67-.Ltmp28, $2  }
0x247: {  	_ =	sdelay $0x2  }
0x248: {  	s20 =	sadd.s32 $0x400, s20;
	s31 =	sadd.s32 s31, s17  }
0x249: {  	[hbm4b:s31+s6] =	stream.linear.scatter [tilespmem:s18], [sflag:$0x2], $0x80, $0x38;
	[tilespmem:$0x1E800] =	vst v63  }
0x24a: {  	s17 =	sadd.s32 s15, s29  }
0x24b: {  	s17 =	sshrl.u32 s17, $0x3  }
0x24c: {  	s18 =	sadd.s32 $0x100, s16;
	s17 =	sadd.s32 s11, s17  }
0x24d: {  	s19 =	simm.s32 $0x10;
	s20 =	sadd.s32 $0x400, s18;
	s31 =	sadd.s32 $0x0, s17  }
.LBB2_69:
0x24e: {  	[hbm4b:s31+s6] =	stream.linear.scatter [tilespmem:s18], [sflag:$0x2], $0x80, $0x38;
	[tilespmem:$0x1E800] =	vst v63  }
0x24f: {  	s31 =	smov.u32 s19;
	s18 =	smov.u32 s20;
	p5 =	sne.s32 s19, $0x3C0  }
.Ltmp29:
0x250: {  	s19 =	sadd.s32 $0x10, s19;
	(pc) =	sbr.rel @p5 .LBB2_69-.Ltmp29, $2  }
0x251: {  	_ =	sdelay $0x2  }
0x252: {  	s20 =	sadd.s32 $0x400, s20;
	s31 =	sadd.s32 s31, s17  }
0x253: {  	[hbm4b:s31+s6] =	stream.linear.scatter [tilespmem:s18], [sflag:$0x2], $0x80, $0x38;
	[tilespmem:$0x1E800] =	vst v63  }
0x254: {  	s17 =	sadd.s32 s15, s30  }
0x255: {  	s17 =	sshrl.u32 s17, $0x3  }
0x256: {  	s18 =	sadd.s32 $0x180, s16;
	s17 =	sadd.s32 s11, s17  }
0x257: {  	s19 =	simm.s32 $0x10;
	s20 =	sadd.s32 $0x400, s18;
	s31 =	sadd.s32 $0x0, s17  }
.LBB2_71:
0x258: {  	[hbm4b:s31+s6] =	stream.linear.scatter [tilespmem:s18], [sflag:$0x2], $0x80, $0x38;
	[tilespmem:$0x1E800] =	vst v63  }
0x259: {  	s31 =	smov.u32 s19;
	s18 =	smov.u32 s20;
	p5 =	sne.s32 s19, $0x3C0  }
.Ltmp30:
0x25a: {  	s19 =	sadd.s32 $0x10, s19;
	(pc) =	sbr.rel @p5 .LBB2_71-.Ltmp30, $2  }
0x25b: {  	_ =	sdelay $0x2  }
0x25c: {  	s20 =	sadd.s32 $0x400, s20;
	s31 =	sadd.s32 s31, s17  }
0x25d: {  	[hbm4b:s31+s6] =	stream.linear.scatter [tilespmem:s18], [sflag:$0x2], $0x80, $0x38;
	[tilespmem:$0x1E800] =	vst v63  }
0x25e: {  	s17 =	sadd.s32 s15, s0  }
0x25f: {  	s17 =	sshrl.u32 s17, $0x3  }
0x260: {  	s18 =	sadd.s32 $0x200, s16;
	s17 =	sadd.s32 s11, s17  }
0x261: {  	s19 =	simm.s32 $0x10;
	s20 =	sadd.s32 $0x400, s18;
	s31 =	sadd.s32 $0x0, s17  }
.LBB2_73:
0x262: {  	[hbm4b:s31+s6] =	stream.linear.scatter [tilespmem:s18], [sflag:$0x2], $0x80, $0x38;
	[tilespmem:$0x1E800] =	vst v63  }
0x263: {  	s31 =	smov.u32 s19;
	s18 =	smov.u32 s20;
	p5 =	sne.s32 s19, $0x3C0  }
.Ltmp31:
0x264: {  	s19 =	sadd.s32 $0x10, s19;
	(pc) =	sbr.rel @p5 .LBB2_73-.Ltmp31, $2  }
0x265: {  	_ =	sdelay $0x2  }
0x266: {  	s20 =	sadd.s32 $0x400, s20;
	s31 =	sadd.s32 s31, s17  }
0x267: {  	[hbm4b:s31+s6] =	stream.linear.scatter [tilespmem:s18], [sflag:$0x2], $0x80, $0x38;
	[tilespmem:$0x1E800] =	vst v63  }
0x268: {  	s17 =	sadd.s32 s15, s3  }
0x269: {  	s17 =	sshrl.u32 s17, $0x3  }
0x26a: {  	s18 =	sadd.s32 $0x280, s16;
	s17 =	sadd.s32 s11, s17  }
0x26b: {  	s19 =	simm.s32 $0x10;
	s20 =	sadd.s32 $0x400, s18;
	s31 =	sadd.s32 $0x0, s17  }
.LBB2_75:
0x26c: {  	[hbm4b:s31+s6] =	stream.linear.scatter [tilespmem:s18], [sflag:$0x2], $0x80, $0x38;
	[tilespmem:$0x1E800] =	vst v63  }
0x26d: {  	s31 =	smov.u32 s19;
	s18 =	smov.u32 s20;
	p5 =	sne.s32 s19, $0x3C0  }
.Ltmp32:
0x26e: {  	s19 =	sadd.s32 $0x10, s19;
	(pc) =	sbr.rel @p5 .LBB2_75-.Ltmp32, $2  }
0x26f: {  	_ =	sdelay $0x2  }
0x270: {  	s20 =	sadd.s32 $0x400, s20;
	s31 =	sadd.s32 s31, s17  }
0x271: {  	[hbm4b:s31+s6] =	stream.linear.scatter [tilespmem:s18], [sflag:$0x2], $0x80, $0x38;
	[tilespmem:$0x1E800] =	vst v63  }
0x272: {  	s17 =	sadd.s32 s15, s13  }
0x273: {  	s17 =	sshrl.u32 s17, $0x3  }
0x274: {  	s18 =	sadd.s32 $0x300, s16;
	s17 =	sadd.s32 s11, s17  }
0x275: {  	s19 =	simm.s32 $0x10;
	s20 =	sadd.s32 $0x400, s18;
	s31 =	sadd.s32 $0x0, s17  }
.LBB2_77:
0x276: {  	[hbm4b:s31+s6] =	stream.linear.scatter [tilespmem:s18], [sflag:$0x2], $0x80, $0x38;
	[tilespmem:$0x1E800] =	vst v63  }
0x277: {  	s31 =	smov.u32 s19;
	s18 =	smov.u32 s20;
	p5 =	sne.s32 s19, $0x3C0  }
.Ltmp33:
0x278: {  	s19 =	sadd.s32 $0x10, s19;
	(pc) =	sbr.rel @p5 .LBB2_77-.Ltmp33, $2  }
0x279: {  	_ =	sdelay $0x2  }
0x27a: {  	s20 =	sadd.s32 $0x400, s20;
	s31 =	sadd.s32 s31, s17  }
0x27b: {  	[hbm4b:s31+s6] =	stream.linear.scatter [tilespmem:s18], [sflag:$0x2], $0x80, $0x38;
	[tilespmem:$0x1E800] =	vst v63  }
0x27c: {  	s15 =	sadd.s32 s15, s25  }
0x27d: {  	s15 =	sshrl.u32 s15, $0x3  }
0x27e: {  	s16 =	sadd.s32 $0x380, s16;
	s15 =	sadd.s32 s11, s15  }
0x27f: {  	s17 =	simm.s32 $0x10;
	s18 =	sadd.s32 $0x400, s16;
	s19 =	sadd.s32 $0x0, s15  }
.LBB2_79:
0x280: {  	[hbm4b:s19+s6] =	stream.linear.scatter [tilespmem:s16], [sflag:$0x2], $0x80, $0x38;
	[tilespmem:$0x1E800] =	vst v63  }
0x281: {  	s19 =	smov.u32 s17;
	s16 =	smov.u32 s18;
	p5 =	sne.s32 s17, $0x3C0  }
.Ltmp34:
0x282: {  	s17 =	sadd.s32 $0x10, s17;
	(pc) =	sbr.rel @p5 .LBB2_79-.Ltmp34, $2  }
0x283: {  	_ =	sdelay $0x2  }
0x284: {  	s18 =	sadd.s32 $0x400, s18;
	s19 =	sadd.s32 s19, s15  }
0x285: {  	s26 =	sadd.s32 $0x1, s26  }
0x286: {  	p5 =	sne.s32 s26, $0x40  }
.Ltmp35:
0x287: {  	_ = 	snop;
	(pc) =	sbr.rel @p5 .LBB2_64-.Ltmp35, $2  }
0x288: {  	_ =	sdelay $0x2  }
0x289: {  	[hbm4b:s19+s6] =	stream.linear.scatter [tilespmem:s16], [sflag:$0x2], $0x80, $0x38;
	[tilespmem:$0x1E800] =	vst v63  }
0x28a: {  	_ =	swait.ge [sflag:s22], $0x1E80  }
0x28b: {  	[sflag:s22] =	ssyncset.done $0x0  }
0x28c: {  	[sflag:s22] =	ssyncadd.s32 $0xFFFFE180  }
0x28d: {  	_ =	swait.ge [sflag:s22], $0x1E80  }
0x28e: {  	[sflag:s22] =	ssyncset.done $0x0  }
0x28f: {  	[sflag:s22] =	ssyncadd.s32 $0xFFFFE180  }
0x290: {  	_ =	swait.ge [sflag:s22], $0x1E80  }
0x291: {  	[sflag:s22] =	ssyncset.done $0x0  }
0x292: {  	[sflag:s22] =	ssyncadd.s32 $0xFFFFE180  }
0x293: {  	_ =	swait.ge [sflag:s22], $0x1E80  }
0x294: {  	[sflag:s22] =	ssyncset.done $0x0  }
0x295: {  	[sflag:s22] =	ssyncadd.s32 $0xFFFFE180  }
0x296: {  	_ =	swait.ge [sflag:s22], $0x1E80  }
0x297: {  	[sflag:s22] =	ssyncset.done $0x0  }
0x298: {  	[sflag:s22] =	ssyncadd.s32 $0xFFFFE180  }
0x299: {  	_ =	swait.ge [sflag:s22], $0x1E80  }
0x29a: {  	[sflag:s22] =	ssyncset.done $0x0  }
0x29b: {  	[sflag:s22] =	ssyncadd.s32 $0xFFFFE180  }
0x29c: {  	_ =	swait.ge [sflag:s22], $0x1E80  }
.Ltmp36:
0x29d: {  	[sflag:s22] =	ssyncset.done $0x0;
	(pc) =	sbr.rel @p0 .LBB2_83-.Ltmp36, $4  }
.Ltmp37:
0x29e: {  	[sflag:s22] =	ssyncadd.s32 $0xFFFFE180;
	(pc) =	sbr.rel @!p0 .LBB2_82-.Ltmp37, $4  }
0x29f: {  	_ =	swait.ge [sflag:s22], $0x1E80  }
0x2a0: {  	[sflag:s22] =	ssyncset.done $0x0  }
0x2a1: {  	s16 =	smov.u32 s5;
	s15 =	smov.u32 s11;
	[sflag:s22] =	ssyncadd.s32 $0xFFFFE180  }
0x2a2: {  	_ = 	snop  }
.LBB2_22:
0x2a3: {  	s15 =	rddreg [dreg:$0x6]  }
0x2a4: {  	[tilespmem:s26], [sflag:$0x1] =	stream.linear.gather [hbm4b:s15+s26], $0xF400, $0x38;
	[tilespmem:$0x1E800] =	vst v63  }
.LBB2_23:
0x2a5: {  	p5 =	seq.s32 s26, $0x0  }
0x2a6: {  	s16 =	simm.s32 @!p5 $0x2  }
0x2a7: {  	_ =	swait.ge @!p5 [sflag:s16], $0x1E80  }
0x2a8: {  	[sflag:s16] =	ssyncset.done @!p5 $0x0  }
0x2a9: {  	[sflag:s16] =	ssyncadd.s32 @!p5 $0xFFFFE180  }
0x2aa: {  	_ =	swait.ge @!p5 [sflag:s16], $0x1E80  }
0x2ab: {  	[sflag:s16] =	ssyncset.done @!p5 $0x0  }
0x2ac: {  	[sflag:s16] =	ssyncadd.s32 @!p5 $0xFFFFE180  }
0x2ad: {  	_ =	swait.ge @!p5 [sflag:s16], $0x1E80  }
0x2ae: {  	[sflag:s16] =	ssyncset.done @!p5 $0x0  }
0x2af: {  	[sflag:s16] =	ssyncadd.s32 @!p5 $0xFFFFE180  }
0x2b0: {  	_ =	swait.ge @!p5 [sflag:s16], $0x1E80  }
0x2b1: {  	[sflag:s16] =	ssyncset.done @!p5 $0x0  }
0x2b2: {  	[sflag:s16] =	ssyncadd.s32 @!p5 $0xFFFFE180  }
0x2b3: {  	_ =	swait.ge @!p5 [sflag:s16], $0x1E80  }
0x2b4: {  	[sflag:s16] =	ssyncset.done @!p5 $0x0  }
0x2b5: {  	[sflag:s16] =	ssyncadd.s32 @!p5 $0xFFFFE180  }
0x2b6: {  	_ =	swait.ge @!p5 [sflag:s16], $0x1E80  }
0x2b7: {  	[sflag:s16] =	ssyncset.done @!p5 $0x0  }
0x2b8: {  	[sflag:s16] =	ssyncadd.s32 @!p5 $0xFFFFE180  }
0x2b9: {  	_ =	swait.ge @!p5 [sflag:s16], $0x1E80  }
0x2ba: {  	[sflag:s16] =	ssyncset.done @!p5 $0x0  }
0x2bb: {  	p6 =	seq.s32 @!p5 s26, $0x3F;
	[sflag:s16] =	ssyncadd.s32 @!p5 $0xFFFFE180  }
0x2bc: {  	p6 =	por p5, !p6;
	_ =	swait.ge @!p5 [sflag:s16], $0x1E80  }
0x2bd: {  	s15 =	sor.u32 s12, s26;
	s17 =	sxor.u32 @p6 $0xFFFFFFFF, s26;
	[sflag:s16] =	ssyncset.done @!p5 $0x0  }
0x2be: {  	s17 =	sand.u32 @p6 $0x1, s17;
	[sflag:s16] =	ssyncadd.s32 @!p5 $0xFFFFE180;
	s16 =	smul.u32 @p6 $0xF400, s15  }
0x2bf: {  	s17 =	smul.u32 @p6 $0x3D000, s17  }
0x2c0: {  	s15 =	smul.u32 $0x1E80, s15;
	s16 =	sadd.s32 @p6 s16, s14  }
0x2c1: {  	s20 =	sand.u32 $0x1, s26;
	s16 =	sshrl.u32 @p6 s16, $0x3  }
0x2c2: {  	s17 =	sshrl.u32 @p6 s17, $0x2;
	s19 =	sadd.s32 s7, s15;
	s16 =	sadd.s32 @p6 s2, s16  }
0x2c3: {  	[tilespmem:s17], [sflag:$0x1] =	stream.linear.gather @p6 [hbm4b:s16+s6], $0xF400, $0x38;
	[tilespmem:$0x1E800] =	vst v63  }
0x2c4: {  	p5 =	seq.s32 s20, $0x1;
	s18 =	sshrl.u32 s19, $0x3;
	s16 =	simm.s32 $0xF400  }
0x2c5: {  	s17 =	sadd.s32 s9, s18;
	s18 =	simm.s32 $0x10;
	_ =	swait.ge [sflag:s21], $0xF400  }
0x2c6: {  	s16 =	simm.s32 @!p5 $0x0;
	s31 =	sadd.s32 $0x0, s17;
	[sflag:s21] =	ssyncset.done $0x0  }
0x2c7: {  	s19 =	sadd.s32 $0x400, s16;
	s20 =	smov.u32 s16;
	[sflag:s21] =	ssyncadd.s32 $0xFFFF0C00  }
.LBB2_24:
0x2c8: {  	[hbm4b:s31+s6] =	stream.linear.scatter [tilespmem:s20], [sflag:$0x2], $0x80, $0x38;
	[tilespmem:$0x1E800] =	vst v63  }
0x2c9: {  	s31 =	smov.u32 s18;
	s20 =	smov.u32 s19;
	p5 =	sne.s32 s18, $0x3C0  }
.Ltmp38:
0x2ca: {  	s18 =	sadd.s32 $0x10, s18;
	(pc) =	sbr.rel @p5 .LBB2_24-.Ltmp38, $2  }
0x2cb: {  	_ =	sdelay $0x2  }
0x2cc: {  	s19 =	sadd.s32 $0x400, s19;
	s31 =	sadd.s32 s31, s17  }
0x2cd: {  	[hbm4b:s31+s6] =	stream.linear.scatter [tilespmem:s20], [sflag:$0x2], $0x80, $0x38;
	[tilespmem:$0x1E800] =	vst v63  }
0x2ce: {  	s17 =	sadd.s32 s15, s24  }
0x2cf: {  	s17 =	sshrl.u32 s17, $0x3  }
0x2d0: {  	s18 =	sadd.s32 $0x80, s16;
	s17 =	sadd.s32 s9, s17  }
0x2d1: {  	s19 =	simm.s32 $0x10;
	s20 =	sadd.s32 $0x400, s18;
	s31 =	sadd.s32 $0x0, s17  }
.LBB2_26:
0x2d2: {  	[hbm4b:s31+s6] =	stream.linear.scatter [tilespmem:s18], [sflag:$0x2], $0x80, $0x38;
	[tilespmem:$0x1E800] =	vst v63  }
0x2d3: {  	s31 =	smov.u32 s19;
	s18 =	smov.u32 s20;
	p5 =	sne.s32 s19, $0x3C0  }
.Ltmp39:
0x2d4: {  	s19 =	sadd.s32 $0x10, s19;
	(pc) =	sbr.rel @p5 .LBB2_26-.Ltmp39, $2  }
0x2d5: {  	_ =	sdelay $0x2  }
0x2d6: {  	s20 =	sadd.s32 $0x400, s20;
	s31 =	sadd.s32 s31, s17  }
0x2d7: {  	[hbm4b:s31+s6] =	stream.linear.scatter [tilespmem:s18], [sflag:$0x2], $0x80, $0x38;
	[tilespmem:$0x1E800] =	vst v63  }
0x2d8: {  	s17 =	sadd.s32 s15, s29  }
0x2d9: {  	s17 =	sshrl.u32 s17, $0x3  }
0x2da: {  	s18 =	sadd.s32 $0x100, s16;
	s17 =	sadd.s32 s9, s17  }
0x2db: {  	s19 =	simm.s32 $0x10;
	s20 =	sadd.s32 $0x400, s18;
	s31 =	sadd.s32 $0x0, s17  }
.LBB2_28:
0x2dc: {  	[hbm4b:s31+s6] =	stream.linear.scatter [tilespmem:s18], [sflag:$0x2], $0x80, $0x38;
	[tilespmem:$0x1E800] =	vst v63  }
0x2dd: {  	s31 =	smov.u32 s19;
	s18 =	smov.u32 s20;
	p5 =	sne.s32 s19, $0x3C0  }
.Ltmp40:
0x2de: {  	s19 =	sadd.s32 $0x10, s19;
	(pc) =	sbr.rel @p5 .LBB2_28-.Ltmp40, $2  }
0x2df: {  	_ =	sdelay $0x2  }
0x2e0: {  	s20 =	sadd.s32 $0x400, s20;
	s31 =	sadd.s32 s31, s17  }
0x2e1: {  	[hbm4b:s31+s6] =	stream.linear.scatter [tilespmem:s18], [sflag:$0x2], $0x80, $0x38;
	[tilespmem:$0x1E800] =	vst v63  }
0x2e2: {  	s17 =	sadd.s32 s15, s30  }
0x2e3: {  	s17 =	sshrl.u32 s17, $0x3  }
0x2e4: {  	s18 =	sadd.s32 $0x180, s16;
	s17 =	sadd.s32 s9, s17  }
0x2e5: {  	s19 =	simm.s32 $0x10;
	s20 =	sadd.s32 $0x400, s18;
	s31 =	sadd.s32 $0x0, s17  }
.LBB2_30:
0x2e6: {  	[hbm4b:s31+s6] =	stream.linear.scatter [tilespmem:s18], [sflag:$0x2], $0x80, $0x38;
	[tilespmem:$0x1E800] =	vst v63  }
0x2e7: {  	s31 =	smov.u32 s19;
	s18 =	smov.u32 s20;
	p5 =	sne.s32 s19, $0x3C0  }
.Ltmp41:
0x2e8: {  	s19 =	sadd.s32 $0x10, s19;
	(pc) =	sbr.rel @p5 .LBB2_30-.Ltmp41, $2  }
0x2e9: {  	_ =	sdelay $0x2  }
0x2ea: {  	s20 =	sadd.s32 $0x400, s20;
	s31 =	sadd.s32 s31, s17  }
0x2eb: {  	[hbm4b:s31+s6] =	stream.linear.scatter [tilespmem:s18], [sflag:$0x2], $0x80, $0x38;
	[tilespmem:$0x1E800] =	vst v63  }
0x2ec: {  	s17 =	sadd.s32 s15, s0  }
0x2ed: {  	s17 =	sshrl.u32 s17, $0x3  }
0x2ee: {  	s18 =	sadd.s32 $0x200, s16;
	s17 =	sadd.s32 s9, s17  }
0x2ef: {  	s19 =	simm.s32 $0x10;
	s20 =	sadd.s32 $0x400, s18;
	s31 =	sadd.s32 $0x0, s17  }
.LBB2_32:
0x2f0: {  	[hbm4b:s31+s6] =	stream.linear.scatter [tilespmem:s18], [sflag:$0x2], $0x80, $0x38;
	[tilespmem:$0x1E800] =	vst v63  }
0x2f1: {  	s31 =	smov.u32 s19;
	s18 =	smov.u32 s20;
	p5 =	sne.s32 s19, $0x3C0  }
.Ltmp42:
0x2f2: {  	s19 =	sadd.s32 $0x10, s19;
	(pc) =	sbr.rel @p5 .LBB2_32-.Ltmp42, $2  }
0x2f3: {  	_ =	sdelay $0x2  }
0x2f4: {  	s20 =	sadd.s32 $0x400, s20;
	s31 =	sadd.s32 s31, s17  }
0x2f5: {  	[hbm4b:s31+s6] =	stream.linear.scatter [tilespmem:s18], [sflag:$0x2], $0x80, $0x38;
	[tilespmem:$0x1E800] =	vst v63  }
0x2f6: {  	s17 =	sadd.s32 s15, s3  }
0x2f7: {  	s17 =	sshrl.u32 s17, $0x3  }
0x2f8: {  	s18 =	sadd.s32 $0x280, s16;
	s17 =	sadd.s32 s9, s17  }
0x2f9: {  	s19 =	simm.s32 $0x10;
	s20 =	sadd.s32 $0x400, s18;
	s31 =	sadd.s32 $0x0, s17  }
.LBB2_34:
0x2fa: {  	[hbm4b:s31+s6] =	stream.linear.scatter [tilespmem:s18], [sflag:$0x2], $0x80, $0x38;
	[tilespmem:$0x1E800] =	vst v63  }
0x2fb: {  	s31 =	smov.u32 s19;
	s18 =	smov.u32 s20;
	p5 =	sne.s32 s19, $0x3C0  }
.Ltmp43:
0x2fc: {  	s19 =	sadd.s32 $0x10, s19;
	(pc) =	sbr.rel @p5 .LBB2_34-.Ltmp43, $2  }
0x2fd: {  	_ =	sdelay $0x2  }
0x2fe: {  	s20 =	sadd.s32 $0x400, s20;
	s31 =	sadd.s32 s31, s17  }
0x2ff: {  	[hbm4b:s31+s6] =	stream.linear.scatter [tilespmem:s18], [sflag:$0x2], $0x80, $0x38;
	[tilespmem:$0x1E800] =	vst v63  }
0x300: {  	s17 =	sadd.s32 s15, s13  }
0x301: {  	s17 =	sshrl.u32 s17, $0x3  }
0x302: {  	s18 =	sadd.s32 $0x300, s16;
	s17 =	sadd.s32 s9, s17  }
0x303: {  	s19 =	simm.s32 $0x10;
	s20 =	sadd.s32 $0x400, s18;
	s31 =	sadd.s32 $0x0, s17  }
.LBB2_36:
0x304: {  	[hbm4b:s31+s6] =	stream.linear.scatter [tilespmem:s18], [sflag:$0x2], $0x80, $0x38;
	[tilespmem:$0x1E800] =	vst v63  }
0x305: {  	s31 =	smov.u32 s19;
	s18 =	smov.u32 s20;
	p5 =	sne.s32 s19, $0x3C0  }
.Ltmp44:
0x306: {  	s19 =	sadd.s32 $0x10, s19;
	(pc) =	sbr.rel @p5 .LBB2_36-.Ltmp44, $2  }
0x307: {  	_ =	sdelay $0x2  }
0x308: {  	s20 =	sadd.s32 $0x400, s20;
	s31 =	sadd.s32 s31, s17  }
0x309: {  	[hbm4b:s31+s6] =	stream.linear.scatter [tilespmem:s18], [sflag:$0x2], $0x80, $0x38;
	[tilespmem:$0x1E800] =	vst v63  }
0x30a: {  	s15 =	sadd.s32 s15, s25  }
0x30b: {  	s15 =	sshrl.u32 s15, $0x3  }
0x30c: {  	s16 =	sadd.s32 $0x380, s16;
	s15 =	sadd.s32 s9, s15  }
0x30d: {  	s17 =	simm.s32 $0x10;
	s18 =	sadd.s32 $0x400, s16;
	s19 =	sadd.s32 $0x0, s15  }
.LBB2_38:
0x30e: {  	[hbm4b:s19+s6] =	stream.linear.scatter [tilespmem:s16], [sflag:$0x2], $0x80, $0x38;
	[tilespmem:$0x1E800] =	vst v63  }
0x30f: {  	s19 =	smov.u32 s17;
	s16 =	smov.u32 s18;
	p5 =	sne.s32 s17, $0x3C0  }
.Ltmp45:
0x310: {  	s17 =	sadd.s32 $0x10, s17;
	(pc) =	sbr.rel @p5 .LBB2_38-.Ltmp45, $2  }
0x311: {  	_ =	sdelay $0x2  }
0x312: {  	s18 =	sadd.s32 $0x400, s18;
	s19 =	sadd.s32 s19, s15  }
0x313: {  	s26 =	sadd.s32 $0x1, s26  }
0x314: {  	p5 =	sne.s32 s26, $0x40  }
.Ltmp46:
0x315: {  	_ = 	snop;
	(pc) =	sbr.rel @p5 .LBB2_23-.Ltmp46, $2  }
0x316: {  	_ =	sdelay $0x2  }
0x317: {  	[hbm4b:s19+s6] =	stream.linear.scatter [tilespmem:s16], [sflag:$0x2], $0x80, $0x38;
	[tilespmem:$0x1E800] =	vst v63  }
0x318: {  	_ =	swait.ge [sflag:s22], $0x1E80  }
0x319: {  	[sflag:s22] =	ssyncset.done $0x0  }
0x31a: {  	[sflag:s22] =	ssyncadd.s32 $0xFFFFE180  }
0x31b: {  	_ =	swait.ge [sflag:s22], $0x1E80  }
0x31c: {  	[sflag:s22] =	ssyncset.done $0x0  }
0x31d: {  	[sflag:s22] =	ssyncadd.s32 $0xFFFFE180  }
0x31e: {  	_ =	swait.ge [sflag:s22], $0x1E80  }
0x31f: {  	[sflag:s22] =	ssyncset.done $0x0  }
0x320: {  	[sflag:s22] =	ssyncadd.s32 $0xFFFFE180  }
0x321: {  	_ =	swait.ge [sflag:s22], $0x1E80  }
0x322: {  	[sflag:s22] =	ssyncset.done $0x0  }
0x323: {  	[sflag:s22] =	ssyncadd.s32 $0xFFFFE180  }
0x324: {  	_ =	swait.ge [sflag:s22], $0x1E80  }
0x325: {  	[sflag:s22] =	ssyncset.done $0x0  }
0x326: {  	[sflag:s22] =	ssyncadd.s32 $0xFFFFE180  }
0x327: {  	_ =	swait.ge [sflag:s22], $0x1E80  }
0x328: {  	[sflag:s22] =	ssyncset.done $0x0  }
0x329: {  	[sflag:s22] =	ssyncadd.s32 $0xFFFFE180  }
0x32a: {  	_ =	swait.ge [sflag:s22], $0x1E80  }
.Ltmp47:
0x32b: {  	[sflag:s22] =	ssyncset.done $0x0;
	(pc) =	sbr.rel @p0 .LBB2_83-.Ltmp47, $4  }
.Ltmp48:
0x32c: {  	[sflag:s22] =	ssyncadd.s32 $0xFFFFE180;
	(pc) =	sbr.rel @!p0 .LBB2_82-.Ltmp48, $4  }
0x32d: {  	_ =	swait.ge [sflag:s22], $0x1E80  }
0x32e: {  	[sflag:s22] =	ssyncset.done $0x0  }
0x32f: {  	s16 =	smov.u32 s2;
	s15 =	smov.u32 s9;
	[sflag:s22] =	ssyncadd.s32 $0xFFFFE180  }
0x330: {  	_ = 	snop  }
.LBB2_84:
0x331: {  	_ =	sfence.sel $0x180000  }
0x332: {  	[bflag:$0x0] =	sbarrier.arrive $0xFFFF  }
0x333: {  	_ =	strace $0x90000047  }
0x334: {  	s0 =	stileid.u32;
	[bflag:$0x2] =	sbarrier.arrive $0xFFFF  }
0x335: {  	p0 =	sne.s32 s0, $0x0;
	s0 =	rddreg [dreg:$0x5]  }
0x336: {  	s0 =	sadd.s32 @!p0 $0x100000, s0  }
0x337: {  	[sflag:s0] =	ssyncadd.tile.s32 @!p0 $0x1;
	_ =	shalt  }
.Lfunc_end2:
_tile_overlayer_lowered:
.L_overlay_start_2:
0x338: {  	(tag) =	ssettag $0x2  }
0x339: {  	s0 =	rddreg [dreg:$0x0];
	s2 =	stileid.u32  }
0x33a: {  	s1 =	rddreg [dreg:$0x1];
	p0 =	sne.s32 s2, $0x0  }
0x33b: {  	s3 =	rddreg [dreg:$0x2];
	[bflag:$0x3] =	sbarrier.arrive $0xFFFF;
	s2 =	simm.s32 @!p0 $0x1C03  }
0x33c: {  	[timem:s3], [sflag:s2] =	dma.local @!p0 [hbm:s0], s1  }
0x33d: {  	s0 =	simm.s32 @!p0 $0x3  }
0x33e: {  	_ =	swait.ge @!p0 [sflag:s0], s1  }
0x33f: {  	s1 =	ssub.s32 @!p0 $0x0, s1;
	[sflag:s0] =	ssyncset.done @!p0 $0x0  }
0x340: {  	[sflag:s0] =	ssyncadd.s32 @!p0 s1  }
0x341: {  	[bflag:$0x3] =	sbarrier.arrive $0xFFFF  }
0x342: {  	_ =	shalt  }

// kernel: kernel.8.cloned.1.call-start
scs
__scs_entry_jumppad:
0x0: {  	(pc) =	sbr.rel $0x88, $3  }
0x1: {  	(tag) =	ssettag $0x0;
	lr =	simm.s32 $0x1  }
0x2: {  	[smem:$0x3F93] =	sst lr;
	_ =	strace $0xD0000000  }
0x3: {  	_ = 	snop  }
0x4: {  	_ = 	snop  }
0x5: {  	_ = 	snop  }
0x6: {  	_ = 	snop  }
0x7: {  	_ = 	snop  }
__scs_overlays_trampoline_lowered:
0x8: {  	[smem:$0x3FA2] =	sst s0  }
0x9: {  	[smem:$0x3FA3] =	sst s1  }
0xa: {  	[smem:$0x3FA4] =	sst s2  }
0xb: {  	[smem:$0x3FA5] =	sst s3  }
0xc: {  	[smem:$0x3FA6] =	sst s4  }
0xd: {  	[smem:$0x3FA7] =	sst s5  }
0xe: {  	[smem:$0x3FA8] =	sst s6  }
0xf: {  	[smem:$0x3FA9] =	sst s7  }
0x10: {  	[smem:$0x3FAA] =	sst s8  }
0x11: {  	[smem:$0x3FAB] =	sst s9;
	s0 =	simm.s32 @!p0 $0x0  }
0x12: {  	s1 =	sld [smem:$0x3F91];
	s0 =	simm.s32 @p0 $0x1  }
0x13: {  	[smem:$0x3FAC] =	sst s0;
	s0 =	simm.s32 @!p1 $0x0  }
0x14: {  	s2 =	sld [smem:$0x3F90];
	s0 =	simm.s32 @p1 $0x1  }
0x15: {  	[smem:$0x3FAD] =	sst s0;
	s0 =	simm.s32 @!p2 $0x0  }
0x16: {  	s3 =	sld [smem:$0x3FDB];
	s0 =	simm.s32 @p2 $0x1  }
0x17: {  	s4 =	simm.s32 $0x1BF5;
	[smem:$0x3FAF] =	sst s0  }
0x18: {  	s0 =	sld [smem:$0x3F92];
	_ =	swait.ge [sflag:s4], $0x0  }
0x19: {  	s7 =	sld [smem:$0x3F93]  }
0x1a: {  	s8 =	sadd.s32 $0xFFFFE003, lr  }
0x1b: {  	s9 =	sadd.s32 $0xFFFFFEF7, lr;
	s5 =	simm.s32 $0xFFFFFFFF;
	p2 =	slt.u32 s8, $0xFFFFF086  }
0x1c: {  	p1 =	slt.u32 s9, $0xF7A;
	s5 =	simm.s32 @!p2 $0x0  }
0x1d: {  	s5 =	simm.s32 @p1 $0x1;
	p0 =	seq.s32 s7, s2  }
0x1e: {  	s7 =	smul.u32 @!p0 $0xF7A, s2;
	p2 =	seq.s32 @!p0 s5, $0x0  }
0x1f: {  	s9 =	smul.u32 $0xF7A, s1;
	s8 =	simm.s32 @!p0 $0x1BF5;
	p2 =	por !p2, p0  }
0x20: {  	[sflag:s8] =	ssyncset.s32 @!p0 $0xFFFFF086;
	s6 =	sadd.s32 @!p0 s3, s7;
	s7 =	simm.s32 @!p0 $0x108  }
0x21: {  	s3 =	sadd.s32 s3, s9;
	s6 =	sadd.s32 @!p0 $0x88, s6;
	s7 =	simm.s32 @p2 $0x1082  }
0x22: {  	[simem:s7], [sflag:s8] =	dma.local @!p0 [hbm:s6], $0xF7A  }
0x23: {  	s9 =	sor.u32 $0xD0000000, s2;
	s6 =	simm.s32 $0x108;
	_ =	swait.ge @!p0 [sflag:s8], $0x0  }
0x24: {  	s3 =	sadd.s32 $0x88, s3;
	s6 =	simm.s32 @!p1 $0x1082;
	[sflag:s4] =	ssyncset.s32 $0xFFFFF086  }
0x25: {  	[simem:s6], [sflag:s4] =	dma.local [hbm:s3], $0xF7A  }
0x26: {  	[smem:$0x3F93] =	sst s1;
	(tag) =	ssettag s2;
	_ =	strace s9  }
0x27: {  	s1 =	sld [smem:$0x3FA3]  }
0x28: {  	s2 =	sld [smem:$0x3FA4]  }
0x29: {  	s4 =	sld [smem:$0x3FA6]  }
0x2a: {  	p0 =	seq.s32 s5, $0x0;
	s5 =	sld [smem:$0x3FA7]  }
0x2b: {  	s6 =	sld [smem:$0x3FA8]  }
0x2c: {  	s7 =	sld [smem:$0x3FA9]  }
0x2d: {  	s3 =	simm.s32 $0x108;
	s8 =	sld [smem:$0x3FAA]  }
0x2e: {  	s3 =	simm.s32 @!p0 $0x1082;
	s9 =	sld [smem:$0x3FAB]  }
0x2f: {  	lr =	sadd.s32 s0, s3;
	s0 =	sld [smem:$0x3FA2]  }
0x30: {  	s3 =	sld [smem:$0x3FA5]  }
0x31: {  	[smem:$0x3FAE] =	sst s10  }
0x32: {  	s10 =	sld [smem:$0x3FAC];
	_ =	sdelay $0x3  }
0x33: {  	p0 =	seq.s32 s10, $0x1;
	s10 =	sld [smem:$0x3FAE];
	_ =	sdelay $0x3  }
0x34: {  	[smem:$0x3FAE] =	sst s10  }
0x35: {  	s10 =	sld [smem:$0x3FAD];
	_ =	sdelay $0x3  }
0x36: {  	p1 =	seq.s32 s10, $0x1;
	s10 =	sld [smem:$0x3FAE];
	_ =	sdelay $0x3  }
0x37: {  	[smem:$0x3FAE] =	sst s10  }
0x38: {  	s10 =	sld [smem:$0x3FAF]  }
0x39: {  	_ = 	snop;
	(pc) =	sbr.ind lr, $3  }
0x3a: {  	_ = 	snop  }
0x3b: {  	_ = 	snop  }
0x3c: {  	p2 =	seq.s32 s10, $0x1;
	s10 =	sld [smem:$0x3FAE]  }
0x3d: {  	_ =	shalt  }
0x3e: {  	_ =	shalt  }
0x3f: {  	_ =	shalt  }
0x40: {  	_ =	shalt  }
0x41: {  	_ =	shalt  }
0x42: {  	_ =	shalt  }
0x43: {  	_ =	shalt  }
0x44: {  	_ =	shalt  }
0x45: {  	_ =	shalt  }
0x46: {  	_ =	shalt  }
0x47: {  	_ =	shalt  }
0x48: {  	_ =	shalt  }
0x49: {  	_ =	shalt  }
0x4a: {  	_ =	shalt  }
0x4b: {  	_ =	shalt  }
0x4c: {  	_ =	shalt  }
0x4d: {  	_ =	shalt  }
0x4e: {  	_ =	shalt  }
0x4f: {  	_ =	shalt  }
0x50: {  	_ =	shalt  }
0x51: {  	_ =	shalt  }
0x52: {  	_ =	shalt  }
0x53: {  	_ =	shalt  }
0x54: {  	_ =	shalt  }
0x55: {  	_ =	shalt  }
0x56: {  	_ =	shalt  }
0x57: {  	_ =	shalt  }
0x58: {  	_ =	shalt  }
0x59: {  	_ =	shalt  }
0x5a: {  	_ =	shalt  }
0x5b: {  	_ =	shalt  }
0x5c: {  	_ =	shalt  }
0x5d: {  	_ =	shalt  }
0x5e: {  	_ =	shalt  }
0x5f: {  	_ =	shalt  }
0x60: {  	_ =	shalt  }
0x61: {  	_ =	shalt  }
0x62: {  	_ =	shalt  }
0x63: {  	_ =	shalt  }
0x64: {  	_ =	shalt  }
0x65: {  	_ =	shalt  }
0x66: {  	_ =	shalt  }
0x67: {  	_ =	shalt  }
0x68: {  	_ =	shalt  }
0x69: {  	_ =	shalt  }
0x6a: {  	_ =	shalt  }
0x6b: {  	_ =	shalt  }
0x6c: {  	_ =	shalt  }
0x6d: {  	_ =	shalt  }
0x6e: {  	_ =	shalt  }
0x6f: {  	_ =	shalt  }
0x70: {  	_ =	shalt  }
0x71: {  	_ =	shalt  }
0x72: {  	_ =	shalt  }
0x73: {  	_ =	shalt  }
0x74: {  	_ =	shalt  }
0x75: {  	_ =	shalt  }
0x76: {  	_ =	shalt  }
0x77: {  	_ =	shalt  }
0x78: {  	_ =	shalt  }
0x79: {  	_ =	shalt  }
0x7a: {  	_ =	shalt  }
0x7b: {  	_ =	shalt  }
0x7c: {  	_ =	shalt  }
0x7d: {  	_ =	shalt  }
0x7e: {  	_ =	shalt  }
0x7f: {  	_ =	shalt  }
0x80: {  	_ =	shalt  }
0x81: {  	_ =	shalt  }
0x82: {  	_ =	shalt  }
0x83: {  	_ =	shalt  }
0x84: {  	_ =	shalt  }
0x85: {  	_ =	shalt  }
0x86: {  	_ =	shalt  }
0x87: {  	_ =	shalt  }
.Lfunc_end0:
.L_simem_size_0:
called_computation.1_lowered:
.L_overlay_start_0:
0x88: {  	s2 =	sld [smem:$0x3FD9]  }
0x89: {  	s3 =	sld [smem:$0x3FFE];
	_ =	sdelay $0x1  }
0x8a: {  	s1 =	srdreg.scid  }
0x8b: {  	s0 =	sand.u32 $0x1, s1  }
0x8c: {  	s17 =	sshll.u32 s0, $0xA;
	s2 =	sadd.s32 s3, s2  }
0x8d: {  	s2 =	sadd.s32 s2, s17  }
0x8e: {  	[smem:$0x3FBA] =	sst s2  }
0x8f: {  	_ = 	snop  }
0x90: {  	s2 =	sld [smem:$0x3FC9]  }
0x91: {  	s18 =	sld [smem:$0x3FC8];
	(tm) =	ssettm $0x1  }
0x92: {  	s4 =	sld [smem:$0x3FFB];
	_ =	sdelay $0x3  }
0x93: {  	_ =	strace s4  }
0x94: {  	s4 =	sld [smem:$0x3FFC];
	_ =	sdelay $0x3  }
0x95: {  	_ =	strace s4  }
0x96: {  	s4 =	sld [smem:$0x3FFD];
	_ =	sdelay $0x3  }
0x97: {  	_ =	strace s4  }
0x98: {  	_ =	strace $0x8FFFFFFF  }
0x99: {  	s19 =	sld [smem:$0x3FDB];
	_ =	sdelay $0x1  }
0x9a: {  	s5 =	simm.s32 $_scs_section_size  }
0x9b: {  	s6 =	simm.s32 $_size__tile_overlayer_lowered;
	s7 =	simm.s32 $_tile_overlayer_lowered  }
0x9c: {  	s22 =	simm.s32 $0x1BFF;
	s21 =	sshll.u32 s7, $0x1;
	s4 =	sadd.s32 s5, s19  }
0x9d: {  	s8 =	simm.s32 $0x0;
	s20 =	sshll.u32 s6, $0x1;
	s6 =	sadd.s32 s21, s4  }
0x9e: {  	[timem:s8], [sflag:s22] =	dma.local [hbm:s6], s20  }
0x9f: {  	_ =	swait.ge [sflag:s22], s20  }
0xa0: {  	s5 =	ssub.s32 $0x0, s20;
	[sflag:s22] =	ssyncset.done $0x0  }
0xa1: {  	[sflag:s22] =	ssyncadd.s32 s5;
	_ =	sdelay $0x1  }
0xa2: {  	s23 =	simm.s32 $0x1B8B  }
0xa3: {  	_ =	swait.ge [sflag:s23], $0x1  }
0xa4: {  	[sflag:s23] =	ssyncset.done $0x0  }
0xa5: {  	s25 =	simm.s32 $0x1B8E;
	s24 =	sld [smem:$0x3FFE];
	[sflag:s23] =	ssyncadd.s32 $0xFFFFFFFF  }
0xa6: {  	s26 =	simm.s32 $execute0_lowered;
	[smem:$0x3FD2] =	sst s25  }
0xa7: {  	s6 =	sshll.u32 s26, $0x1;
	_ =	strace $0x80000049;
	[dreg:$0x1] =	wrdreg $0xFFFFFFFF  }
0xa8: {  	s28 =	simm.s32 $_size_execute0_lowered;
	s4 =	sadd.s32 s4, s6;
	[dreg:$0x0] =	wrdreg $0x0  }
0xa9: {  	s6 =	sshll.u32 s28, $0x1;
	[dreg:$0x2] =	wrdreg s4  }
0xaa: {  	[dreg:$0x3] =	wrdreg s6  }
0xab: {  	[dreg:$0x4] =	wrdreg $0xC0  }
0xac: {  	_ =	task [dreg:s8], $0x5FFFF  }
0xad: {  	[dreg:$0x1] =	wrdreg $0xFFFFFFFF  }
0xae: {  	[dreg:$0x0] =	wrdreg $0x60  }
0xaf: {  	[dreg:$0x2] =	wrdreg s24  }
0xb0: {  	[dreg:$0x3] =	wrdreg s2  }
0xb1: {  	[dreg:$0x4] =	wrdreg s18  }
0xb2: {  	[dreg:$0x5] =	wrdreg $0x9  }
0xb3: {  	_ =	task.clear_ibuf [dreg:s8], $0x6FFFF;
	_ =	strace $0x90000049  }
0xb4: {  	s29 =	simm.s32 $0x9;
	_ =	strace $0x8000004B  }
0xb5: {  	_ =	swait.ge [sflag:s29], $0x1  }
0xb6: {  	[sflag:s29] =	ssyncadd.s32 $0xFFFFFFFF  }
0xb7: {  	_ =	strace $0x9000004B  }
0xb8: {  	_ =	sfence  }
0xb9: {  	s30 =	sld [smem:$0x0];
	_ =	sdelay $0x2  }
0xba: {  	s31 =	sshll.u32 s1, $0xD;
	s1 =	sshrl.u32 s1, $0x2  }
0xbb: {  	s3 =	sand.u32 $0x4000, s31;
	s1 =	sadd.s32 s1, s30  }
0xbc: {  	s0 =	sor.u32 s3, s0;
	s1 =	sshll.u32 s1, $0x11  }
0xbd: {  	s0 =	sor.u32 s1, s0  }
0xbe: {  	s0 =	sadd.s32 $0x8F2B, s0  }
0xbf: {  	[sflag:s0] =	ssyncadd.remote.s32 $0x1  }
0xc0: {  	_ =	sfence.sel $0xFFFF  }
0xc1: {  	[dreg:$0x0] =	wrdreg $0xFFFFFFFF;
	(pc) =	sbr.abs _section_cstart, $3  }
0xc2: {  	[dreg:$0x1] =	wrdreg $0xFFFFFFFF  }
0xc3: {  	_ =	task.clear_ibuf [dreg:s8], $0x2FFFF;
	_ =	strace $0x9FFFFFFF  }
0xc4: {  	(tm) =	ssettm $0x7FFFFFFF  }
0xc5: {  	_ =	shalt  }
tec
execute0_lowered:
.L_overlay_start_1:
0x0: {  	(tag) =	ssettag $0x1  }
0x1: {  	s0 =	rddreg [dreg:$0x0]  }
0x2: {  	s1 =	rddreg [dreg:$0x1]  }
0x3: {  	s2 =	rddreg [dreg:$0x2];
	s3 =	simm.s32 $0x0;
	s5 =	srdreg.scid  }
0x4: {  	s6 =	stileid.u32;
	s14 =	simm.s32 $0x5;
	s15 =	simm.s32 $0x200  }
0x5: {  	s16 =	simm.s32 $0x400;
	s17 =	simm.s32 $0xC00;
	s18 =	simm.s32 $0x800  }
0x6: {  	s19 =	simm.s32 $0x4C00;
	s20 =	simm.s32 $0x8C00;
	s21 =	simm.s32 $0xCC00  }
0x7: {  	s22 =	simm.s32 $0x1;
	s23 =	simm.s32 $0x2;
	s24 =	simm.s32 $0x3  }
0x8: {  	s25 =	simm.s32 $0x4;
	s26 =	simm.s32 $0x4000;
	s28 =	simm.s32 $0x0  }
0x9: {  	[smem:$0x7FF] =	sst s3;
	s3 =	sadd.s32 $0x1E00, s0;
	s4 =	sadd.s32 $0x3D2800, s0  }
0xa: {  	s5 =	sand.u32 $0x1, s5;
	s6 =	sshll.u32 s6, $0x7;
	_ =	strace $0x8000004A  }
0xb: {  	s7 =	sshll.u32 s5, $0x6;
	s8 =	ssub.s32 $0x2, s5;
	s5 =	sadd.s32 $0x7A3200, s0  }
0xc: {  	s10 =	sor.u32 s7, s6;
	s31 =	sshrl.u32 s8, $0x1;
	s6 =	sadd.s32 $0xB73C00, s0  }
0xd: {  	s0 =	sadd.s32 s10, s0;
	s13 =	ssub.s32 s8, s31;
	s7 =	sadd.s32 s1, s10  }
0xe: {  	s10 =	sadd.s32 s2, s10;
	s8 =	sadd.s32 $0xF74600, s0;
	s9 =	sadd.s32 $0xF64600, s0  }
0xf: {  	s11 =	sadd.s32 $0xF54600, s0;
	s12 =	sadd.s32 $0xF44600, s0;
	s13 =	smax.u32 s13, $0x1  }
.LBB2_1:
0x10: {  	s0 =	simm.s32 $0x0  }
0x11: {  	[tilespmem:s0], [sflag:$0x5] =	stream.linear.gather [hbm4b:s7+s0], $0x200, $0x38;
	[tilespmem:$0x10C00] =	vst v63  }
0x12: {  	_ =	swait.ge [sflag:s14], $0x200  }
0x13: {  	[sflag:s14] =	ssyncset.done $0x0  }
0x14: {  	[sflag:s14] =	ssyncadd.s32 $0xFFFFFE00  }
0x15: {  	[tilespmem:s15], [sflag:$0x5] =	stream.linear.gather [hbm4b:s10+s0], $0x200, $0x38;
	[tilespmem:$0x10C00] =	vst v63  }
0x16: {  	_ =	swait.ge [sflag:s14], $0x200  }
0x17: {  	[sflag:s14] =	ssyncset.done $0x0  }
0x18: {  	s0 =	simm.s32 $0x0;
	[sflag:s14] =	ssyncadd.s32 $0xFFFFFE00  }
0x19: {  	v0 =	vld [tilespmem:s0+$0x200]  }
0x1a: {  	s1 =	simm.s32 $0x40;
	v1 =	vld [tilespmem:s0+$0x0]  }
.LBB2_2:
0x1b: {  	p0 =	sne.s32 s1, $0x7C0  }
.Ltmp0:
0x1c: {  	_ = 	snop;
	(pc) =	sbr.rel @p0 .LBB2_2-.Ltmp0, $4  }
0x1d: {  	_ = 	snop  }
0x1e: {  	s2 =	sshra.s32 s1, $0x2;
	s1 =	sadd.s32 $0x40, s1;
	[tilespmem:s0+$0x800] =	vst v0  }
0x1f: {  	v0 =	vld [tilespmem:s2+$0x200];
	[tilespmem:s0+$0x400] =	vst v1;
	s0 =	smov.u32 s2  }
0x20: {  	v1 =	vld [tilespmem:s0+$0x0]  }
0x21: {  	_ =	sdelay $0x2  }
0x22: {  	[tilespmem:s0+$0x800] =	vst v0  }
0x23: {  	[tilespmem:s0+$0x400] =	vst v1  }
0x24: {  	[tilespmem:s17], [sflag:$0x1] =	stream.indirect.gather [hbm4b:s3+s15], $0x1, s16, s15, $0xb8;
	[tilespmem:$0x10C00] =	vst v63  }
0x25: {  	_ = 	snop  }
0x26: {  	[tilespmem:s19], [sflag:$0x2] =	stream.indirect.gather [hbm4b:s4+s15], $0x1, s18, s15, $0xb8;
	[tilespmem:$0x10C00] =	vst v63  }
0x27: {  	_ = 	snop  }
0x28: {  	[tilespmem:s20], [sflag:$0x3] =	stream.indirect.gather [hbm4b:s5+s15], $0x1, s16, s15, $0xb8;
	[tilespmem:$0x10C00] =	vst v63  }
0x29: {  	s29 =	simm.s32 $0x0;
	p0 =	por $0x1, $0x1  }
0x2a: {  	[tilespmem:s21], [sflag:$0x4] =	stream.indirect.gather [hbm4b:s6+s15], $0x1, s18, s15, $0xb8;
	[tilespmem:$0x10C00] =	vst v63  }
.LBB2_4:
0x2b: {  	s0 =	simm.s32 $0x1  }
0x2c: {  	s0 =	simm.s32 @!p0 $0x0  }
0x2d: {  	s1 =	sshll.u32 s0, $0x9;
	s0 =	simm.s32 $0x0  }
0x2e: {  	s2 =	sor.u32 $0x400, s1;
	v2 =	vld [tilespmem:s0+$0x0]  }
0x2f: {  	s29 =	sadd.s32 $0x1, s29;
	v1 =	vmov s2  }
0x30: {  	s2 =	smul.u32 $0xF4280, s29;
	_ =	sdelay $0x1  }
0x31: {  	v0 =	vmov s2  }
0x32: {  	v2 =	vadd.s32 v0, v2  }
0x33: {  	[tilespmem:v1+s0+$0x0 ss:$0x1] =	vst.idx.msk $0xffff, v2  }
0x34: {  	v3 =	vld [tilespmem:s0+$0x200]  }
0x35: {  	s1 =	sor.u32 $0x800, s1  }
0x36: {  	v2 =	vmov s1;
	_ =	sdelay $0x1  }
0x37: {  	s30 =	sshll.u32 s29, $0x9  }
0x38: {  	s31 =	sand.u32 $0x200, s30;
	s2 =	simm.s32 $0x40;
	s1 =	simm.s32 $0x80;
	v3 =	vadd.s32 v0, v3  }
.LBB2_5:
0x39: {  	p1 =	sne.s32 s1, $0x7C0  }
0x3a: {  	[tilespmem:v2+s0+$0x0 ss:$0x1] =	vst.idx.msk $0xffff, v3;
	s0 =	sshra.s32 s2, $0x2;
	s2 =	smov.u32 s1;
	s1 =	sadd.s32 $0x40, s1  }
0x3b: {  	v3 =	vld [tilespmem:s0+$0x0];
	_ =	sdelay $0x4  }
0x3c: {  	v3 =	vadd.s32 v0, v3  }
0x3d: {  	[tilespmem:v1+s0+$0x0 ss:$0x1] =	vst.idx.msk $0xffff, v3  }
0x3e: {  	v3 =	vld [tilespmem:s0+$0x200]  }
.Ltmp1:
0x3f: {  	(pc) =	sbr.rel @p1 .LBB2_5-.Ltmp1, $2  }
0x40: {  	_ =	sdelay $0x2  }
0x41: {  	v3 =	vadd.s32 v0, v3  }
0x42: {  	_ =	sdelay $0x3  }
0x43: {  	s1 =	sshra.s32 s2, $0x2;
	[tilespmem:v2+s0+$0x0 ss:$0x1] =	vst.idx.msk $0xffff, v3  }
0x44: {  	v3 =	vld [tilespmem:s1+$0x0];
	_ =	sdelay $0x4  }
0x45: {  	v3 =	vadd.s32 v0, v3  }
0x46: {  	[tilespmem:v1+s1+$0x0 ss:$0x1] =	vst.idx.msk $0xffff, v3  }
0x47: {  	v1 =	vld [tilespmem:s1+$0x200];
	_ =	sdelay $0x4  }
0x48: {  	v63 =	vadd.s32 v0, v1  }
0x49: {  	s2 =	sadd.s32 $0xC00, s30;
	[tilespmem:v2+s1+$0x0 ss:$0x1] =	vst.idx.msk $0xffff, v63;
	s1 =	sor.u32 $0x400, s31  }
0x4a: {  	[tilespmem:s2], [sflag:$0x1] =	stream.indirect.gather [hbm4b:s3+s15], $0x1, s1, s15, $0xb8;
	[tilespmem:$0x10C00] =	vst v63  }
0x4b: {  	s0 =	sadd.s32 $0x4C00, s30;
	s2 =	sor.u32 $0x800, s31  }
0x4c: {  	[tilespmem:s0], [sflag:$0x2] =	stream.indirect.gather [hbm4b:s4+s15], $0x1, s2, s15, $0xb8;
	[tilespmem:$0x10C00] =	vst v63  }
0x4d: {  	s31 =	sadd.s32 $0x8C00, s30  }
0x4e: {  	[tilespmem:s31], [sflag:$0x3] =	stream.indirect.gather [hbm4b:s5+s15], $0x1, s1, s15, $0xb8;
	[tilespmem:$0x10C00] =	vst v63  }
0x4f: {  	s31 =	sadd.s32 $0xCC00, s30  }
0x50: {  	[tilespmem:s31], [sflag:$0x4] =	stream.indirect.gather [hbm4b:s6+s15], $0x1, s2, s15, $0xb8;
	[tilespmem:$0x10C00] =	vst v63  }
0x51: {  	_ =	swait.ge [sflag:s22], $0x200  }
0x52: {  	[sflag:s22] =	ssyncset.done $0x0  }
0x53: {  	[sflag:s22] =	ssyncadd.s32 $0xFFFFFE00  }
0x54: {  	_ =	swait.ge [sflag:s23], $0x200  }
0x55: {  	[sflag:s23] =	ssyncset.done $0x0  }
0x56: {  	[sflag:s23] =	ssyncadd.s32 $0xFFFFFE00  }
0x57: {  	p1 =	sne.s32 s29, $0x1F;
	_ =	swait.ge [sflag:s24], $0x200  }
.Ltmp2:
0x58: {  	[sflag:s24] =	ssyncset.done $0x0;
	(pc) =	sbr.rel @p1 .LBB2_4-.Ltmp2, $4  }
0x59: {  	[sflag:s24] =	ssyncadd.s32 $0xFFFFFE00  }
0x5a: {  	_ =	swait.ge [sflag:s25], $0x200  }
0x5b: {  	[sflag:s25] =	ssyncset.done $0x0  }
0x5c: {  	p0 =	por !p0, !p0;
	[sflag:s25] =	ssyncadd.s32 $0xFFFFFE00  }
0x5d: {  	_ =	swait.ge [sflag:s22], $0x200  }
0x5e: {  	[sflag:s22] =	ssyncset.done $0x0  }
0x5f: {  	[sflag:s22] =	ssyncadd.s32 $0xFFFFFE00  }
0x60: {  	_ =	swait.ge [sflag:s23], $0x200  }
0x61: {  	[sflag:s23] =	ssyncset.done $0x0  }
0x62: {  	[sflag:s23] =	ssyncadd.s32 $0xFFFFFE00  }
0x63: {  	_ =	swait.ge [sflag:s24], $0x200  }
0x64: {  	[sflag:s24] =	ssyncset.done $0x0  }
0x65: {  	[sflag:s24] =	ssyncadd.s32 $0xFFFFFE00  }
0x66: {  	_ =	swait.ge [sflag:s25], $0x200  }
0x67: {  	[sflag:s25] =	ssyncset.done $0x0  }
0x68: {  	[sflag:s25] =	ssyncadd.s32 $0xFFFFFE00  }
0x69: {  	[hbm4b:s8+s15] =	stream.strided.scatter [tilespmem:s17], [sflag:$0x5], $0x4000, s26, s15, $0x38;
	[tilespmem:$0x10C00] =	vst v63  }
0x6a: {  	_ =	swait.ge [sflag:s14], $0x4000  }
0x6b: {  	[sflag:s14] =	ssyncset.done $0x0  }
0x6c: {  	[sflag:s14] =	ssyncadd.s32 $0xFFFFC000  }
0x6d: {  	[hbm4b:s9+s15] =	stream.strided.scatter [tilespmem:s19], [sflag:$0x5], $0x4000, s26, s15, $0x38;
	[tilespmem:$0x10C00] =	vst v63  }
0x6e: {  	_ =	swait.ge [sflag:s14], $0x4000  }
0x6f: {  	[sflag:s14] =	ssyncset.done $0x0  }
0x70: {  	[sflag:s14] =	ssyncadd.s32 $0xFFFFC000  }
0x71: {  	[hbm4b:s11+s15] =	stream.strided.scatter [tilespmem:s20], [sflag:$0x5], $0x4000, s26, s15, $0x38;
	[tilespmem:$0x10C00] =	vst v63  }
0x72: {  	s28 =	sadd.s32 $0x1, s28;
	_ =	swait.ge [sflag:s14], $0x4000  }
0x73: {  	p0 =	sne.s32 s28, s13;
	[sflag:s14] =	ssyncset.done $0x0  }
.Ltmp3:
0x74: {  	[sflag:s14] =	ssyncadd.s32 $0xFFFFC000;
	(pc) =	sbr.rel @p0 .LBB2_1-.Ltmp3, $4  }
0x75: {  	[hbm4b:s12+s15] =	stream.strided.scatter [tilespmem:s21], [sflag:$0x5], $0x4000, s26, s15, $0x38;
	[tilespmem:$0x10C00] =	vst v63  }
0x76: {  	_ =	swait.ge [sflag:s14], $0x4000  }
0x77: {  	[sflag:s14] =	ssyncset.done $0x0  }
0x78: {  	[sflag:s14] =	ssyncadd.s32 $0xFFFFC000  }
0x79: {  	_ =	sfence.sel $0x180000  }
0x7a: {  	[bflag:$0x0] =	sbarrier.arrive $0xFFFF  }
0x7b: {  	_ =	strace $0x9000004A  }
0x7c: {  	s0 =	stileid.u32;
	[bflag:$0x2] =	sbarrier.arrive $0xFFFF  }
0x7d: {  	p0 =	sne.s32 s0, $0x0;
	s0 =	rddreg [dreg:$0x3]  }
0x7e: {  	s0 =	sadd.s32 @!p0 $0x100000, s0  }
0x7f: {  	[sflag:s0] =	ssyncadd.tile.s32 @!p0 $0x1;
	_ =	shalt  }
.Lfunc_end2:
_tile_overlayer_lowered:
.L_overlay_start_2:
0x80: {  	(tag) =	ssettag $0x2  }
0x81: {  	s0 =	rddreg [dreg:$0x0];
	s2 =	stileid.u32  }
0x82: {  	s1 =	rddreg [dreg:$0x1];
	p0 =	sne.s32 s2, $0x0  }
0x83: {  	s3 =	rddreg [dreg:$0x2];
	[bflag:$0x3] =	sbarrier.arrive $0xFFFF;
	s2 =	simm.s32 @!p0 $0x1C05  }
0x84: {  	[timem:s3], [sflag:s2] =	dma.local @!p0 [hbm:s0], s1  }
0x85: {  	s0 =	simm.s32 @!p0 $0x5  }
0x86: {  	_ =	swait.ge @!p0 [sflag:s0], s1  }
0x87: {  	s1 =	ssub.s32 @!p0 $0x0, s1;
	[sflag:s0] =	ssyncset.done @!p0 $0x0  }
0x88: {  	[sflag:s0] =	ssyncadd.s32 @!p0 s1  }
0x89: {  	[bflag:$0x3] =	sbarrier.arrive $0xFFFF  }
0x8a: {  	_ =	shalt  }

</sc_bundles>
